<compile_context>
chip_gen: v7x
topology: tpu7x:2x2x1
jax: 0.10.2.dev20260603
libtpu: 0.0.44.dev20260713+nightly
codegen_flags: <defaults>
</compile_context>

<pallas_src>
import functools

import jax
import jax.numpy as jnp
from jax import lax
from jax.experimental import pallas as pl
from jax.experimental.pallas import tpu as pltpu
from jax.experimental.pallas import tpu_sc as plsc

_N = 4096
_E = 262144
_HID = 128
_OUT = 64

_NB = 8
_BN = _N // _NB

_NW = 32
_CPW = _HID // _NW
_CH = 2048
_ROWS_PW = _N // _NW
_KMAX = 12288


def _dg(a, b):
    return lax.dot_general(a, b, (((1,), (1,)), ((), ())),
                           preferred_element_type=jnp.float32)



def _tc1_body(x_ref, h_ref, w2_ref, we_ref, be_ref, wm_ref, bm_ref, wp_ref,
              bp_ref, z_ref, at_ref, b_ref, ws_ref):
    we = we_ref[...]
    z = (_dg(x_ref[...], we[:, :_HID]) + _dg(h_ref[...], we[:, _HID:])
         + be_ref[...][None, :])
    z_ref[...] = z
    wm = wm_ref[...]
    at_ref[...] = _dg(wm[:, :_HID], z)
    b_ref[...] = _dg(z, wm[:, _HID:2 * _HID]) + bm_ref[...][None, :]
    ws_ref[...] = w2_ref[...] * wp_ref[0, 2 * _HID] + bp_ref[0]


def _tc1(x, h, w2d, W_enc, b_enc, W_msg, b_msg, W_p, b_p):
    return pl.pallas_call(
        _tc1_body,
        grid=(_NB,),
        in_specs=[
            pl.BlockSpec((_BN, _HID), lambda i: (i, 0)),
            pl.BlockSpec((_BN, _HID), lambda i: (i, 0)),
            pl.BlockSpec((_E // _HID // _NB, _HID), lambda i: (i, 0)),
            pl.BlockSpec((_HID, 2 * _HID), lambda i: (0, 0)),
            pl.BlockSpec((_HID,), lambda i: (0,)),
            pl.BlockSpec((_HID, 2 * _HID + 1), lambda i: (0, 0)),
            pl.BlockSpec((_HID,), lambda i: (0,)),
            pl.BlockSpec(memory_space=pltpu.SMEM),
            pl.BlockSpec(memory_space=pltpu.SMEM),
        ],
        out_specs=[
            pl.BlockSpec((_BN, _HID), lambda i: (i, 0)),
            pl.BlockSpec((_HID, _BN), lambda i: (0, i)),
            pl.BlockSpec((_BN, _HID), lambda i: (i, 0)),
            pl.BlockSpec((_E // _HID // _NB, _HID), lambda i: (i, 0)),
        ],
        out_shape=[
            jax.ShapeDtypeStruct((_N, _HID), jnp.float32),
            jax.ShapeDtypeStruct((_HID, _N), jnp.float32),
            jax.ShapeDtypeStruct((_N, _HID), jnp.float32),
            jax.ShapeDtypeStruct((_E // _HID, _HID), jnp.float32),
        ],
    )(x, h, w2d, W_enc, b_enc, W_msg, b_msg, W_p, b_p)



def _sc_seg_max(at_t, wc, src, dst, w):
    nch = _E // _CH
    mesh = plsc.VectorSubcoreMesh(core_axis_name="c", subcore_axis_name="s",
                                  num_cores=2, num_subcores=16)

    @functools.partial(
        pl.kernel,
        out_type=jax.ShapeDtypeStruct((_HID, _N), jnp.float32),
        mesh=mesh,
        compiler_params=pltpu.CompilerParams(needs_layout_passes=False),
        scratch_types=[
            [pltpu.VMEM((_N,), jnp.float32) for _ in range(_CPW)],
            [pltpu.VMEM((_N,), jnp.float32) for _ in range(_CPW)],
            pltpu.VMEM((_HID,), jnp.float32),
            pltpu.VMEM((_N,), jnp.int32),
            pltpu.VMEM((128,), jnp.int32),
            pltpu.VMEM((2, _CH), jnp.int32),
            pltpu.VMEM((2, _CH), jnp.int32),
            pltpu.VMEM((2, _CH), jnp.float32),
            pltpu.SemaphoreType.DMA,
            pltpu.SemaphoreType.DMA,
        ],
    )
    def k(at_hbm, wc_hbm, src_hbm, dst_hbm, w_hbm, out_hbm,
          at_v, acc_v, wc_v, tmpv, replist, srcb, dstb, wb, sem0, sem1):
        wid = lax.axis_index("s") * 2 + lax.axis_index("c")
        c0 = wid * _CPW
        for c in range(_CPW):
            pltpu.sync_copy(at_hbm.at[c0 + c], at_v[c])
        pltpu.sync_copy(wc_hbm, wc_v)

        neg_inf = jnp.full((16,), -jnp.inf, jnp.float32)
        for c in range(_CPW):
            def _init(j, _, c=c):
                acc_v[c][pl.ds(j * 16, 16)] = neg_inf
                return 0
            lax.fori_loop(0, _N // 16, _init, 0)

        wcc = [plsc.load_gather(wc_v, [jnp.full((16,), c0 + c, jnp.int32)])
               for c in range(_CPW)]
        iota = lax.iota(jnp.int32, 16)
        iota16 = iota + 16
        lane0 = iota == 0
        sems = (sem0, sem1)

        def issue(g, b):
            off = g * _CH
            pltpu.async_copy(src_hbm.at[pl.ds(off, _CH)], srcb.at[b], sems[b])
            pltpu.async_copy(dst_hbm.at[pl.ds(off, _CH)], dstb.at[b], sems[b])
            pltpu.async_copy(w_hbm.at[pl.ds(off, _CH)], wb.at[b], sems[b])

        def wait(b):
            pltpu.make_async_copy(src_hbm.at[pl.ds(0, _CH)], srcb.at[b], sems[b]).wait()
            pltpu.make_async_copy(dst_hbm.at[pl.ds(0, _CH)], dstb.at[b], sems[b]).wait()
            pltpu.make_async_copy(w_hbm.at[pl.ds(0, _CH)], wb.at[b], sems[b]).wait()

        def process(b):
            def step(j2, run):
                sa = pl.ds(j2 * 32, 16)
                sb_ = pl.ds(j2 * 32 + 16, 16)
                sA = srcb[b, sa]
                dA = dstb[b, sa]
                wA = wb[b, sa]
                sB = srcb[b, sb_]
                dB = dstb[b, sb_]
                wB = wb[b, sb_]
                plsc.store_scatter(tmpv, [dA], iota)
                plsc.store_scatter(tmpv, [dB], iota16)
                gA = plsc.load_gather(tmpv, [dA])
                gB = plsc.load_gather(tmpv, [dB])
                dup = (gA != iota) | (gB != iota16)
                for c in range(_CPW):
                    mA = plsc.load_gather(at_v[c], [sA]) + wA * wcc[c]
                    curA = plsc.load_gather(acc_v[c], [dA])
                    plsc.store_scatter(acc_v[c], [dA], jnp.maximum(curA, mA))
                    mB = plsc.load_gather(at_v[c], [sB]) + wB * wcc[c]
                    curB = plsc.load_gather(acc_v[c], [dB])
                    plsc.store_scatter(acc_v[c], [dB], jnp.maximum(curB, mB))
                cnt = plsc.all_reduce_population_count(dup)
                flagged = cnt > 0
                plsc.store_scatter(replist, [run], jnp.full((16,), j2, jnp.int32),
                                   mask=flagged & lane0)
                return run + jnp.where(flagged, 1, 0)

            run = lax.fori_loop(0, _CH // 32, step, jnp.zeros((16,), jnp.int32))
            nrep = jnp.max(run)

            def rep(r, _):
                e = plsc.load_gather(replist, [jnp.full((16,), r, jnp.int32)])
                j2 = jnp.max(e)
                for half in range(2):
                    sl = pl.ds(j2 * 32 + half * 16, 16)
                    s16 = srcb[b, sl]
                    d16 = dstb[b, sl]
                    w16 = wb[b, sl]
                    ms = [plsc.load_gather(at_v[c], [s16]) + w16 * wcc[c]
                          for c in range(_CPW)]

                    def cond(f):
                        a = (f[0] | f[1]) | (f[2] | f[3])
                        return jnp.sum(a.astype(jnp.int32)) > 0

                    def body(f):
                        nf = []
                        for c in range(_CPW):
                            cur = plsc.load_gather(acc_v[c], [d16])
                            plsc.store_scatter(acc_v[c], [d16],
                                               jnp.maximum(cur, ms[c]), mask=f[c])
                            chk = plsc.load_gather(acc_v[c], [d16])
                            nf.append(chk < ms[c])
                        return tuple(nf)

                    ones = jnp.full((16,), True)
                    lax.while_loop(cond, body, (ones, ones, ones, ones))
                return 0

            lax.fori_loop(0, nrep, rep, 0)

        issue(0, 0)

        def outer(g2, _):
            issue(2 * g2 + 1, 1)
            wait(0)
            process(0)

            @pl.when(2 * g2 + 2 < nch)
            def _():
                issue(2 * g2 + 2, 0)

            wait(1)
            process(1)
            return 0

        lax.fori_loop(0, nch // 2, outer, 0)
        for c in range(_CPW):
            pltpu.sync_copy(acc_v[c], out_hbm.at[c0 + c])

    return k(at_t, wc, src, dst, w)



def _tc2_body(z_ref, aggt_ref, b_ref, wu_ref, bu_ref, wd_ref, bd_ref,
              wt1_ref, bt1_ref, wt2_ref, bt2_ref, wp12_ref,
              nh_ref, y_ref, uv_ref, t_ref,
              hsum, hmax, ysum, ymax):
    i = pl.program_id(0)
    z = z_ref[...]
    aggpre = aggt_ref[...].T
    agg = jnp.where(aggpre == -jnp.inf, 0.0, aggpre + b_ref[...])
    wu = wu_ref[...]
    nh = _dg(z, wu[:, :_HID]) + _dg(agg, wu[:, _HID:]) + bu_ref[...][None, :]
    nh_ref[...] = nh
    wd = wd_ref[...]
    y = _dg(z, wd[:, :_HID]) + _dg(nh, wd[:, _HID:]) + bd_ref[...][None, :]
    y_ref[...] = y
    uv_ref[...] = _dg(nh, wp12_ref[...])

    ps_h = jnp.sum(nh, axis=0, keepdims=True)
    pm_h = jnp.max(nh, axis=0, keepdims=True)
    ps_y = jnp.sum(y, axis=0, keepdims=True)
    pm_y = jnp.max(y, axis=0, keepdims=True)

    @pl.when(i == 0)
    def _():
        hsum[...] = ps_h
        hmax[...] = pm_h
        ysum[...] = ps_y
        ymax[...] = pm_y

    @pl.when(i > 0)
    def _():
        hsum[...] += ps_h
        hmax[...] = jnp.maximum(hmax[...], pm_h)
        ysum[...] += ps_y
        ymax[...] = jnp.maximum(ymax[...], pm_y)

    @pl.when(i == _NB - 1)
    def _():
        pooled = jnp.concatenate(
            [hsum[...] * (1.0 / _N), hmax[...], ysum[...] * (1.0 / _N), ymax[...]],
            axis=1)
        tt = jnp.maximum(_dg(pooled, wt1_ref[...]) + bt1_ref[...][None, :], 0.0)
        t_ref[...] = (jnp.sum(tt * wt2_ref[...]) + bt2_ref[0])[None, None]


def _tc2(z, aggt, bmat, W_upd, b_upd, W_dec, b_dec, W_t1, b_t1, W_t2, b_t2,
         wp12):
    return pl.pallas_call(
        _tc2_body,
        grid=(_NB,),
        in_specs=[
            pl.BlockSpec((_BN, _HID), lambda i: (i, 0)),
            pl.BlockSpec((_HID, _BN), lambda i: (0, i)),
            pl.BlockSpec((_BN, _HID), lambda i: (i, 0)),
            pl.BlockSpec((_HID, 2 * _HID), lambda i: (0, 0)),
            pl.BlockSpec((_HID,), lambda i: (0,)),
            pl.BlockSpec((_OUT, 2 * _HID), lambda i: (0, 0)),
            pl.BlockSpec((_OUT,), lambda i: (0,)),
            pl.BlockSpec((_HID, 2 * _HID + 2 * _OUT), lambda i: (0, 0)),
            pl.BlockSpec((_HID,), lambda i: (0,)),
            pl.BlockSpec((1, _HID), lambda i: (0, 0)),
            pl.BlockSpec(memory_space=pltpu.SMEM),
            pl.BlockSpec((2, _HID), lambda i: (0, 0)),
        ],
        out_specs=[
            pl.BlockSpec((_BN, _HID), lambda i: (i, 0)),
            pl.BlockSpec((_BN, _OUT), lambda i: (i, 0)),
            pl.BlockSpec((_BN, 2), lambda i: (i, 0)),
            pl.BlockSpec((1, 1), lambda i: (0, 0)),
        ],
        out_shape=[
            jax.ShapeDtypeStruct((_N, _HID), jnp.float32),
            jax.ShapeDtypeStruct((_N, _OUT), jnp.float32),
            jax.ShapeDtypeStruct((_N, 2), jnp.float32),
            jax.ShapeDtypeStruct((1, 1), jnp.float32),
        ],
        scratch_shapes=[
            pltpu.VMEM((1, _HID), jnp.float32),
            pltpu.VMEM((1, _HID), jnp.float32),
            pltpu.VMEM((1, _OUT), jnp.float32),
            pltpu.VMEM((1, _OUT), jnp.float32),
        ],
    )(z, aggt, bmat, W_upd, b_upd, W_dec, b_dec, W_t1, b_t1, W_t2, b_t2, wp12)



def _sc_scores(src, dst, ws, u, v):
    mesh = plsc.VectorSubcoreMesh(core_axis_name="c", subcore_axis_name="s",
                                  num_cores=1, num_subcores=16)
    npw = _E // 16
    rows_pw = _N // 16
    stripe = rows_pw * _N
    fwords = 32768
    nchw = npw // _CH

    @functools.partial(
        pl.kernel,
        out_type=jax.ShapeDtypeStruct((_N * _N,), jnp.float32),
        mesh=mesh,
        compiler_params=pltpu.CompilerParams(needs_layout_passes=False),
        scratch_types=[
            pltpu.VMEM((_N,), jnp.float32),
            pltpu.VMEM((_N,), jnp.float32),
            pltpu.VMEM((fwords,), jnp.float32),
            pltpu.VMEM((2, _CH), jnp.int32),
            pltpu.VMEM((2, _CH), jnp.int32),
            pltpu.VMEM((2, _CH), jnp.float32),
            pltpu.VMEM((_CH // 128, 128), jnp.int32),
            pltpu.VMEM((_CH // 128, 128), jnp.float32),
            pltpu.SemaphoreType.DMA,
            pltpu.SemaphoreType.DMA,
            pltpu.SemaphoreType.DMA,
        ],
    )
    def k(src_hbm, dst_hbm, ws_hbm, u_hbm, v_hbm, out_hbm,
          u_v, v_v, fb, srcb, dstb, wsb, idx2, val2, sem0, sem1, semsc):
        wid = lax.axis_index("s")
        base = wid * stripe
        ebase = wid * npw
        pltpu.sync_copy(u_hbm, u_v)
        pltpu.sync_copy(v_hbm, v_v)

        neg_inf = jnp.full((16,), -jnp.inf, jnp.float32)

        def _initf(j, _):
            fb[pl.ds(j * 16, 16)] = neg_inf
            return 0
        lax.fori_loop(0, fwords // 16, _initf, 0)

        def _fill(kk, _):
            pltpu.sync_copy(fb, out_hbm.at[pl.ds(base + kk * fwords, fwords)])
            return 0
        lax.fori_loop(0, stripe // fwords, _fill, 0)

        plsc.subcore_barrier()

        sems = (sem0, sem1)

        def issue(g, b):
            off = ebase + g * _CH
            pltpu.async_copy(src_hbm.at[pl.ds(off, _CH)], srcb.at[b], sems[b])
            pltpu.async_copy(dst_hbm.at[pl.ds(off, _CH)], dstb.at[b], sems[b])
            pltpu.async_copy(ws_hbm.at[pl.ds(off, _CH)], wsb.at[b], sems[b])

        def wait(b):
            pltpu.make_async_copy(src_hbm.at[pl.ds(0, _CH)], srcb.at[b], sems[b]).wait()
            pltpu.make_async_copy(dst_hbm.at[pl.ds(0, _CH)], dstb.at[b], sems[b]).wait()
            pltpu.make_async_copy(ws_hbm.at[pl.ds(0, _CH)], wsb.at[b], sems[b]).wait()

        def process(b):
            def step(j, _):
                sl = pl.ds(j * 16, 16)
                s16 = srcb[b, sl]
                d16 = dstb[b, sl]
                w16 = wsb[b, sl]
                sc = plsc.load_gather(u_v, [s16]) + plsc.load_gather(v_v, [d16]) + w16
                flat = s16 * _N + d16
                r = j >> 3
                kk = (j & 7) * 16
                idx2[r, pl.ds(kk, 16)] = flat
                val2[r, pl.ds(kk, 16)] = sc
                return 0
            lax.fori_loop(0, _CH // 16, step, 0)

            def scat(r, _):
                pltpu.async_copy(val2.at[r], out_hbm.at[idx2.at[r]], semsc)
                return 0
            lax.fori_loop(0, _CH // 128, scat, 0)

            def scatw(r, _):
                pltpu.make_async_copy(val2.at[0], out_hbm.at[idx2.at[0]],
                                      semsc).wait()
                return 0
            lax.fori_loop(0, _CH // 128, scatw, 0)

        issue(0, 0)

        def outer(g2, _):
            issue(2 * g2 + 1, 1)
            wait(0)
            process(0)

            @pl.when(2 * g2 + 2 < nchw)
            def _():
                issue(2 * g2 + 2, 0)

            wait(1)
            process(1)
            return 0

        lax.fori_loop(0, nchw // 2, outer, 0)

    return k(src, dst, ws, u, v)



def kernel(x, h, sources, dists, weights, W_enc, b_enc, W_msg, b_msg, W_upd, b_upd,
           W_dec, b_dec, W_t1, b_t1, W_t2, b_t2, W_p, b_p):
    n = x.shape[0]
    w2d = weights.reshape(_E // _HID, _HID)
    z, at_t, bmat, ws2 = _tc1(x, h, w2d, W_enc, b_enc, W_msg, b_msg, W_p, b_p)

    wc = W_msg[:, 2 * _HID]
    wflat = weights.reshape(_E)
    aggt = _sc_seg_max(at_t, wc, sources, dists, wflat)

    wp12 = jnp.concatenate([W_p[:, :_HID], W_p[:, _HID:2 * _HID]], axis=0)
    new_h, y, uv2, t11 = _tc2(z, aggt, bmat, W_upd, b_upd, W_dec, b_dec,
                              W_t1, b_t1, W_t2, b_t2, wp12)

    scores_flat = _sc_scores(sources, dists, ws2.reshape(_E),
                             uv2[:, 0], uv2[:, 1])
    scores = scores_flat.reshape(n, n)
    return (y, scores, new_h, t11[0, 0])

# --- scband reference (transcript-rebuilt; emitter-appended) ---
"""Pipeline reference for scband-model-59768764891685 (READ-ONLY COPY).

The authoritative reference and input builder live on the scoring server;
editing this copy changes nothing except your own understanding.
"""

import jax, jax.numpy as jnp
import numpy as np

N = 4096
E = 262144
IN_DIM = 128
HID = 128
OUT = 64


def setup_inputs(seed: int = 0) -> dict:
    key = jax.random.key(seed)
    ks = jax.random.split(key, 20)
    s = 0.02
    x = jax.random.normal(ks[0], (N, IN_DIM), dtype=jnp.float32)
    h = jax.random.normal(ks[1], (N, HID), dtype=jnp.float32)
    sources = jax.random.randint(ks[2], (E,), 0, N, dtype=jnp.int32)
    dists = jax.random.randint(ks[3], (E,), 0, N, dtype=jnp.int32)
    weights = jax.random.uniform(ks[4], (E, 1), dtype=jnp.float32)
    W_enc = jax.random.normal(ks[5], (HID, IN_DIM + HID), dtype=jnp.float32) * s
    b_enc = jnp.zeros((HID,), dtype=jnp.float32)
    W_msg = jax.random.normal(ks[6], (HID, 2 * HID + 1), dtype=jnp.float32) * s
    b_msg = jnp.zeros((HID,), dtype=jnp.float32)
    W_upd = jax.random.normal(ks[7], (HID, 2 * HID), dtype=jnp.float32) * s
    b_upd = jnp.zeros((HID,), dtype=jnp.float32)
    W_dec = jax.random.normal(ks[8], (OUT, 2 * HID), dtype=jnp.float32) * s
    b_dec = jnp.zeros((OUT,), dtype=jnp.float32)
    W_t1 = jax.random.normal(ks[9], (HID, 2 * HID + 2 * OUT), dtype=jnp.float32) * s
    b_t1 = jnp.zeros((HID,), dtype=jnp.float32)
    W_t2 = jax.random.normal(ks[10], (1, HID), dtype=jnp.float32) * s
    b_t2 = jnp.zeros((1,), dtype=jnp.float32)
    W_p = jax.random.normal(ks[11], (1, 2 * HID + 1), dtype=jnp.float32) * s
    b_p = jnp.zeros((1,), dtype=jnp.float32)
    return {
        "x": x, "h": h, "sources": sources, "dists": dists, "weights": weights,
        "W_enc": W_enc, "b_enc": b_enc, "W_msg": W_msg, "b_msg": b_msg,
        "W_upd": W_upd, "b_upd": b_upd, "W_dec": W_dec, "b_dec": b_dec,
        "W_t1": W_t1, "b_t1": b_t1, "W_t2": W_t2, "b_t2": b_t2,
        "W_p": W_p, "b_p": b_p,
    }


def reference(x, h, sources, dists, weights,
              W_enc, b_enc, W_msg, b_msg, W_upd, b_upd,
              W_dec, b_dec, W_t1, b_t1, W_t2, b_t2, W_p, b_p):
    n = x.shape[0]
    # Encoder
    z = jnp.concatenate([x, h], axis=1) @ W_enc.T + b_enc
    # Processor: gather endpoints, message MLP, max-aggregate by dst
    msg_in = jnp.concatenate([z[sources], z[dists], weights], axis=1)
    messages = msg_in @ W_msg.T + b_msg
    agg = jax.ops.segment_max(messages, dists, num_segments=n)
    agg = jnp.where(jnp.isinf(agg), 0.0, agg)
    new_h = jnp.concatenate([z, agg], axis=1) @ W_upd.T + b_upd
    # Decoder
    y = jnp.concatenate([z, new_h], axis=1) @ W_dec.T + b_dec
    # Termination
    h_mean = jnp.mean(new_h, axis=0, keepdims=True)
    h_max = jnp.max(new_h, axis=0, keepdims=True)
    y_mean = jnp.mean(y, axis=0, keepdims=True)
    y_max = jnp.max(y, axis=0, keepdims=True)
    pooled = jnp.concatenate([h_mean, h_max, y_mean, y_max], axis=1)
    t = (jax.nn.relu(pooled @ W_t1.T + b_t1) @ W_t2.T + b_t2).squeeze()
    # Predecessor: dense n x n score matrix, -inf off-edge
    edge_in = jnp.concatenate([new_h[sources], new_h[dists], weights], axis=1)
    edge_scores = (edge_in @ W_p.T + b_p).squeeze(1)
    scores = jnp.full((n, n), -jnp.inf, dtype=x.dtype).at[sources, dists].set(edge_scores)
    return (y, scores, new_h, t)

if __name__ == "__main__":
    import jax
    _d = setup_inputs()
    print(jax.jit(kernel)(*tuple(_d.values())))

</pallas_src>

<mosaic_0001>
#map = affine_map<(d0, d1) -> (0)>
module attributes {stable_mosaic.version = 14 : i64} {
  func.func @k(%arg0: i32, %arg1: i32, %arg2: memref<262144xi32, #tpu.memory_space<hbm>>, %arg3: memref<262144xi32, #tpu.memory_space<hbm>>, %arg4: memref<262144xf32, #tpu.memory_space<hbm>>, %arg5: memref<4096xf32, #tpu.memory_space<hbm>>, %arg6: memref<4096xf32, #tpu.memory_space<hbm>>, %arg7: memref<16777216xf32, #tpu.memory_space<hbm>>, %arg8: memref<4096xf32, #tpu.memory_space<vmem>>, %arg9: memref<4096xf32, #tpu.memory_space<vmem>>, %arg10: memref<32768xf32, #tpu.memory_space<vmem>>, %arg11: memref<2x2048xi32, #tpu.memory_space<vmem>>, %arg12: memref<2x2048xi32, #tpu.memory_space<vmem>>, %arg13: memref<2x2048xf32, #tpu.memory_space<vmem>>, %arg14: memref<16x128xi32, #tpu.memory_space<vmem>>, %arg15: memref<16x128xf32, #tpu.memory_space<vmem>>, %arg16: memref<!tpu.dma_semaphore, #tpu.memory_space<semaphore_mem>>, %arg17: memref<!tpu.dma_semaphore, #tpu.memory_space<semaphore_mem>>, %arg18: memref<!tpu.dma_semaphore, #tpu.memory_space<semaphore_mem>>) attributes {dimension_semantics = [#tpu.dimension_semantics<core_parallel>, #tpu.dimension_semantics<subcore_parallel>], iteration_bounds = array<i64: 1, 16>, scalar_prefetch = 0 : i64, scratch_operands = 11 : i64, tpu.core_type = #tpu.core_type<sc_vector_subcore>, window_params = [{transform_indices = #map}, {transform_indices = #map}, {transform_indices = #map}, {transform_indices = #map}, {transform_indices = #map}, {transform_indices = #map}]} {
    %mul3A = arith.constant 1048576 : i32
    %mul3A_0 = arith.muli %arg1, %mul3A : i32
    %mul3A_1 = arith.constant 16384 : i32
    %mul3A_2 = arith.muli %arg1, %mul3A_1 : i32
    "tpu.region"() ({
      %run_scoped3A = tpu.sem_alloc : memref<!tpu.dma_semaphore, #tpu.memory_space<semaphore_mem>>
      tpu.enqueue_dma source(%arg5 : memref<4096xf32, #tpu.memory_space<hbm>>) target(%arg8 : memref<4096xf32, #tpu.memory_space<vmem>>) target_semaphore(%run_scoped3A : memref<!tpu.dma_semaphore, #tpu.memory_space<semaphore_mem>>)
      tpu.wait_dma2 semaphore(%run_scoped3A : memref<!tpu.dma_semaphore, #tpu.memory_space<semaphore_mem>>) src(%arg5 : memref<4096xf32, #tpu.memory_space<hbm>>) dst(%arg8 : memref<4096xf32, #tpu.memory_space<vmem>>)
      tpu.yield
    }) : () -> ()
    "tpu.region"() ({
      %run_scoped3A = tpu.sem_alloc : memref<!tpu.dma_semaphore, #tpu.memory_space<semaphore_mem>>
      tpu.enqueue_dma source(%arg6 : memref<4096xf32, #tpu.memory_space<hbm>>) target(%arg9 : memref<4096xf32, #tpu.memory_space<vmem>>) target_semaphore(%run_scoped3A : memref<!tpu.dma_semaphore, #tpu.memory_space<semaphore_mem>>)
      tpu.wait_dma2 semaphore(%run_scoped3A : memref<!tpu.dma_semaphore, #tpu.memory_space<semaphore_mem>>) src(%arg6 : memref<4096xf32, #tpu.memory_space<hbm>>) dst(%arg9 : memref<4096xf32, #tpu.memory_space<vmem>>)
      tpu.yield
    }) : () -> ()
    %broadcast_in_dim3A = arith.constant 0xFF800000 : f32
    %broadcast_in_dim3A_3 = vector.broadcast %broadcast_in_dim3A : f32 to vector<16xf32>
    %scan3A = arith.constant 0 : i32
    %scan3A_4 = arith.constant 0 : i32
    %scan3A_5 = arith.constant 2048 : i32
    %scan3A_6 = arith.addi %scan3A_4, %scan3A_5 : i32
    %scan3A_7 = arith.constant 1 : i32
    %scan3A_8 = scf.for %scan3A_51 = %scan3A_4 to %scan3A_6 step %scan3A_7 iter_args(%scan3A_52 = %scan3A) -> (i32)  : i32 {
      %mul3A_53 = arith.constant 16 : i32
      %mul3A_54 = arith.muli %scan3A_51, %mul3A_53 : i32
      %swap3A = arith.index_cast %mul3A_54 : i32 to index
      %swap3A_55 = tpu.vector_load %arg10[%swap3A] {strides = array<i32>} : memref<32768xf32, #tpu.memory_space<vmem>>, vector<16xf32>,
      tpu.vector_store %arg10[%swap3A], %broadcast_in_dim3A_3 {strides = array<i32>} : memref<32768xf32, #tpu.memory_space<vmem>>, vector<16xf32>,
      %scan3A_56 = arith.constant 0 : i32
      scf.yield %scan3A_56 : i32
    }
    %scan3A_9 = arith.constant 2048 : i32
    %scan3A_10 = arith.constant 0 : i32
    %scan3A_11 = arith.constant 0 : i32
    %scan3A_12 = arith.constant 32 : i32
    %scan3A_13 = arith.addi %scan3A_11, %scan3A_12 : i32
    %scan3A_14 = arith.constant 1 : i32
    %scan3A_15 = scf.for %scan3A_51 = %scan3A_11 to %scan3A_13 step %scan3A_14 iter_args(%scan3A_52 = %scan3A_10) -> (i32)  : i32 {
      %mul3A_53 = arith.constant 32768 : i32
      %mul3A_54 = arith.muli %scan3A_51, %mul3A_53 : i32
      %add3A_55 = arith.addi %mul3A_0, %mul3A_54 : i32
      "tpu.region"() ({
        %run_scoped3A = tpu.sem_alloc : memref<!tpu.dma_semaphore, #tpu.memory_space<semaphore_mem>>
        %dma_start3A_57 = tpu.memref_slice %arg7[%add3A_55] : memref<16777216xf32, #tpu.memory_space<hbm>> -> memref<32768xf32, #tpu.memory_space<hbm>>
        %dma_start3A_58 = tpu.memref_slice %arg7[%add3A_55] : memref<16777216xf32, #tpu.memory_space<hbm>> -> memref<32768xf32, #tpu.memory_space<hbm>>
        tpu.enqueue_dma source(%arg10 : memref<32768xf32, #tpu.memory_space<vmem>>) target(%dma_start3A_58 : memref<32768xf32, #tpu.memory_space<hbm>>) target_semaphore(%run_scoped3A : memref<!tpu.dma_semaphore, #tpu.memory_space<semaphore_mem>>)
        %dma_wait3A = tpu.memref_slice %arg7[%add3A_55] : memref<16777216xf32, #tpu.memory_space<hbm>> -> memref<32768xf32, #tpu.memory_space<hbm>>
        %dma_wait3A_59 = tpu.memref_slice %arg7[%add3A_55] : memref<16777216xf32, #tpu.memory_space<hbm>> -> memref<32768xf32, #tpu.memory_space<hbm>>
        tpu.wait_dma2 semaphore(%run_scoped3A : memref<!tpu.dma_semaphore, #tpu.memory_space<semaphore_mem>>) src(%arg10 : memref<32768xf32, #tpu.memory_space<vmem>>) dst(%dma_wait3A_59 : memref<32768xf32, #tpu.memory_space<hbm>>)
        tpu.yield
      }) : () -> ()
      %scan3A_56 = arith.constant 0 : i32
      scf.yield %scan3A_56 : i32
    }
    %scan3A_16 = arith.constant 32 : i32
    %barrier3A = arith.constant 0 : index
    tpu.barrier barrier_id(%barrier3A)
    %add3A = arith.constant 0 : i32
    %add3A_17 = arith.addi %mul3A_2, %add3A : i32
    %dma_start3A = arith.constant 0 : i32
    %dma_start3A_18 = arith.constant 0 : i32
    %dma_start3A_19 = tpu.memref_slice %arg11[%dma_start3A, %dma_start3A_18] : memref<2x2048xi32, #tpu.memory_space<vmem>> -> memref<1x2048xi32, #tpu.memory_space<vmem>>
    %dma_start3A_20 = tpu.memref_squeeze %dma_start3A_19 : memref<1x2048xi32, #tpu.memory_space<vmem>> -> memref<2048xi32, #tpu.memory_space<vmem>>
    %dma_start3A_21 = tpu.memref_slice %arg2[%add3A_17] : memref<262144xi32, #tpu.memory_space<hbm>> -> memref<2048xi32, #tpu.memory_space<hbm>>
    %dma_start3A_22 = arith.constant 0 : i32
    %dma_start3A_23 = tpu.memref_slice %arg11[%dma_start3A, %dma_start3A_22] : memref<2x2048xi32, #tpu.memory_space<vmem>> -> memref<1x2048xi32, #tpu.memory_space<vmem>>
    %dma_start3A_24 = tpu.memref_squeeze %dma_start3A_23 : memref<1x2048xi32, #tpu.memory_space<vmem>> -> memref<2048xi32, #tpu.memory_space<vmem>>
    %dma_start3A_25 = tpu.memref_slice %arg2[%add3A_17] : memref<262144xi32, #tpu.memory_space<hbm>> -> memref<2048xi32, #tpu.memory_space<hbm>>
    tpu.enqueue_dma source(%dma_start3A_25 : memref<2048xi32, #tpu.memory_space<hbm>>) target(%dma_start3A_24 : memref<2048xi32, #tpu.memory_space<vmem>>) target_semaphore(%arg16 : memref<!tpu.dma_semaphore, #tpu.memory_space<semaphore_mem>>)
    %dma_start3A_26 = arith.constant 0 : i32
    %dma_start3A_27 = arith.constant 0 : i32
    %dma_start3A_28 = tpu.memref_slice %arg12[%dma_start3A_26, %dma_start3A_27] : memref<2x2048xi32, #tpu.memory_space<vmem>> -> memref<1x2048xi32, #tpu.memory_space<vmem>>
    %dma_start3A_29 = tpu.memref_squeeze %dma_start3A_28 : memref<1x2048xi32, #tpu.memory_space<vmem>> -> memref<2048xi32, #tpu.memory_space<vmem>>
    %dma_start3A_30 = tpu.memref_slice %arg3[%add3A_17] : memref<262144xi32, #tpu.memory_space<hbm>> -> memref<2048xi32, #tpu.memory_space<hbm>>
    %dma_start3A_31 = arith.constant 0 : i32
    %dma_start3A_32 = tpu.memref_slice %arg12[%dma_start3A_26, %dma_start3A_31] : memref<2x2048xi32, #tpu.memory_space<vmem>> -> memref<1x2048xi32, #tpu.memory_space<vmem>>
    %dma_start3A_33 = tpu.memref_squeeze %dma_start3A_32 : memref<1x2048xi32, #tpu.memory_space<vmem>> -> memref<2048xi32, #tpu.memory_space<vmem>>
    %dma_start3A_34 = tpu.memref_slice %arg3[%add3A_17] : memref<262144xi32, #tpu.memory_space<hbm>> -> memref<2048xi32, #tpu.memory_space<hbm>>
    tpu.enqueue_dma source(%dma_start3A_34 : memref<2048xi32, #tpu.memory_space<hbm>>) target(%dma_start3A_33 : memref<2048xi32, #tpu.memory_space<vmem>>) target_semaphore(%arg16 : memref<!tpu.dma_semaphore, #tpu.memory_space<semaphore_mem>>)
    %dma_start3A_35 = arith.constant 0 : i32
    %dma_start3A_36 = arith.constant 0 : i32
    %dma_start3A_37 = tpu.memref_slice %arg13[%dma_start3A_35, %dma_start3A_36] : memref<2x2048xf32, #tpu.memory_space<vmem>> -> memref<1x2048xf32, #tpu.memory_space<vmem>>
    %dma_start3A_38 = tpu.memref_squeeze %dma_start3A_37 : memref<1x2048xf32, #tpu.memory_space<vmem>> -> memref<2048xf32, #tpu.memory_space<vmem>>
    %dma_start3A_39 = tpu.memref_slice %arg4[%add3A_17] : memref<262144xf32, #tpu.memory_space<hbm>> -> memref<2048xf32, #tpu.memory_space<hbm>>
    %dma_start3A_40 = arith.constant 0 : i32
    %dma_start3A_41 = tpu.memref_slice %arg13[%dma_start3A_35, %dma_start3A_40] : memref<2x2048xf32, #tpu.memory_space<vmem>> -> memref<1x2048xf32, #tpu.memory_space<vmem>>
    %dma_start3A_42 = tpu.memref_squeeze %dma_start3A_41 : memref<1x2048xf32, #tpu.memory_space<vmem>> -> memref<2048xf32, #tpu.memory_space<vmem>>
    %dma_start3A_43 = tpu.memref_slice %arg4[%add3A_17] : memref<262144xf32, #tpu.memory_space<hbm>> -> memref<2048xf32, #tpu.memory_space<hbm>>
    tpu.enqueue_dma source(%dma_start3A_43 : memref<2048xf32, #tpu.memory_space<hbm>>) target(%dma_start3A_42 : memref<2048xf32, #tpu.memory_space<vmem>>) target_semaphore(%arg16 : memref<!tpu.dma_semaphore, #tpu.memory_space<semaphore_mem>>)
    %scan3A_44 = arith.constant 0 : i32
    %scan3A_45 = arith.constant 0 : i32
    %scan3A_46 = arith.constant 4 : i32
    %scan3A_47 = arith.addi %scan3A_45, %scan3A_46 : i32
    %scan3A_48 = arith.constant 1 : i32
    %scan3A_49 = scf.for %scan3A_51 = %scan3A_45 to %scan3A_47 step %scan3A_48 iter_args(%scan3A_52 = %scan3A_44) -> (i32)  : i32 {
      %mul3A_53 = arith.constant 2 : i32
      %mul3A_54 = arith.muli %mul3A_53, %scan3A_51 : i32
      %add3A_55 = arith.constant 1 : i32
      %add3A_56 = arith.addi %mul3A_54, %add3A_55 : i32
      %mul3A_57 = arith.constant 2048 : i32
      %mul3A_58 = arith.muli %add3A_56, %mul3A_57 : i32
      %add3A_59 = arith.addi %mul3A_2, %mul3A_58 : i32
      %dma_start3A_60 = arith.constant 1 : i32
      %dma_start3A_61 = arith.constant 0 : i32
      %dma_start3A_62 = tpu.memref_slice %arg11[%dma_start3A_60, %dma_start3A_61] : memref<2x2048xi32, #tpu.memory_space<vmem>> -> memref<1x2048xi32, #tpu.memory_space<vmem>>
      %dma_start3A_63 = tpu.memref_squeeze %dma_start3A_62 : memref<1x2048xi32, #tpu.memory_space<vmem>> -> memref<2048xi32, #tpu.memory_space<vmem>>
      %dma_start3A_64 = tpu.memref_slice %arg2[%add3A_59] : memref<262144xi32, #tpu.memory_space<hbm>> -> memref<2048xi32, #tpu.memory_space<hbm>>
      %dma_start3A_65 = arith.constant 0 : i32
      %dma_start3A_66 = tpu.memref_slice %arg11[%dma_start3A_60, %dma_start3A_65] : memref<2x2048xi32, #tpu.memory_space<vmem>> -> memref<1x2048xi32, #tpu.memory_space<vmem>>
      %dma_start3A_67 = tpu.memref_squeeze %dma_start3A_66 : memref<1x2048xi32, #tpu.memory_space<vmem>> -> memref<2048xi32, #tpu.memory_space<vmem>>
      %dma_start3A_68 = tpu.memref_slice %arg2[%add3A_59] : memref<262144xi32, #tpu.memory_space<hbm>> -> memref<2048xi32, #tpu.memory_space<hbm>>
      tpu.enqueue_dma source(%dma_start3A_68 : memref<2048xi32, #tpu.memory_space<hbm>>) target(%dma_start3A_67 : memref<2048xi32, #tpu.memory_space<vmem>>) target_semaphore(%arg17 : memref<!tpu.dma_semaphore, #tpu.memory_space<semaphore_mem>>)
      %dma_start3A_69 = arith.constant 1 : i32
      %dma_start3A_70 = arith.constant 0 : i32
      %dma_start3A_71 = tpu.memref_slice %arg12[%dma_start3A_69, %dma_start3A_70] : memref<2x2048xi32, #tpu.memory_space<vmem>> -> memref<1x2048xi32, #tpu.memory_space<vmem>>
      %dma_start3A_72 = tpu.memref_squeeze %dma_start3A_71 : memref<1x2048xi32, #tpu.memory_space<vmem>> -> memref<2048xi32, #tpu.memory_space<vmem>>
      %dma_start3A_73 = tpu.memref_slice %arg3[%add3A_59] : memref<262144xi32, #tpu.memory_space<hbm>> -> memref<2048xi32, #tpu.memory_space<hbm>>
      %dma_start3A_74 = arith.constant 0 : i32
      %dma_start3A_75 = tpu.memref_slice %arg12[%dma_start3A_69, %dma_start3A_74] : memref<2x2048xi32, #tpu.memory_space<vmem>> -> memref<1x2048xi32, #tpu.memory_space<vmem>>
      %dma_start3A_76 = tpu.memref_squeeze %dma_start3A_75 : memref<1x2048xi32, #tpu.memory_space<vmem>> -> memref<2048xi32, #tpu.memory_space<vmem>>
      %dma_start3A_77 = tpu.memref_slice %arg3[%add3A_59] : memref<262144xi32, #tpu.memory_space<hbm>> -> memref<2048xi32, #tpu.memory_space<hbm>>
      tpu.enqueue_dma source(%dma_start3A_77 : memref<2048xi32, #tpu.memory_space<hbm>>) target(%dma_start3A_76 : memref<2048xi32, #tpu.memory_space<vmem>>) target_semaphore(%arg17 : memref<!tpu.dma_semaphore, #tpu.memory_space<semaphore_mem>>)
      %dma_start3A_78 = arith.constant 1 : i32
      %dma_start3A_79 = arith.constant 0 : i32
      %dma_start3A_80 = tpu.memref_slice %arg13[%dma_start3A_78, %dma_start3A_79] : memref<2x2048xf32, #tpu.memory_space<vmem>> -> memref<1x2048xf32, #tpu.memory_space<vmem>>
      %dma_start3A_81 = tpu.memref_squeeze %dma_start3A_80 : memref<1x2048xf32, #tpu.memory_space<vmem>> -> memref<2048xf32, #tpu.memory_space<vmem>>
      %dma_start3A_82 = tpu.memref_slice %arg4[%add3A_59] : memref<262144xf32, #tpu.memory_space<hbm>> -> memref<2048xf32, #tpu.memory_space<hbm>>
      %dma_start3A_83 = arith.constant 0 : i32
      %dma_start3A_84 = tpu.memref_slice %arg13[%dma_start3A_78, %dma_start3A_83] : memref<2x2048xf32, #tpu.memory_space<vmem>> -> memref<1x2048xf32, #tpu.memory_space<vmem>>
      %dma_start3A_85 = tpu.memref_squeeze %dma_start3A_84 : memref<1x2048xf32, #tpu.memory_space<vmem>> -> memref<2048xf32, #tpu.memory_space<vmem>>
      %dma_start3A_86 = tpu.memref_slice %arg4[%add3A_59] : memref<262144xf32, #tpu.memory_space<hbm>> -> memref<2048xf32, #tpu.memory_space<hbm>>
      tpu.enqueue_dma source(%dma_start3A_86 : memref<2048xf32, #tpu.memory_space<hbm>>) target(%dma_start3A_85 : memref<2048xf32, #tpu.memory_space<vmem>>) target_semaphore(%arg17 : memref<!tpu.dma_semaphore, #tpu.memory_space<semaphore_mem>>)
      %dma_wait3A = arith.constant 0 : i32
      %dma_wait3A_87 = arith.constant 0 : i32
      %dma_wait3A_88 = tpu.memref_slice %arg11[%dma_wait3A, %dma_wait3A_87] : memref<2x2048xi32, #tpu.memory_space<vmem>> -> memref<1x2048xi32, #tpu.memory_space<vmem>>
      %dma_wait3A_89 = tpu.memref_squeeze %dma_wait3A_88 : memref<1x2048xi32, #tpu.memory_space<vmem>> -> memref<2048xi32, #tpu.memory_space<vmem>>
      %dma_wait3A_90 = arith.constant 0 : i32
      %dma_wait3A_91 = tpu.memref_slice %arg2[%dma_wait3A_90] : memref<262144xi32, #tpu.memory_space<hbm>> -> memref<2048xi32, #tpu.memory_space<hbm>>
      %dma_wait3A_92 = arith.constant 0 : i32
      %dma_wait3A_93 = tpu.memref_slice %arg11[%dma_wait3A, %dma_wait3A_92] : memref<2x2048xi32, #tpu.memory_space<vmem>> -> memref<1x2048xi32, #tpu.memory_space<vmem>>
      %dma_wait3A_94 = tpu.memref_squeeze %dma_wait3A_93 : memref<1x2048xi32, #tpu.memory_space<vmem>> -> memref<2048xi32, #tpu.memory_space<vmem>>
      %dma_wait3A_95 = arith.constant 0 : i32
      %dma_wait3A_96 = tpu.memref_slice %arg2[%dma_wait3A_95] : memref<262144xi32, #tpu.memory_space<hbm>> -> memref<2048xi32, #tpu.memory_space<hbm>>
      tpu.wait_dma2 semaphore(%arg16 : memref<!tpu.dma_semaphore, #tpu.memory_space<semaphore_mem>>) src(%dma_wait3A_96 : memref<2048xi32, #tpu.memory_space<hbm>>) dst(%dma_wait3A_94 : memref<2048xi32, #tpu.memory_space<vmem>>)
      %dma_wait3A_97 = arith.constant 0 : i32
      %dma_wait3A_98 = arith.constant 0 : i32
      %dma_wait3A_99 = tpu.memref_slice %arg12[%dma_wait3A_97, %dma_wait3A_98] : memref<2x2048xi32, #tpu.memory_space<vmem>> -> memref<1x2048xi32, #tpu.memory_space<vmem>>
      %dma_wait3A_100 = tpu.memref_squeeze %dma_wait3A_99 : memref<1x2048xi32, #tpu.memory_space<vmem>> -> memref<2048xi32, #tpu.memory_space<vmem>>
      %dma_wait3A_101 = arith.constant 0 : i32
      %dma_wait3A_102 = tpu.memref_slice %arg3[%dma_wait3A_101] : memref<262144xi32, #tpu.memory_space<hbm>> -> memref<2048xi32, #tpu.memory_space<hbm>>
      %dma_wait3A_103 = arith.constant 0 : i32
      %dma_wait3A_104 = tpu.memref_slice %arg12[%dma_wait3A_97, %dma_wait3A_103] : memref<2x2048xi32, #tpu.memory_space<vmem>> -> memref<1x2048xi32, #tpu.memory_space<vmem>>
      %dma_wait3A_105 = tpu.memref_squeeze %dma_wait3A_104 : memref<1x2048xi32, #tpu.memory_space<vmem>> -> memref<2048xi32, #tpu.memory_space<vmem>>
      %dma_wait3A_106 = arith.constant 0 : i32
      %dma_wait3A_107 = tpu.memref_slice %arg3[%dma_wait3A_106] : memref<262144xi32, #tpu.memory_space<hbm>> -> memref<2048xi32, #tpu.memory_space<hbm>>
      tpu.wait_dma2 semaphore(%arg16 : memref<!tpu.dma_semaphore, #tpu.memory_space<semaphore_mem>>) src(%dma_wait3A_107 : memref<2048xi32, #tpu.memory_space<hbm>>) dst(%dma_wait3A_105 : memref<2048xi32, #tpu.memory_space<vmem>>)
      %dma_wait3A_108 = arith.constant 0 : i32
      %dma_wait3A_109 = arith.constant 0 : i32
      %dma_wait3A_110 = tpu.memref_slice %arg13[%dma_wait3A_108, %dma_wait3A_109] : memref<2x2048xf32, #tpu.memory_space<vmem>> -> memref<1x2048xf32, #tpu.memory_space<vmem>>
      %dma_wait3A_111 = tpu.memref_squeeze %dma_wait3A_110 : memref<1x2048xf32, #tpu.memory_space<vmem>> -> memref<2048xf32, #tpu.memory_space<vmem>>
      %dma_wait3A_112 = arith.constant 0 : i32
      %dma_wait3A_113 = tpu.memref_slice %arg4[%dma_wait3A_112] : memref<262144xf32, #tpu.memory_space<hbm>> -> memref<2048xf32, #tpu.memory_space<hbm>>
      %dma_wait3A_114 = arith.constant 0 : i32
      %dma_wait3A_115 = tpu.memref_slice %arg13[%dma_wait3A_108, %dma_wait3A_114] : memref<2x2048xf32, #tpu.memory_space<vmem>> -> memref<1x2048xf32, #tpu.memory_space<vmem>>
      %dma_wait3A_116 = tpu.memref_squeeze %dma_wait3A_115 : memref<1x2048xf32, #tpu.memory_space<vmem>> -> memref<2048xf32, #tpu.memory_space<vmem>>
      %dma_wait3A_117 = arith.constant 0 : i32
      %dma_wait3A_118 = tpu.memref_slice %arg4[%dma_wait3A_117] : memref<262144xf32, #tpu.memory_space<hbm>> -> memref<2048xf32, #tpu.memory_space<hbm>>
      tpu.wait_dma2 semaphore(%arg16 : memref<!tpu.dma_semaphore, #tpu.memory_space<semaphore_mem>>) src(%dma_wait3A_118 : memref<2048xf32, #tpu.memory_space<hbm>>) dst(%dma_wait3A_116 : memref<2048xf32, #tpu.memory_space<vmem>>)
      %scan3A_119 = arith.constant 0 : i32
      %scan3A_120 = arith.constant 0 : i32
      %scan3A_121 = arith.constant 128 : i32
      %scan3A_122 = arith.addi %scan3A_120, %scan3A_121 : i32
      %scan3A_123 = arith.constant 1 : i32
      %scan3A_124 = scf.for %scan3A_201 = %scan3A_120 to %scan3A_122 step %scan3A_123 iter_args(%scan3A_202 = %scan3A_119) -> (i32)  : i32 {
        %mul3A_203 = arith.constant 16 : i32
        %mul3A_204 = arith.muli %scan3A_201, %mul3A_203 : i32
        %get3A = arith.constant 0 : i32
        %get3A_205 = arith.index_cast %get3A : i32 to index
        %get3A_206 = arith.index_cast %mul3A_204 : i32 to index
        %get3A_207 = tpu.vector_load %arg11[%get3A_205, %get3A_206] {strides = array<i32>} : memref<2x2048xi32, #tpu.memory_space<vmem>>, vector<16xi32>,
        %get3A_208 = arith.constant 0 : i32
        %get3A_209 = arith.index_cast %get3A_208 : i32 to index
        %get3A_210 = arith.index_cast %mul3A_204 : i32 to index
        %get3A_211 = tpu.vector_load %arg12[%get3A_209, %get3A_210] {strides = array<i32>} : memref<2x2048xi32, #tpu.memory_space<vmem>>, vector<16xi32>,
        %get3A_212 = arith.constant 0 : i32
        %get3A_213 = arith.index_cast %get3A_212 : i32 to index
        %get3A_214 = arith.index_cast %mul3A_204 : i32 to index
        %get3A_215 = tpu.vector_load %arg13[%get3A_213, %get3A_214] {strides = array<i32>} : memref<2x2048xf32, #tpu.memory_space<vmem>>, vector<16xf32>,
        %gather3A = tpu.vector_load_idx %arg8[%get3A_207] : memref<4096xf32, #tpu.memory_space<vmem>>[vector<16xi32>], vector<16xf32>,
        %gather3A_216 = tpu.vector_load_idx %arg9[%get3A_211] : memref<4096xf32, #tpu.memory_space<vmem>>[vector<16xi32>], vector<16xf32>,
        %add3A_217 = arith.addf %gather3A, %gather3A_216 : vector<16xf32>
        %add3A_218 = arith.addf %add3A_217, %get3A_215 : vector<16xf32>
        %mul3A_219 = arith.constant 4096 : i32
        %mul3A_220 = vector.broadcast %mul3A_219 : i32 to vector<16xi32>
        %mul3A_221 = arith.muli %get3A_207, %mul3A_220 : vector<16xi32>
        %add3A_222 = arith.addi %mul3A_221, %get3A_211 : vector<16xi32>
        %shift_right_arithmetic3A = arith.constant 3 : i32
        %shift_right_arithmetic3A_223 = arith.shrsi %scan3A_201, %shift_right_arithmetic3A : i32
        %and3A = arith.constant 7 : i32
        %and3A_224 = arith.andi %scan3A_201, %and3A : i32
        %mul3A_225 = arith.constant 16 : i32
        %mul3A_226 = arith.muli %and3A_224, %mul3A_225 : i32
        %swap3A = arith.index_cast %shift_right_arithmetic3A_223 : i32 to index
        %swap3A_227 = arith.index_cast %mul3A_226 : i32 to index
        %swap3A_228 = tpu.vector_load %arg14[%swap3A, %swap3A_227] {strides = array<i32>} : memref<16x128xi32, #tpu.memory_space<vmem>>, vector<16xi32>,
        tpu.vector_store %arg14[%swap3A, %swap3A_227], %add3A_222 {strides = array<i32>} : memref<16x128xi32, #tpu.memory_space<vmem>>, vector<16xi32>,
        %swap3A_229 = arith.index_cast %shift_right_arithmetic3A_223 : i32 to index
        %swap3A_230 = arith.index_cast %mul3A_226 : i32 to index
        %swap3A_231 = tpu.vector_load %arg15[%swap3A_229, %swap3A_230] {strides = array<i32>} : memref<16x128xf32, #tpu.memory_space<vmem>>, vector<16xf32>,
        tpu.vector_store %arg15[%swap3A_229, %swap3A_230], %add3A_218 {strides = array<i32>} : memref<16x128xf32, #tpu.memory_space<vmem>>, vector<16xf32>,
        %scan3A_232 = arith.constant 0 : i32
        scf.yield %scan3A_232 : i32
      }
      %scan3A_125 = arith.constant 128 : i32
      %scan3A_126 = arith.constant 0 : i32
      %scan3A_127 = arith.constant 0 : i32
      %scan3A_128 = arith.constant 16 : i32
      %scan3A_129 = arith.addi %scan3A_127, %scan3A_128 : i32
      %scan3A_130 = arith.constant 1 : i32
      %scan3A_131 = scf.for %scan3A_201 = %scan3A_127 to %scan3A_129 step %scan3A_130 iter_args(%scan3A_202 = %scan3A_126) -> (i32)  : i32 {
        %dma_start3A_203 = arith.constant 0 : i32
        %dma_start3A_204 = tpu.memref_slice %arg15[%scan3A_201, %dma_start3A_203] : memref<16x128xf32, #tpu.memory_space<vmem>> -> memref<1x128xf32, #tpu.memory_space<vmem>>
        %dma_start3A_205 = tpu.memref_squeeze %dma_start3A_204 : memref<1x128xf32, #tpu.memory_space<vmem>> -> memref<128xf32, #tpu.memory_space<vmem>>
        %dma_start3A_206 = arith.constant 0 : i32
        %dma_start3A_207 = tpu.memref_slice %arg14[%scan3A_201, %dma_start3A_206] : memref<16x128xi32, #tpu.memory_space<vmem>> -> memref<1x128xi32, #tpu.memory_space<vmem>>
        %dma_start3A_208 = tpu.memref_squeeze %dma_start3A_207 : memref<1x128xi32, #tpu.memory_space<vmem>> -> memref<128xi32, #tpu.memory_space<vmem>>
        %dma_start3A_209 = arith.constant 0 : i32
        %dma_start3A_210 = tpu.memref_slice %arg7[%dma_start3A_209] : memref<16777216xf32, #tpu.memory_space<hbm>> -> memref<16777216xf32, #tpu.memory_space<hbm>>
        tpu.enqueue_indirect_dma source(%dma_start3A_205 : memref<128xf32, #tpu.memory_space<vmem>>) target(%dma_start3A_210 : memref<16777216xf32, #tpu.memory_space<hbm>>) offsets(%dma_start3A_208 : memref<128xi32, #tpu.memory_space<vmem>>) semaphore(%arg18 : memref<!tpu.dma_semaphore, #tpu.memory_space<semaphore_mem>>)
        %scan3A_211 = arith.constant 0 : i32
        scf.yield %scan3A_211 : i32
      }
      %scan3A_132 = arith.constant 16 : i32
      %scan3A_133 = arith.constant 0 : i32
      %scan3A_134 = arith.constant 0 : i32
      %scan3A_135 = arith.constant 16 : i32
      %scan3A_136 = arith.addi %scan3A_134, %scan3A_135 : i32
      %scan3A_137 = arith.constant 1 : i32
      %scan3A_138 = scf.for %scan3A_201 = %scan3A_134 to %scan3A_136 step %scan3A_137 iter_args(%scan3A_202 = %scan3A_133) -> (i32)  : i32 {
        %dma_wait3A_203 = arith.constant 0 : i32
        %dma_wait3A_204 = arith.constant 0 : i32
        %dma_wait3A_205 = arith.constant 0 : i32
        %dma_wait3A_206 = tpu.memref_slice %arg15[%dma_wait3A_203, %dma_wait3A_205] : memref<16x128xf32, #tpu.memory_space<vmem>> -> memref<1x128xf32, #tpu.memory_space<vmem>>
        %dma_wait3A_207 = tpu.memref_squeeze %dma_wait3A_206 : memref<1x128xf32, #tpu.memory_space<vmem>> -> memref<128xf32, #tpu.memory_space<vmem>>
        %dma_wait3A_208 = arith.constant 0 : i32
        %dma_wait3A_209 = tpu.memref_slice %arg14[%dma_wait3A_204, %dma_wait3A_208] : memref<16x128xi32, #tpu.memory_space<vmem>> -> memref<1x128xi32, #tpu.memory_space<vmem>>
        %dma_wait3A_210 = tpu.memref_squeeze %dma_wait3A_209 : memref<1x128xi32, #tpu.memory_space<vmem>> -> memref<128xi32, #tpu.memory_space<vmem>>
        %dma_wait3A_211 = arith.constant 0 : i32
        %dma_wait3A_212 = tpu.memref_slice %arg7[%dma_wait3A_211] : memref<16777216xf32, #tpu.memory_space<hbm>> -> memref<16777216xf32, #tpu.memory_space<hbm>>
        tpu.wait_indirect_dma semaphore(%arg18 : memref<!tpu.dma_semaphore, #tpu.memory_space<semaphore_mem>>) src(%dma_wait3A_207 : memref<128xf32, #tpu.memory_space<vmem>>) dst(%dma_wait3A_212 : memref<16777216xf32, #tpu.memory_space<hbm>>)
        %scan3A_213 = arith.constant 0 : i32
        scf.yield %scan3A_213 : i32
      }
      %scan3A_139 = arith.constant 16 : i32
      %mul3A_140 = arith.constant 2 : i32
      %mul3A_141 = arith.muli %mul3A_140, %scan3A_51 : i32
      %add3A_142 = arith.constant 2 : i32
      %add3A_143 = arith.addi %mul3A_141, %add3A_142 : i32
      %lt3A = arith.constant 8 : i32
      %lt3A_144 = arith.cmpi slt, %add3A_143, %lt3A : i32
      %convert_element_type3A = arith.extui %lt3A_144 : i1 to i32
      %cond3A = arith.constant 0 : i32
      %cond3A_145 = arith.cmpi ne, %convert_element_type3A, %cond3A : i32
      scf.if %cond3A_145 {
        %mul3A_201 = arith.constant 2 : i32
        %mul3A_202 = arith.muli %mul3A_201, %scan3A_51 : i32
        %add3A_203 = arith.constant 2 : i32
        %add3A_204 = arith.addi %mul3A_202, %add3A_203 : i32
        %mul3A_205 = arith.constant 2048 : i32
        %mul3A_206 = arith.muli %add3A_204, %mul3A_205 : i32
        %add3A_207 = arith.addi %mul3A_2, %mul3A_206 : i32
        %dma_start3A_208 = arith.constant 0 : i32
        %dma_start3A_209 = arith.constant 0 : i32
        %dma_start3A_210 = tpu.memref_slice %arg11[%dma_start3A_208, %dma_start3A_209] : memref<2x2048xi32, #tpu.memory_space<vmem>> -> memref<1x2048xi32, #tpu.memory_space<vmem>>
        %dma_start3A_211 = tpu.memref_squeeze %dma_start3A_210 : memref<1x2048xi32, #tpu.memory_space<vmem>> -> memref<2048xi32, #tpu.memory_space<vmem>>
        %dma_start3A_212 = tpu.memref_slice %arg2[%add3A_207] : memref<262144xi32, #tpu.memory_space<hbm>> -> memref<2048xi32, #tpu.memory_space<hbm>>
        %dma_start3A_213 = arith.constant 0 : i32
        %dma_start3A_214 = tpu.memref_slice %arg11[%dma_start3A_208, %dma_start3A_213] : memref<2x2048xi32, #tpu.memory_space<vmem>> -> memref<1x2048xi32, #tpu.memory_space<vmem>>
        %dma_start3A_215 = tpu.memref_squeeze %dma_start3A_214 : memref<1x2048xi32, #tpu.memory_space<vmem>> -> memref<2048xi32, #tpu.memory_space<vmem>>
        %dma_start3A_216 = tpu.memref_slice %arg2[%add3A_207] : memref<262144xi32, #tpu.memory_space<hbm>> -> memref<2048xi32, #tpu.memory_space<hbm>>
        tpu.enqueue_dma source(%dma_start3A_216 : memref<2048xi32, #tpu.memory_space<hbm>>) target(%dma_start3A_215 : memref<2048xi32, #tpu.memory_space<vmem>>) target_semaphore(%arg16 : memref<!tpu.dma_semaphore, #tpu.memory_space<semaphore_mem>>)
        %dma_start3A_217 = arith.constant 0 : i32
        %dma_start3A_218 = arith.constant 0 : i32
        %dma_start3A_219 = tpu.memref_slice %arg12[%dma_start3A_217, %dma_start3A_218] : memref<2x2048xi32, #tpu.memory_space<vmem>> -> memref<1x2048xi32, #tpu.memory_space<vmem>>
        %dma_start3A_220 = tpu.memref_squeeze %dma_start3A_219 : memref<1x2048xi32, #tpu.memory_space<vmem>> -> memref<2048xi32, #tpu.memory_space<vmem>>
        %dma_start3A_221 = tpu.memref_slice %arg3[%add3A_207] : memref<262144xi32, #tpu.memory_space<hbm>> -> memref<2048xi32, #tpu.memory_space<hbm>>
        %dma_start3A_222 = arith.constant 0 : i32
        %dma_start3A_223 = tpu.memref_slice %arg12[%dma_start3A_217, %dma_start3A_222] : memref<2x2048xi32, #tpu.memory_space<vmem>> -> memref<1x2048xi32, #tpu.memory_space<vmem>>
        %dma_start3A_224 = tpu.memref_squeeze %dma_start3A_223 : memref<1x2048xi32, #tpu.memory_space<vmem>> -> memref<2048xi32, #tpu.memory_space<vmem>>
        %dma_start3A_225 = tpu.memref_slice %arg3[%add3A_207] : memref<262144xi32, #tpu.memory_space<hbm>> -> memref<2048xi32, #tpu.memory_space<hbm>>
        tpu.enqueue_dma source(%dma_start3A_225 : memref<2048xi32, #tpu.memory_space<hbm>>) target(%dma_start3A_224 : memref<2048xi32, #tpu.memory_space<vmem>>) target_semaphore(%arg16 : memref<!tpu.dma_semaphore, #tpu.memory_space<semaphore_mem>>)
        %dma_start3A_226 = arith.constant 0 : i32
        %dma_start3A_227 = arith.constant 0 : i32
        %dma_start3A_228 = tpu.memref_slice %arg13[%dma_start3A_226, %dma_start3A_227] : memref<2x2048xf32, #tpu.memory_space<vmem>> -> memref<1x2048xf32, #tpu.memory_space<vmem>>
        %dma_start3A_229 = tpu.memref_squeeze %dma_start3A_228 : memref<1x2048xf32, #tpu.memory_space<vmem>> -> memref<2048xf32, #tpu.memory_space<vmem>>
        %dma_start3A_230 = tpu.memref_slice %arg4[%add3A_207] : memref<262144xf32, #tpu.memory_space<hbm>> -> memref<2048xf32, #tpu.memory_space<hbm>>
        %dma_start3A_231 = arith.constant 0 : i32
        %dma_start3A_232 = tpu.memref_slice %arg13[%dma_start3A_226, %dma_start3A_231] : memref<2x2048xf32, #tpu.memory_space<vmem>> -> memref<1x2048xf32, #tpu.memory_space<vmem>>
        %dma_start3A_233 = tpu.memref_squeeze %dma_start3A_232 : memref<1x2048xf32, #tpu.memory_space<vmem>> -> memref<2048xf32, #tpu.memory_space<vmem>>
        %dma_start3A_234 = tpu.memref_slice %arg4[%add3A_207] : memref<262144xf32, #tpu.memory_space<hbm>> -> memref<2048xf32, #tpu.memory_space<hbm>>
        tpu.enqueue_dma source(%dma_start3A_234 : memref<2048xf32, #tpu.memory_space<hbm>>) target(%dma_start3A_233 : memref<2048xf32, #tpu.memory_space<vmem>>) target_semaphore(%arg16 : memref<!tpu.dma_semaphore, #tpu.memory_space<semaphore_mem>>)
      } else {
      }
      %dma_wait3A_146 = arith.constant 1 : i32
      %dma_wait3A_147 = arith.constant 0 : i32
      %dma_wait3A_148 = tpu.memref_slice %arg11[%dma_wait3A_146, %dma_wait3A_147] : memref<2x2048xi32, #tpu.memory_space<vmem>> -> memref<1x2048xi32, #tpu.memory_space<vmem>>
      %dma_wait3A_149 = tpu.memref_squeeze %dma_wait3A_148 : memref<1x2048xi32, #tpu.memory_space<vmem>> -> memref<2048xi32, #tpu.memory_space<vmem>>
      %dma_wait3A_150 = arith.constant 0 : i32
      %dma_wait3A_151 = tpu.memref_slice %arg2[%dma_wait3A_150] : memref<262144xi32, #tpu.memory_space<hbm>> -> memref<2048xi32, #tpu.memory_space<hbm>>
      %dma_wait3A_152 = arith.constant 0 : i32
      %dma_wait3A_153 = tpu.memref_slice %arg11[%dma_wait3A_146, %dma_wait3A_152] : memref<2x2048xi32, #tpu.memory_space<vmem>> -> memref<1x2048xi32, #tpu.memory_space<vmem>>
      %dma_wait3A_154 = tpu.memref_squeeze %dma_wait3A_153 : memref<1x2048xi32, #tpu.memory_space<vmem>> -> memref<2048xi32, #tpu.memory_space<vmem>>
      %dma_wait3A_155 = arith.constant 0 : i32
      %dma_wait3A_156 = tpu.memref_slice %arg2[%dma_wait3A_155] : memref<262144xi32, #tpu.memory_space<hbm>> -> memref<2048xi32, #tpu.memory_space<hbm>>
      tpu.wait_dma2 semaphore(%arg17 : memref<!tpu.dma_semaphore, #tpu.memory_space<semaphore_mem>>) src(%dma_wait3A_156 : memref<2048xi32, #tpu.memory_space<hbm>>) dst(%dma_wait3A_154 : memref<2048xi32, #tpu.memory_space<vmem>>)
      %dma_wait3A_157 = arith.constant 1 : i32
      %dma_wait3A_158 = arith.constant 0 : i32
      %dma_wait3A_159 = tpu.memref_slice %arg12[%dma_wait3A_157, %dma_wait3A_158] : memref<2x2048xi32, #tpu.memory_space<vmem>> -> memref<1x2048xi32, #tpu.memory_space<vmem>>
      %dma_wait3A_160 = tpu.memref_squeeze %dma_wait3A_159 : memref<1x2048xi32, #tpu.memory_space<vmem>> -> memref<2048xi32, #tpu.memory_space<vmem>>
      %dma_wait3A_161 = arith.constant 0 : i32
      %dma_wait3A_162 = tpu.memref_slice %arg3[%dma_wait3A_161] : memref<262144xi32, #tpu.memory_space<hbm>> -> memref<2048xi32, #tpu.memory_space<hbm>>
      %dma_wait3A_163 = arith.constant 0 : i32
      %dma_wait3A_164 = tpu.memref_slice %arg12[%dma_wait3A_157, %dma_wait3A_163] : memref<2x2048xi32, #tpu.memory_space<vmem>> -> memref<1x2048xi32, #tpu.memory_space<vmem>>
      %dma_wait3A_165 = tpu.memref_squeeze %dma_wait3A_164 : memref<1x2048xi32, #tpu.memory_space<vmem>> -> memref<2048xi32, #tpu.memory_space<vmem>>
      %dma_wait3A_166 = arith.constant 0 : i32
      %dma_wait3A_167 = tpu.memref_slice %arg3[%dma_wait3A_166] : memref<262144xi32, #tpu.memory_space<hbm>> -> memref<2048xi32, #tpu.memory_space<hbm>>
      tpu.wait_dma2 semaphore(%arg17 : memref<!tpu.dma_semaphore, #tpu.memory_space<semaphore_mem>>) src(%dma_wait3A_167 : memref<2048xi32, #tpu.memory_space<hbm>>) dst(%dma_wait3A_165 : memref<2048xi32, #tpu.memory_space<vmem>>)
      %dma_wait3A_168 = arith.constant 1 : i32
      %dma_wait3A_169 = arith.constant 0 : i32
      %dma_wait3A_170 = tpu.memref_slice %arg13[%dma_wait3A_168, %dma_wait3A_169] : memref<2x2048xf32, #tpu.memory_space<vmem>> -> memref<1x2048xf32, #tpu.memory_space<vmem>>
      %dma_wait3A_171 = tpu.memref_squeeze %dma_wait3A_170 : memref<1x2048xf32, #tpu.memory_space<vmem>> -> memref<2048xf32, #tpu.memory_space<vmem>>
      %dma_wait3A_172 = arith.constant 0 : i32
      %dma_wait3A_173 = tpu.memref_slice %arg4[%dma_wait3A_172] : memref<262144xf32, #tpu.memory_space<hbm>> -> memref<2048xf32, #tpu.memory_space<hbm>>
      %dma_wait3A_174 = arith.constant 0 : i32
      %dma_wait3A_175 = tpu.memref_slice %arg13[%dma_wait3A_168, %dma_wait3A_174] : memref<2x2048xf32, #tpu.memory_space<vmem>> -> memref<1x2048xf32, #tpu.memory_space<vmem>>
      %dma_wait3A_176 = tpu.memref_squeeze %dma_wait3A_175 : memref<1x2048xf32, #tpu.memory_space<vmem>> -> memref<2048xf32, #tpu.memory_space<vmem>>
      %dma_wait3A_177 = arith.constant 0 : i32
      %dma_wait3A_178 = tpu.memref_slice %arg4[%dma_wait3A_177] : memref<262144xf32, #tpu.memory_space<hbm>> -> memref<2048xf32, #tpu.memory_space<hbm>>
      tpu.wait_dma2 semaphore(%arg17 : memref<!tpu.dma_semaphore, #tpu.memory_space<semaphore_mem>>) src(%dma_wait3A_178 : memref<2048xf32, #tpu.memory_space<hbm>>) dst(%dma_wait3A_176 : memref<2048xf32, #tpu.memory_space<vmem>>)
      %scan3A_179 = arith.constant 0 : i32
      %scan3A_180 = arith.constant 0 : i32
      %scan3A_181 = arith.constant 128 : i32
      %scan3A_182 = arith.addi %scan3A_180, %scan3A_181 : i32
      %scan3A_183 = arith.constant 1 : i32
      %scan3A_184 = scf.for %scan3A_201 = %scan3A_180 to %scan3A_182 step %scan3A_183 iter_args(%scan3A_202 = %scan3A_179) -> (i32)  : i32 {
        %mul3A_203 = arith.constant 16 : i32
        %mul3A_204 = arith.muli %scan3A_201, %mul3A_203 : i32
        %get3A = arith.constant 1 : i32
        %get3A_205 = arith.index_cast %get3A : i32 to index
        %get3A_206 = arith.index_cast %mul3A_204 : i32 to index
        %get3A_207 = tpu.vector_load %arg11[%get3A_205, %get3A_206] {strides = array<i32>} : memref<2x2048xi32, #tpu.memory_space<vmem>>, vector<16xi32>,
        %get3A_208 = arith.constant 1 : i32
        %get3A_209 = arith.index_cast %get3A_208 : i32 to index
        %get3A_210 = arith.index_cast %mul3A_204 : i32 to index
        %get3A_211 = tpu.vector_load %arg12[%get3A_209, %get3A_210] {strides = array<i32>} : memref<2x2048xi32, #tpu.memory_space<vmem>>, vector<16xi32>,
        %get3A_212 = arith.constant 1 : i32
        %get3A_213 = arith.index_cast %get3A_212 : i32 to index
        %get3A_214 = arith.index_cast %mul3A_204 : i32 to index
        %get3A_215 = tpu.vector_load %arg13[%get3A_213, %get3A_214] {strides = array<i32>} : memref<2x2048xf32, #tpu.memory_space<vmem>>, vector<16xf32>,
        %gather3A = tpu.vector_load_idx %arg8[%get3A_207] : memref<4096xf32, #tpu.memory_space<vmem>>[vector<16xi32>], vector<16xf32>,
        %gather3A_216 = tpu.vector_load_idx %arg9[%get3A_211] : memref<4096xf32, #tpu.memory_space<vmem>>[vector<16xi32>], vector<16xf32>,
        %add3A_217 = arith.addf %gather3A, %gather3A_216 : vector<16xf32>
        %add3A_218 = arith.addf %add3A_217, %get3A_215 : vector<16xf32>
        %mul3A_219 = arith.constant 4096 : i32
        %mul3A_220 = vector.broadcast %mul3A_219 : i32 to vector<16xi32>
        %mul3A_221 = arith.muli %get3A_207, %mul3A_220 : vector<16xi32>
        %add3A_222 = arith.addi %mul3A_221, %get3A_211 : vector<16xi32>
        %shift_right_arithmetic3A = arith.constant 3 : i32
        %shift_right_arithmetic3A_223 = arith.shrsi %scan3A_201, %shift_right_arithmetic3A : i32
        %and3A = arith.constant 7 : i32
        %and3A_224 = arith.andi %scan3A_201, %and3A : i32
        %mul3A_225 = arith.constant 16 : i32
        %mul3A_226 = arith.muli %and3A_224, %mul3A_225 : i32
        %swap3A = arith.index_cast %shift_right_arithmetic3A_223 : i32 to index
        %swap3A_227 = arith.index_cast %mul3A_226 : i32 to index
        %swap3A_228 = tpu.vector_load %arg14[%swap3A, %swap3A_227] {strides = array<i32>} : memref<16x128xi32, #tpu.memory_space<vmem>>, vector<16xi32>,
        tpu.vector_store %arg14[%swap3A, %swap3A_227], %add3A_222 {strides = array<i32>} : memref<16x128xi32, #tpu.memory_space<vmem>>, vector<16xi32>,
        %swap3A_229 = arith.index_cast %shift_right_arithmetic3A_223 : i32 to index
        %swap3A_230 = arith.index_cast %mul3A_226 : i32 to index
        %swap3A_231 = tpu.vector_load %arg15[%swap3A_229, %swap3A_230] {strides = array<i32>} : memref<16x128xf32, #tpu.memory_space<vmem>>, vector<16xf32>,
        tpu.vector_store %arg15[%swap3A_229, %swap3A_230], %add3A_218 {strides = array<i32>} : memref<16x128xf32, #tpu.memory_space<vmem>>, vector<16xf32>,
        %scan3A_232 = arith.constant 0 : i32
        scf.yield %scan3A_232 : i32
      }
      %scan3A_185 = arith.constant 128 : i32
      %scan3A_186 = arith.constant 0 : i32
      %scan3A_187 = arith.constant 0 : i32
      %scan3A_188 = arith.constant 16 : i32
      %scan3A_189 = arith.addi %scan3A_187, %scan3A_188 : i32
      %scan3A_190 = arith.constant 1 : i32
      %scan3A_191 = scf.for %scan3A_201 = %scan3A_187 to %scan3A_189 step %scan3A_190 iter_args(%scan3A_202 = %scan3A_186) -> (i32)  : i32 {
        %dma_start3A_203 = arith.constant 0 : i32
        %dma_start3A_204 = tpu.memref_slice %arg15[%scan3A_201, %dma_start3A_203] : memref<16x128xf32, #tpu.memory_space<vmem>> -> memref<1x128xf32, #tpu.memory_space<vmem>>
        %dma_start3A_205 = tpu.memref_squeeze %dma_start3A_204 : memref<1x128xf32, #tpu.memory_space<vmem>> -> memref<128xf32, #tpu.memory_space<vmem>>
        %dma_start3A_206 = arith.constant 0 : i32
        %dma_start3A_207 = tpu.memref_slice %arg14[%scan3A_201, %dma_start3A_206] : memref<16x128xi32, #tpu.memory_space<vmem>> -> memref<1x128xi32, #tpu.memory_space<vmem>>
        %dma_start3A_208 = tpu.memref_squeeze %dma_start3A_207 : memref<1x128xi32, #tpu.memory_space<vmem>> -> memref<128xi32, #tpu.memory_space<vmem>>
        %dma_start3A_209 = arith.constant 0 : i32
        %dma_start3A_210 = tpu.memref_slice %arg7[%dma_start3A_209] : memref<16777216xf32, #tpu.memory_space<hbm>> -> memref<16777216xf32, #tpu.memory_space<hbm>>
        tpu.enqueue_indirect_dma source(%dma_start3A_205 : memref<128xf32, #tpu.memory_space<vmem>>) target(%dma_start3A_210 : memref<16777216xf32, #tpu.memory_space<hbm>>) offsets(%dma_start3A_208 : memref<128xi32, #tpu.memory_space<vmem>>) semaphore(%arg18 : memref<!tpu.dma_semaphore, #tpu.memory_space<semaphore_mem>>)
        %scan3A_211 = arith.constant 0 : i32
        scf.yield %scan3A_211 : i32
      }
      %scan3A_192 = arith.constant 16 : i32
      %scan3A_193 = arith.constant 0 : i32
      %scan3A_194 = arith.constant 0 : i32
      %scan3A_195 = arith.constant 16 : i32
      %scan3A_196 = arith.addi %scan3A_194, %scan3A_195 : i32
      %scan3A_197 = arith.constant 1 : i32
      %scan3A_198 = scf.for %scan3A_201 = %scan3A_194 to %scan3A_196 step %scan3A_197 iter_args(%scan3A_202 = %scan3A_193) -> (i32)  : i32 {
        %dma_wait3A_203 = arith.constant 0 : i32
        %dma_wait3A_204 = arith.constant 0 : i32
        %dma_wait3A_205 = arith.constant 0 : i32
        %dma_wait3A_206 = tpu.memref_slice %arg15[%dma_wait3A_203, %dma_wait3A_205] : memref<16x128xf32, #tpu.memory_space<vmem>> -> memref<1x128xf32, #tpu.memory_space<vmem>>
        %dma_wait3A_207 = tpu.memref_squeeze %dma_wait3A_206 : memref<1x128xf32, #tpu.memory_space<vmem>> -> memref<128xf32, #tpu.memory_space<vmem>>
        %dma_wait3A_208 = arith.constant 0 : i32
        %dma_wait3A_209 = tpu.memref_slice %arg14[%dma_wait3A_204, %dma_wait3A_208] : memref<16x128xi32, #tpu.memory_space<vmem>> -> memref<1x128xi32, #tpu.memory_space<vmem>>
        %dma_wait3A_210 = tpu.memref_squeeze %dma_wait3A_209 : memref<1x128xi32, #tpu.memory_space<vmem>> -> memref<128xi32, #tpu.memory_space<vmem>>
        %dma_wait3A_211 = arith.constant 0 : i32
        %dma_wait3A_212 = tpu.memref_slice %arg7[%dma_wait3A_211] : memref<16777216xf32, #tpu.memory_space<hbm>> -> memref<16777216xf32, #tpu.memory_space<hbm>>
        tpu.wait_indirect_dma semaphore(%arg18 : memref<!tpu.dma_semaphore, #tpu.memory_space<semaphore_mem>>) src(%dma_wait3A_207 : memref<128xf32, #tpu.memory_space<vmem>>) dst(%dma_wait3A_212 : memref<16777216xf32, #tpu.memory_space<hbm>>)
        %scan3A_213 = arith.constant 0 : i32
        scf.yield %scan3A_213 : i32
      }
      %scan3A_199 = arith.constant 16 : i32
      %scan3A_200 = arith.constant 0 : i32
      scf.yield %scan3A_200 : i32
    }
    %scan3A_50 = arith.constant 4 : i32
    return
  }
}

#map = affine_map<(d0, d1) -> (0, 0)>
#map1 = affine_map<(d0, d1) -> (0)>
module attributes {stable_mosaic.version = 14 : i64} {
  func.func @k(%arg0: i32, %arg1: i32, %arg2: memref<128x4096xf32, #tpu.memory_space<hbm>>, %arg3: memref<128xf32, #tpu.memory_space<hbm>>, %arg4: memref<262144xi32, #tpu.memory_space<hbm>>, %arg5: memref<262144xi32, #tpu.memory_space<hbm>>, %arg6: memref<262144xf32, #tpu.memory_space<hbm>>, %arg7: memref<128x4096xf32, #tpu.memory_space<hbm>>, %arg8: memref<4096xf32, #tpu.memory_space<vmem>>, %arg9: memref<4096xf32, #tpu.memory_space<vmem>>, %arg10: memref<4096xf32, #tpu.memory_space<vmem>>, %arg11: memref<4096xf32, #tpu.memory_space<vmem>>, %arg12: memref<4096xf32, #tpu.memory_space<vmem>>, %arg13: memref<4096xf32, #tpu.memory_space<vmem>>, %arg14: memref<4096xf32, #tpu.memory_space<vmem>>, %arg15: memref<4096xf32, #tpu.memory_space<vmem>>, %arg16: memref<128xf32, #tpu.memory_space<vmem>>, %arg17: memref<4096xi32, #tpu.memory_space<vmem>>, %arg18: memref<128xi32, #tpu.memory_space<vmem>>, %arg19: memref<2x2048xi32, #tpu.memory_space<vmem>>, %arg20: memref<2x2048xi32, #tpu.memory_space<vmem>>, %arg21: memref<2x2048xf32, #tpu.memory_space<vmem>>, %arg22: memref<!tpu.dma_semaphore, #tpu.memory_space<semaphore_mem>>, %arg23: memref<!tpu.dma_semaphore, #tpu.memory_space<semaphore_mem>>) attributes {dimension_semantics = [#tpu.dimension_semantics<core_parallel>, #tpu.dimension_semantics<subcore_parallel>], iteration_bounds = array<i64: 2, 16>, scalar_prefetch = 0 : i64, scratch_operands = 16 : i64, tpu.core_type = #tpu.core_type<sc_vector_subcore>, window_params = [{transform_indices = #map}, {transform_indices = #map1}, {transform_indices = #map1}, {transform_indices = #map1}, {transform_indices = #map1}, {transform_indices = #map}]} {
    %mul3A = arith.constant 2 : i32
    %mul3A_0 = arith.muli %arg1, %mul3A : i32
    %add3A = arith.addi %mul3A_0, %arg0 : i32
    %mul3A_1 = arith.constant 4 : i32
    %mul3A_2 = arith.muli %add3A, %mul3A_1 : i32
    %add3A_3 = arith.constant 0 : i32
    %add3A_4 = arith.addi %mul3A_2, %add3A_3 : i32
    "tpu.region"() ({
      %run_scoped3A = tpu.sem_alloc : memref<!tpu.dma_semaphore, #tpu.memory_space<semaphore_mem>>
      %dma_start3A_106 = arith.constant 0 : i32
      %dma_start3A_107 = tpu.memref_slice %arg2[%add3A_4, %dma_start3A_106] : memref<128x4096xf32, #tpu.memory_space<hbm>> -> memref<1x4096xf32, #tpu.memory_space<hbm>>
      %dma_start3A_108 = tpu.memref_squeeze %dma_start3A_107 : memref<1x4096xf32, #tpu.memory_space<hbm>> -> memref<4096xf32, #tpu.memory_space<hbm>>
      %dma_start3A_109 = arith.constant 0 : i32
      %dma_start3A_110 = tpu.memref_slice %arg2[%add3A_4, %dma_start3A_109] : memref<128x4096xf32, #tpu.memory_space<hbm>> -> memref<1x4096xf32, #tpu.memory_space<hbm>>
      %dma_start3A_111 = tpu.memref_squeeze %dma_start3A_110 : memref<1x4096xf32, #tpu.memory_space<hbm>> -> memref<4096xf32, #tpu.memory_space<hbm>>
      tpu.enqueue_dma source(%dma_start3A_111 : memref<4096xf32, #tpu.memory_space<hbm>>) target(%arg8 : memref<4096xf32, #tpu.memory_space<vmem>>) target_semaphore(%run_scoped3A : memref<!tpu.dma_semaphore, #tpu.memory_space<semaphore_mem>>)
      %dma_wait3A = arith.constant 0 : i32
      %dma_wait3A_112 = tpu.memref_slice %arg2[%add3A_4, %dma_wait3A] : memref<128x4096xf32, #tpu.memory_space<hbm>> -> memref<1x4096xf32, #tpu.memory_space<hbm>>
      %dma_wait3A_113 = tpu.memref_squeeze %dma_wait3A_112 : memref<1x4096xf32, #tpu.memory_space<hbm>> -> memref<4096xf32, #tpu.memory_space<hbm>>
      %dma_wait3A_114 = arith.constant 0 : i32
      %dma_wait3A_115 = tpu.memref_slice %arg2[%add3A_4, %dma_wait3A_114] : memref<128x4096xf32, #tpu.memory_space<hbm>> -> memref<1x4096xf32, #tpu.memory_space<hbm>>
      %dma_wait3A_116 = tpu.memref_squeeze %dma_wait3A_115 : memref<1x4096xf32, #tpu.memory_space<hbm>> -> memref<4096xf32, #tpu.memory_space<hbm>>
      tpu.wait_dma2 semaphore(%run_scoped3A : memref<!tpu.dma_semaphore, #tpu.memory_space<semaphore_mem>>) src(%dma_wait3A_116 : memref<4096xf32, #tpu.memory_space<hbm>>) dst(%arg8 : memref<4096xf32, #tpu.memory_space<vmem>>)
      tpu.yield
    }) : () -> ()
    %add3A_5 = arith.constant 1 : i32
    %add3A_6 = arith.addi %mul3A_2, %add3A_5 : i32
    "tpu.region"() ({
      %run_scoped3A = tpu.sem_alloc : memref<!tpu.dma_semaphore, #tpu.memory_space<semaphore_mem>>
      %dma_start3A_106 = arith.constant 0 : i32
      %dma_start3A_107 = tpu.memref_slice %arg2[%add3A_6, %dma_start3A_106] : memref<128x4096xf32, #tpu.memory_space<hbm>> -> memref<1x4096xf32, #tpu.memory_space<hbm>>
      %dma_start3A_108 = tpu.memref_squeeze %dma_start3A_107 : memref<1x4096xf32, #tpu.memory_space<hbm>> -> memref<4096xf32, #tpu.memory_space<hbm>>
      %dma_start3A_109 = arith.constant 0 : i32
      %dma_start3A_110 = tpu.memref_slice %arg2[%add3A_6, %dma_start3A_109] : memref<128x4096xf32, #tpu.memory_space<hbm>> -> memref<1x4096xf32, #tpu.memory_space<hbm>>
      %dma_start3A_111 = tpu.memref_squeeze %dma_start3A_110 : memref<1x4096xf32, #tpu.memory_space<hbm>> -> memref<4096xf32, #tpu.memory_space<hbm>>
      tpu.enqueue_dma source(%dma_start3A_111 : memref<4096xf32, #tpu.memory_space<hbm>>) target(%arg9 : memref<4096xf32, #tpu.memory_space<vmem>>) target_semaphore(%run_scoped3A : memref<!tpu.dma_semaphore, #tpu.memory_space<semaphore_mem>>)
      %dma_wait3A = arith.constant 0 : i32
      %dma_wait3A_112 = tpu.memref_slice %arg2[%add3A_6, %dma_wait3A] : memref<128x4096xf32, #tpu.memory_space<hbm>> -> memref<1x4096xf32, #tpu.memory_space<hbm>>
      %dma_wait3A_113 = tpu.memref_squeeze %dma_wait3A_112 : memref<1x4096xf32, #tpu.memory_space<hbm>> -> memref<4096xf32, #tpu.memory_space<hbm>>
      %dma_wait3A_114 = arith.constant 0 : i32
      %dma_wait3A_115 = tpu.memref_slice %arg2[%add3A_6, %dma_wait3A_114] : memref<128x4096xf32, #tpu.memory_space<hbm>> -> memref<1x4096xf32, #tpu.memory_space<hbm>>
      %dma_wait3A_116 = tpu.memref_squeeze %dma_wait3A_115 : memref<1x4096xf32, #tpu.memory_space<hbm>> -> memref<4096xf32, #tpu.memory_space<hbm>>
      tpu.wait_dma2 semaphore(%run_scoped3A : memref<!tpu.dma_semaphore, #tpu.memory_space<semaphore_mem>>) src(%dma_wait3A_116 : memref<4096xf32, #tpu.memory_space<hbm>>) dst(%arg9 : memref<4096xf32, #tpu.memory_space<vmem>>)
      tpu.yield
    }) : () -> ()
    %add3A_7 = arith.constant 2 : i32
    %add3A_8 = arith.addi %mul3A_2, %add3A_7 : i32
    "tpu.region"() ({
      %run_scoped3A = tpu.sem_alloc : memref<!tpu.dma_semaphore, #tpu.memory_space<semaphore_mem>>
      %dma_start3A_106 = arith.constant 0 : i32
      %dma_start3A_107 = tpu.memref_slice %arg2[%add3A_8, %dma_start3A_106] : memref<128x4096xf32, #tpu.memory_space<hbm>> -> memref<1x4096xf32, #tpu.memory_space<hbm>>
      %dma_start3A_108 = tpu.memref_squeeze %dma_start3A_107 : memref<1x4096xf32, #tpu.memory_space<hbm>> -> memref<4096xf32, #tpu.memory_space<hbm>>
      %dma_start3A_109 = arith.constant 0 : i32
      %dma_start3A_110 = tpu.memref_slice %arg2[%add3A_8, %dma_start3A_109] : memref<128x4096xf32, #tpu.memory_space<hbm>> -> memref<1x4096xf32, #tpu.memory_space<hbm>>
      %dma_start3A_111 = tpu.memref_squeeze %dma_start3A_110 : memref<1x4096xf32, #tpu.memory_space<hbm>> -> memref<4096xf32, #tpu.memory_space<hbm>>
      tpu.enqueue_dma source(%dma_start3A_111 : memref<4096xf32, #tpu.memory_space<hbm>>) target(%arg10 : memref<4096xf32, #tpu.memory_space<vmem>>) target_semaphore(%run_scoped3A : memref<!tpu.dma_semaphore, #tpu.memory_space<semaphore_mem>>)
      %dma_wait3A = arith.constant 0 : i32
      %dma_wait3A_112 = tpu.memref_slice %arg2[%add3A_8, %dma_wait3A] : memref<128x4096xf32, #tpu.memory_space<hbm>> -> memref<1x4096xf32, #tpu.memory_space<hbm>>
      %dma_wait3A_113 = tpu.memref_squeeze %dma_wait3A_112 : memref<1x4096xf32, #tpu.memory_space<hbm>> -> memref<4096xf32, #tpu.memory_space<hbm>>
      %dma_wait3A_114 = arith.constant 0 : i32
      %dma_wait3A_115 = tpu.memref_slice %arg2[%add3A_8, %dma_wait3A_114] : memref<128x4096xf32, #tpu.memory_space<hbm>> -> memref<1x4096xf32, #tpu.memory_space<hbm>>
      %dma_wait3A_116 = tpu.memref_squeeze %dma_wait3A_115 : memref<1x4096xf32, #tpu.memory_space<hbm>> -> memref<4096xf32, #tpu.memory_space<hbm>>
      tpu.wait_dma2 semaphore(%run_scoped3A : memref<!tpu.dma_semaphore, #tpu.memory_space<semaphore_mem>>) src(%dma_wait3A_116 : memref<4096xf32, #tpu.memory_space<hbm>>) dst(%arg10 : memref<4096xf32, #tpu.memory_space<vmem>>)
      tpu.yield
    }) : () -> ()
    %add3A_9 = arith.constant 3 : i32
    %add3A_10 = arith.addi %mul3A_2, %add3A_9 : i32
    "tpu.region"() ({
      %run_scoped3A = tpu.sem_alloc : memref<!tpu.dma_semaphore, #tpu.memory_space<semaphore_mem>>
      %dma_start3A_106 = arith.constant 0 : i32
      %dma_start3A_107 = tpu.memref_slice %arg2[%add3A_10, %dma_start3A_106] : memref<128x4096xf32, #tpu.memory_space<hbm>> -> memref<1x4096xf32, #tpu.memory_space<hbm>>
      %dma_start3A_108 = tpu.memref_squeeze %dma_start3A_107 : memref<1x4096xf32, #tpu.memory_space<hbm>> -> memref<4096xf32, #tpu.memory_space<hbm>>
      %dma_start3A_109 = arith.constant 0 : i32
      %dma_start3A_110 = tpu.memref_slice %arg2[%add3A_10, %dma_start3A_109] : memref<128x4096xf32, #tpu.memory_space<hbm>> -> memref<1x4096xf32, #tpu.memory_space<hbm>>
      %dma_start3A_111 = tpu.memref_squeeze %dma_start3A_110 : memref<1x4096xf32, #tpu.memory_space<hbm>> -> memref<4096xf32, #tpu.memory_space<hbm>>
      tpu.enqueue_dma source(%dma_start3A_111 : memref<4096xf32, #tpu.memory_space<hbm>>) target(%arg11 : memref<4096xf32, #tpu.memory_space<vmem>>) target_semaphore(%run_scoped3A : memref<!tpu.dma_semaphore, #tpu.memory_space<semaphore_mem>>)
      %dma_wait3A = arith.constant 0 : i32
      %dma_wait3A_112 = tpu.memref_slice %arg2[%add3A_10, %dma_wait3A] : memref<128x4096xf32, #tpu.memory_space<hbm>> -> memref<1x4096xf32, #tpu.memory_space<hbm>>
      %dma_wait3A_113 = tpu.memref_squeeze %dma_wait3A_112 : memref<1x4096xf32, #tpu.memory_space<hbm>> -> memref<4096xf32, #tpu.memory_space<hbm>>
      %dma_wait3A_114 = arith.constant 0 : i32
      %dma_wait3A_115 = tpu.memref_slice %arg2[%add3A_10, %dma_wait3A_114] : memref<128x4096xf32, #tpu.memory_space<hbm>> -> memref<1x4096xf32, #tpu.memory_space<hbm>>
      %dma_wait3A_116 = tpu.memref_squeeze %dma_wait3A_115 : memref<1x4096xf32, #tpu.memory_space<hbm>> -> memref<4096xf32, #tpu.memory_space<hbm>>
      tpu.wait_dma2 semaphore(%run_scoped3A : memref<!tpu.dma_semaphore, #tpu.memory_space<semaphore_mem>>) src(%dma_wait3A_116 : memref<4096xf32, #tpu.memory_space<hbm>>) dst(%arg11 : memref<4096xf32, #tpu.memory_space<vmem>>)
      tpu.yield
    }) : () -> ()
    "tpu.region"() ({
      %run_scoped3A = tpu.sem_alloc : memref<!tpu.dma_semaphore, #tpu.memory_space<semaphore_mem>>
      tpu.enqueue_dma source(%arg3 : memref<128xf32, #tpu.memory_space<hbm>>) target(%arg16 : memref<128xf32, #tpu.memory_space<vmem>>) target_semaphore(%run_scoped3A : memref<!tpu.dma_semaphore, #tpu.memory_space<semaphore_mem>>)
      tpu.wait_dma2 semaphore(%run_scoped3A : memref<!tpu.dma_semaphore, #tpu.memory_space<semaphore_mem>>) src(%arg3 : memref<128xf32, #tpu.memory_space<hbm>>) dst(%arg16 : memref<128xf32, #tpu.memory_space<vmem>>)
      tpu.yield
    }) : () -> ()
    %broadcast_in_dim3A = arith.constant 0xFF800000 : f32
    %broadcast_in_dim3A_11 = vector.broadcast %broadcast_in_dim3A : f32 to vector<16xf32>
    %scan3A = arith.constant 0 : i32
    %scan3A_12 = arith.constant 0 : i32
    %scan3A_13 = arith.constant 256 : i32
    %scan3A_14 = arith.addi %scan3A_12, %scan3A_13 : i32
    %scan3A_15 = arith.constant 1 : i32
    %scan3A_16 = scf.for %scan3A_106 = %scan3A_12 to %scan3A_14 step %scan3A_15 iter_args(%scan3A_107 = %scan3A) -> (i32)  : i32 {
      %mul3A_108 = arith.constant 16 : i32
      %mul3A_109 = arith.muli %scan3A_106, %mul3A_108 : i32
      %swap3A = arith.index_cast %mul3A_109 : i32 to index
      %swap3A_110 = tpu.vector_load %arg12[%swap3A] {strides = array<i32>} : memref<4096xf32, #tpu.memory_space<vmem>>, vector<16xf32>,
      tpu.vector_store %arg12[%swap3A], %broadcast_in_dim3A_11 {strides = array<i32>} : memref<4096xf32, #tpu.memory_space<vmem>>, vector<16xf32>,
      %scan3A_111 = arith.constant 0 : i32
      scf.yield %scan3A_111 : i32
    }
    %scan3A_17 = arith.constant 256 : i32
    %scan3A_18 = arith.constant 0 : i32
    %scan3A_19 = arith.constant 0 : i32
    %scan3A_20 = arith.constant 256 : i32
    %scan3A_21 = arith.addi %scan3A_19, %scan3A_20 : i32
    %scan3A_22 = arith.constant 1 : i32
    %scan3A_23 = scf.for %scan3A_106 = %scan3A_19 to %scan3A_21 step %scan3A_22 iter_args(%scan3A_107 = %scan3A_18) -> (i32)  : i32 {
      %mul3A_108 = arith.constant 16 : i32
      %mul3A_109 = arith.muli %scan3A_106, %mul3A_108 : i32
      %swap3A = arith.index_cast %mul3A_109 : i32 to index
      %swap3A_110 = tpu.vector_load %arg13[%swap3A] {strides = array<i32>} : memref<4096xf32, #tpu.memory_space<vmem>>, vector<16xf32>,
      tpu.vector_store %arg13[%swap3A], %broadcast_in_dim3A_11 {strides = array<i32>} : memref<4096xf32, #tpu.memory_space<vmem>>, vector<16xf32>,
      %scan3A_111 = arith.constant 0 : i32
      scf.yield %scan3A_111 : i32
    }
    %scan3A_24 = arith.constant 256 : i32
    %scan3A_25 = arith.constant 0 : i32
    %scan3A_26 = arith.constant 0 : i32
    %scan3A_27 = arith.constant 256 : i32
    %scan3A_28 = arith.addi %scan3A_26, %scan3A_27 : i32
    %scan3A_29 = arith.constant 1 : i32
    %scan3A_30 = scf.for %scan3A_106 = %scan3A_26 to %scan3A_28 step %scan3A_29 iter_args(%scan3A_107 = %scan3A_25) -> (i32)  : i32 {
      %mul3A_108 = arith.constant 16 : i32
      %mul3A_109 = arith.muli %scan3A_106, %mul3A_108 : i32
      %swap3A = arith.index_cast %mul3A_109 : i32 to index
      %swap3A_110 = tpu.vector_load %arg14[%swap3A] {strides = array<i32>} : memref<4096xf32, #tpu.memory_space<vmem>>, vector<16xf32>,
      tpu.vector_store %arg14[%swap3A], %broadcast_in_dim3A_11 {strides = array<i32>} : memref<4096xf32, #tpu.memory_space<vmem>>, vector<16xf32>,
      %scan3A_111 = arith.constant 0 : i32
      scf.yield %scan3A_111 : i32
    }
    %scan3A_31 = arith.constant 256 : i32
    %scan3A_32 = arith.constant 0 : i32
    %scan3A_33 = arith.constant 0 : i32
    %scan3A_34 = arith.constant 256 : i32
    %scan3A_35 = arith.addi %scan3A_33, %scan3A_34 : i32
    %scan3A_36 = arith.constant 1 : i32
    %scan3A_37 = scf.for %scan3A_106 = %scan3A_33 to %scan3A_35 step %scan3A_36 iter_args(%scan3A_107 = %scan3A_32) -> (i32)  : i32 {
      %mul3A_108 = arith.constant 16 : i32
      %mul3A_109 = arith.muli %scan3A_106, %mul3A_108 : i32
      %swap3A = arith.index_cast %mul3A_109 : i32 to index
      %swap3A_110 = tpu.vector_load %arg15[%swap3A] {strides = array<i32>} : memref<4096xf32, #tpu.memory_space<vmem>>, vector<16xf32>,
      tpu.vector_store %arg15[%swap3A], %broadcast_in_dim3A_11 {strides = array<i32>} : memref<4096xf32, #tpu.memory_space<vmem>>, vector<16xf32>,
      %scan3A_111 = arith.constant 0 : i32
      scf.yield %scan3A_111 : i32
    }
    %scan3A_38 = arith.constant 256 : i32
    %add3A_39 = arith.constant 0 : i32
    %add3A_40 = arith.addi %mul3A_2, %add3A_39 : i32
    %broadcast_in_dim3A_41 = vector.broadcast %add3A_40 : i32 to vector<16xi32>
    %gather3A = tpu.vector_load_idx %arg16[%broadcast_in_dim3A_41] : memref<128xf32, #tpu.memory_space<vmem>>[vector<16xi32>], vector<16xf32>,
    %add3A_42 = arith.constant 1 : i32
    %add3A_43 = arith.addi %mul3A_2, %add3A_42 : i32
    %broadcast_in_dim3A_44 = vector.broadcast %add3A_43 : i32 to vector<16xi32>
    %gather3A_45 = tpu.vector_load_idx %arg16[%broadcast_in_dim3A_44] : memref<128xf32, #tpu.memory_space<vmem>>[vector<16xi32>], vector<16xf32>,
    %add3A_46 = arith.constant 2 : i32
    %add3A_47 = arith.addi %mul3A_2, %add3A_46 : i32
    %broadcast_in_dim3A_48 = vector.broadcast %add3A_47 : i32 to vector<16xi32>
    %gather3A_49 = tpu.vector_load_idx %arg16[%broadcast_in_dim3A_48] : memref<128xf32, #tpu.memory_space<vmem>>[vector<16xi32>], vector<16xf32>,
    %add3A_50 = arith.constant 3 : i32
    %add3A_51 = arith.addi %mul3A_2, %add3A_50 : i32
    %broadcast_in_dim3A_52 = vector.broadcast %add3A_51 : i32 to vector<16xi32>
    %gather3A_53 = tpu.vector_load_idx %arg16[%broadcast_in_dim3A_52] : memref<128xf32, #tpu.memory_space<vmem>>[vector<16xi32>], vector<16xf32>,
    %iota3A = tpu.iota {dimensions = array<i32: 0>} : vector<16xi32>
    %add3A_54 = arith.constant 16 : i32
    %add3A_55 = vector.broadcast %add3A_54 : i32 to vector<16xi32>
    %add3A_56 = arith.addi %iota3A, %add3A_55 : vector<16xi32>
    %eq3A = arith.constant 0 : i32
    %eq3A_57 = vector.broadcast %eq3A : i32 to vector<16xi32>
    %eq3A_58 = arith.cmpi eq, %iota3A, %eq3A_57 : vector<16xi32>
    %dma_start3A = arith.constant 0 : i32
    %dma_start3A_59 = arith.constant 0 : i32
    %dma_start3A_60 = tpu.memref_slice %arg19[%dma_start3A, %dma_start3A_59] : memref<2x2048xi32, #tpu.memory_space<vmem>> -> memref<1x2048xi32, #tpu.memory_space<vmem>>
    %dma_start3A_61 = tpu.memref_squeeze %dma_start3A_60 : memref<1x2048xi32, #tpu.memory_space<vmem>> -> memref<2048xi32, #tpu.memory_space<vmem>>
    %dma_start3A_62 = arith.constant 0 : i32
    %dma_start3A_63 = tpu.memref_slice %arg4[%dma_start3A_62] : memref<262144xi32, #tpu.memory_space<hbm>> -> memref<2048xi32, #tpu.memory_space<hbm>>
    %dma_start3A_64 = arith.constant 0 : i32
    %dma_start3A_65 = tpu.memref_slice %arg19[%dma_start3A, %dma_start3A_64] : memref<2x2048xi32, #tpu.memory_space<vmem>> -> memref<1x2048xi32, #tpu.memory_space<vmem>>
    %dma_start3A_66 = tpu.memref_squeeze %dma_start3A_65 : memref<1x2048xi32, #tpu.memory_space<vmem>> -> memref<2048xi32, #tpu.memory_space<vmem>>
    %dma_start3A_67 = arith.constant 0 : i32
    %dma_start3A_68 = tpu.memref_slice %arg4[%dma_start3A_67] : memref<262144xi32, #tpu.memory_space<hbm>> -> memref<2048xi32, #tpu.memory_space<hbm>>
    tpu.enqueue_dma source(%dma_start3A_68 : memref<2048xi32, #tpu.memory_space<hbm>>) target(%dma_start3A_66 : memref<2048xi32, #tpu.memory_space<vmem>>) target_semaphore(%arg22 : memref<!tpu.dma_semaphore, #tpu.memory_space<semaphore_mem>>)
    %dma_start3A_69 = arith.constant 0 : i32
    %dma_start3A_70 = arith.constant 0 : i32
    %dma_start3A_71 = tpu.memref_slice %arg20[%dma_start3A_69, %dma_start3A_70] : memref<2x2048xi32, #tpu.memory_space<vmem>> -> memref<1x2048xi32, #tpu.memory_space<vmem>>
    %dma_start3A_72 = tpu.memref_squeeze %dma_start3A_71 : memref<1x2048xi32, #tpu.memory_space<vmem>> -> memref<2048xi32, #tpu.memory_space<vmem>>
    %dma_start3A_73 = arith.constant 0 : i32
    %dma_start3A_74 = tpu.memref_slice %arg5[%dma_start3A_73] : memref<262144xi32, #tpu.memory_space<hbm>> -> memref<2048xi32, #tpu.memory_space<hbm>>
    %dma_start3A_75 = arith.constant 0 : i32
    %dma_start3A_76 = tpu.memref_slice %arg20[%dma_start3A_69, %dma_start3A_75] : memref<2x2048xi32, #tpu.memory_space<vmem>> -> memref<1x2048xi32, #tpu.memory_space<vmem>>
    %dma_start3A_77 = tpu.memref_squeeze %dma_start3A_76 : memref<1x2048xi32, #tpu.memory_space<vmem>> -> memref<2048xi32, #tpu.memory_space<vmem>>
    %dma_start3A_78 = arith.constant 0 : i32
    %dma_start3A_79 = tpu.memref_slice %arg5[%dma_start3A_78] : memref<262144xi32, #tpu.memory_space<hbm>> -> memref<2048xi32, #tpu.memory_space<hbm>>
    tpu.enqueue_dma source(%dma_start3A_79 : memref<2048xi32, #tpu.memory_space<hbm>>) target(%dma_start3A_77 : memref<2048xi32, #tpu.memory_space<vmem>>) target_semaphore(%arg22 : memref<!tpu.dma_semaphore, #tpu.memory_space<semaphore_mem>>)
    %dma_start3A_80 = arith.constant 0 : i32
    %dma_start3A_81 = arith.constant 0 : i32
    %dma_start3A_82 = tpu.memref_slice %arg21[%dma_start3A_80, %dma_start3A_81] : memref<2x2048xf32, #tpu.memory_space<vmem>> -> memref<1x2048xf32, #tpu.memory_space<vmem>>
    %dma_start3A_83 = tpu.memref_squeeze %dma_start3A_82 : memref<1x2048xf32, #tpu.memory_space<vmem>> -> memref<2048xf32, #tpu.memory_space<vmem>>
    %dma_start3A_84 = arith.constant 0 : i32
    %dma_start3A_85 = tpu.memref_slice %arg6[%dma_start3A_84] : memref<262144xf32, #tpu.memory_space<hbm>> -> memref<2048xf32, #tpu.memory_space<hbm>>
    %dma_start3A_86 = arith.constant 0 : i32
    %dma_start3A_87 = tpu.memref_slice %arg21[%dma_start3A_80, %dma_start3A_86] : memref<2x2048xf32, #tpu.memory_space<vmem>> -> memref<1x2048xf32, #tpu.memory_space<vmem>>
    %dma_start3A_88 = tpu.memref_squeeze %dma_start3A_87 : memref<1x2048xf32, #tpu.memory_space<vmem>> -> memref<2048xf32, #tpu.memory_space<vmem>>
    %dma_start3A_89 = arith.constant 0 : i32
    %dma_start3A_90 = tpu.memref_slice %arg6[%dma_start3A_89] : memref<262144xf32, #tpu.memory_space<hbm>> -> memref<2048xf32, #tpu.memory_space<hbm>>
    tpu.enqueue_dma source(%dma_start3A_90 : memref<2048xf32, #tpu.memory_space<hbm>>) target(%dma_start3A_88 : memref<2048xf32, #tpu.memory_space<vmem>>) target_semaphore(%arg22 : memref<!tpu.dma_semaphore, #tpu.memory_space<semaphore_mem>>)
    %scan3A_91 = arith.constant 0 : i32
    %scan3A_92 = arith.constant 0 : i32
    %scan3A_93 = arith.constant 64 : i32
    %scan3A_94 = arith.addi %scan3A_92, %scan3A_93 : i32
    %scan3A_95 = arith.constant 1 : i32
    %scan3A_96 = scf.for %scan3A_106 = %scan3A_92 to %scan3A_94 step %scan3A_95 iter_args(%scan3A_107 = %scan3A_91) -> (i32)  : i32 {
      %mul3A_108 = arith.constant 2 : i32
      %mul3A_109 = arith.muli %mul3A_108, %scan3A_106 : i32
      %add3A_110 = arith.constant 1 : i32
      %add3A_111 = arith.addi %mul3A_109, %add3A_110 : i32
      %mul3A_112 = arith.constant 2048 : i32
      %mul3A_113 = arith.muli %add3A_111, %mul3A_112 : i32
      %dma_start3A_114 = arith.constant 1 : i32
      %dma_start3A_115 = arith.constant 0 : i32
      %dma_start3A_116 = tpu.memref_slice %arg19[%dma_start3A_114, %dma_start3A_115] : memref<2x2048xi32, #tpu.memory_space<vmem>> -> memref<1x2048xi32, #tpu.memory_space<vmem>>
      %dma_start3A_117 = tpu.memref_squeeze %dma_start3A_116 : memref<1x2048xi32, #tpu.memory_space<vmem>> -> memref<2048xi32, #tpu.memory_space<vmem>>
      %dma_start3A_118 = tpu.memref_slice %arg4[%mul3A_113] : memref<262144xi32, #tpu.memory_space<hbm>> -> memref<2048xi32, #tpu.memory_space<hbm>>
      %dma_start3A_119 = arith.constant 0 : i32
      %dma_start3A_120 = tpu.memref_slice %arg19[%dma_start3A_114, %dma_start3A_119] : memref<2x2048xi32, #tpu.memory_space<vmem>> -> memref<1x2048xi32, #tpu.memory_space<vmem>>
      %dma_start3A_121 = tpu.memref_squeeze %dma_start3A_120 : memref<1x2048xi32, #tpu.memory_space<vmem>> -> memref<2048xi32, #tpu.memory_space<vmem>>
      %dma_start3A_122 = tpu.memref_slice %arg4[%mul3A_113] : memref<262144xi32, #tpu.memory_space<hbm>> -> memref<2048xi32, #tpu.memory_space<hbm>>
      tpu.enqueue_dma source(%dma_start3A_122 : memref<2048xi32, #tpu.memory_space<hbm>>) target(%dma_start3A_121 : memref<2048xi32, #tpu.memory_space<vmem>>) target_semaphore(%arg23 : memref<!tpu.dma_semaphore, #tpu.memory_space<semaphore_mem>>)
      %dma_start3A_123 = arith.constant 1 : i32
      %dma_start3A_124 = arith.constant 0 : i32
      %dma_start3A_125 = tpu.memref_slice %arg20[%dma_start3A_123, %dma_start3A_124] : memref<2x2048xi32, #tpu.memory_space<vmem>> -> memref<1x2048xi32, #tpu.memory_space<vmem>>
      %dma_start3A_126 = tpu.memref_squeeze %dma_start3A_125 : memref<1x2048xi32, #tpu.memory_space<vmem>> -> memref<2048xi32, #tpu.memory_space<vmem>>
      %dma_start3A_127 = tpu.memref_slice %arg5[%mul3A_113] : memref<262144xi32, #tpu.memory_space<hbm>> -> memref<2048xi32, #tpu.memory_space<hbm>>
      %dma_start3A_128 = arith.constant 0 : i32
      %dma_start3A_129 = tpu.memref_slice %arg20[%dma_start3A_123, %dma_start3A_128] : memref<2x2048xi32, #tpu.memory_space<vmem>> -> memref<1x2048xi32, #tpu.memory_space<vmem>>
      %dma_start3A_130 = tpu.memref_squeeze %dma_start3A_129 : memref<1x2048xi32, #tpu.memory_space<vmem>> -> memref<2048xi32, #tpu.memory_space<vmem>>
      %dma_start3A_131 = tpu.memref_slice %arg5[%mul3A_113] : memref<262144xi32, #tpu.memory_space<hbm>> -> memref<2048xi32, #tpu.memory_space<hbm>>
      tpu.enqueue_dma source(%dma_start3A_131 : memref<2048xi32, #tpu.memory_space<hbm>>) target(%dma_start3A_130 : memref<2048xi32, #tpu.memory_space<vmem>>) target_semaphore(%arg23 : memref<!tpu.dma_semaphore, #tpu.memory_space<semaphore_mem>>)
      %dma_start3A_132 = arith.constant 1 : i32
      %dma_start3A_133 = arith.constant 0 : i32
      %dma_start3A_134 = tpu.memref_slice %arg21[%dma_start3A_132, %dma_start3A_133] : memref<2x2048xf32, #tpu.memory_space<vmem>> -> memref<1x2048xf32, #tpu.memory_space<vmem>>
      %dma_start3A_135 = tpu.memref_squeeze %dma_start3A_134 : memref<1x2048xf32, #tpu.memory_space<vmem>> -> memref<2048xf32, #tpu.memory_space<vmem>>
      %dma_start3A_136 = tpu.memref_slice %arg6[%mul3A_113] : memref<262144xf32, #tpu.memory_space<hbm>> -> memref<2048xf32, #tpu.memory_space<hbm>>
      %dma_start3A_137 = arith.constant 0 : i32
      %dma_start3A_138 = tpu.memref_slice %arg21[%dma_start3A_132, %dma_start3A_137] : memref<2x2048xf32, #tpu.memory_space<vmem>> -> memref<1x2048xf32, #tpu.memory_space<vmem>>
      %dma_start3A_139 = tpu.memref_squeeze %dma_start3A_138 : memref<1x2048xf32, #tpu.memory_space<vmem>> -> memref<2048xf32, #tpu.memory_space<vmem>>
      %dma_start3A_140 = tpu.memref_slice %arg6[%mul3A_113] : memref<262144xf32, #tpu.memory_space<hbm>> -> memref<2048xf32, #tpu.memory_space<hbm>>
      tpu.enqueue_dma source(%dma_start3A_140 : memref<2048xf32, #tpu.memory_space<hbm>>) target(%dma_start3A_139 : memref<2048xf32, #tpu.memory_space<vmem>>) target_semaphore(%arg23 : memref<!tpu.dma_semaphore, #tpu.memory_space<semaphore_mem>>)
      %dma_wait3A = arith.constant 0 : i32
      %dma_wait3A_141 = arith.constant 0 : i32
      %dma_wait3A_142 = tpu.memref_slice %arg19[%dma_wait3A, %dma_wait3A_141] : memref<2x2048xi32, #tpu.memory_space<vmem>> -> memref<1x2048xi32, #tpu.memory_space<vmem>>
      %dma_wait3A_143 = tpu.memref_squeeze %dma_wait3A_142 : memref<1x2048xi32, #tpu.memory_space<vmem>> -> memref<2048xi32, #tpu.memory_space<vmem>>
      %dma_wait3A_144 = arith.constant 0 : i32
      %dma_wait3A_145 = tpu.memref_slice %arg4[%dma_wait3A_144] : memref<262144xi32, #tpu.memory_space<hbm>> -> memref<2048xi32, #tpu.memory_space<hbm>>
      %dma_wait3A_146 = arith.constant 0 : i32
      %dma_wait3A_147 = tpu.memref_slice %arg19[%dma_wait3A, %dma_wait3A_146] : memref<2x2048xi32, #tpu.memory_space<vmem>> -> memref<1x2048xi32, #tpu.memory_space<vmem>>
      %dma_wait3A_148 = tpu.memref_squeeze %dma_wait3A_147 : memref<1x2048xi32, #tpu.memory_space<vmem>> -> memref<2048xi32, #tpu.memory_space<vmem>>
      %dma_wait3A_149 = arith.constant 0 : i32
      %dma_wait3A_150 = tpu.memref_slice %arg4[%dma_wait3A_149] : memref<262144xi32, #tpu.memory_space<hbm>> -> memref<2048xi32, #tpu.memory_space<hbm>>
      tpu.wait_dma2 semaphore(%arg22 : memref<!tpu.dma_semaphore, #tpu.memory_space<semaphore_mem>>) src(%dma_wait3A_150 : memref<2048xi32, #tpu.memory_space<hbm>>) dst(%dma_wait3A_148 : memref<2048xi32, #tpu.memory_space<vmem>>)
      %dma_wait3A_151 = arith.constant 0 : i32
      %dma_wait3A_152 = arith.constant 0 : i32
      %dma_wait3A_153 = tpu.memref_slice %arg20[%dma_wait3A_151, %dma_wait3A_152] : memref<2x2048xi32, #tpu.memory_space<vmem>> -> memref<1x2048xi32, #tpu.memory_space<vmem>>
      %dma_wait3A_154 = tpu.memref_squeeze %dma_wait3A_153 : memref<1x2048xi32, #tpu.memory_space<vmem>> -> memref<2048xi32, #tpu.memory_space<vmem>>
      %dma_wait3A_155 = arith.constant 0 : i32
      %dma_wait3A_156 = tpu.memref_slice %arg5[%dma_wait3A_155] : memref<262144xi32, #tpu.memory_space<hbm>> -> memref<2048xi32, #tpu.memory_space<hbm>>
      %dma_wait3A_157 = arith.constant 0 : i32
      %dma_wait3A_158 = tpu.memref_slice %arg20[%dma_wait3A_151, %dma_wait3A_157] : memref<2x2048xi32, #tpu.memory_space<vmem>> -> memref<1x2048xi32, #tpu.memory_space<vmem>>
      %dma_wait3A_159 = tpu.memref_squeeze %dma_wait3A_158 : memref<1x2048xi32, #tpu.memory_space<vmem>> -> memref<2048xi32, #tpu.memory_space<vmem>>
      %dma_wait3A_160 = arith.constant 0 : i32
      %dma_wait3A_161 = tpu.memref_slice %arg5[%dma_wait3A_160] : memref<262144xi32, #tpu.memory_space<hbm>> -> memref<2048xi32, #tpu.memory_space<hbm>>
      tpu.wait_dma2 semaphore(%arg22 : memref<!tpu.dma_semaphore, #tpu.memory_space<semaphore_mem>>) src(%dma_wait3A_161 : memref<2048xi32, #tpu.memory_space<hbm>>) dst(%dma_wait3A_159 : memref<2048xi32, #tpu.memory_space<vmem>>)
      %dma_wait3A_162 = arith.constant 0 : i32
      %dma_wait3A_163 = arith.constant 0 : i32
      %dma_wait3A_164 = tpu.memref_slice %arg21[%dma_wait3A_162, %dma_wait3A_163] : memref<2x2048xf32, #tpu.memory_space<vmem>> -> memref<1x2048xf32, #tpu.memory_space<vmem>>
      %dma_wait3A_165 = tpu.memref_squeeze %dma_wait3A_164 : memref<1x2048xf32, #tpu.memory_space<vmem>> -> memref<2048xf32, #tpu.memory_space<vmem>>
      %dma_wait3A_166 = arith.constant 0 : i32
      %dma_wait3A_167 = tpu.memref_slice %arg6[%dma_wait3A_166] : memref<262144xf32, #tpu.memory_space<hbm>> -> memref<2048xf32, #tpu.memory_space<hbm>>
      %dma_wait3A_168 = arith.constant 0 : i32
      %dma_wait3A_169 = tpu.memref_slice %arg21[%dma_wait3A_162, %dma_wait3A_168] : memref<2x2048xf32, #tpu.memory_space<vmem>> -> memref<1x2048xf32, #tpu.memory_space<vmem>>
      %dma_wait3A_170 = tpu.memref_squeeze %dma_wait3A_169 : memref<1x2048xf32, #tpu.memory_space<vmem>> -> memref<2048xf32, #tpu.memory_space<vmem>>
      %dma_wait3A_171 = arith.constant 0 : i32
      %dma_wait3A_172 = tpu.memref_slice %arg6[%dma_wait3A_171] : memref<262144xf32, #tpu.memory_space<hbm>> -> memref<2048xf32, #tpu.memory_space<hbm>>
      tpu.wait_dma2 semaphore(%arg22 : memref<!tpu.dma_semaphore, #tpu.memory_space<semaphore_mem>>) src(%dma_wait3A_172 : memref<2048xf32, #tpu.memory_space<hbm>>) dst(%dma_wait3A_170 : memref<2048xf32, #tpu.memory_space<vmem>>)
      %broadcast_in_dim3A_173 = arith.constant 0 : i32
      %broadcast_in_dim3A_174 = vector.broadcast %broadcast_in_dim3A_173 : i32 to vector<16xi32>
      %scan3A_175 = arith.constant 0 : i32
      %scan3A_176 = arith.constant 64 : i32
      %scan3A_177 = arith.addi %scan3A_175, %scan3A_176 : i32
      %scan3A_178 = arith.constant 1 : i32
      %scan3A_179 = scf.for %scan3A_267 = %scan3A_175 to %scan3A_177 step %scan3A_178 iter_args(%scan3A_268 = %broadcast_in_dim3A_174) -> (vector<16xi32>)  : i32 {
        %mul3A_269 = arith.constant 32 : i32
        %mul3A_270 = arith.muli %scan3A_267, %mul3A_269 : i32
        %mul3A_271 = arith.constant 32 : i32
        %mul3A_272 = arith.muli %scan3A_267, %mul3A_271 : i32
        %add3A_273 = arith.constant 16 : i32
        %add3A_274 = arith.addi %mul3A_272, %add3A_273 : i32
        %get3A = arith.constant 0 : i32
        %get3A_275 = arith.index_cast %get3A : i32 to index
        %get3A_276 = arith.index_cast %mul3A_270 : i32 to index
        %get3A_277 = tpu.vector_load %arg19[%get3A_275, %get3A_276] {strides = array<i32>} : memref<2x2048xi32, #tpu.memory_space<vmem>>, vector<16xi32>,
        %get3A_278 = arith.constant 0 : i32
        %get3A_279 = arith.index_cast %get3A_278 : i32 to index
        %get3A_280 = arith.index_cast %mul3A_270 : i32 to index
        %get3A_281 = tpu.vector_load %arg20[%get3A_279, %get3A_280] {strides = array<i32>} : memref<2x2048xi32, #tpu.memory_space<vmem>>, vector<16xi32>,
        %get3A_282 = arith.constant 0 : i32
        %get3A_283 = arith.index_cast %get3A_282 : i32 to index
        %get3A_284 = arith.index_cast %mul3A_270 : i32 to index
        %get3A_285 = tpu.vector_load %arg21[%get3A_283, %get3A_284] {strides = array<i32>} : memref<2x2048xf32, #tpu.memory_space<vmem>>, vector<16xf32>,
        %get3A_286 = arith.constant 0 : i32
        %get3A_287 = arith.index_cast %get3A_286 : i32 to index
        %get3A_288 = arith.index_cast %add3A_274 : i32 to index
        %get3A_289 = tpu.vector_load %arg19[%get3A_287, %get3A_288] {strides = array<i32>} : memref<2x2048xi32, #tpu.memory_space<vmem>>, vector<16xi32>,
        %get3A_290 = arith.constant 0 : i32
        %get3A_291 = arith.index_cast %get3A_290 : i32 to index
        %get3A_292 = arith.index_cast %add3A_274 : i32 to index
        %get3A_293 = tpu.vector_load %arg20[%get3A_291, %get3A_292] {strides = array<i32>} : memref<2x2048xi32, #tpu.memory_space<vmem>>, vector<16xi32>,
        %get3A_294 = arith.constant 0 : i32
        %get3A_295 = arith.index_cast %get3A_294 : i32 to index
        %get3A_296 = arith.index_cast %add3A_274 : i32 to index
        %get3A_297 = tpu.vector_load %arg21[%get3A_295, %get3A_296] {strides = array<i32>} : memref<2x2048xf32, #tpu.memory_space<vmem>>, vector<16xf32>,
        tpu.vector_store_idx %arg17[%get3A_281], %iota3A : memref<4096xi32, #tpu.memory_space<vmem>>[vector<16xi32>], vector<16xi32>,
        tpu.vector_store_idx %arg17[%get3A_293], %add3A_56 : memref<4096xi32, #tpu.memory_space<vmem>>[vector<16xi32>], vector<16xi32>,
        %gather3A_298 = tpu.vector_load_idx %arg17[%get3A_281] : memref<4096xi32, #tpu.memory_space<vmem>>[vector<16xi32>], vector<16xi32>,
        %gather3A_299 = tpu.vector_load_idx %arg17[%get3A_293] : memref<4096xi32, #tpu.memory_space<vmem>>[vector<16xi32>], vector<16xi32>,
        %ne3A = arith.cmpi ne, %gather3A_298, %iota3A : vector<16xi32>
        %ne3A_300 = arith.cmpi ne, %gather3A_299, %add3A_56 : vector<16xi32>
        %or3A = arith.ori %ne3A, %ne3A_300 : vector<16xi1>
        %gather3A_301 = tpu.vector_load_idx %arg8[%get3A_277] : memref<4096xf32, #tpu.memory_space<vmem>>[vector<16xi32>], vector<16xf32>,
        %mul3A_302 = arith.mulf %get3A_285, %gather3A : vector<16xf32>
        %add3A_303 = arith.addf %gather3A_301, %mul3A_302 : vector<16xf32>
        %gather3A_304 = tpu.vector_load_idx %arg12[%get3A_281] : memref<4096xf32, #tpu.memory_space<vmem>>[vector<16xi32>], vector<16xf32>,
        %max3A = arith.maximumf %gather3A_304, %add3A_303 : vector<16xf32>
        tpu.vector_store_idx %arg12[%get3A_281], %max3A : memref<4096xf32, #tpu.memory_space<vmem>>[vector<16xi32>], vector<16xf32>,
        %gather3A_305 = tpu.vector_load_idx %arg8[%get3A_289] : memref<4096xf32, #tpu.memory_space<vmem>>[vector<16xi32>], vector<16xf32>,
        %mul3A_306 = arith.mulf %get3A_297, %gather3A : vector<16xf32>
        %add3A_307 = arith.addf %gather3A_305, %mul3A_306 : vector<16xf32>
        %gather3A_308 = tpu.vector_load_idx %arg12[%get3A_293] : memref<4096xf32, #tpu.memory_space<vmem>>[vector<16xi32>], vector<16xf32>,
        %max3A_309 = arith.maximumf %gather3A_308, %add3A_307 : vector<16xf32>
        tpu.vector_store_idx %arg12[%get3A_293], %max3A_309 : memref<4096xf32, #tpu.memory_space<vmem>>[vector<16xi32>], vector<16xf32>,
        %gather3A_310 = tpu.vector_load_idx %arg9[%get3A_277] : memref<4096xf32, #tpu.memory_space<vmem>>[vector<16xi32>], vector<16xf32>,
        %mul3A_311 = arith.mulf %get3A_285, %gather3A_45 : vector<16xf32>
        %add3A_312 = arith.addf %gather3A_310, %mul3A_311 : vector<16xf32>
        %gather3A_313 = tpu.vector_load_idx %arg13[%get3A_281] : memref<4096xf32, #tpu.memory_space<vmem>>[vector<16xi32>], vector<16xf32>,
        %max3A_314 = arith.maximumf %gather3A_313, %add3A_312 : vector<16xf32>
        tpu.vector_store_idx %arg13[%get3A_281], %max3A_314 : memref<4096xf32, #tpu.memory_space<vmem>>[vector<16xi32>], vector<16xf32>,
        %gather3A_315 = tpu.vector_load_idx %arg9[%get3A_289] : memref<4096xf32, #tpu.memory_space<vmem>>[vector<16xi32>], vector<16xf32>,
        %mul3A_316 = arith.mulf %get3A_297, %gather3A_45 : vector<16xf32>
        %add3A_317 = arith.addf %gather3A_315, %mul3A_316 : vector<16xf32>
        %gather3A_318 = tpu.vector_load_idx %arg13[%get3A_293] : memref<4096xf32, #tpu.memory_space<vmem>>[vector<16xi32>], vector<16xf32>,
        %max3A_319 = arith.maximumf %gather3A_318, %add3A_317 : vector<16xf32>
        tpu.vector_store_idx %arg13[%get3A_293], %max3A_319 : memref<4096xf32, #tpu.memory_space<vmem>>[vector<16xi32>], vector<16xf32>,
        %gather3A_320 = tpu.vector_load_idx %arg10[%get3A_277] : memref<4096xf32, #tpu.memory_space<vmem>>[vector<16xi32>], vector<16xf32>,
        %mul3A_321 = arith.mulf %get3A_285, %gather3A_49 : vector<16xf32>
        %add3A_322 = arith.addf %gather3A_320, %mul3A_321 : vector<16xf32>
        %gather3A_323 = tpu.vector_load_idx %arg14[%get3A_281] : memref<4096xf32, #tpu.memory_space<vmem>>[vector<16xi32>], vector<16xf32>,
        %max3A_324 = arith.maximumf %gather3A_323, %add3A_322 : vector<16xf32>
        tpu.vector_store_idx %arg14[%get3A_281], %max3A_324 : memref<4096xf32, #tpu.memory_space<vmem>>[vector<16xi32>], vector<16xf32>,
        %gather3A_325 = tpu.vector_load_idx %arg10[%get3A_289] : memref<4096xf32, #tpu.memory_space<vmem>>[vector<16xi32>], vector<16xf32>,
        %mul3A_326 = arith.mulf %get3A_297, %gather3A_49 : vector<16xf32>
        %add3A_327 = arith.addf %gather3A_325, %mul3A_326 : vector<16xf32>
        %gather3A_328 = tpu.vector_load_idx %arg14[%get3A_293] : memref<4096xf32, #tpu.memory_space<vmem>>[vector<16xi32>], vector<16xf32>,
        %max3A_329 = arith.maximumf %gather3A_328, %add3A_327 : vector<16xf32>
        tpu.vector_store_idx %arg14[%get3A_293], %max3A_329 : memref<4096xf32, #tpu.memory_space<vmem>>[vector<16xi32>], vector<16xf32>,
        %gather3A_330 = tpu.vector_load_idx %arg11[%get3A_277] : memref<4096xf32, #tpu.memory_space<vmem>>[vector<16xi32>], vector<16xf32>,
        %mul3A_331 = arith.mulf %get3A_285, %gather3A_53 : vector<16xf32>
        %add3A_332 = arith.addf %gather3A_330, %mul3A_331 : vector<16xf32>
        %gather3A_333 = tpu.vector_load_idx %arg15[%get3A_281] : memref<4096xf32, #tpu.memory_space<vmem>>[vector<16xi32>], vector<16xf32>,
        %max3A_334 = arith.maximumf %gather3A_333, %add3A_332 : vector<16xf32>
        tpu.vector_store_idx %arg15[%get3A_281], %max3A_334 : memref<4096xf32, #tpu.memory_space<vmem>>[vector<16xi32>], vector<16xf32>,
        %gather3A_335 = tpu.vector_load_idx %arg11[%get3A_289] : memref<4096xf32, #tpu.memory_space<vmem>>[vector<16xi32>], vector<16xf32>,
        %mul3A_336 = arith.mulf %get3A_297, %gather3A_53 : vector<16xf32>
        %add3A_337 = arith.addf %gather3A_335, %mul3A_336 : vector<16xf32>
        %gather3A_338 = tpu.vector_load_idx %arg15[%get3A_293] : memref<4096xf32, #tpu.memory_space<vmem>>[vector<16xi32>], vector<16xf32>,
        %max3A_339 = arith.maximumf %gather3A_338, %add3A_337 : vector<16xf32>
        tpu.vector_store_idx %arg15[%get3A_293], %max3A_339 : memref<4096xf32, #tpu.memory_space<vmem>>[vector<16xi32>], vector<16xf32>,
        %all_reduce_population_count3A = tpu.all_reduce %or3A {dim = 0 : i64, kind = #tpu.reduction_kind<sum>} : vector<16xi1> -> vector<16xi32>
        %gt3A = arith.constant 0 : i32
        %gt3A_340 = vector.broadcast %gt3A : i32 to vector<16xi32>
        %gt3A_341 = arith.cmpi sgt, %all_reduce_population_count3A, %gt3A_340 : vector<16xi32>
        %broadcast_in_dim3A_342 = vector.broadcast %scan3A_267 : i32 to vector<16xi32>
        %and3A = arith.andi %gt3A_341, %eq3A_58 : vector<16xi1>
        tpu.vector_store_idx %arg18[%scan3A_268], %broadcast_in_dim3A_342 masked %and3A : memref<128xi32, #tpu.memory_space<vmem>>[vector<16xi32>], vector<16xi32>, vector<16xi1>
        %jit3A = arith.constant 1 : i32
        %jit3A_343 = arith.constant 0 : i32
        %broadcast_in_dim3A_344 = vector.broadcast %jit3A : i32 to vector<16xi32>
        %broadcast_in_dim3A_345 = vector.broadcast %jit3A_343 : i32 to vector<16xi32>
        %select_n3A = arith.select %gt3A_341, %broadcast_in_dim3A_344, %broadcast_in_dim3A_345 : vector<16xi1>, vector<16xi32>
        %add3A_346 = arith.addi %scan3A_268, %select_n3A : vector<16xi32>
        scf.yield %add3A_346 : vector<16xi32>
      }
      %scan3A_180 = arith.constant 64 : i32
      %reduce_max3A = arith.constant true
      %reduce_max3A_181 = vector.broadcast %reduce_max3A : i1 to vector<16xi1>
      %reduce_max3A_182 = arith.constant -2147483648 : i32
      %reduce_max3A_183 = vector.broadcast %reduce_max3A_182 : i32 to vector<16xi32>
      %reduce_max3A_184 = arith.xori %scan3A_179, %reduce_max3A_183 : vector<16xi32>
      %reduce_max3A_185 = tpu.scan <max>, %reduce_max3A_184 masked %reduce_max3A_181 : vector<16xi32>, vector<16xi1> -> vector<16xi32>
      %reduce_max3A_186 = arith.xori %reduce_max3A_185, %reduce_max3A_183 : vector<16xi32>
      %reduce_max3A_187 = vector.extract %reduce_max3A_186[15] : i32 from vector<16xi32>
      %while3A = arith.constant 0 : i32
      %while3A_188 = arith.constant 0 : i32
      %while3A_189 = arith.subi %reduce_max3A_187, %while3A : i32
      %while3A_190 = arith.addi %while3A, %while3A_189 : i32
      %while3A_191 = arith.constant 1 : i32
      %while3A_192 = arith.divsi %while3A_189, %while3A_191 : i32
      %while3A_193 = arith.muli %while3A_192, %while3A_191 : i32
      %while3A_194 = arith.addi %while3A, %while3A_193 : i32
      %while3A_195 = arith.constant 1 : i32
      %while3A_196 = scf.for %while3A_267 = %while3A to %while3A_194 step %while3A_195 iter_args(%while3A_268 = %while3A_188) -> (i32)  : i32 {
        %broadcast_in_dim3A_269 = vector.broadcast %while3A_267 : i32 to vector<16xi32>
        %gather3A_270 = tpu.vector_load_idx %arg18[%broadcast_in_dim3A_269] : memref<128xi32, #tpu.memory_space<vmem>>[vector<16xi32>], vector<16xi32>,
        %reduce_max3A_271 = arith.constant true
        %reduce_max3A_272 = vector.broadcast %reduce_max3A_271 : i1 to vector<16xi1>
        %reduce_max3A_273 = arith.constant -2147483648 : i32
        %reduce_max3A_274 = vector.broadcast %reduce_max3A_273 : i32 to vector<16xi32>
        %reduce_max3A_275 = arith.xori %gather3A_270, %reduce_max3A_274 : vector<16xi32>
        %reduce_max3A_276 = tpu.scan <max>, %reduce_max3A_275 masked %reduce_max3A_272 : vector<16xi32>, vector<16xi1> -> vector<16xi32>
        %reduce_max3A_277 = arith.xori %reduce_max3A_276, %reduce_max3A_274 : vector<16xi32>
        %reduce_max3A_278 = vector.extract %reduce_max3A_277[15] : i32 from vector<16xi32>
        %mul3A_279 = arith.constant 32 : i32
        %mul3A_280 = arith.muli %reduce_max3A_278, %mul3A_279 : i32
        %add3A_281 = arith.constant 0 : i32
        %add3A_282 = arith.addi %mul3A_280, %add3A_281 : i32
        %get3A = arith.constant 0 : i32
        %get3A_283 = arith.index_cast %get3A : i32 to index
        %get3A_284 = arith.index_cast %add3A_282 : i32 to index
        %get3A_285 = tpu.vector_load %arg19[%get3A_283, %get3A_284] {strides = array<i32>} : memref<2x2048xi32, #tpu.memory_space<vmem>>, vector<16xi32>,
        %get3A_286 = arith.constant 0 : i32
        %get3A_287 = arith.index_cast %get3A_286 : i32 to index
        %get3A_288 = arith.index_cast %add3A_282 : i32 to index
        %get3A_289 = tpu.vector_load %arg20[%get3A_287, %get3A_288] {strides = array<i32>} : memref<2x2048xi32, #tpu.memory_space<vmem>>, vector<16xi32>,
        %get3A_290 = arith.constant 0 : i32
        %get3A_291 = arith.index_cast %get3A_290 : i32 to index
        %get3A_292 = arith.index_cast %add3A_282 : i32 to index
        %get3A_293 = tpu.vector_load %arg21[%get3A_291, %get3A_292] {strides = array<i32>} : memref<2x2048xf32, #tpu.memory_space<vmem>>, vector<16xf32>,
        %gather3A_294 = tpu.vector_load_idx %arg8[%get3A_285] : memref<4096xf32, #tpu.memory_space<vmem>>[vector<16xi32>], vector<16xf32>,
        %mul3A_295 = arith.mulf %get3A_293, %gather3A : vector<16xf32>
        %add3A_296 = arith.addf %gather3A_294, %mul3A_295 : vector<16xf32>
        %gather3A_297 = tpu.vector_load_idx %arg9[%get3A_285] : memref<4096xf32, #tpu.memory_space<vmem>>[vector<16xi32>], vector<16xf32>,
        %mul3A_298 = arith.mulf %get3A_293, %gather3A_45 : vector<16xf32>
        %add3A_299 = arith.addf %gather3A_297, %mul3A_298 : vector<16xf32>
        %gather3A_300 = tpu.vector_load_idx %arg10[%get3A_285] : memref<4096xf32, #tpu.memory_space<vmem>>[vector<16xi32>], vector<16xf32>,
        %mul3A_301 = arith.mulf %get3A_293, %gather3A_49 : vector<16xf32>
        %add3A_302 = arith.addf %gather3A_300, %mul3A_301 : vector<16xf32>
        %gather3A_303 = tpu.vector_load_idx %arg11[%get3A_285] : memref<4096xf32, #tpu.memory_space<vmem>>[vector<16xi32>], vector<16xf32>,
        %mul3A_304 = arith.mulf %get3A_293, %gather3A_53 : vector<16xf32>
        %add3A_305 = arith.addf %gather3A_303, %mul3A_304 : vector<16xf32>
        %broadcast_in_dim3A_306 = arith.constant true
        %broadcast_in_dim3A_307 = vector.broadcast %broadcast_in_dim3A_306 : i1 to vector<16xi1>
        %while3A_308:4 = scf.while (%while3A_341 = %broadcast_in_dim3A_307, %while3A_342 = %broadcast_in_dim3A_307, %while3A_343 = %broadcast_in_dim3A_307, %while3A_344 = %broadcast_in_dim3A_307) : (vector<16xi1>, vector<16xi1>, vector<16xi1>, vector<16xi1>) -> (vector<16xi1>, vector<16xi1>, vector<16xi1>, vector<16xi1>) {
          %or3A = arith.ori %while3A_341, %while3A_342 : vector<16xi1>
          %or3A_345 = arith.ori %while3A_343, %while3A_344 : vector<16xi1>
          %or3A_346 = arith.ori %or3A, %or3A_345 : vector<16xi1>
          %convert_element_type3A_347 = arith.extui %or3A_346 : vector<16xi1> to vector<16xi32>
          %reduce_sum3A = arith.constant true
          %reduce_sum3A_348 = vector.broadcast %reduce_sum3A : i1 to vector<16xi1>
          %reduce_sum3A_349 = tpu.scan <sum>, %convert_element_type3A_347 masked %reduce_sum3A_348 : vector<16xi32>, vector<16xi1> -> vector<16xi32>
          %reduce_sum3A_350 = vector.extract %reduce_sum3A_349[15] : i32 from vector<16xi32>
          %gt3A = arith.constant 0 : i32
          %gt3A_351 = arith.cmpi sgt, %reduce_sum3A_350, %gt3A : i32
          scf.condition(%gt3A_351) %while3A_341, %while3A_342, %while3A_343, %while3A_344 : vector<16xi1>, vector<16xi1>, vector<16xi1>, vector<16xi1>
        } do {
        ^bb0(%while3A_341: vector<16xi1>, %while3A_342: vector<16xi1>, %while3A_343: vector<16xi1>, %while3A_344: vector<16xi1>):
          %gather3A_345 = tpu.vector_load_idx %arg12[%get3A_289] : memref<4096xf32, #tpu.memory_space<vmem>>[vector<16xi32>], vector<16xf32>,
          %max3A = arith.maximumf %gather3A_345, %add3A_296 : vector<16xf32>
          tpu.vector_store_idx %arg12[%get3A_289], %max3A masked %while3A_341 : memref<4096xf32, #tpu.memory_space<vmem>>[vector<16xi32>], vector<16xf32>, vector<16xi1>
          %gather3A_346 = tpu.vector_load_idx %arg12[%get3A_289] : memref<4096xf32, #tpu.memory_space<vmem>>[vector<16xi32>], vector<16xf32>,
          %lt3A_347 = arith.cmpf olt, %gather3A_346, %add3A_296 : vector<16xf32>
          %gather3A_348 = tpu.vector_load_idx %arg13[%get3A_289] : memref<4096xf32, #tpu.memory_space<vmem>>[vector<16xi32>], vector<16xf32>,
          %max3A_349 = arith.maximumf %gather3A_348, %add3A_299 : vector<16xf32>
          tpu.vector_store_idx %arg13[%get3A_289], %max3A_349 masked %while3A_342 : memref<4096xf32, #tpu.memory_space<vmem>>[vector<16xi32>], vector<16xf32>, vector<16xi1>
          %gather3A_350 = tpu.vector_load_idx %arg13[%get3A_289] : memref<4096xf32, #tpu.memory_space<vmem>>[vector<16xi32>], vector<16xf32>,
          %lt3A_351 = arith.cmpf olt, %gather3A_350, %add3A_299 : vector<16xf32>
          %gather3A_352 = tpu.vector_load_idx %arg14[%get3A_289] : memref<4096xf32, #tpu.memory_space<vmem>>[vector<16xi32>], vector<16xf32>,
          %max3A_353 = arith.maximumf %gather3A_352, %add3A_302 : vector<16xf32>
          tpu.vector_store_idx %arg14[%get3A_289], %max3A_353 masked %while3A_343 : memref<4096xf32, #tpu.memory_space<vmem>>[vector<16xi32>], vector<16xf32>, vector<16xi1>
          %gather3A_354 = tpu.vector_load_idx %arg14[%get3A_289] : memref<4096xf32, #tpu.memory_space<vmem>>[vector<16xi32>], vector<16xf32>,
          %lt3A_355 = arith.cmpf olt, %gather3A_354, %add3A_302 : vector<16xf32>
          %gather3A_356 = tpu.vector_load_idx %arg15[%get3A_289] : memref<4096xf32, #tpu.memory_space<vmem>>[vector<16xi32>], vector<16xf32>,
          %max3A_357 = arith.maximumf %gather3A_356, %add3A_305 : vector<16xf32>
          tpu.vector_store_idx %arg15[%get3A_289], %max3A_357 masked %while3A_344 : memref<4096xf32, #tpu.memory_space<vmem>>[vector<16xi32>], vector<16xf32>, vector<16xi1>
          %gather3A_358 = tpu.vector_load_idx %arg15[%get3A_289] : memref<4096xf32, #tpu.memory_space<vmem>>[vector<16xi32>], vector<16xf32>,
          %lt3A_359 = arith.cmpf olt, %gather3A_358, %add3A_305 : vector<16xf32>
          scf.yield %lt3A_347, %lt3A_351, %lt3A_355, %lt3A_359 : vector<16xi1>, vector<16xi1>, vector<16xi1>, vector<16xi1>
        }
        %mul3A_309 = arith.constant 32 : i32
        %mul3A_310 = arith.muli %reduce_max3A_278, %mul3A_309 : i32
        %add3A_311 = arith.constant 16 : i32
        %add3A_312 = arith.addi %mul3A_310, %add3A_311 : i32
        %get3A_313 = arith.constant 0 : i32
        %get3A_314 = arith.index_cast %get3A_313 : i32 to index
        %get3A_315 = arith.index_cast %add3A_312 : i32 to index
        %get3A_316 = tpu.vector_load %arg19[%get3A_314, %get3A_315] {strides = array<i32>} : memref<2x2048xi32, #tpu.memory_space<vmem>>, vector<16xi32>,
        %get3A_317 = arith.constant 0 : i32
        %get3A_318 = arith.index_cast %get3A_317 : i32 to index
        %get3A_319 = arith.index_cast %add3A_312 : i32 to index
        %get3A_320 = tpu.vector_load %arg20[%get3A_318, %get3A_319] {strides = array<i32>} : memref<2x2048xi32, #tpu.memory_space<vmem>>, vector<16xi32>,
        %get3A_321 = arith.constant 0 : i32
        %get3A_322 = arith.index_cast %get3A_321 : i32 to index
        %get3A_323 = arith.index_cast %add3A_312 : i32 to index
        %get3A_324 = tpu.vector_load %arg21[%get3A_322, %get3A_323] {strides = array<i32>} : memref<2x2048xf32, #tpu.memory_space<vmem>>, vector<16xf32>,
        %gather3A_325 = tpu.vector_load_idx %arg8[%get3A_316] : memref<4096xf32, #tpu.memory_space<vmem>>[vector<16xi32>], vector<16xf32>,
        %mul3A_326 = arith.mulf %get3A_324, %gather3A : vector<16xf32>
        %add3A_327 = arith.addf %gather3A_325, %mul3A_326 : vector<16xf32>
        %gather3A_328 = tpu.vector_load_idx %arg9[%get3A_316] : memref<4096xf32, #tpu.memory_space<vmem>>[vector<16xi32>], vector<16xf32>,
        %mul3A_329 = arith.mulf %get3A_324, %gather3A_45 : vector<16xf32>
        %add3A_330 = arith.addf %gather3A_328, %mul3A_329 : vector<16xf32>
        %gather3A_331 = tpu.vector_load_idx %arg10[%get3A_316] : memref<4096xf32, #tpu.memory_space<vmem>>[vector<16xi32>], vector<16xf32>,
        %mul3A_332 = arith.mulf %get3A_324, %gather3A_49 : vector<16xf32>
        %add3A_333 = arith.addf %gather3A_331, %mul3A_332 : vector<16xf32>
        %gather3A_334 = tpu.vector_load_idx %arg11[%get3A_316] : memref<4096xf32, #tpu.memory_space<vmem>>[vector<16xi32>], vector<16xf32>,
        %mul3A_335 = arith.mulf %get3A_324, %gather3A_53 : vector<16xf32>
        %add3A_336 = arith.addf %gather3A_334, %mul3A_335 : vector<16xf32>
        %broadcast_in_dim3A_337 = arith.constant true
        %broadcast_in_dim3A_338 = vector.broadcast %broadcast_in_dim3A_337 : i1 to vector<16xi1>
        %while3A_339:4 = scf.while (%while3A_341 = %broadcast_in_dim3A_338, %while3A_342 = %broadcast_in_dim3A_338, %while3A_343 = %broadcast_in_dim3A_338, %while3A_344 = %broadcast_in_dim3A_338) : (vector<16xi1>, vector<16xi1>, vector<16xi1>, vector<16xi1>) -> (vector<16xi1>, vector<16xi1>, vector<16xi1>, vector<16xi1>) {
          %or3A = arith.ori %while3A_341, %while3A_342 : vector<16xi1>
          %or3A_345 = arith.ori %while3A_343, %while3A_344 : vector<16xi1>
          %or3A_346 = arith.ori %or3A, %or3A_345 : vector<16xi1>
          %convert_element_type3A_347 = arith.extui %or3A_346 : vector<16xi1> to vector<16xi32>
          %reduce_sum3A = arith.constant true
          %reduce_sum3A_348 = vector.broadcast %reduce_sum3A : i1 to vector<16xi1>
          %reduce_sum3A_349 = tpu.scan <sum>, %convert_element_type3A_347 masked %reduce_sum3A_348 : vector<16xi32>, vector<16xi1> -> vector<16xi32>
          %reduce_sum3A_350 = vector.extract %reduce_sum3A_349[15] : i32 from vector<16xi32>
          %gt3A = arith.constant 0 : i32
          %gt3A_351 = arith.cmpi sgt, %reduce_sum3A_350, %gt3A : i32
          scf.condition(%gt3A_351) %while3A_341, %while3A_342, %while3A_343, %while3A_344 : vector<16xi1>, vector<16xi1>, vector<16xi1>, vector<16xi1>
        } do {
        ^bb0(%while3A_341: vector<16xi1>, %while3A_342: vector<16xi1>, %while3A_343: vector<16xi1>, %while3A_344: vector<16xi1>):
          %gather3A_345 = tpu.vector_load_idx %arg12[%get3A_320] : memref<4096xf32, #tpu.memory_space<vmem>>[vector<16xi32>], vector<16xf32>,
          %max3A = arith.maximumf %gather3A_345, %add3A_327 : vector<16xf32>
          tpu.vector_store_idx %arg12[%get3A_320], %max3A masked %while3A_341 : memref<4096xf32, #tpu.memory_space<vmem>>[vector<16xi32>], vector<16xf32>, vector<16xi1>
          %gather3A_346 = tpu.vector_load_idx %arg12[%get3A_320] : memref<4096xf32, #tpu.memory_space<vmem>>[vector<16xi32>], vector<16xf32>,
          %lt3A_347 = arith.cmpf olt, %gather3A_346, %add3A_327 : vector<16xf32>
          %gather3A_348 = tpu.vector_load_idx %arg13[%get3A_320] : memref<4096xf32, #tpu.memory_space<vmem>>[vector<16xi32>], vector<16xf32>,
          %max3A_349 = arith.maximumf %gather3A_348, %add3A_330 : vector<16xf32>
          tpu.vector_store_idx %arg13[%get3A_320], %max3A_349 masked %while3A_342 : memref<4096xf32, #tpu.memory_space<vmem>>[vector<16xi32>], vector<16xf32>, vector<16xi1>
          %gather3A_350 = tpu.vector_load_idx %arg13[%get3A_320] : memref<4096xf32, #tpu.memory_space<vmem>>[vector<16xi32>], vector<16xf32>,
          %lt3A_351 = arith.cmpf olt, %gather3A_350, %add3A_330 : vector<16xf32>
          %gather3A_352 = tpu.vector_load_idx %arg14[%get3A_320] : memref<4096xf32, #tpu.memory_space<vmem>>[vector<16xi32>], vector<16xf32>,
          %max3A_353 = arith.maximumf %gather3A_352, %add3A_333 : vector<16xf32>
          tpu.vector_store_idx %arg14[%get3A_320], %max3A_353 masked %while3A_343 : memref<4096xf32, #tpu.memory_space<vmem>>[vector<16xi32>], vector<16xf32>, vector<16xi1>
          %gather3A_354 = tpu.vector_load_idx %arg14[%get3A_320] : memref<4096xf32, #tpu.memory_space<vmem>>[vector<16xi32>], vector<16xf32>,
          %lt3A_355 = arith.cmpf olt, %gather3A_354, %add3A_333 : vector<16xf32>
          %gather3A_356 = tpu.vector_load_idx %arg15[%get3A_320] : memref<4096xf32, #tpu.memory_space<vmem>>[vector<16xi32>], vector<16xf32>,
          %max3A_357 = arith.maximumf %gather3A_356, %add3A_336 : vector<16xf32>
          tpu.vector_store_idx %arg15[%get3A_320], %max3A_357 masked %while3A_344 : memref<4096xf32, #tpu.memory_space<vmem>>[vector<16xi32>], vector<16xf32>, vector<16xi1>
          %gather3A_358 = tpu.vector_load_idx %arg15[%get3A_320] : memref<4096xf32, #tpu.memory_space<vmem>>[vector<16xi32>], vector<16xf32>,
          %lt3A_359 = arith.cmpf olt, %gather3A_358, %add3A_336 : vector<16xf32>
          scf.yield %lt3A_347, %lt3A_351, %lt3A_355, %lt3A_359 : vector<16xi1>, vector<16xi1>, vector<16xi1>, vector<16xi1>
        }
        %while3A_340 = arith.constant 0 : i32
        scf.yield %while3A_340 : i32
      }
      %while3A_197 = arith.constant 1 : i32
      %while3A_198 = scf.for %while3A_267 = %while3A_194 to %while3A_190 step %while3A_197 iter_args(%while3A_268 = %while3A_196) -> (i32)  : i32 {
        %broadcast_in_dim3A_269 = vector.broadcast %while3A_267 : i32 to vector<16xi32>
        %gather3A_270 = tpu.vector_load_idx %arg18[%broadcast_in_dim3A_269] : memref<128xi32, #tpu.memory_space<vmem>>[vector<16xi32>], vector<16xi32>,
        %reduce_max3A_271 = arith.constant true
        %reduce_max3A_272 = vector.broadcast %reduce_max3A_271 : i1 to vector<16xi1>
        %reduce_max3A_273 = arith.constant -2147483648 : i32
        %reduce_max3A_274 = vector.broadcast %reduce_max3A_273 : i32 to vector<16xi32>
        %reduce_max3A_275 = arith.xori %gather3A_270, %reduce_max3A_274 : vector<16xi32>
        %reduce_max3A_276 = tpu.scan <max>, %reduce_max3A_275 masked %reduce_max3A_272 : vector<16xi32>, vector<16xi1> -> vector<16xi32>
        %reduce_max3A_277 = arith.xori %reduce_max3A_276, %reduce_max3A_274 : vector<16xi32>
        %reduce_max3A_278 = vector.extract %reduce_max3A_277[15] : i32 from vector<16xi32>
        %mul3A_279 = arith.constant 32 : i32
        %mul3A_280 = arith.muli %reduce_max3A_278, %mul3A_279 : i32
        %add3A_281 = arith.constant 0 : i32
        %add3A_282 = arith.addi %mul3A_280, %add3A_281 : i32
        %get3A = arith.constant 0 : i32
        %get3A_283 = arith.index_cast %get3A : i32 to index
        %get3A_284 = arith.index_cast %add3A_282 : i32 to index
        %get3A_285 = tpu.vector_load %arg19[%get3A_283, %get3A_284] {strides = array<i32>} : memref<2x2048xi32, #tpu.memory_space<vmem>>, vector<16xi32>,
        %get3A_286 = arith.constant 0 : i32
        %get3A_287 = arith.index_cast %get3A_286 : i32 to index
        %get3A_288 = arith.index_cast %add3A_282 : i32 to index
        %get3A_289 = tpu.vector_load %arg20[%get3A_287, %get3A_288] {strides = array<i32>} : memref<2x2048xi32, #tpu.memory_space<vmem>>, vector<16xi32>,
        %get3A_290 = arith.constant 0 : i32
        %get3A_291 = arith.index_cast %get3A_290 : i32 to index
        %get3A_292 = arith.index_cast %add3A_282 : i32 to index
        %get3A_293 = tpu.vector_load %arg21[%get3A_291, %get3A_292] {strides = array<i32>} : memref<2x2048xf32, #tpu.memory_space<vmem>>, vector<16xf32>,
        %gather3A_294 = tpu.vector_load_idx %arg8[%get3A_285] : memref<4096xf32, #tpu.memory_space<vmem>>[vector<16xi32>], vector<16xf32>,
        %mul3A_295 = arith.mulf %get3A_293, %gather3A : vector<16xf32>
        %add3A_296 = arith.addf %gather3A_294, %mul3A_295 : vector<16xf32>
        %gather3A_297 = tpu.vector_load_idx %arg9[%get3A_285] : memref<4096xf32, #tpu.memory_space<vmem>>[vector<16xi32>], vector<16xf32>,
        %mul3A_298 = arith.mulf %get3A_293, %gather3A_45 : vector<16xf32>
        %add3A_299 = arith.addf %gather3A_297, %mul3A_298 : vector<16xf32>
        %gather3A_300 = tpu.vector_load_idx %arg10[%get3A_285] : memref<4096xf32, #tpu.memory_space<vmem>>[vector<16xi32>], vector<16xf32>,
        %mul3A_301 = arith.mulf %get3A_293, %gather3A_49 : vector<16xf32>
        %add3A_302 = arith.addf %gather3A_300, %mul3A_301 : vector<16xf32>
        %gather3A_303 = tpu.vector_load_idx %arg11[%get3A_285] : memref<4096xf32, #tpu.memory_space<vmem>>[vector<16xi32>], vector<16xf32>,
        %mul3A_304 = arith.mulf %get3A_293, %gather3A_53 : vector<16xf32>
        %add3A_305 = arith.addf %gather3A_303, %mul3A_304 : vector<16xf32>
        %broadcast_in_dim3A_306 = arith.constant true
        %broadcast_in_dim3A_307 = vector.broadcast %broadcast_in_dim3A_306 : i1 to vector<16xi1>
        %while3A_308:4 = scf.while (%while3A_341 = %broadcast_in_dim3A_307, %while3A_342 = %broadcast_in_dim3A_307, %while3A_343 = %broadcast_in_dim3A_307, %while3A_344 = %broadcast_in_dim3A_307) : (vector<16xi1>, vector<16xi1>, vector<16xi1>, vector<16xi1>) -> (vector<16xi1>, vector<16xi1>, vector<16xi1>, vector<16xi1>) {
          %or3A = arith.ori %while3A_341, %while3A_342 : vector<16xi1>
          %or3A_345 = arith.ori %while3A_343, %while3A_344 : vector<16xi1>
          %or3A_346 = arith.ori %or3A, %or3A_345 : vector<16xi1>
          %convert_element_type3A_347 = arith.extui %or3A_346 : vector<16xi1> to vector<16xi32>
          %reduce_sum3A = arith.constant true
          %reduce_sum3A_348 = vector.broadcast %reduce_sum3A : i1 to vector<16xi1>
          %reduce_sum3A_349 = tpu.scan <sum>, %convert_element_type3A_347 masked %reduce_sum3A_348 : vector<16xi32>, vector<16xi1> -> vector<16xi32>
          %reduce_sum3A_350 = vector.extract %reduce_sum3A_349[15] : i32 from vector<16xi32>
          %gt3A = arith.constant 0 : i32
          %gt3A_351 = arith.cmpi sgt, %reduce_sum3A_350, %gt3A : i32
          scf.condition(%gt3A_351) %while3A_341, %while3A_342, %while3A_343, %while3A_344 : vector<16xi1>, vector<16xi1>, vector<16xi1>, vector<16xi1>
        } do {
        ^bb0(%while3A_341: vector<16xi1>, %while3A_342: vector<16xi1>, %while3A_343: vector<16xi1>, %while3A_344: vector<16xi1>):
          %gather3A_345 = tpu.vector_load_idx %arg12[%get3A_289] : memref<4096xf32, #tpu.memory_space<vmem>>[vector<16xi32>], vector<16xf32>,
          %max3A = arith.maximumf %gather3A_345, %add3A_296 : vector<16xf32>
          tpu.vector_store_idx %arg12[%get3A_289], %max3A masked %while3A_341 : memref<4096xf32, #tpu.memory_space<vmem>>[vector<16xi32>], vector<16xf32>, vector<16xi1>
          %gather3A_346 = tpu.vector_load_idx %arg12[%get3A_289] : memref<4096xf32, #tpu.memory_space<vmem>>[vector<16xi32>], vector<16xf32>,
          %lt3A_347 = arith.cmpf olt, %gather3A_346, %add3A_296 : vector<16xf32>
          %gather3A_348 = tpu.vector_load_idx %arg13[%get3A_289] : memref<4096xf32, #tpu.memory_space<vmem>>[vector<16xi32>], vector<16xf32>,
          %max3A_349 = arith.maximumf %gather3A_348, %add3A_299 : vector<16xf32>
          tpu.vector_store_idx %arg13[%get3A_289], %max3A_349 masked %while3A_342 : memref<4096xf32, #tpu.memory_space<vmem>>[vector<16xi32>], vector<16xf32>, vector<16xi1>
          %gather3A_350 = tpu.vector_load_idx %arg13[%get3A_289] : memref<4096xf32, #tpu.memory_space<vmem>>[vector<16xi32>], vector<16xf32>,
          %lt3A_351 = arith.cmpf olt, %gather3A_350, %add3A_299 : vector<16xf32>
          %gather3A_352 = tpu.vector_load_idx %arg14[%get3A_289] : memref<4096xf32, #tpu.memory_space<vmem>>[vector<16xi32>], vector<16xf32>,
          %max3A_353 = arith.maximumf %gather3A_352, %add3A_302 : vector<16xf32>
          tpu.vector_store_idx %arg14[%get3A_289], %max3A_353 masked %while3A_343 : memref<4096xf32, #tpu.memory_space<vmem>>[vector<16xi32>], vector<16xf32>, vector<16xi1>
          %gather3A_354 = tpu.vector_load_idx %arg14[%get3A_289] : memref<4096xf32, #tpu.memory_space<vmem>>[vector<16xi32>], vector<16xf32>,
          %lt3A_355 = arith.cmpf olt, %gather3A_354, %add3A_302 : vector<16xf32>
          %gather3A_356 = tpu.vector_load_idx %arg15[%get3A_289] : memref<4096xf32, #tpu.memory_space<vmem>>[vector<16xi32>], vector<16xf32>,
          %max3A_357 = arith.maximumf %gather3A_356, %add3A_305 : vector<16xf32>
          tpu.vector_store_idx %arg15[%get3A_289], %max3A_357 masked %while3A_344 : memref<4096xf32, #tpu.memory_space<vmem>>[vector<16xi32>], vector<16xf32>, vector<16xi1>
          %gather3A_358 = tpu.vector_load_idx %arg15[%get3A_289] : memref<4096xf32, #tpu.memory_space<vmem>>[vector<16xi32>], vector<16xf32>,
          %lt3A_359 = arith.cmpf olt, %gather3A_358, %add3A_305 : vector<16xf32>
          scf.yield %lt3A_347, %lt3A_351, %lt3A_355, %lt3A_359 : vector<16xi1>, vector<16xi1>, vector<16xi1>, vector<16xi1>
        }
        %mul3A_309 = arith.constant 32 : i32
        %mul3A_310 = arith.muli %reduce_max3A_278, %mul3A_309 : i32
        %add3A_311 = arith.constant 16 : i32
        %add3A_312 = arith.addi %mul3A_310, %add3A_311 : i32
        %get3A_313 = arith.constant 0 : i32
        %get3A_314 = arith.index_cast %get3A_313 : i32 to index
        %get3A_315 = arith.index_cast %add3A_312 : i32 to index
        %get3A_316 = tpu.vector_load %arg19[%get3A_314, %get3A_315] {strides = array<i32>} : memref<2x2048xi32, #tpu.memory_space<vmem>>, vector<16xi32>,
        %get3A_317 = arith.constant 0 : i32
        %get3A_318 = arith.index_cast %get3A_317 : i32 to index
        %get3A_319 = arith.index_cast %add3A_312 : i32 to index
        %get3A_320 = tpu.vector_load %arg20[%get3A_318, %get3A_319] {strides = array<i32>} : memref<2x2048xi32, #tpu.memory_space<vmem>>, vector<16xi32>,
        %get3A_321 = arith.constant 0 : i32
        %get3A_322 = arith.index_cast %get3A_321 : i32 to index
        %get3A_323 = arith.index_cast %add3A_312 : i32 to index
        %get3A_324 = tpu.vector_load %arg21[%get3A_322, %get3A_323] {strides = array<i32>} : memref<2x2048xf32, #tpu.memory_space<vmem>>, vector<16xf32>,
        %gather3A_325 = tpu.vector_load_idx %arg8[%get3A_316] : memref<4096xf32, #tpu.memory_space<vmem>>[vector<16xi32>], vector<16xf32>,
        %mul3A_326 = arith.mulf %get3A_324, %gather3A : vector<16xf32>
        %add3A_327 = arith.addf %gather3A_325, %mul3A_326 : vector<16xf32>
        %gather3A_328 = tpu.vector_load_idx %arg9[%get3A_316] : memref<4096xf32, #tpu.memory_space<vmem>>[vector<16xi32>], vector<16xf32>,
        %mul3A_329 = arith.mulf %get3A_324, %gather3A_45 : vector<16xf32>
        %add3A_330 = arith.addf %gather3A_328, %mul3A_329 : vector<16xf32>
        %gather3A_331 = tpu.vector_load_idx %arg10[%get3A_316] : memref<4096xf32, #tpu.memory_space<vmem>>[vector<16xi32>], vector<16xf32>,
        %mul3A_332 = arith.mulf %get3A_324, %gather3A_49 : vector<16xf32>
        %add3A_333 = arith.addf %gather3A_331, %mul3A_332 : vector<16xf32>
        %gather3A_334 = tpu.vector_load_idx %arg11[%get3A_316] : memref<4096xf32, #tpu.memory_space<vmem>>[vector<16xi32>], vector<16xf32>,
        %mul3A_335 = arith.mulf %get3A_324, %gather3A_53 : vector<16xf32>
        %add3A_336 = arith.addf %gather3A_334, %mul3A_335 : vector<16xf32>
        %broadcast_in_dim3A_337 = arith.constant true
        %broadcast_in_dim3A_338 = vector.broadcast %broadcast_in_dim3A_337 : i1 to vector<16xi1>
        %while3A_339:4 = scf.while (%while3A_341 = %broadcast_in_dim3A_338, %while3A_342 = %broadcast_in_dim3A_338, %while3A_343 = %broadcast_in_dim3A_338, %while3A_344 = %broadcast_in_dim3A_338) : (vector<16xi1>, vector<16xi1>, vector<16xi1>, vector<16xi1>) -> (vector<16xi1>, vector<16xi1>, vector<16xi1>, vector<16xi1>) {
          %or3A = arith.ori %while3A_341, %while3A_342 : vector<16xi1>
          %or3A_345 = arith.ori %while3A_343, %while3A_344 : vector<16xi1>
          %or3A_346 = arith.ori %or3A, %or3A_345 : vector<16xi1>
          %convert_element_type3A_347 = arith.extui %or3A_346 : vector<16xi1> to vector<16xi32>
          %reduce_sum3A = arith.constant true
          %reduce_sum3A_348 = vector.broadcast %reduce_sum3A : i1 to vector<16xi1>
          %reduce_sum3A_349 = tpu.scan <sum>, %convert_element_type3A_347 masked %reduce_sum3A_348 : vector<16xi32>, vector<16xi1> -> vector<16xi32>
          %reduce_sum3A_350 = vector.extract %reduce_sum3A_349[15] : i32 from vector<16xi32>
          %gt3A = arith.constant 0 : i32
          %gt3A_351 = arith.cmpi sgt, %reduce_sum3A_350, %gt3A : i32
          scf.condition(%gt3A_351) %while3A_341, %while3A_342, %while3A_343, %while3A_344 : vector<16xi1>, vector<16xi1>, vector<16xi1>, vector<16xi1>
        } do {
        ^bb0(%while3A_341: vector<16xi1>, %while3A_342: vector<16xi1>, %while3A_343: vector<16xi1>, %while3A_344: vector<16xi1>):
          %gather3A_345 = tpu.vector_load_idx %arg12[%get3A_320] : memref<4096xf32, #tpu.memory_space<vmem>>[vector<16xi32>], vector<16xf32>,
          %max3A = arith.maximumf %gather3A_345, %add3A_327 : vector<16xf32>
          tpu.vector_store_idx %arg12[%get3A_320], %max3A masked %while3A_341 : memref<4096xf32, #tpu.memory_space<vmem>>[vector<16xi32>], vector<16xf32>, vector<16xi1>
          %gather3A_346 = tpu.vector_load_idx %arg12[%get3A_320] : memref<4096xf32, #tpu.memory_space<vmem>>[vector<16xi32>], vector<16xf32>,
          %lt3A_347 = arith.cmpf olt, %gather3A_346, %add3A_327 : vector<16xf32>
          %gather3A_348 = tpu.vector_load_idx %arg13[%get3A_320] : memref<4096xf32, #tpu.memory_space<vmem>>[vector<16xi32>], vector<16xf32>,
          %max3A_349 = arith.maximumf %gather3A_348, %add3A_330 : vector<16xf32>
          tpu.vector_store_idx %arg13[%get3A_320], %max3A_349 masked %while3A_342 : memref<4096xf32, #tpu.memory_space<vmem>>[vector<16xi32>], vector<16xf32>, vector<16xi1>
          %gather3A_350 = tpu.vector_load_idx %arg13[%get3A_320] : memref<4096xf32, #tpu.memory_space<vmem>>[vector<16xi32>], vector<16xf32>,
          %lt3A_351 = arith.cmpf olt, %gather3A_350, %add3A_330 : vector<16xf32>
          %gather3A_352 = tpu.vector_load_idx %arg14[%get3A_320] : memref<4096xf32, #tpu.memory_space<vmem>>[vector<16xi32>], vector<16xf32>,
          %max3A_353 = arith.maximumf %gather3A_352, %add3A_333 : vector<16xf32>
          tpu.vector_store_idx %arg14[%get3A_320], %max3A_353 masked %while3A_343 : memref<4096xf32, #tpu.memory_space<vmem>>[vector<16xi32>], vector<16xf32>, vector<16xi1>
          %gather3A_354 = tpu.vector_load_idx %arg14[%get3A_320] : memref<4096xf32, #tpu.memory_space<vmem>>[vector<16xi32>], vector<16xf32>,
          %lt3A_355 = arith.cmpf olt, %gather3A_354, %add3A_333 : vector<16xf32>
          %gather3A_356 = tpu.vector_load_idx %arg15[%get3A_320] : memref<4096xf32, #tpu.memory_space<vmem>>[vector<16xi32>], vector<16xf32>,
          %max3A_357 = arith.maximumf %gather3A_356, %add3A_336 : vector<16xf32>
          tpu.vector_store_idx %arg15[%get3A_320], %max3A_357 masked %while3A_344 : memref<4096xf32, #tpu.memory_space<vmem>>[vector<16xi32>], vector<16xf32>, vector<16xi1>
          %gather3A_358 = tpu.vector_load_idx %arg15[%get3A_320] : memref<4096xf32, #tpu.memory_space<vmem>>[vector<16xi32>], vector<16xf32>,
          %lt3A_359 = arith.cmpf olt, %gather3A_358, %add3A_336 : vector<16xf32>
          scf.yield %lt3A_347, %lt3A_351, %lt3A_355, %lt3A_359 : vector<16xi1>, vector<16xi1>, vector<16xi1>, vector<16xi1>
        }
        %while3A_340 = arith.constant 0 : i32
        scf.yield %while3A_340 : i32
      }
      %mul3A_199 = arith.constant 2 : i32
      %mul3A_200 = arith.muli %mul3A_199, %scan3A_106 : i32
      %add3A_201 = arith.constant 2 : i32
      %add3A_202 = arith.addi %mul3A_200, %add3A_201 : i32
      %lt3A = arith.constant 128 : i32
      %lt3A_203 = arith.cmpi slt, %add3A_202, %lt3A : i32
      %convert_element_type3A = arith.extui %lt3A_203 : i1 to i32
      %cond3A = arith.constant 0 : i32
      %cond3A_204 = arith.cmpi ne, %convert_element_type3A, %cond3A : i32
      scf.if %cond3A_204 {
        %mul3A_267 = arith.constant 2 : i32
        %mul3A_268 = arith.muli %mul3A_267, %scan3A_106 : i32
        %add3A_269 = arith.constant 2 : i32
        %add3A_270 = arith.addi %mul3A_268, %add3A_269 : i32
        %mul3A_271 = arith.constant 2048 : i32
        %mul3A_272 = arith.muli %add3A_270, %mul3A_271 : i32
        %dma_start3A_273 = arith.constant 0 : i32
        %dma_start3A_274 = arith.constant 0 : i32
        %dma_start3A_275 = tpu.memref_slice %arg19[%dma_start3A_273, %dma_start3A_274] : memref<2x2048xi32, #tpu.memory_space<vmem>> -> memref<1x2048xi32, #tpu.memory_space<vmem>>
        %dma_start3A_276 = tpu.memref_squeeze %dma_start3A_275 : memref<1x2048xi32, #tpu.memory_space<vmem>> -> memref<2048xi32, #tpu.memory_space<vmem>>
        %dma_start3A_277 = tpu.memref_slice %arg4[%mul3A_272] : memref<262144xi32, #tpu.memory_space<hbm>> -> memref<2048xi32, #tpu.memory_space<hbm>>
        %dma_start3A_278 = arith.constant 0 : i32
        %dma_start3A_279 = tpu.memref_slice %arg19[%dma_start3A_273, %dma_start3A_278] : memref<2x2048xi32, #tpu.memory_space<vmem>> -> memref<1x2048xi32, #tpu.memory_space<vmem>>
        %dma_start3A_280 = tpu.memref_squeeze %dma_start3A_279 : memref<1x2048xi32, #tpu.memory_space<vmem>> -> memref<2048xi32, #tpu.memory_space<vmem>>
        %dma_start3A_281 = tpu.memref_slice %arg4[%mul3A_272] : memref<262144xi32, #tpu.memory_space<hbm>> -> memref<2048xi32, #tpu.memory_space<hbm>>
        tpu.enqueue_dma source(%dma_start3A_281 : memref<2048xi32, #tpu.memory_space<hbm>>) target(%dma_start3A_280 : memref<2048xi32, #tpu.memory_space<vmem>>) target_semaphore(%arg22 : memref<!tpu.dma_semaphore, #tpu.memory_space<semaphore_mem>>)
        %dma_start3A_282 = arith.constant 0 : i32
        %dma_start3A_283 = arith.constant 0 : i32
        %dma_start3A_284 = tpu.memref_slice %arg20[%dma_start3A_282, %dma_start3A_283] : memref<2x2048xi32, #tpu.memory_space<vmem>> -> memref<1x2048xi32, #tpu.memory_space<vmem>>
        %dma_start3A_285 = tpu.memref_squeeze %dma_start3A_284 : memref<1x2048xi32, #tpu.memory_space<vmem>> -> memref<2048xi32, #tpu.memory_space<vmem>>
        %dma_start3A_286 = tpu.memref_slice %arg5[%mul3A_272] : memref<262144xi32, #tpu.memory_space<hbm>> -> memref<2048xi32, #tpu.memory_space<hbm>>
        %dma_start3A_287 = arith.constant 0 : i32
        %dma_start3A_288 = tpu.memref_slice %arg20[%dma_start3A_282, %dma_start3A_287] : memref<2x2048xi32, #tpu.memory_space<vmem>> -> memref<1x2048xi32, #tpu.memory_space<vmem>>
        %dma_start3A_289 = tpu.memref_squeeze %dma_start3A_288 : memref<1x2048xi32, #tpu.memory_space<vmem>> -> memref<2048xi32, #tpu.memory_space<vmem>>
        %dma_start3A_290 = tpu.memref_slice %arg5[%mul3A_272] : memref<262144xi32, #tpu.memory_space<hbm>> -> memref<2048xi32, #tpu.memory_space<hbm>>
        tpu.enqueue_dma source(%dma_start3A_290 : memref<2048xi32, #tpu.memory_space<hbm>>) target(%dma_start3A_289 : memref<2048xi32, #tpu.memory_space<vmem>>) target_semaphore(%arg22 : memref<!tpu.dma_semaphore, #tpu.memory_space<semaphore_mem>>)
        %dma_start3A_291 = arith.constant 0 : i32
        %dma_start3A_292 = arith.constant 0 : i32
        %dma_start3A_293 = tpu.memref_slice %arg21[%dma_start3A_291, %dma_start3A_292] : memref<2x2048xf32, #tpu.memory_space<vmem>> -> memref<1x2048xf32, #tpu.memory_space<vmem>>
        %dma_start3A_294 = tpu.memref_squeeze %dma_start3A_293 : memref<1x2048xf32, #tpu.memory_space<vmem>> -> memref<2048xf32, #tpu.memory_space<vmem>>
        %dma_start3A_295 = tpu.memref_slice %arg6[%mul3A_272] : memref<262144xf32, #tpu.memory_space<hbm>> -> memref<2048xf32, #tpu.memory_space<hbm>>
        %dma_start3A_296 = arith.constant 0 : i32
        %dma_start3A_297 = tpu.memref_slice %arg21[%dma_start3A_291, %dma_start3A_296] : memref<2x2048xf32, #tpu.memory_space<vmem>> -> memref<1x2048xf32, #tpu.memory_space<vmem>>
        %dma_start3A_298 = tpu.memref_squeeze %dma_start3A_297 : memref<1x2048xf32, #tpu.memory_space<vmem>> -> memref<2048xf32, #tpu.memory_space<vmem>>
        %dma_start3A_299 = tpu.memref_slice %arg6[%mul3A_272] : memref<262144xf32, #tpu.memory_space<hbm>> -> memref<2048xf32, #tpu.memory_space<hbm>>
        tpu.enqueue_dma source(%dma_start3A_299 : memref<2048xf32, #tpu.memory_space<hbm>>) target(%dma_start3A_298 : memref<2048xf32, #tpu.memory_space<vmem>>) target_semaphore(%arg22 : memref<!tpu.dma_semaphore, #tpu.memory_space<semaphore_mem>>)
      } else {
      }
      %dma_wait3A_205 = arith.constant 1 : i32
      %dma_wait3A_206 = arith.constant 0 : i32
      %dma_wait3A_207 = tpu.memref_slice %arg19[%dma_wait3A_205, %dma_wait3A_206] : memref<2x2048xi32, #tpu.memory_space<vmem>> -> memref<1x2048xi32, #tpu.memory_space<vmem>>
      %dma_wait3A_208 = tpu.memref_squeeze %dma_wait3A_207 : memref<1x2048xi32, #tpu.memory_space<vmem>> -> memref<2048xi32, #tpu.memory_space<vmem>>
      %dma_wait3A_209 = arith.constant 0 : i32
      %dma_wait3A_210 = tpu.memref_slice %arg4[%dma_wait3A_209] : memref<262144xi32, #tpu.memory_space<hbm>> -> memref<2048xi32, #tpu.memory_space<hbm>>
      %dma_wait3A_211 = arith.constant 0 : i32
      %dma_wait3A_212 = tpu.memref_slice %arg19[%dma_wait3A_205, %dma_wait3A_211] : memref<2x2048xi32, #tpu.memory_space<vmem>> -> memref<1x2048xi32, #tpu.memory_space<vmem>>
      %dma_wait3A_213 = tpu.memref_squeeze %dma_wait3A_212 : memref<1x2048xi32, #tpu.memory_space<vmem>> -> memref<2048xi32, #tpu.memory_space<vmem>>
      %dma_wait3A_214 = arith.constant 0 : i32
      %dma_wait3A_215 = tpu.memref_slice %arg4[%dma_wait3A_214] : memref<262144xi32, #tpu.memory_space<hbm>> -> memref<2048xi32, #tpu.memory_space<hbm>>
      tpu.wait_dma2 semaphore(%arg23 : memref<!tpu.dma_semaphore, #tpu.memory_space<semaphore_mem>>) src(%dma_wait3A_215 : memref<2048xi32, #tpu.memory_space<hbm>>) dst(%dma_wait3A_213 : memref<2048xi32, #tpu.memory_space<vmem>>)
      %dma_wait3A_216 = arith.constant 1 : i32
      %dma_wait3A_217 = arith.constant 0 : i32
      %dma_wait3A_218 = tpu.memref_slice %arg20[%dma_wait3A_216, %dma_wait3A_217] : memref<2x2048xi32, #tpu.memory_space<vmem>> -> memref<1x2048xi32, #tpu.memory_space<vmem>>
      %dma_wait3A_219 = tpu.memref_squeeze %dma_wait3A_218 : memref<1x2048xi32, #tpu.memory_space<vmem>> -> memref<2048xi32, #tpu.memory_space<vmem>>
      %dma_wait3A_220 = arith.constant 0 : i32
      %dma_wait3A_221 = tpu.memref_slice %arg5[%dma_wait3A_220] : memref<262144xi32, #tpu.memory_space<hbm>> -> memref<2048xi32, #tpu.memory_space<hbm>>
      %dma_wait3A_222 = arith.constant 0 : i32
      %dma_wait3A_223 = tpu.memref_slice %arg20[%dma_wait3A_216, %dma_wait3A_222] : memref<2x2048xi32, #tpu.memory_space<vmem>> -> memref<1x2048xi32, #tpu.memory_space<vmem>>
      %dma_wait3A_224 = tpu.memref_squeeze %dma_wait3A_223 : memref<1x2048xi32, #tpu.memory_space<vmem>> -> memref<2048xi32, #tpu.memory_space<vmem>>
      %dma_wait3A_225 = arith.constant 0 : i32
      %dma_wait3A_226 = tpu.memref_slice %arg5[%dma_wait3A_225] : memref<262144xi32, #tpu.memory_space<hbm>> -> memref<2048xi32, #tpu.memory_space<hbm>>
      tpu.wait_dma2 semaphore(%arg23 : memref<!tpu.dma_semaphore, #tpu.memory_space<semaphore_mem>>) src(%dma_wait3A_226 : memref<2048xi32, #tpu.memory_space<hbm>>) dst(%dma_wait3A_224 : memref<2048xi32, #tpu.memory_space<vmem>>)
      %dma_wait3A_227 = arith.constant 1 : i32
      %dma_wait3A_228 = arith.constant 0 : i32
      %dma_wait3A_229 = tpu.memref_slice %arg21[%dma_wait3A_227, %dma_wait3A_228] : memref<2x2048xf32, #tpu.memory_space<vmem>> -> memref<1x2048xf32, #tpu.memory_space<vmem>>
      %dma_wait3A_230 = tpu.memref_squeeze %dma_wait3A_229 : memref<1x2048xf32, #tpu.memory_space<vmem>> -> memref<2048xf32, #tpu.memory_space<vmem>>
      %dma_wait3A_231 = arith.constant 0 : i32
      %dma_wait3A_232 = tpu.memref_slice %arg6[%dma_wait3A_231] : memref<262144xf32, #tpu.memory_space<hbm>> -> memref<2048xf32, #tpu.memory_space<hbm>>
      %dma_wait3A_233 = arith.constant 0 : i32
      %dma_wait3A_234 = tpu.memref_slice %arg21[%dma_wait3A_227, %dma_wait3A_233] : memref<2x2048xf32, #tpu.memory_space<vmem>> -> memref<1x2048xf32, #tpu.memory_space<vmem>>
      %dma_wait3A_235 = tpu.memref_squeeze %dma_wait3A_234 : memref<1x2048xf32, #tpu.memory_space<vmem>> -> memref<2048xf32, #tpu.memory_space<vmem>>
      %dma_wait3A_236 = arith.constant 0 : i32
      %dma_wait3A_237 = tpu.memref_slice %arg6[%dma_wait3A_236] : memref<262144xf32, #tpu.memory_space<hbm>> -> memref<2048xf32, #tpu.memory_space<hbm>>
      tpu.wait_dma2 semaphore(%arg23 : memref<!tpu.dma_semaphore, #tpu.memory_space<semaphore_mem>>) src(%dma_wait3A_237 : memref<2048xf32, #tpu.memory_space<hbm>>) dst(%dma_wait3A_235 : memref<2048xf32, #tpu.memory_space<vmem>>)
      %broadcast_in_dim3A_238 = arith.constant 0 : i32
      %broadcast_in_dim3A_239 = vector.broadcast %broadcast_in_dim3A_238 : i32 to vector<16xi32>
      %scan3A_240 = arith.constant 0 : i32
      %scan3A_241 = arith.constant 64 : i32
      %scan3A_242 = arith.addi %scan3A_240, %scan3A_241 : i32
      %scan3A_243 = arith.constant 1 : i32
      %scan3A_244 = scf.for %scan3A_267 = %scan3A_240 to %scan3A_242 step %scan3A_243 iter_args(%scan3A_268 = %broadcast_in_dim3A_239) -> (vector<16xi32>)  : i32 {
        %mul3A_269 = arith.constant 32 : i32
        %mul3A_270 = arith.muli %scan3A_267, %mul3A_269 : i32
        %mul3A_271 = arith.constant 32 : i32
        %mul3A_272 = arith.muli %scan3A_267, %mul3A_271 : i32
        %add3A_273 = arith.constant 16 : i32
        %add3A_274 = arith.addi %mul3A_272, %add3A_273 : i32
        %get3A = arith.constant 1 : i32
        %get3A_275 = arith.index_cast %get3A : i32 to index
        %get3A_276 = arith.index_cast %mul3A_270 : i32 to index
        %get3A_277 = tpu.vector_load %arg19[%get3A_275, %get3A_276] {strides = array<i32>} : memref<2x2048xi32, #tpu.memory_space<vmem>>, vector<16xi32>,
        %get3A_278 = arith.constant 1 : i32
        %get3A_279 = arith.index_cast %get3A_278 : i32 to index
        %get3A_280 = arith.index_cast %mul3A_270 : i32 to index
        %get3A_281 = tpu.vector_load %arg20[%get3A_279, %get3A_280] {strides = array<i32>} : memref<2x2048xi32, #tpu.memory_space<vmem>>, vector<16xi32>,
        %get3A_282 = arith.constant 1 : i32
        %get3A_283 = arith.index_cast %get3A_282 : i32 to index
        %get3A_284 = arith.index_cast %mul3A_270 : i32 to index
        %get3A_285 = tpu.vector_load %arg21[%get3A_283, %get3A_284] {strides = array<i32>} : memref<2x2048xf32, #tpu.memory_space<vmem>>, vector<16xf32>,
        %get3A_286 = arith.constant 1 : i32
        %get3A_287 = arith.index_cast %get3A_286 : i32 to index
        %get3A_288 = arith.index_cast %add3A_274 : i32 to index
        %get3A_289 = tpu.vector_load %arg19[%get3A_287, %get3A_288] {strides = array<i32>} : memref<2x2048xi32, #tpu.memory_space<vmem>>, vector<16xi32>,
        %get3A_290 = arith.constant 1 : i32
        %get3A_291 = arith.index_cast %get3A_290 : i32 to index
        %get3A_292 = arith.index_cast %add3A_274 : i32 to index
        %get3A_293 = tpu.vector_load %arg20[%get3A_291, %get3A_292] {strides = array<i32>} : memref<2x2048xi32, #tpu.memory_space<vmem>>, vector<16xi32>,
        %get3A_294 = arith.constant 1 : i32
        %get3A_295 = arith.index_cast %get3A_294 : i32 to index
        %get3A_296 = arith.index_cast %add3A_274 : i32 to index
        %get3A_297 = tpu.vector_load %arg21[%get3A_295, %get3A_296] {strides = array<i32>} : memref<2x2048xf32, #tpu.memory_space<vmem>>, vector<16xf32>,
        tpu.vector_store_idx %arg17[%get3A_281], %iota3A : memref<4096xi32, #tpu.memory_space<vmem>>[vector<16xi32>], vector<16xi32>,
        tpu.vector_store_idx %arg17[%get3A_293], %add3A_56 : memref<4096xi32, #tpu.memory_space<vmem>>[vector<16xi32>], vector<16xi32>,
        %gather3A_298 = tpu.vector_load_idx %arg17[%get3A_281] : memref<4096xi32, #tpu.memory_space<vmem>>[vector<16xi32>], vector<16xi32>,
        %gather3A_299 = tpu.vector_load_idx %arg17[%get3A_293] : memref<4096xi32, #tpu.memory_space<vmem>>[vector<16xi32>], vector<16xi32>,
        %ne3A = arith.cmpi ne, %gather3A_298, %iota3A : vector<16xi32>
        %ne3A_300 = arith.cmpi ne, %gather3A_299, %add3A_56 : vector<16xi32>
        %or3A = arith.ori %ne3A, %ne3A_300 : vector<16xi1>
        %gather3A_301 = tpu.vector_load_idx %arg8[%get3A_277] : memref<4096xf32, #tpu.memory_space<vmem>>[vector<16xi32>], vector<16xf32>,
        %mul3A_302 = arith.mulf %get3A_285, %gather3A : vector<16xf32>
        %add3A_303 = arith.addf %gather3A_301, %mul3A_302 : vector<16xf32>
        %gather3A_304 = tpu.vector_load_idx %arg12[%get3A_281] : memref<4096xf32, #tpu.memory_space<vmem>>[vector<16xi32>], vector<16xf32>,
        %max3A = arith.maximumf %gather3A_304, %add3A_303 : vector<16xf32>
        tpu.vector_store_idx %arg12[%get3A_281], %max3A : memref<4096xf32, #tpu.memory_space<vmem>>[vector<16xi32>], vector<16xf32>,
        %gather3A_305 = tpu.vector_load_idx %arg8[%get3A_289] : memref<4096xf32, #tpu.memory_space<vmem>>[vector<16xi32>], vector<16xf32>,
        %mul3A_306 = arith.mulf %get3A_297, %gather3A : vector<16xf32>
        %add3A_307 = arith.addf %gather3A_305, %mul3A_306 : vector<16xf32>
        %gather3A_308 = tpu.vector_load_idx %arg12[%get3A_293] : memref<4096xf32, #tpu.memory_space<vmem>>[vector<16xi32>], vector<16xf32>,
        %max3A_309 = arith.maximumf %gather3A_308, %add3A_307 : vector<16xf32>
        tpu.vector_store_idx %arg12[%get3A_293], %max3A_309 : memref<4096xf32, #tpu.memory_space<vmem>>[vector<16xi32>], vector<16xf32>,
        %gather3A_310 = tpu.vector_load_idx %arg9[%get3A_277] : memref<4096xf32, #tpu.memory_space<vmem>>[vector<16xi32>], vector<16xf32>,
        %mul3A_311 = arith.mulf %get3A_285, %gather3A_45 : vector<16xf32>
        %add3A_312 = arith.addf %gather3A_310, %mul3A_311 : vector<16xf32>
        %gather3A_313 = tpu.vector_load_idx %arg13[%get3A_281] : memref<4096xf32, #tpu.memory_space<vmem>>[vector<16xi32>], vector<16xf32>,
        %max3A_314 = arith.maximumf %gather3A_313, %add3A_312 : vector<16xf32>
        tpu.vector_store_idx %arg13[%get3A_281], %max3A_314 : memref<4096xf32, #tpu.memory_space<vmem>>[vector<16xi32>], vector<16xf32>,
        %gather3A_315 = tpu.vector_load_idx %arg9[%get3A_289] : memref<4096xf32, #tpu.memory_space<vmem>>[vector<16xi32>], vector<16xf32>,
        %mul3A_316 = arith.mulf %get3A_297, %gather3A_45 : vector<16xf32>
        %add3A_317 = arith.addf %gather3A_315, %mul3A_316 : vector<16xf32>
        %gather3A_318 = tpu.vector_load_idx %arg13[%get3A_293] : memref<4096xf32, #tpu.memory_space<vmem>>[vector<16xi32>], vector<16xf32>,
        %max3A_319 = arith.maximumf %gather3A_318, %add3A_317 : vector<16xf32>
        tpu.vector_store_idx %arg13[%get3A_293], %max3A_319 : memref<4096xf32, #tpu.memory_space<vmem>>[vector<16xi32>], vector<16xf32>,
        %gather3A_320 = tpu.vector_load_idx %arg10[%get3A_277] : memref<4096xf32, #tpu.memory_space<vmem>>[vector<16xi32>], vector<16xf32>,
        %mul3A_321 = arith.mulf %get3A_285, %gather3A_49 : vector<16xf32>
        %add3A_322 = arith.addf %gather3A_320, %mul3A_321 : vector<16xf32>
        %gather3A_323 = tpu.vector_load_idx %arg14[%get3A_281] : memref<4096xf32, #tpu.memory_space<vmem>>[vector<16xi32>], vector<16xf32>,
        %max3A_324 = arith.maximumf %gather3A_323, %add3A_322 : vector<16xf32>
        tpu.vector_store_idx %arg14[%get3A_281], %max3A_324 : memref<4096xf32, #tpu.memory_space<vmem>>[vector<16xi32>], vector<16xf32>,
        %gather3A_325 = tpu.vector_load_idx %arg10[%get3A_289] : memref<4096xf32, #tpu.memory_space<vmem>>[vector<16xi32>], vector<16xf32>,
        %mul3A_326 = arith.mulf %get3A_297, %gather3A_49 : vector<16xf32>
        %add3A_327 = arith.addf %gather3A_325, %mul3A_326 : vector<16xf32>
        %gather3A_328 = tpu.vector_load_idx %arg14[%get3A_293] : memref<4096xf32, #tpu.memory_space<vmem>>[vector<16xi32>], vector<16xf32>,
        %max3A_329 = arith.maximumf %gather3A_328, %add3A_327 : vector<16xf32>
        tpu.vector_store_idx %arg14[%get3A_293], %max3A_329 : memref<4096xf32, #tpu.memory_space<vmem>>[vector<16xi32>], vector<16xf32>,
        %gather3A_330 = tpu.vector_load_idx %arg11[%get3A_277] : memref<4096xf32, #tpu.memory_space<vmem>>[vector<16xi32>], vector<16xf32>,
        %mul3A_331 = arith.mulf %get3A_285, %gather3A_53 : vector<16xf32>
        %add3A_332 = arith.addf %gather3A_330, %mul3A_331 : vector<16xf32>
        %gather3A_333 = tpu.vector_load_idx %arg15[%get3A_281] : memref<4096xf32, #tpu.memory_space<vmem>>[vector<16xi32>], vector<16xf32>,
        %max3A_334 = arith.maximumf %gather3A_333, %add3A_332 : vector<16xf32>
        tpu.vector_store_idx %arg15[%get3A_281], %max3A_334 : memref<4096xf32, #tpu.memory_space<vmem>>[vector<16xi32>], vector<16xf32>,
        %gather3A_335 = tpu.vector_load_idx %arg11[%get3A_289] : memref<4096xf32, #tpu.memory_space<vmem>>[vector<16xi32>], vector<16xf32>,
        %mul3A_336 = arith.mulf %get3A_297, %gather3A_53 : vector<16xf32>
        %add3A_337 = arith.addf %gather3A_335, %mul3A_336 : vector<16xf32>
        %gather3A_338 = tpu.vector_load_idx %arg15[%get3A_293] : memref<4096xf32, #tpu.memory_space<vmem>>[vector<16xi32>], vector<16xf32>,
        %max3A_339 = arith.maximumf %gather3A_338, %add3A_337 : vector<16xf32>
        tpu.vector_store_idx %arg15[%get3A_293], %max3A_339 : memref<4096xf32, #tpu.memory_space<vmem>>[vector<16xi32>], vector<16xf32>,
        %all_reduce_population_count3A = tpu.all_reduce %or3A {dim = 0 : i64, kind = #tpu.reduction_kind<sum>} : vector<16xi1> -> vector<16xi32>
        %gt3A = arith.constant 0 : i32
        %gt3A_340 = vector.broadcast %gt3A : i32 to vector<16xi32>
        %gt3A_341 = arith.cmpi sgt, %all_reduce_population_count3A, %gt3A_340 : vector<16xi32>
        %broadcast_in_dim3A_342 = vector.broadcast %scan3A_267 : i32 to vector<16xi32>
        %and3A = arith.andi %gt3A_341, %eq3A_58 : vector<16xi1>
        tpu.vector_store_idx %arg18[%scan3A_268], %broadcast_in_dim3A_342 masked %and3A : memref<128xi32, #tpu.memory_space<vmem>>[vector<16xi32>], vector<16xi32>, vector<16xi1>
        %jit3A = arith.constant 1 : i32
        %jit3A_343 = arith.constant 0 : i32
        %broadcast_in_dim3A_344 = vector.broadcast %jit3A : i32 to vector<16xi32>
        %broadcast_in_dim3A_345 = vector.broadcast %jit3A_343 : i32 to vector<16xi32>
        %select_n3A = arith.select %gt3A_341, %broadcast_in_dim3A_344, %broadcast_in_dim3A_345 : vector<16xi1>, vector<16xi32>
        %add3A_346 = arith.addi %scan3A_268, %select_n3A : vector<16xi32>
        scf.yield %add3A_346 : vector<16xi32>
      }
      %scan3A_245 = arith.constant 64 : i32
      %reduce_max3A_246 = arith.constant true
      %reduce_max3A_247 = vector.broadcast %reduce_max3A_246 : i1 to vector<16xi1>
      %reduce_max3A_248 = arith.constant -2147483648 : i32
      %reduce_max3A_249 = vector.broadcast %reduce_max3A_248 : i32 to vector<16xi32>
      %reduce_max3A_250 = arith.xori %scan3A_244, %reduce_max3A_249 : vector<16xi32>
      %reduce_max3A_251 = tpu.scan <max>, %reduce_max3A_250 masked %reduce_max3A_247 : vector<16xi32>, vector<16xi1> -> vector<16xi32>
      %reduce_max3A_252 = arith.xori %reduce_max3A_251, %reduce_max3A_249 : vector<16xi32>
      %reduce_max3A_253 = vector.extract %reduce_max3A_252[15] : i32 from vector<16xi32>
      %while3A_254 = arith.constant 0 : i32
      %while3A_255 = arith.constant 0 : i32
      %while3A_256 = arith.subi %reduce_max3A_253, %while3A_254 : i32
      %while3A_257 = arith.addi %while3A_254, %while3A_256 : i32
      %while3A_258 = arith.constant 1 : i32
      %while3A_259 = arith.divsi %while3A_256, %while3A_258 : i32
      %while3A_260 = arith.muli %while3A_259, %while3A_258 : i32
      %while3A_261 = arith.addi %while3A_254, %while3A_260 : i32
      %while3A_262 = arith.constant 1 : i32
      %while3A_263 = scf.for %while3A_267 = %while3A_254 to %while3A_261 step %while3A_262 iter_args(%while3A_268 = %while3A_255) -> (i32)  : i32 {
        %broadcast_in_dim3A_269 = vector.broadcast %while3A_267 : i32 to vector<16xi32>
        %gather3A_270 = tpu.vector_load_idx %arg18[%broadcast_in_dim3A_269] : memref<128xi32, #tpu.memory_space<vmem>>[vector<16xi32>], vector<16xi32>,
        %reduce_max3A_271 = arith.constant true
        %reduce_max3A_272 = vector.broadcast %reduce_max3A_271 : i1 to vector<16xi1>
        %reduce_max3A_273 = arith.constant -2147483648 : i32
        %reduce_max3A_274 = vector.broadcast %reduce_max3A_273 : i32 to vector<16xi32>
        %reduce_max3A_275 = arith.xori %gather3A_270, %reduce_max3A_274 : vector<16xi32>
        %reduce_max3A_276 = tpu.scan <max>, %reduce_max3A_275 masked %reduce_max3A_272 : vector<16xi32>, vector<16xi1> -> vector<16xi32>
        %reduce_max3A_277 = arith.xori %reduce_max3A_276, %reduce_max3A_274 : vector<16xi32>
        %reduce_max3A_278 = vector.extract %reduce_max3A_277[15] : i32 from vector<16xi32>
        %mul3A_279 = arith.constant 32 : i32
        %mul3A_280 = arith.muli %reduce_max3A_278, %mul3A_279 : i32
        %add3A_281 = arith.constant 0 : i32
        %add3A_282 = arith.addi %mul3A_280, %add3A_281 : i32
        %get3A = arith.constant 1 : i32
        %get3A_283 = arith.index_cast %get3A : i32 to index
        %get3A_284 = arith.index_cast %add3A_282 : i32 to index
        %get3A_285 = tpu.vector_load %arg19[%get3A_283, %get3A_284] {strides = array<i32>} : memref<2x2048xi32, #tpu.memory_space<vmem>>, vector<16xi32>,
        %get3A_286 = arith.constant 1 : i32
        %get3A_287 = arith.index_cast %get3A_286 : i32 to index
        %get3A_288 = arith.index_cast %add3A_282 : i32 to index
        %get3A_289 = tpu.vector_load %arg20[%get3A_287, %get3A_288] {strides = array<i32>} : memref<2x2048xi32, #tpu.memory_space<vmem>>, vector<16xi32>,
        %get3A_290 = arith.constant 1 : i32
        %get3A_291 = arith.index_cast %get3A_290 : i32 to index
        %get3A_292 = arith.index_cast %add3A_282 : i32 to index
        %get3A_293 = tpu.vector_load %arg21[%get3A_291, %get3A_292] {strides = array<i32>} : memref<2x2048xf32, #tpu.memory_space<vmem>>, vector<16xf32>,
        %gather3A_294 = tpu.vector_load_idx %arg8[%get3A_285] : memref<4096xf32, #tpu.memory_space<vmem>>[vector<16xi32>], vector<16xf32>,
        %mul3A_295 = arith.mulf %get3A_293, %gather3A : vector<16xf32>
        %add3A_296 = arith.addf %gather3A_294, %mul3A_295 : vector<16xf32>
        %gather3A_297 = tpu.vector_load_idx %arg9[%get3A_285] : memref<4096xf32, #tpu.memory_space<vmem>>[vector<16xi32>], vector<16xf32>,
        %mul3A_298 = arith.mulf %get3A_293, %gather3A_45 : vector<16xf32>
        %add3A_299 = arith.addf %gather3A_297, %mul3A_298 : vector<16xf32>
        %gather3A_300 = tpu.vector_load_idx %arg10[%get3A_285] : memref<4096xf32, #tpu.memory_space<vmem>>[vector<16xi32>], vector<16xf32>,
        %mul3A_301 = arith.mulf %get3A_293, %gather3A_49 : vector<16xf32>
        %add3A_302 = arith.addf %gather3A_300, %mul3A_301 : vector<16xf32>
        %gather3A_303 = tpu.vector_load_idx %arg11[%get3A_285] : memref<4096xf32, #tpu.memory_space<vmem>>[vector<16xi32>], vector<16xf32>,
        %mul3A_304 = arith.mulf %get3A_293, %gather3A_53 : vector<16xf32>
        %add3A_305 = arith.addf %gather3A_303, %mul3A_304 : vector<16xf32>
        %broadcast_in_dim3A_306 = arith.constant true
        %broadcast_in_dim3A_307 = vector.broadcast %broadcast_in_dim3A_306 : i1 to vector<16xi1>
        %while3A_308:4 = scf.while (%while3A_341 = %broadcast_in_dim3A_307, %while3A_342 = %broadcast_in_dim3A_307, %while3A_343 = %broadcast_in_dim3A_307, %while3A_344 = %broadcast_in_dim3A_307) : (vector<16xi1>, vector<16xi1>, vector<16xi1>, vector<16xi1>) -> (vector<16xi1>, vector<16xi1>, vector<16xi1>, vector<16xi1>) {
          %or3A = arith.ori %while3A_341, %while3A_342 : vector<16xi1>
          %or3A_345 = arith.ori %while3A_343, %while3A_344 : vector<16xi1>
          %or3A_346 = arith.ori %or3A, %or3A_345 : vector<16xi1>
          %convert_element_type3A_347 = arith.extui %or3A_346 : vector<16xi1> to vector<16xi32>
          %reduce_sum3A = arith.constant true
          %reduce_sum3A_348 = vector.broadcast %reduce_sum3A : i1 to vector<16xi1>
          %reduce_sum3A_349 = tpu.scan <sum>, %convert_element_type3A_347 masked %reduce_sum3A_348 : vector<16xi32>, vector<16xi1> -> vector<16xi32>
          %reduce_sum3A_350 = vector.extract %reduce_sum3A_349[15] : i32 from vector<16xi32>
          %gt3A = arith.constant 0 : i32
          %gt3A_351 = arith.cmpi sgt, %reduce_sum3A_350, %gt3A : i32
          scf.condition(%gt3A_351) %while3A_341, %while3A_342, %while3A_343, %while3A_344 : vector<16xi1>, vector<16xi1>, vector<16xi1>, vector<16xi1>
        } do {
        ^bb0(%while3A_341: vector<16xi1>, %while3A_342: vector<16xi1>, %while3A_343: vector<16xi1>, %while3A_344: vector<16xi1>):
          %gather3A_345 = tpu.vector_load_idx %arg12[%get3A_289] : memref<4096xf32, #tpu.memory_space<vmem>>[vector<16xi32>], vector<16xf32>,
          %max3A = arith.maximumf %gather3A_345, %add3A_296 : vector<16xf32>
          tpu.vector_store_idx %arg12[%get3A_289], %max3A masked %while3A_341 : memref<4096xf32, #tpu.memory_space<vmem>>[vector<16xi32>], vector<16xf32>, vector<16xi1>
          %gather3A_346 = tpu.vector_load_idx %arg12[%get3A_289] : memref<4096xf32, #tpu.memory_space<vmem>>[vector<16xi32>], vector<16xf32>,
          %lt3A_347 = arith.cmpf olt, %gather3A_346, %add3A_296 : vector<16xf32>
          %gather3A_348 = tpu.vector_load_idx %arg13[%get3A_289] : memref<4096xf32, #tpu.memory_space<vmem>>[vector<16xi32>], vector<16xf32>,
          %max3A_349 = arith.maximumf %gather3A_348, %add3A_299 : vector<16xf32>
          tpu.vector_store_idx %arg13[%get3A_289], %max3A_349 masked %while3A_342 : memref<4096xf32, #tpu.memory_space<vmem>>[vector<16xi32>], vector<16xf32>, vector<16xi1>
          %gather3A_350 = tpu.vector_load_idx %arg13[%get3A_289] : memref<4096xf32, #tpu.memory_space<vmem>>[vector<16xi32>], vector<16xf32>,
          %lt3A_351 = arith.cmpf olt, %gather3A_350, %add3A_299 : vector<16xf32>
          %gather3A_352 = tpu.vector_load_idx %arg14[%get3A_289] : memref<4096xf32, #tpu.memory_space<vmem>>[vector<16xi32>], vector<16xf32>,
          %max3A_353 = arith.maximumf %gather3A_352, %add3A_302 : vector<16xf32>
          tpu.vector_store_idx %arg14[%get3A_289], %max3A_353 masked %while3A_343 : memref<4096xf32, #tpu.memory_space<vmem>>[vector<16xi32>], vector<16xf32>, vector<16xi1>
          %gather3A_354 = tpu.vector_load_idx %arg14[%get3A_289] : memref<4096xf32, #tpu.memory_space<vmem>>[vector<16xi32>], vector<16xf32>,
          %lt3A_355 = arith.cmpf olt, %gather3A_354, %add3A_302 : vector<16xf32>
          %gather3A_356 = tpu.vector_load_idx %arg15[%get3A_289] : memref<4096xf32, #tpu.memory_space<vmem>>[vector<16xi32>], vector<16xf32>,
          %max3A_357 = arith.maximumf %gather3A_356, %add3A_305 : vector<16xf32>
          tpu.vector_store_idx %arg15[%get3A_289], %max3A_357 masked %while3A_344 : memref<4096xf32, #tpu.memory_space<vmem>>[vector<16xi32>], vector<16xf32>, vector<16xi1>
          %gather3A_358 = tpu.vector_load_idx %arg15[%get3A_289] : memref<4096xf32, #tpu.memory_space<vmem>>[vector<16xi32>], vector<16xf32>,
          %lt3A_359 = arith.cmpf olt, %gather3A_358, %add3A_305 : vector<16xf32>
          scf.yield %lt3A_347, %lt3A_351, %lt3A_355, %lt3A_359 : vector<16xi1>, vector<16xi1>, vector<16xi1>, vector<16xi1>
        }
        %mul3A_309 = arith.constant 32 : i32
        %mul3A_310 = arith.muli %reduce_max3A_278, %mul3A_309 : i32
        %add3A_311 = arith.constant 16 : i32
        %add3A_312 = arith.addi %mul3A_310, %add3A_311 : i32
        %get3A_313 = arith.constant 1 : i32
        %get3A_314 = arith.index_cast %get3A_313 : i32 to index
        %get3A_315 = arith.index_cast %add3A_312 : i32 to index
        %get3A_316 = tpu.vector_load %arg19[%get3A_314, %get3A_315] {strides = array<i32>} : memref<2x2048xi32, #tpu.memory_space<vmem>>, vector<16xi32>,
        %get3A_317 = arith.constant 1 : i32
        %get3A_318 = arith.index_cast %get3A_317 : i32 to index
        %get3A_319 = arith.index_cast %add3A_312 : i32 to index
        %get3A_320 = tpu.vector_load %arg20[%get3A_318, %get3A_319] {strides = array<i32>} : memref<2x2048xi32, #tpu.memory_space<vmem>>, vector<16xi32>,
        %get3A_321 = arith.constant 1 : i32
        %get3A_322 = arith.index_cast %get3A_321 : i32 to index
        %get3A_323 = arith.index_cast %add3A_312 : i32 to index
        %get3A_324 = tpu.vector_load %arg21[%get3A_322, %get3A_323] {strides = array<i32>} : memref<2x2048xf32, #tpu.memory_space<vmem>>, vector<16xf32>,
        %gather3A_325 = tpu.vector_load_idx %arg8[%get3A_316] : memref<4096xf32, #tpu.memory_space<vmem>>[vector<16xi32>], vector<16xf32>,
        %mul3A_326 = arith.mulf %get3A_324, %gather3A : vector<16xf32>
        %add3A_327 = arith.addf %gather3A_325, %mul3A_326 : vector<16xf32>
        %gather3A_328 = tpu.vector_load_idx %arg9[%get3A_316] : memref<4096xf32, #tpu.memory_space<vmem>>[vector<16xi32>], vector<16xf32>,
        %mul3A_329 = arith.mulf %get3A_324, %gather3A_45 : vector<16xf32>
        %add3A_330 = arith.addf %gather3A_328, %mul3A_329 : vector<16xf32>
        %gather3A_331 = tpu.vector_load_idx %arg10[%get3A_316] : memref<4096xf32, #tpu.memory_space<vmem>>[vector<16xi32>], vector<16xf32>,
        %mul3A_332 = arith.mulf %get3A_324, %gather3A_49 : vector<16xf32>
        %add3A_333 = arith.addf %gather3A_331, %mul3A_332 : vector<16xf32>
        %gather3A_334 = tpu.vector_load_idx %arg11[%get3A_316] : memref<4096xf32, #tpu.memory_space<vmem>>[vector<16xi32>], vector<16xf32>,
        %mul3A_335 = arith.mulf %get3A_324, %gather3A_53 : vector<16xf32>
        %add3A_336 = arith.addf %gather3A_334, %mul3A_335 : vector<16xf32>
        %broadcast_in_dim3A_337 = arith.constant true
        %broadcast_in_dim3A_338 = vector.broadcast %broadcast_in_dim3A_337 : i1 to vector<16xi1>
        %while3A_339:4 = scf.while (%while3A_341 = %broadcast_in_dim3A_338, %while3A_342 = %broadcast_in_dim3A_338, %while3A_343 = %broadcast_in_dim3A_338, %while3A_344 = %broadcast_in_dim3A_338) : (vector<16xi1>, vector<16xi1>, vector<16xi1>, vector<16xi1>) -> (vector<16xi1>, vector<16xi1>, vector<16xi1>, vector<16xi1>) {
          %or3A = arith.ori %while3A_341, %while3A_342 : vector<16xi1>
          %or3A_345 = arith.ori %while3A_343, %while3A_344 : vector<16xi1>
          %or3A_346 = arith.ori %or3A, %or3A_345 : vector<16xi1>
          %convert_element_type3A_347 = arith.extui %or3A_346 : vector<16xi1> to vector<16xi32>
          %reduce_sum3A = arith.constant true
          %reduce_sum3A_348 = vector.broadcast %reduce_sum3A : i1 to vector<16xi1>
          %reduce_sum3A_349 = tpu.scan <sum>, %convert_element_type3A_347 masked %reduce_sum3A_348 : vector<16xi32>, vector<16xi1> -> vector<16xi32>
          %reduce_sum3A_350 = vector.extract %reduce_sum3A_349[15] : i32 from vector<16xi32>
          %gt3A = arith.constant 0 : i32
          %gt3A_351 = arith.cmpi sgt, %reduce_sum3A_350, %gt3A : i32
          scf.condition(%gt3A_351) %while3A_341, %while3A_342, %while3A_343, %while3A_344 : vector<16xi1>, vector<16xi1>, vector<16xi1>, vector<16xi1>
        } do {
        ^bb0(%while3A_341: vector<16xi1>, %while3A_342: vector<16xi1>, %while3A_343: vector<16xi1>, %while3A_344: vector<16xi1>):
          %gather3A_345 = tpu.vector_load_idx %arg12[%get3A_320] : memref<4096xf32, #tpu.memory_space<vmem>>[vector<16xi32>], vector<16xf32>,
          %max3A = arith.maximumf %gather3A_345, %add3A_327 : vector<16xf32>
          tpu.vector_store_idx %arg12[%get3A_320], %max3A masked %while3A_341 : memref<4096xf32, #tpu.memory_space<vmem>>[vector<16xi32>], vector<16xf32>, vector<16xi1>
          %gather3A_346 = tpu.vector_load_idx %arg12[%get3A_320] : memref<4096xf32, #tpu.memory_space<vmem>>[vector<16xi32>], vector<16xf32>,
          %lt3A_347 = arith.cmpf olt, %gather3A_346, %add3A_327 : vector<16xf32>
          %gather3A_348 = tpu.vector_load_idx %arg13[%get3A_320] : memref<4096xf32, #tpu.memory_space<vmem>>[vector<16xi32>], vector<16xf32>,
          %max3A_349 = arith.maximumf %gather3A_348, %add3A_330 : vector<16xf32>
          tpu.vector_store_idx %arg13[%get3A_320], %max3A_349 masked %while3A_342 : memref<4096xf32, #tpu.memory_space<vmem>>[vector<16xi32>], vector<16xf32>, vector<16xi1>
          %gather3A_350 = tpu.vector_load_idx %arg13[%get3A_320] : memref<4096xf32, #tpu.memory_space<vmem>>[vector<16xi32>], vector<16xf32>,
          %lt3A_351 = arith.cmpf olt, %gather3A_350, %add3A_330 : vector<16xf32>
          %gather3A_352 = tpu.vector_load_idx %arg14[%get3A_320] : memref<4096xf32, #tpu.memory_space<vmem>>[vector<16xi32>], vector<16xf32>,
          %max3A_353 = arith.maximumf %gather3A_352, %add3A_333 : vector<16xf32>
          tpu.vector_store_idx %arg14[%get3A_320], %max3A_353 masked %while3A_343 : memref<4096xf32, #tpu.memory_space<vmem>>[vector<16xi32>], vector<16xf32>, vector<16xi1>
          %gather3A_354 = tpu.vector_load_idx %arg14[%get3A_320] : memref<4096xf32, #tpu.memory_space<vmem>>[vector<16xi32>], vector<16xf32>,
          %lt3A_355 = arith.cmpf olt, %gather3A_354, %add3A_333 : vector<16xf32>
          %gather3A_356 = tpu.vector_load_idx %arg15[%get3A_320] : memref<4096xf32, #tpu.memory_space<vmem>>[vector<16xi32>], vector<16xf32>,
          %max3A_357 = arith.maximumf %gather3A_356, %add3A_336 : vector<16xf32>
          tpu.vector_store_idx %arg15[%get3A_320], %max3A_357 masked %while3A_344 : memref<4096xf32, #tpu.memory_space<vmem>>[vector<16xi32>], vector<16xf32>, vector<16xi1>
          %gather3A_358 = tpu.vector_load_idx %arg15[%get3A_320] : memref<4096xf32, #tpu.memory_space<vmem>>[vector<16xi32>], vector<16xf32>,
          %lt3A_359 = arith.cmpf olt, %gather3A_358, %add3A_336 : vector<16xf32>
          scf.yield %lt3A_347, %lt3A_351, %lt3A_355, %lt3A_359 : vector<16xi1>, vector<16xi1>, vector<16xi1>, vector<16xi1>
        }
        %while3A_340 = arith.constant 0 : i32
        scf.yield %while3A_340 : i32
      }
      %while3A_264 = arith.constant 1 : i32
      %while3A_265 = scf.for %while3A_267 = %while3A_261 to %while3A_257 step %while3A_264 iter_args(%while3A_268 = %while3A_263) -> (i32)  : i32 {
        %broadcast_in_dim3A_269 = vector.broadcast %while3A_267 : i32 to vector<16xi32>
        %gather3A_270 = tpu.vector_load_idx %arg18[%broadcast_in_dim3A_269] : memref<128xi32, #tpu.memory_space<vmem>>[vector<16xi32>], vector<16xi32>,
        %reduce_max3A_271 = arith.constant true
        %reduce_max3A_272 = vector.broadcast %reduce_max3A_271 : i1 to vector<16xi1>
        %reduce_max3A_273 = arith.constant -2147483648 : i32
        %reduce_max3A_274 = vector.broadcast %reduce_max3A_273 : i32 to vector<16xi32>
        %reduce_max3A_275 = arith.xori %gather3A_270, %reduce_max3A_274 : vector<16xi32>
        %reduce_max3A_276 = tpu.scan <max>, %reduce_max3A_275 masked %reduce_max3A_272 : vector<16xi32>, vector<16xi1> -> vector<16xi32>
        %reduce_max3A_277 = arith.xori %reduce_max3A_276, %reduce_max3A_274 : vector<16xi32>
        %reduce_max3A_278 = vector.extract %reduce_max3A_277[15] : i32 from vector<16xi32>
        %mul3A_279 = arith.constant 32 : i32
        %mul3A_280 = arith.muli %reduce_max3A_278, %mul3A_279 : i32
        %add3A_281 = arith.constant 0 : i32
        %add3A_282 = arith.addi %mul3A_280, %add3A_281 : i32
        %get3A = arith.constant 1 : i32
        %get3A_283 = arith.index_cast %get3A : i32 to index
        %get3A_284 = arith.index_cast %add3A_282 : i32 to index
        %get3A_285 = tpu.vector_load %arg19[%get3A_283, %get3A_284] {strides = array<i32>} : memref<2x2048xi32, #tpu.memory_space<vmem>>, vector<16xi32>,
        %get3A_286 = arith.constant 1 : i32
        %get3A_287 = arith.index_cast %get3A_286 : i32 to index
        %get3A_288 = arith.index_cast %add3A_282 : i32 to index
        %get3A_289 = tpu.vector_load %arg20[%get3A_287, %get3A_288] {strides = array<i32>} : memref<2x2048xi32, #tpu.memory_space<vmem>>, vector<16xi32>,
        %get3A_290 = arith.constant 1 : i32
        %get3A_291 = arith.index_cast %get3A_290 : i32 to index
        %get3A_292 = arith.index_cast %add3A_282 : i32 to index
        %get3A_293 = tpu.vector_load %arg21[%get3A_291, %get3A_292] {strides = array<i32>} : memref<2x2048xf32, #tpu.memory_space<vmem>>, vector<16xf32>,
        %gather3A_294 = tpu.vector_load_idx %arg8[%get3A_285] : memref<4096xf32, #tpu.memory_space<vmem>>[vector<16xi32>], vector<16xf32>,
        %mul3A_295 = arith.mulf %get3A_293, %gather3A : vector<16xf32>
        %add3A_296 = arith.addf %gather3A_294, %mul3A_295 : vector<16xf32>
        %gather3A_297 = tpu.vector_load_idx %arg9[%get3A_285] : memref<4096xf32, #tpu.memory_space<vmem>>[vector<16xi32>], vector<16xf32>,
        %mul3A_298 = arith.mulf %get3A_293, %gather3A_45 : vector<16xf32>
        %add3A_299 = arith.addf %gather3A_297, %mul3A_298 : vector<16xf32>
        %gather3A_300 = tpu.vector_load_idx %arg10[%get3A_285] : memref<4096xf32, #tpu.memory_space<vmem>>[vector<16xi32>], vector<16xf32>,
        %mul3A_301 = arith.mulf %get3A_293, %gather3A_49 : vector<16xf32>
        %add3A_302 = arith.addf %gather3A_300, %mul3A_301 : vector<16xf32>
        %gather3A_303 = tpu.vector_load_idx %arg11[%get3A_285] : memref<4096xf32, #tpu.memory_space<vmem>>[vector<16xi32>], vector<16xf32>,
        %mul3A_304 = arith.mulf %get3A_293, %gather3A_53 : vector<16xf32>
        %add3A_305 = arith.addf %gather3A_303, %mul3A_304 : vector<16xf32>
        %broadcast_in_dim3A_306 = arith.constant true
        %broadcast_in_dim3A_307 = vector.broadcast %broadcast_in_dim3A_306 : i1 to vector<16xi1>
        %while3A_308:4 = scf.while (%while3A_341 = %broadcast_in_dim3A_307, %while3A_342 = %broadcast_in_dim3A_307, %while3A_343 = %broadcast_in_dim3A_307, %while3A_344 = %broadcast_in_dim3A_307) : (vector<16xi1>, vector<16xi1>, vector<16xi1>, vector<16xi1>) -> (vector<16xi1>, vector<16xi1>, vector<16xi1>, vector<16xi1>) {
          %or3A = arith.ori %while3A_341, %while3A_342 : vector<16xi1>
          %or3A_345 = arith.ori %while3A_343, %while3A_344 : vector<16xi1>
          %or3A_346 = arith.ori %or3A, %or3A_345 : vector<16xi1>
          %convert_element_type3A_347 = arith.extui %or3A_346 : vector<16xi1> to vector<16xi32>
          %reduce_sum3A = arith.constant true
          %reduce_sum3A_348 = vector.broadcast %reduce_sum3A : i1 to vector<16xi1>
          %reduce_sum3A_349 = tpu.scan <sum>, %convert_element_type3A_347 masked %reduce_sum3A_348 : vector<16xi32>, vector<16xi1> -> vector<16xi32>
          %reduce_sum3A_350 = vector.extract %reduce_sum3A_349[15] : i32 from vector<16xi32>
          %gt3A = arith.constant 0 : i32
          %gt3A_351 = arith.cmpi sgt, %reduce_sum3A_350, %gt3A : i32
          scf.condition(%gt3A_351) %while3A_341, %while3A_342, %while3A_343, %while3A_344 : vector<16xi1>, vector<16xi1>, vector<16xi1>, vector<16xi1>
        } do {
        ^bb0(%while3A_341: vector<16xi1>, %while3A_342: vector<16xi1>, %while3A_343: vector<16xi1>, %while3A_344: vector<16xi1>):
          %gather3A_345 = tpu.vector_load_idx %arg12[%get3A_289] : memref<4096xf32, #tpu.memory_space<vmem>>[vector<16xi32>], vector<16xf32>,
          %max3A = arith.maximumf %gather3A_345, %add3A_296 : vector<16xf32>
          tpu.vector_store_idx %arg12[%get3A_289], %max3A masked %while3A_341 : memref<4096xf32, #tpu.memory_space<vmem>>[vector<16xi32>], vector<16xf32>, vector<16xi1>
          %gather3A_346 = tpu.vector_load_idx %arg12[%get3A_289] : memref<4096xf32, #tpu.memory_space<vmem>>[vector<16xi32>], vector<16xf32>,
          %lt3A_347 = arith.cmpf olt, %gather3A_346, %add3A_296 : vector<16xf32>
          %gather3A_348 = tpu.vector_load_idx %arg13[%get3A_289] : memref<4096xf32, #tpu.memory_space<vmem>>[vector<16xi32>], vector<16xf32>,
          %max3A_349 = arith.maximumf %gather3A_348, %add3A_299 : vector<16xf32>
          tpu.vector_store_idx %arg13[%get3A_289], %max3A_349 masked %while3A_342 : memref<4096xf32, #tpu.memory_space<vmem>>[vector<16xi32>], vector<16xf32>, vector<16xi1>
          %gather3A_350 = tpu.vector_load_idx %arg13[%get3A_289] : memref<4096xf32, #tpu.memory_space<vmem>>[vector<16xi32>], vector<16xf32>,
          %lt3A_351 = arith.cmpf olt, %gather3A_350, %add3A_299 : vector<16xf32>
          %gather3A_352 = tpu.vector_load_idx %arg14[%get3A_289] : memref<4096xf32, #tpu.memory_space<vmem>>[vector<16xi32>], vector<16xf32>,
          %max3A_353 = arith.maximumf %gather3A_352, %add3A_302 : vector<16xf32>
          tpu.vector_store_idx %arg14[%get3A_289], %max3A_353 masked %while3A_343 : memref<4096xf32, #tpu.memory_space<vmem>>[vector<16xi32>], vector<16xf32>, vector<16xi1>
          %gather3A_354 = tpu.vector_load_idx %arg14[%get3A_289] : memref<4096xf32, #tpu.memory_space<vmem>>[vector<16xi32>], vector<16xf32>,
          %lt3A_355 = arith.cmpf olt, %gather3A_354, %add3A_302 : vector<16xf32>
          %gather3A_356 = tpu.vector_load_idx %arg15[%get3A_289] : memref<4096xf32, #tpu.memory_space<vmem>>[vector<16xi32>], vector<16xf32>,
          %max3A_357 = arith.maximumf %gather3A_356, %add3A_305 : vector<16xf32>
          tpu.vector_store_idx %arg15[%get3A_289], %max3A_357 masked %while3A_344 : memref<4096xf32, #tpu.memory_space<vmem>>[vector<16xi32>], vector<16xf32>, vector<16xi1>
          %gather3A_358 = tpu.vector_load_idx %arg15[%get3A_289] : memref<4096xf32, #tpu.memory_space<vmem>>[vector<16xi32>], vector<16xf32>,
          %lt3A_359 = arith.cmpf olt, %gather3A_358, %add3A_305 : vector<16xf32>
          scf.yield %lt3A_347, %lt3A_351, %lt3A_355, %lt3A_359 : vector<16xi1>, vector<16xi1>, vector<16xi1>, vector<16xi1>
        }
        %mul3A_309 = arith.constant 32 : i32
        %mul3A_310 = arith.muli %reduce_max3A_278, %mul3A_309 : i32
        %add3A_311 = arith.constant 16 : i32
        %add3A_312 = arith.addi %mul3A_310, %add3A_311 : i32
        %get3A_313 = arith.constant 1 : i32
        %get3A_314 = arith.index_cast %get3A_313 : i32 to index
        %get3A_315 = arith.index_cast %add3A_312 : i32 to index
        %get3A_316 = tpu.vector_load %arg19[%get3A_314, %get3A_315] {strides = array<i32>} : memref<2x2048xi32, #tpu.memory_space<vmem>>, vector<16xi32>,
        %get3A_317 = arith.constant 1 : i32
        %get3A_318 = arith.index_cast %get3A_317 : i32 to index
        %get3A_319 = arith.index_cast %add3A_312 : i32 to index
        %get3A_320 = tpu.vector_load %arg20[%get3A_318, %get3A_319] {strides = array<i32>} : memref<2x2048xi32, #tpu.memory_space<vmem>>, vector<16xi32>,
        %get3A_321 = arith.constant 1 : i32
        %get3A_322 = arith.index_cast %get3A_321 : i32 to index
        %get3A_323 = arith.index_cast %add3A_312 : i32 to index
        %get3A_324 = tpu.vector_load %arg21[%get3A_322, %get3A_323] {strides = array<i32>} : memref<2x2048xf32, #tpu.memory_space<vmem>>, vector<16xf32>,
        %gather3A_325 = tpu.vector_load_idx %arg8[%get3A_316] : memref<4096xf32, #tpu.memory_space<vmem>>[vector<16xi32>], vector<16xf32>,
        %mul3A_326 = arith.mulf %get3A_324, %gather3A : vector<16xf32>
        %add3A_327 = arith.addf %gather3A_325, %mul3A_326 : vector<16xf32>
        %gather3A_328 = tpu.vector_load_idx %arg9[%get3A_316] : memref<4096xf32, #tpu.memory_space<vmem>>[vector<16xi32>], vector<16xf32>,
        %mul3A_329 = arith.mulf %get3A_324, %gather3A_45 : vector<16xf32>
        %add3A_330 = arith.addf %gather3A_328, %mul3A_329 : vector<16xf32>
        %gather3A_331 = tpu.vector_load_idx %arg10[%get3A_316] : memref<4096xf32, #tpu.memory_space<vmem>>[vector<16xi32>], vector<16xf32>,
        %mul3A_332 = arith.mulf %get3A_324, %gather3A_49 : vector<16xf32>
        %add3A_333 = arith.addf %gather3A_331, %mul3A_332 : vector<16xf32>
        %gather3A_334 = tpu.vector_load_idx %arg11[%get3A_316] : memref<4096xf32, #tpu.memory_space<vmem>>[vector<16xi32>], vector<16xf32>,
        %mul3A_335 = arith.mulf %get3A_324, %gather3A_53 : vector<16xf32>
        %add3A_336 = arith.addf %gather3A_334, %mul3A_335 : vector<16xf32>
        %broadcast_in_dim3A_337 = arith.constant true
        %broadcast_in_dim3A_338 = vector.broadcast %broadcast_in_dim3A_337 : i1 to vector<16xi1>
        %while3A_339:4 = scf.while (%while3A_341 = %broadcast_in_dim3A_338, %while3A_342 = %broadcast_in_dim3A_338, %while3A_343 = %broadcast_in_dim3A_338, %while3A_344 = %broadcast_in_dim3A_338) : (vector<16xi1>, vector<16xi1>, vector<16xi1>, vector<16xi1>) -> (vector<16xi1>, vector<16xi1>, vector<16xi1>, vector<16xi1>) {
          %or3A = arith.ori %while3A_341, %while3A_342 : vector<16xi1>
          %or3A_345 = arith.ori %while3A_343, %while3A_344 : vector<16xi1>
          %or3A_346 = arith.ori %or3A, %or3A_345 : vector<16xi1>
          %convert_element_type3A_347 = arith.extui %or3A_346 : vector<16xi1> to vector<16xi32>
          %reduce_sum3A = arith.constant true
          %reduce_sum3A_348 = vector.broadcast %reduce_sum3A : i1 to vector<16xi1>
          %reduce_sum3A_349 = tpu.scan <sum>, %convert_element_type3A_347 masked %reduce_sum3A_348 : vector<16xi32>, vector<16xi1> -> vector<16xi32>
          %reduce_sum3A_350 = vector.extract %reduce_sum3A_349[15] : i32 from vector<16xi32>
          %gt3A = arith.constant 0 : i32
          %gt3A_351 = arith.cmpi sgt, %reduce_sum3A_350, %gt3A : i32
          scf.condition(%gt3A_351) %while3A_341, %while3A_342, %while3A_343, %while3A_344 : vector<16xi1>, vector<16xi1>, vector<16xi1>, vector<16xi1>
        } do {
        ^bb0(%while3A_341: vector<16xi1>, %while3A_342: vector<16xi1>, %while3A_343: vector<16xi1>, %while3A_344: vector<16xi1>):
          %gather3A_345 = tpu.vector_load_idx %arg12[%get3A_320] : memref<4096xf32, #tpu.memory_space<vmem>>[vector<16xi32>], vector<16xf32>,
          %max3A = arith.maximumf %gather3A_345, %add3A_327 : vector<16xf32>
          tpu.vector_store_idx %arg12[%get3A_320], %max3A masked %while3A_341 : memref<4096xf32, #tpu.memory_space<vmem>>[vector<16xi32>], vector<16xf32>, vector<16xi1>
          %gather3A_346 = tpu.vector_load_idx %arg12[%get3A_320] : memref<4096xf32, #tpu.memory_space<vmem>>[vector<16xi32>], vector<16xf32>,
          %lt3A_347 = arith.cmpf olt, %gather3A_346, %add3A_327 : vector<16xf32>
          %gather3A_348 = tpu.vector_load_idx %arg13[%get3A_320] : memref<4096xf32, #tpu.memory_space<vmem>>[vector<16xi32>], vector<16xf32>,
          %max3A_349 = arith.maximumf %gather3A_348, %add3A_330 : vector<16xf32>
          tpu.vector_store_idx %arg13[%get3A_320], %max3A_349 masked %while3A_342 : memref<4096xf32, #tpu.memory_space<vmem>>[vector<16xi32>], vector<16xf32>, vector<16xi1>
          %gather3A_350 = tpu.vector_load_idx %arg13[%get3A_320] : memref<4096xf32, #tpu.memory_space<vmem>>[vector<16xi32>], vector<16xf32>,
          %lt3A_351 = arith.cmpf olt, %gather3A_350, %add3A_330 : vector<16xf32>
          %gather3A_352 = tpu.vector_load_idx %arg14[%get3A_320] : memref<4096xf32, #tpu.memory_space<vmem>>[vector<16xi32>], vector<16xf32>,
          %max3A_353 = arith.maximumf %gather3A_352, %add3A_333 : vector<16xf32>
          tpu.vector_store_idx %arg14[%get3A_320], %max3A_353 masked %while3A_343 : memref<4096xf32, #tpu.memory_space<vmem>>[vector<16xi32>], vector<16xf32>, vector<16xi1>
          %gather3A_354 = tpu.vector_load_idx %arg14[%get3A_320] : memref<4096xf32, #tpu.memory_space<vmem>>[vector<16xi32>], vector<16xf32>,
          %lt3A_355 = arith.cmpf olt, %gather3A_354, %add3A_333 : vector<16xf32>
          %gather3A_356 = tpu.vector_load_idx %arg15[%get3A_320] : memref<4096xf32, #tpu.memory_space<vmem>>[vector<16xi32>], vector<16xf32>,
          %max3A_357 = arith.maximumf %gather3A_356, %add3A_336 : vector<16xf32>
          tpu.vector_store_idx %arg15[%get3A_320], %max3A_357 masked %while3A_344 : memref<4096xf32, #tpu.memory_space<vmem>>[vector<16xi32>], vector<16xf32>, vector<16xi1>
          %gather3A_358 = tpu.vector_load_idx %arg15[%get3A_320] : memref<4096xf32, #tpu.memory_space<vmem>>[vector<16xi32>], vector<16xf32>,
          %lt3A_359 = arith.cmpf olt, %gather3A_358, %add3A_336 : vector<16xf32>
          scf.yield %lt3A_347, %lt3A_351, %lt3A_355, %lt3A_359 : vector<16xi1>, vector<16xi1>, vector<16xi1>, vector<16xi1>
        }
        %while3A_340 = arith.constant 0 : i32
        scf.yield %while3A_340 : i32
      }
      %scan3A_266 = arith.constant 0 : i32
      scf.yield %scan3A_266 : i32
    }
    %scan3A_97 = arith.constant 64 : i32
    %add3A_98 = arith.constant 0 : i32
    %add3A_99 = arith.addi %mul3A_2, %add3A_98 : i32
    "tpu.region"() ({
      %run_scoped3A = tpu.sem_alloc : memref<!tpu.dma_semaphore, #tpu.memory_space<semaphore_mem>>
      %dma_start3A_106 = arith.constant 0 : i32
      %dma_start3A_107 = tpu.memref_slice %arg7[%add3A_99, %dma_start3A_106] : memref<128x4096xf32, #tpu.memory_space<hbm>> -> memref<1x4096xf32, #tpu.memory_space<hbm>>
      %dma_start3A_108 = tpu.memref_squeeze %dma_start3A_107 : memref<1x4096xf32, #tpu.memory_space<hbm>> -> memref<4096xf32, #tpu.memory_space<hbm>>
      %dma_start3A_109 = arith.constant 0 : i32
      %dma_start3A_110 = tpu.memref_slice %arg7[%add3A_99, %dma_start3A_109] : memref<128x4096xf32, #tpu.memory_space<hbm>> -> memref<1x4096xf32, #tpu.memory_space<hbm>>
      %dma_start3A_111 = tpu.memref_squeeze %dma_start3A_110 : memref<1x4096xf32, #tpu.memory_space<hbm>> -> memref<4096xf32, #tpu.memory_space<hbm>>
      tpu.enqueue_dma source(%arg12 : memref<4096xf32, #tpu.memory_space<vmem>>) target(%dma_start3A_111 : memref<4096xf32, #tpu.memory_space<hbm>>) target_semaphore(%run_scoped3A : memref<!tpu.dma_semaphore, #tpu.memory_space<semaphore_mem>>)
      %dma_wait3A = arith.constant 0 : i32
      %dma_wait3A_112 = tpu.memref_slice %arg7[%add3A_99, %dma_wait3A] : memref<128x4096xf32, #tpu.memory_space<hbm>> -> memref<1x4096xf32, #tpu.memory_space<hbm>>
      %dma_wait3A_113 = tpu.memref_squeeze %dma_wait3A_112 : memref<1x4096xf32, #tpu.memory_space<hbm>> -> memref<4096xf32, #tpu.memory_space<hbm>>
      %dma_wait3A_114 = arith.constant 0 : i32
      %dma_wait3A_115 = tpu.memref_slice %arg7[%add3A_99, %dma_wait3A_114] : memref<128x4096xf32, #tpu.memory_space<hbm>> -> memref<1x4096xf32, #tpu.memory_space<hbm>>
      %dma_wait3A_116 = tpu.memref_squeeze %dma_wait3A_115 : memref<1x4096xf32, #tpu.memory_space<hbm>> -> memref<4096xf32, #tpu.memory_space<hbm>>
      tpu.wait_dma2 semaphore(%run_scoped3A : memref<!tpu.dma_semaphore, #tpu.memory_space<semaphore_mem>>) src(%arg12 : memref<4096xf32, #tpu.memory_space<vmem>>) dst(%dma_wait3A_116 : memref<4096xf32, #tpu.memory_space<hbm>>)
      tpu.yield
    }) : () -> ()
    %add3A_100 = arith.constant 1 : i32
    %add3A_101 = arith.addi %mul3A_2, %add3A_100 : i32
    "tpu.region"() ({
      %run_scoped3A = tpu.sem_alloc : memref<!tpu.dma_semaphore, #tpu.memory_space<semaphore_mem>>
      %dma_start3A_106 = arith.constant 0 : i32
      %dma_start3A_107 = tpu.memref_slice %arg7[%add3A_101, %dma_start3A_106] : memref<128x4096xf32, #tpu.memory_space<hbm>> -> memref<1x4096xf32, #tpu.memory_space<hbm>>
      %dma_start3A_108 = tpu.memref_squeeze %dma_start3A_107 : memref<1x4096xf32, #tpu.memory_space<hbm>> -> memref<4096xf32, #tpu.memory_space<hbm>>
      %dma_start3A_109 = arith.constant 0 : i32
      %dma_start3A_110 = tpu.memref_slice %arg7[%add3A_101, %dma_start3A_109] : memref<128x4096xf32, #tpu.memory_space<hbm>> -> memref<1x4096xf32, #tpu.memory_space<hbm>>
      %dma_start3A_111 = tpu.memref_squeeze %dma_start3A_110 : memref<1x4096xf32, #tpu.memory_space<hbm>> -> memref<4096xf32, #tpu.memory_space<hbm>>
      tpu.enqueue_dma source(%arg13 : memref<4096xf32, #tpu.memory_space<vmem>>) target(%dma_start3A_111 : memref<4096xf32, #tpu.memory_space<hbm>>) target_semaphore(%run_scoped3A : memref<!tpu.dma_semaphore, #tpu.memory_space<semaphore_mem>>)
      %dma_wait3A = arith.constant 0 : i32
      %dma_wait3A_112 = tpu.memref_slice %arg7[%add3A_101, %dma_wait3A] : memref<128x4096xf32, #tpu.memory_space<hbm>> -> memref<1x4096xf32, #tpu.memory_space<hbm>>
      %dma_wait3A_113 = tpu.memref_squeeze %dma_wait3A_112 : memref<1x4096xf32, #tpu.memory_space<hbm>> -> memref<4096xf32, #tpu.memory_space<hbm>>
      %dma_wait3A_114 = arith.constant 0 : i32
      %dma_wait3A_115 = tpu.memref_slice %arg7[%add3A_101, %dma_wait3A_114] : memref<128x4096xf32, #tpu.memory_space<hbm>> -> memref<1x4096xf32, #tpu.memory_space<hbm>>
      %dma_wait3A_116 = tpu.memref_squeeze %dma_wait3A_115 : memref<1x4096xf32, #tpu.memory_space<hbm>> -> memref<4096xf32, #tpu.memory_space<hbm>>
      tpu.wait_dma2 semaphore(%run_scoped3A : memref<!tpu.dma_semaphore, #tpu.memory_space<semaphore_mem>>) src(%arg13 : memref<4096xf32, #tpu.memory_space<vmem>>) dst(%dma_wait3A_116 : memref<4096xf32, #tpu.memory_space<hbm>>)
      tpu.yield
    }) : () -> ()
    %add3A_102 = arith.constant 2 : i32
    %add3A_103 = arith.addi %mul3A_2, %add3A_102 : i32
    "tpu.region"() ({
      %run_scoped3A = tpu.sem_alloc : memref<!tpu.dma_semaphore, #tpu.memory_space<semaphore_mem>>
      %dma_start3A_106 = arith.constant 0 : i32
      %dma_start3A_107 = tpu.memref_slice %arg7[%add3A_103, %dma_start3A_106] : memref<128x4096xf32, #tpu.memory_space<hbm>> -> memref<1x4096xf32, #tpu.memory_space<hbm>>
      %dma_start3A_108 = tpu.memref_squeeze %dma_start3A_107 : memref<1x4096xf32, #tpu.memory_space<hbm>> -> memref<4096xf32, #tpu.memory_space<hbm>>
      %dma_start3A_109 = arith.constant 0 : i32
      %dma_start3A_110 = tpu.memref_slice %arg7[%add3A_103, %dma_start3A_109] : memref<128x4096xf32, #tpu.memory_space<hbm>> -> memref<1x4096xf32, #tpu.memory_space<hbm>>
      %dma_start3A_111 = tpu.memref_squeeze %dma_start3A_110 : memref<1x4096xf32, #tpu.memory_space<hbm>> -> memref<4096xf32, #tpu.memory_space<hbm>>
      tpu.enqueue_dma source(%arg14 : memref<4096xf32, #tpu.memory_space<vmem>>) target(%dma_start3A_111 : memref<4096xf32, #tpu.memory_space<hbm>>) target_semaphore(%run_scoped3A : memref<!tpu.dma_semaphore, #tpu.memory_space<semaphore_mem>>)
      %dma_wait3A = arith.constant 0 : i32
      %dma_wait3A_112 = tpu.memref_slice %arg7[%add3A_103, %dma_wait3A] : memref<128x4096xf32, #tpu.memory_space<hbm>> -> memref<1x4096xf32, #tpu.memory_space<hbm>>
      %dma_wait3A_113 = tpu.memref_squeeze %dma_wait3A_112 : memref<1x4096xf32, #tpu.memory_space<hbm>> -> memref<4096xf32, #tpu.memory_space<hbm>>
      %dma_wait3A_114 = arith.constant 0 : i32
      %dma_wait3A_115 = tpu.memref_slice %arg7[%add3A_103, %dma_wait3A_114] : memref<128x4096xf32, #tpu.memory_space<hbm>> -> memref<1x4096xf32, #tpu.memory_space<hbm>>
      %dma_wait3A_116 = tpu.memref_squeeze %dma_wait3A_115 : memref<1x4096xf32, #tpu.memory_space<hbm>> -> memref<4096xf32, #tpu.memory_space<hbm>>
      tpu.wait_dma2 semaphore(%run_scoped3A : memref<!tpu.dma_semaphore, #tpu.memory_space<semaphore_mem>>) src(%arg14 : memref<4096xf32, #tpu.memory_space<vmem>>) dst(%dma_wait3A_116 : memref<4096xf32, #tpu.memory_space<hbm>>)
      tpu.yield
    }) : () -> ()
    %add3A_104 = arith.constant 3 : i32
    %add3A_105 = arith.addi %mul3A_2, %add3A_104 : i32
    "tpu.region"() ({
      %run_scoped3A = tpu.sem_alloc : memref<!tpu.dma_semaphore, #tpu.memory_space<semaphore_mem>>
      %dma_start3A_106 = arith.constant 0 : i32
      %dma_start3A_107 = tpu.memref_slice %arg7[%add3A_105, %dma_start3A_106] : memref<128x4096xf32, #tpu.memory_space<hbm>> -> memref<1x4096xf32, #tpu.memory_space<hbm>>
      %dma_start3A_108 = tpu.memref_squeeze %dma_start3A_107 : memref<1x4096xf32, #tpu.memory_space<hbm>> -> memref<4096xf32, #tpu.memory_space<hbm>>
      %dma_start3A_109 = arith.constant 0 : i32
      %dma_start3A_110 = tpu.memref_slice %arg7[%add3A_105, %dma_start3A_109] : memref<128x4096xf32, #tpu.memory_space<hbm>> -> memref<1x4096xf32, #tpu.memory_space<hbm>>
      %dma_start3A_111 = tpu.memref_squeeze %dma_start3A_110 : memref<1x4096xf32, #tpu.memory_space<hbm>> -> memref<4096xf32, #tpu.memory_space<hbm>>
      tpu.enqueue_dma source(%arg15 : memref<4096xf32, #tpu.memory_space<vmem>>) target(%dma_start3A_111 : memref<4096xf32, #tpu.memory_space<hbm>>) target_semaphore(%run_scoped3A : memref<!tpu.dma_semaphore, #tpu.memory_space<semaphore_mem>>)
      %dma_wait3A = arith.constant 0 : i32
      %dma_wait3A_112 = tpu.memref_slice %arg7[%add3A_105, %dma_wait3A] : memref<128x4096xf32, #tpu.memory_space<hbm>> -> memref<1x4096xf32, #tpu.memory_space<hbm>>
      %dma_wait3A_113 = tpu.memref_squeeze %dma_wait3A_112 : memref<1x4096xf32, #tpu.memory_space<hbm>> -> memref<4096xf32, #tpu.memory_space<hbm>>
      %dma_wait3A_114 = arith.constant 0 : i32
      %dma_wait3A_115 = tpu.memref_slice %arg7[%add3A_105, %dma_wait3A_114] : memref<128x4096xf32, #tpu.memory_space<hbm>> -> memref<1x4096xf32, #tpu.memory_space<hbm>>
      %dma_wait3A_116 = tpu.memref_squeeze %dma_wait3A_115 : memref<1x4096xf32, #tpu.memory_space<hbm>> -> memref<4096xf32, #tpu.memory_space<hbm>>
      tpu.wait_dma2 semaphore(%run_scoped3A : memref<!tpu.dma_semaphore, #tpu.memory_space<semaphore_mem>>) src(%arg15 : memref<4096xf32, #tpu.memory_space<vmem>>) dst(%dma_wait3A_116 : memref<4096xf32, #tpu.memory_space<hbm>>)
      tpu.yield
    }) : () -> ()
    return
  }
}

module attributes {stable_mosaic.version = 14 : i64} {
  func.func @_tc1_body(%arg0: i32, %arg1: memref<512x128xf32, #tpu.memory_space<vmem>>, %arg2: memref<512x128xf32, #tpu.memory_space<vmem>>, %arg3: memref<256x128xf32, #tpu.memory_space<vmem>>, %arg4: memref<128x256xf32, #tpu.memory_space<vmem>>, %arg5: memref<128xf32, #tpu.memory_space<vmem>>, %arg6: memref<128x257xf32, #tpu.memory_space<vmem>>, %arg7: memref<128xf32, #tpu.memory_space<vmem>>, %arg8: memref<1x257xf32, #tpu.memory_space<smem>>, %arg9: memref<1xf32, #tpu.memory_space<smem>>, %arg10: memref<512x128xf32, #tpu.memory_space<vmem>>, %arg11: memref<128x512xf32, #tpu.memory_space<vmem>>, %arg12: memref<512x128xf32, #tpu.memory_space<vmem>>, %arg13: memref<256x128xf32, #tpu.memory_space<vmem>>) attributes {dimension_semantics = [#tpu.dimension_semantics<arbitrary>], iteration_bounds = array<i64: 8>, scalar_prefetch = 0 : i64, scratch_operands = 0 : i64, tpu.core_type = #tpu.core_type<tc>, window_params = [{transform_indices = @transform_0, window_bounds = array<i64: 512, 128>}, {transform_indices = @transform_1, window_bounds = array<i64: 512, 128>}, {transform_indices = @transform_2, window_bounds = array<i64: 256, 128>}, {pipeline_mode = #tpu.pipeline_mode<synchronous>, transform_indices = @transform_3, window_bounds = array<i64: 128, 256>}, {pipeline_mode = #tpu.pipeline_mode<synchronous>, transform_indices = @transform_4, window_bounds = array<i64: 128>}, {pipeline_mode = #tpu.pipeline_mode<synchronous>, transform_indices = @transform_5, window_bounds = array<i64: 128, 257>}, {pipeline_mode = #tpu.pipeline_mode<synchronous>, transform_indices = @transform_6, window_bounds = array<i64: 128>}, {transform_indices = @transform_7, window_bounds = array<i64: 1, 257>}, {transform_indices = @transform_8, window_bounds = array<i64: 1>}, {transform_indices = @transform_9, window_bounds = array<i64: 512, 128>}, {transform_indices = @transform_10, window_bounds = array<i64: 128, 512>}, {transform_indices = @transform_11, window_bounds = array<i64: 512, 128>}, {transform_indices = @transform_12, window_bounds = array<i64: 256, 128>}]} {
    %get3A = arith.constant 0 : index
    %get3A_0 = arith.constant 0 : index
    %get3A_1 = vector.load %arg4[%get3A, %get3A_0] : memref<128x256xf32, #tpu.memory_space<vmem>>, vector<128x256xf32>
    %get3A_2 = arith.constant 0 : index
    %get3A_3 = arith.constant 0 : index
    %get3A_4 = vector.load %arg1[%get3A_2, %get3A_3] : memref<512x128xf32, #tpu.memory_space<vmem>>, vector<512x128xf32>
    %slice3A = vector.extract_strided_slice %get3A_1 {offsets = [0, 0], sizes = [128, 128], strides = [1, 1]} : vector<128x256xf32> to vector<128x128xf32>
    %dot_general3A = arith.constant dense<0.000000e+00> : vector<512x128xf32>
    %dot_general3A_5 = tpu.matmul %get3A_4, %slice3A, %dot_general3A {dimension_numbers = #tpu.dot_dimension_numbers<[1], [1], [0], [0], [0, 0, 1, 0], [], []>, transpose_lhs_hint = false} : vector<512x128xf32>, vector<128x128xf32>, vector<512x128xf32> -> vector<512x128xf32>
    %get3A_6 = arith.constant 0 : index
    %get3A_7 = arith.constant 0 : index
    %get3A_8 = vector.load %arg2[%get3A_6, %get3A_7] : memref<512x128xf32, #tpu.memory_space<vmem>>, vector<512x128xf32>
    %slice3A_9 = vector.extract_strided_slice %get3A_1 {offsets = [0, 128], sizes = [128, 128], strides = [1, 1]} : vector<128x256xf32> to vector<128x128xf32>
    %dot_general3A_10 = arith.constant dense<0.000000e+00> : vector<512x128xf32>
    %dot_general3A_11 = tpu.matmul %get3A_8, %slice3A_9, %dot_general3A_10 {dimension_numbers = #tpu.dot_dimension_numbers<[1], [1], [0], [0], [0, 0, 1, 0], [], []>, transpose_lhs_hint = false} : vector<512x128xf32>, vector<128x128xf32>, vector<512x128xf32> -> vector<512x128xf32>
    %add3A = arith.addf %dot_general3A_5, %dot_general3A_11 : vector<512x128xf32>
    %get3A_12 = arith.constant 0 : index
    %get3A_13 = vector.load %arg5[%get3A_12] : memref<128xf32, #tpu.memory_space<vmem>>, vector<128xf32>
    %broadcast_in_dim3A = vector.shape_cast %get3A_13 : vector<128xf32> to vector<1x128xf32>
    %add3A_14 = vector.broadcast %broadcast_in_dim3A : vector<1x128xf32> to vector<512x128xf32>
    %add3A_15 = arith.addf %add3A, %add3A_14 : vector<512x128xf32>
    %swap3A = arith.constant 0 : index
    %swap3A_16 = arith.constant 0 : index
    %swap3A_17 = vector.load %arg10[%swap3A, %swap3A_16] : memref<512x128xf32, #tpu.memory_space<vmem>>, vector<512x128xf32>
    tpu.vector_store %arg10[%swap3A, %swap3A_16], %add3A_15 {strides = array<i32>} : memref<512x128xf32, #tpu.memory_space<vmem>>, vector<512x128xf32>,
    %get3A_18 = arith.constant 0 : index
    %get3A_19 = arith.constant 0 : index
    %get3A_20 = vector.load %arg6[%get3A_18, %get3A_19] : memref<128x257xf32, #tpu.memory_space<vmem>>, vector<128x257xf32>
    %slice3A_21 = vector.extract_strided_slice %get3A_20 {offsets = [0, 0], sizes = [128, 128], strides = [1, 1]} : vector<128x257xf32> to vector<128x128xf32>
    %dot_general3A_22 = arith.constant dense<0.000000e+00> : vector<128x512xf32>
    %dot_general3A_23 = tpu.matmul %slice3A_21, %add3A_15, %dot_general3A_22 {dimension_numbers = #tpu.dot_dimension_numbers<[1], [1], [0], [0], [0, 0, 1, 0], [], []>, transpose_lhs_hint = false} : vector<128x128xf32>, vector<512x128xf32>, vector<128x512xf32> -> vector<128x512xf32>
    %swap3A_24 = arith.constant 0 : index
    %swap3A_25 = arith.constant 0 : index
    %swap3A_26 = vector.load %arg11[%swap3A_24, %swap3A_25] : memref<128x512xf32, #tpu.memory_space<vmem>>, vector<128x512xf32>
    tpu.vector_store %arg11[%swap3A_24, %swap3A_25], %dot_general3A_23 {strides = array<i32>} : memref<128x512xf32, #tpu.memory_space<vmem>>, vector<128x512xf32>,
    %slice3A_27 = vector.extract_strided_slice %get3A_20 {offsets = [0, 128], sizes = [128, 128], strides = [1, 1]} : vector<128x257xf32> to vector<128x128xf32>
    %dot_general3A_28 = arith.constant dense<0.000000e+00> : vector<512x128xf32>
    %dot_general3A_29 = tpu.matmul %add3A_15, %slice3A_27, %dot_general3A_28 {dimension_numbers = #tpu.dot_dimension_numbers<[1], [1], [0], [0], [0, 0, 1, 0], [], []>, transpose_lhs_hint = false} : vector<512x128xf32>, vector<128x128xf32>, vector<512x128xf32> -> vector<512x128xf32>
    %get3A_30 = arith.constant 0 : index
    %get3A_31 = vector.load %arg7[%get3A_30] : memref<128xf32, #tpu.memory_space<vmem>>, vector<128xf32>
    %broadcast_in_dim3A_32 = vector.shape_cast %get3A_31 : vector<128xf32> to vector<1x128xf32>
    %add3A_33 = vector.broadcast %broadcast_in_dim3A_32 : vector<1x128xf32> to vector<512x128xf32>
    %add3A_34 = arith.addf %dot_general3A_29, %add3A_33 : vector<512x128xf32>
    %swap3A_35 = arith.constant 0 : index
    %swap3A_36 = arith.constant 0 : index
    %swap3A_37 = vector.load %arg12[%swap3A_35, %swap3A_36] : memref<512x128xf32, #tpu.memory_space<vmem>>, vector<512x128xf32>
    tpu.vector_store %arg12[%swap3A_35, %swap3A_36], %add3A_34 {strides = array<i32>} : memref<512x128xf32, #tpu.memory_space<vmem>>, vector<512x128xf32>,
    %get3A_38 = arith.constant 0 : index
    %get3A_39 = arith.constant 0 : index
    %get3A_40 = vector.load %arg3[%get3A_38, %get3A_39] : memref<256x128xf32, #tpu.memory_space<vmem>>, vector<256x128xf32>
    %get3A_41 = arith.constant 0 : index
    %get3A_42 = arith.constant 256 : index
    %get3A_43 = memref.load %arg8[%get3A_41, %get3A_42] : memref<1x257xf32, #tpu.memory_space<smem>>
    %mul3A = vector.broadcast %get3A_43 : f32 to vector<256x128xf32>
    %mul3A_44 = arith.mulf %get3A_40, %mul3A : vector<256x128xf32>
    %get3A_45 = arith.constant 0 : index
    %get3A_46 = memref.load %arg9[%get3A_45] : memref<1xf32, #tpu.memory_space<smem>>
    %add3A_47 = vector.broadcast %get3A_46 : f32 to vector<256x128xf32>
    %add3A_48 = arith.addf %mul3A_44, %add3A_47 : vector<256x128xf32>
    %swap3A_49 = arith.constant 0 : index
    %swap3A_50 = arith.constant 0 : index
    %swap3A_51 = vector.load %arg13[%swap3A_49, %swap3A_50] : memref<256x128xf32, #tpu.memory_space<vmem>>, vector<256x128xf32>
    tpu.vector_store %arg13[%swap3A_49, %swap3A_50], %add3A_48 {strides = array<i32>} : memref<256x128xf32, #tpu.memory_space<vmem>>, vector<256x128xf32>,
    return
  }
  func.func @transform_0(%arg0: i32) -> (i32, i32) {
    %c0_i32 = arith.constant 0 : i32
    %c0_i32_0 = arith.constant 0 : i32
    return %arg0, %c0_i32 : i32, i32
  }
  func.func @transform_1(%arg0: i32) -> (i32, i32) {
    %c0_i32 = arith.constant 0 : i32
    %c0_i32_0 = arith.constant 0 : i32
    return %arg0, %c0_i32 : i32, i32
  }
  func.func @transform_2(%arg0: i32) -> (i32, i32) {
    %c0_i32 = arith.constant 0 : i32
    %c0_i32_0 = arith.constant 0 : i32
    return %arg0, %c0_i32 : i32, i32
  }
  func.func @transform_3(%arg0: i32) -> (i32, i32) {
    %c0_i32 = arith.constant 0 : i32
    %c0_i32_0 = arith.constant 0 : i32
    %c0_i32_1 = arith.constant 0 : i32
    return %c0_i32, %c0_i32_0 : i32, i32
  }
  func.func @transform_4(%arg0: i32) -> i32 {
    %c0_i32 = arith.constant 0 : i32
    %c0_i32_0 = arith.constant 0 : i32
    return %c0_i32 : i32
  }
  func.func @transform_5(%arg0: i32) -> (i32, i32) {
    %c0_i32 = arith.constant 0 : i32
    %c0_i32_0 = arith.constant 0 : i32
    %c0_i32_1 = arith.constant 0 : i32
    return %c0_i32, %c0_i32_0 : i32, i32
  }
  func.func @transform_6(%arg0: i32) -> i32 {
    %c0_i32 = arith.constant 0 : i32
    %c0_i32_0 = arith.constant 0 : i32
    return %c0_i32 : i32
  }
  func.func @transform_7(%arg0: i32) -> (i32, i32) {
    %c0_i32 = arith.constant 0 : i32
    %c0_i32_0 = arith.constant 0 : i32
    %c0_i32_1 = arith.constant 0 : i32
    return %c0_i32, %c0_i32_0 : i32, i32
  }
  func.func @transform_8(%arg0: i32) -> i32 {
    %c0_i32 = arith.constant 0 : i32
    %c0_i32_0 = arith.constant 0 : i32
    return %c0_i32 : i32
  }
  func.func @transform_9(%arg0: i32) -> (i32, i32) {
    %c0_i32 = arith.constant 0 : i32
    %c0_i32_0 = arith.constant 0 : i32
    return %arg0, %c0_i32 : i32, i32
  }
  func.func @transform_10(%arg0: i32) -> (i32, i32) {
    %c0_i32 = arith.constant 0 : i32
    %c0_i32_0 = arith.constant 0 : i32
    return %c0_i32, %arg0 : i32, i32
  }
  func.func @transform_11(%arg0: i32) -> (i32, i32) {
    %c0_i32 = arith.constant 0 : i32
    %c0_i32_0 = arith.constant 0 : i32
    return %arg0, %c0_i32 : i32, i32
  }
  func.func @transform_12(%arg0: i32) -> (i32, i32) {
    %c0_i32 = arith.constant 0 : i32
    %c0_i32_0 = arith.constant 0 : i32
    return %arg0, %c0_i32 : i32, i32
  }
}

module attributes {stable_mosaic.version = 14 : i64} {
  func.func @_tc2_body(%arg0: i32, %arg1: memref<512x128xf32, #tpu.memory_space<vmem>>, %arg2: memref<128x512xf32, #tpu.memory_space<vmem>>, %arg3: memref<512x128xf32, #tpu.memory_space<vmem>>, %arg4: memref<128x256xf32, #tpu.memory_space<vmem>>, %arg5: memref<128xf32, #tpu.memory_space<vmem>>, %arg6: memref<64x256xf32, #tpu.memory_space<vmem>>, %arg7: memref<64xf32, #tpu.memory_space<vmem>>, %arg8: memref<128x384xf32, #tpu.memory_space<vmem>>, %arg9: memref<128xf32, #tpu.memory_space<vmem>>, %arg10: memref<1x128xf32, #tpu.memory_space<vmem>>, %arg11: memref<1xf32, #tpu.memory_space<smem>>, %arg12: memref<2x128xf32, #tpu.memory_space<vmem>>, %arg13: memref<512x128xf32, #tpu.memory_space<vmem>>, %arg14: memref<512x64xf32, #tpu.memory_space<vmem>>, %arg15: memref<512x2xf32, #tpu.memory_space<vmem>>, %arg16: memref<1x1xf32, #tpu.memory_space<vmem>>, %arg17: memref<1x128xf32, #tpu.memory_space<vmem>>, %arg18: memref<1x128xf32, #tpu.memory_space<vmem>>, %arg19: memref<1x64xf32, #tpu.memory_space<vmem>>, %arg20: memref<1x64xf32, #tpu.memory_space<vmem>>) attributes {dimension_semantics = [#tpu.dimension_semantics<arbitrary>], iteration_bounds = array<i64: 8>, scalar_prefetch = 0 : i64, scratch_operands = 4 : i64, tpu.core_type = #tpu.core_type<tc>, window_params = [{transform_indices = @transform_0, window_bounds = array<i64: 512, 128>}, {transform_indices = @transform_1, window_bounds = array<i64: 128, 512>}, {transform_indices = @transform_2, window_bounds = array<i64: 512, 128>}, {pipeline_mode = #tpu.pipeline_mode<synchronous>, transform_indices = @transform_3, window_bounds = array<i64: 128, 256>}, {pipeline_mode = #tpu.pipeline_mode<synchronous>, transform_indices = @transform_4, window_bounds = array<i64: 128>}, {pipeline_mode = #tpu.pipeline_mode<synchronous>, transform_indices = @transform_5, window_bounds = array<i64: 64, 256>}, {pipeline_mode = #tpu.pipeline_mode<synchronous>, transform_indices = @transform_6, window_bounds = array<i64: 64>}, {pipeline_mode = #tpu.pipeline_mode<synchronous>, transform_indices = @transform_7, window_bounds = array<i64: 128, 384>}, {pipeline_mode = #tpu.pipeline_mode<synchronous>, transform_indices = @transform_8, window_bounds = array<i64: 128>}, {pipeline_mode = #tpu.pipeline_mode<synchronous>, transform_indices = @transform_9, window_bounds = array<i64: 1, 128>}, {transform_indices = @transform_10, window_bounds = array<i64: 1>}, {pipeline_mode = #tpu.pipeline_mode<synchronous>, transform_indices = @transform_11, window_bounds = array<i64: 2, 128>}, {transform_indices = @transform_12, window_bounds = array<i64: 512, 128>}, {transform_indices = @transform_13, window_bounds = array<i64: 512, 64>}, {transform_indices = @transform_14, window_bounds = array<i64: 512, 2>}, {pipeline_mode = #tpu.pipeline_mode<synchronous>, transform_indices = @transform_15, window_bounds = array<i64: 1, 1>}]} {
    %get3A = arith.constant 0 : index
    %get3A_0 = arith.constant 0 : index
    %get3A_1 = vector.load %arg1[%get3A, %get3A_0] : memref<512x128xf32, #tpu.memory_space<vmem>>, vector<512x128xf32>
    %get3A_2 = arith.constant 0 : index
    %get3A_3 = arith.constant 0 : index
    %get3A_4 = vector.load %arg2[%get3A_2, %get3A_3] : memref<128x512xf32, #tpu.memory_space<vmem>>, vector<128x512xf32>
    %transpose3A = tpu.transpose %get3A_4, [1, 0] : vector<128x512xf32> -> vector<512x128xf32>
    %eq3A = arith.constant 0xFF800000 : f32
    %eq3A_5 = vector.broadcast %eq3A : f32 to vector<512x128xf32>
    %eq3A_6 = arith.cmpf oeq, %transpose3A, %eq3A_5 : vector<512x128xf32>
    %get3A_7 = arith.constant 0 : index
    %get3A_8 = arith.constant 0 : index
    %get3A_9 = vector.load %arg3[%get3A_7, %get3A_8] : memref<512x128xf32, #tpu.memory_space<vmem>>, vector<512x128xf32>
    %add3A = arith.addf %transpose3A, %get3A_9 : vector<512x128xf32>
    %jit3A = arith.constant 0.000000e+00 : f32
    %broadcast_in_dim3A = vector.broadcast %jit3A : f32 to vector<512x128xf32>
    %select_n3A = arith.select %eq3A_6, %broadcast_in_dim3A, %add3A : vector<512x128xi1>, vector<512x128xf32>
    %get3A_10 = arith.constant 0 : index
    %get3A_11 = arith.constant 0 : index
    %get3A_12 = vector.load %arg4[%get3A_10, %get3A_11] : memref<128x256xf32, #tpu.memory_space<vmem>>, vector<128x256xf32>
    %slice3A = vector.extract_strided_slice %get3A_12 {offsets = [0, 0], sizes = [128, 128], strides = [1, 1]} : vector<128x256xf32> to vector<128x128xf32>
    %dot_general3A = arith.constant dense<0.000000e+00> : vector<512x128xf32>
    %dot_general3A_13 = tpu.matmul %get3A_1, %slice3A, %dot_general3A {dimension_numbers = #tpu.dot_dimension_numbers<[1], [1], [0], [0], [0, 0, 1, 0], [], []>, transpose_lhs_hint = false} : vector<512x128xf32>, vector<128x128xf32>, vector<512x128xf32> -> vector<512x128xf32>
    %slice3A_14 = vector.extract_strided_slice %get3A_12 {offsets = [0, 128], sizes = [128, 128], strides = [1, 1]} : vector<128x256xf32> to vector<128x128xf32>
    %dot_general3A_15 = arith.constant dense<0.000000e+00> : vector<512x128xf32>
    %dot_general3A_16 = tpu.matmul %select_n3A, %slice3A_14, %dot_general3A_15 {dimension_numbers = #tpu.dot_dimension_numbers<[1], [1], [0], [0], [0, 0, 1, 0], [], []>, transpose_lhs_hint = false} : vector<512x128xf32>, vector<128x128xf32>, vector<512x128xf32> -> vector<512x128xf32>
    %add3A_17 = arith.addf %dot_general3A_13, %dot_general3A_16 : vector<512x128xf32>
    %get3A_18 = arith.constant 0 : index
    %get3A_19 = vector.load %arg5[%get3A_18] : memref<128xf32, #tpu.memory_space<vmem>>, vector<128xf32>
    %broadcast_in_dim3A_20 = vector.shape_cast %get3A_19 : vector<128xf32> to vector<1x128xf32>
    %add3A_21 = vector.broadcast %broadcast_in_dim3A_20 : vector<1x128xf32> to vector<512x128xf32>
    %add3A_22 = arith.addf %add3A_17, %add3A_21 : vector<512x128xf32>
    %swap3A = arith.constant 0 : index
    %swap3A_23 = arith.constant 0 : index
    %swap3A_24 = vector.load %arg13[%swap3A, %swap3A_23] : memref<512x128xf32, #tpu.memory_space<vmem>>, vector<512x128xf32>
    tpu.vector_store %arg13[%swap3A, %swap3A_23], %add3A_22 {strides = array<i32>} : memref<512x128xf32, #tpu.memory_space<vmem>>, vector<512x128xf32>,
    %get3A_25 = arith.constant 0 : index
    %get3A_26 = arith.constant 0 : index
    %get3A_27 = vector.load %arg6[%get3A_25, %get3A_26] : memref<64x256xf32, #tpu.memory_space<vmem>>, vector<64x256xf32>
    %slice3A_28 = vector.extract_strided_slice %get3A_27 {offsets = [0, 0], sizes = [64, 128], strides = [1, 1]} : vector<64x256xf32> to vector<64x128xf32>
    %dot_general3A_29 = arith.constant dense<0.000000e+00> : vector<512x64xf32>
    %dot_general3A_30 = tpu.matmul %get3A_1, %slice3A_28, %dot_general3A_29 {dimension_numbers = #tpu.dot_dimension_numbers<[1], [1], [0], [0], [0, 0, 1, 0], [], []>, transpose_lhs_hint = false} : vector<512x128xf32>, vector<64x128xf32>, vector<512x64xf32> -> vector<512x64xf32>
    %slice3A_31 = vector.extract_strided_slice %get3A_27 {offsets = [0, 128], sizes = [64, 128], strides = [1, 1]} : vector<64x256xf32> to vector<64x128xf32>
    %dot_general3A_32 = arith.constant dense<0.000000e+00> : vector<512x64xf32>
    %dot_general3A_33 = tpu.matmul %add3A_22, %slice3A_31, %dot_general3A_32 {dimension_numbers = #tpu.dot_dimension_numbers<[1], [1], [0], [0], [0, 0, 1, 0], [], []>, transpose_lhs_hint = false} : vector<512x128xf32>, vector<64x128xf32>, vector<512x64xf32> -> vector<512x64xf32>
    %add3A_34 = arith.addf %dot_general3A_30, %dot_general3A_33 : vector<512x64xf32>
    %get3A_35 = arith.constant 0 : index
    %get3A_36 = vector.load %arg7[%get3A_35] : memref<64xf32, #tpu.memory_space<vmem>>, vector<64xf32>
    %broadcast_in_dim3A_37 = vector.shape_cast %get3A_36 : vector<64xf32> to vector<1x64xf32>
    %add3A_38 = vector.broadcast %broadcast_in_dim3A_37 : vector<1x64xf32> to vector<512x64xf32>
    %add3A_39 = arith.addf %add3A_34, %add3A_38 : vector<512x64xf32>
    %swap3A_40 = arith.constant 0 : index
    %swap3A_41 = arith.constant 0 : index
    %swap3A_42 = vector.load %arg14[%swap3A_40, %swap3A_41] : memref<512x64xf32, #tpu.memory_space<vmem>>, vector<512x64xf32>
    tpu.vector_store %arg14[%swap3A_40, %swap3A_41], %add3A_39 {strides = array<i32>} : memref<512x64xf32, #tpu.memory_space<vmem>>, vector<512x64xf32>,
    %get3A_43 = arith.constant 0 : index
    %get3A_44 = arith.constant 0 : index
    %get3A_45 = vector.load %arg12[%get3A_43, %get3A_44] : memref<2x128xf32, #tpu.memory_space<vmem>>, vector<2x128xf32>
    %dot_general3A_46 = arith.constant dense<0.000000e+00> : vector<512x2xf32>
    %dot_general3A_47 = tpu.matmul %add3A_22, %get3A_45, %dot_general3A_46 {dimension_numbers = #tpu.dot_dimension_numbers<[1], [1], [0], [0], [0, 0, 1, 0], [], []>, transpose_lhs_hint = false} : vector<512x128xf32>, vector<2x128xf32>, vector<512x2xf32> -> vector<512x2xf32>
    %swap3A_48 = arith.constant 0 : index
    %swap3A_49 = arith.constant 0 : index
    %swap3A_50 = vector.load %arg15[%swap3A_48, %swap3A_49] : memref<512x2xf32, #tpu.memory_space<vmem>>, vector<512x2xf32>
    tpu.vector_store %arg15[%swap3A_48, %swap3A_49], %dot_general3A_47 {strides = array<i32>} : memref<512x2xf32, #tpu.memory_space<vmem>>, vector<512x2xf32>,
    %reduce_sum3A = arith.constant dense<0.000000e+00> : vector<128xf32>
    %reduce_sum3A_51 = vector.multi_reduction <add>, %add3A_22, %reduce_sum3A [0] : vector<512x128xf32> to vector<128xf32>
    %broadcast_in_dim3A_52 = vector.shape_cast %reduce_sum3A_51 : vector<128xf32> to vector<1x128xf32>
    %reduce_max3A = arith.constant dense<0xFF800000> : vector<128xf32>
    %reduce_max3A_53 = vector.multi_reduction <maximumf>, %add3A_22, %reduce_max3A [0] : vector<512x128xf32> to vector<128xf32>
    %broadcast_in_dim3A_54 = vector.shape_cast %reduce_max3A_53 : vector<128xf32> to vector<1x128xf32>
    %reduce_sum3A_55 = arith.constant dense<0.000000e+00> : vector<64xf32>
    %reduce_sum3A_56 = vector.multi_reduction <add>, %add3A_39, %reduce_sum3A_55 [0] : vector<512x64xf32> to vector<64xf32>
    %broadcast_in_dim3A_57 = vector.shape_cast %reduce_sum3A_56 : vector<64xf32> to vector<1x64xf32>
    %reduce_max3A_58 = arith.constant dense<0xFF800000> : vector<64xf32>
    %reduce_max3A_59 = vector.multi_reduction <maximumf>, %add3A_39, %reduce_max3A_58 [0] : vector<512x64xf32> to vector<64xf32>
    %broadcast_in_dim3A_60 = vector.shape_cast %reduce_max3A_59 : vector<64xf32> to vector<1x64xf32>
    %eq3A_61 = arith.constant 0 : i32
    %eq3A_62 = arith.cmpi eq, %arg0, %eq3A_61 : i32
    %convert_element_type3A = arith.extui %eq3A_62 : i1 to i32
    %cond3A = arith.constant 0 : i32
    %cond3A_63 = arith.cmpi ne, %convert_element_type3A, %cond3A : i32
    scf.if %cond3A_63 {
      %swap3A_73 = arith.constant 0 : index
      %swap3A_74 = arith.constant 0 : index
      %swap3A_75 = vector.load %arg17[%swap3A_73, %swap3A_74] : memref<1x128xf32, #tpu.memory_space<vmem>>, vector<1x128xf32>
      tpu.vector_store %arg17[%swap3A_73, %swap3A_74], %broadcast_in_dim3A_52 {strides = array<i32>} : memref<1x128xf32, #tpu.memory_space<vmem>>, vector<1x128xf32>,
      %swap3A_76 = arith.constant 0 : index
      %swap3A_77 = arith.constant 0 : index
      %swap3A_78 = vector.load %arg18[%swap3A_76, %swap3A_77] : memref<1x128xf32, #tpu.memory_space<vmem>>, vector<1x128xf32>
      tpu.vector_store %arg18[%swap3A_76, %swap3A_77], %broadcast_in_dim3A_54 {strides = array<i32>} : memref<1x128xf32, #tpu.memory_space<vmem>>, vector<1x128xf32>,
      %swap3A_79 = arith.constant 0 : index
      %swap3A_80 = arith.constant 0 : index
      %swap3A_81 = vector.load %arg19[%swap3A_79, %swap3A_80] : memref<1x64xf32, #tpu.memory_space<vmem>>, vector<1x64xf32>
      tpu.vector_store %arg19[%swap3A_79, %swap3A_80], %broadcast_in_dim3A_57 {strides = array<i32>} : memref<1x64xf32, #tpu.memory_space<vmem>>, vector<1x64xf32>,
      %swap3A_82 = arith.constant 0 : index
      %swap3A_83 = arith.constant 0 : index
      %swap3A_84 = vector.load %arg20[%swap3A_82, %swap3A_83] : memref<1x64xf32, #tpu.memory_space<vmem>>, vector<1x64xf32>
      tpu.vector_store %arg20[%swap3A_82, %swap3A_83], %broadcast_in_dim3A_60 {strides = array<i32>} : memref<1x64xf32, #tpu.memory_space<vmem>>, vector<1x64xf32>,
    } else {
    }
    %gt3A = arith.constant 0 : i32
    %gt3A_64 = arith.cmpi sgt, %arg0, %gt3A : i32
    %convert_element_type3A_65 = arith.extui %gt3A_64 : i1 to i32
    %cond3A_66 = arith.constant 0 : i32
    %cond3A_67 = arith.cmpi ne, %convert_element_type3A_65, %cond3A_66 : i32
    scf.if %cond3A_67 {
      %get3A_73 = arith.constant 0 : index
      %get3A_74 = arith.constant 0 : index
      %get3A_75 = vector.load %arg17[%get3A_73, %get3A_74] : memref<1x128xf32, #tpu.memory_space<vmem>>, vector<1x128xf32>
      %add3A_76 = arith.addf %get3A_75, %broadcast_in_dim3A_52 : vector<1x128xf32>
      %swap3A_77 = arith.constant 0 : index
      %swap3A_78 = arith.constant 0 : index
      %swap3A_79 = vector.load %arg17[%swap3A_77, %swap3A_78] : memref<1x128xf32, #tpu.memory_space<vmem>>, vector<1x128xf32>
      tpu.vector_store %arg17[%swap3A_77, %swap3A_78], %add3A_76 {strides = array<i32>} : memref<1x128xf32, #tpu.memory_space<vmem>>, vector<1x128xf32>,
      %get3A_80 = arith.constant 0 : index
      %get3A_81 = arith.constant 0 : index
      %get3A_82 = vector.load %arg18[%get3A_80, %get3A_81] : memref<1x128xf32, #tpu.memory_space<vmem>>, vector<1x128xf32>
      %max3A = arith.maximumf %get3A_82, %broadcast_in_dim3A_54 : vector<1x128xf32>
      %swap3A_83 = arith.constant 0 : index
      %swap3A_84 = arith.constant 0 : index
      %swap3A_85 = vector.load %arg18[%swap3A_83, %swap3A_84] : memref<1x128xf32, #tpu.memory_space<vmem>>, vector<1x128xf32>
      tpu.vector_store %arg18[%swap3A_83, %swap3A_84], %max3A {strides = array<i32>} : memref<1x128xf32, #tpu.memory_space<vmem>>, vector<1x128xf32>,
      %get3A_86 = arith.constant 0 : index
      %get3A_87 = arith.constant 0 : index
      %get3A_88 = vector.load %arg19[%get3A_86, %get3A_87] : memref<1x64xf32, #tpu.memory_space<vmem>>, vector<1x64xf32>
      %add3A_89 = arith.addf %get3A_88, %broadcast_in_dim3A_57 : vector<1x64xf32>
      %swap3A_90 = arith.constant 0 : index
      %swap3A_91 = arith.constant 0 : index
      %swap3A_92 = vector.load %arg19[%swap3A_90, %swap3A_91] : memref<1x64xf32, #tpu.memory_space<vmem>>, vector<1x64xf32>
      tpu.vector_store %arg19[%swap3A_90, %swap3A_91], %add3A_89 {strides = array<i32>} : memref<1x64xf32, #tpu.memory_space<vmem>>, vector<1x64xf32>,
      %get3A_93 = arith.constant 0 : index
      %get3A_94 = arith.constant 0 : index
      %get3A_95 = vector.load %arg20[%get3A_93, %get3A_94] : memref<1x64xf32, #tpu.memory_space<vmem>>, vector<1x64xf32>
      %max3A_96 = arith.maximumf %get3A_95, %broadcast_in_dim3A_60 : vector<1x64xf32>
      %swap3A_97 = arith.constant 0 : index
      %swap3A_98 = arith.constant 0 : index
      %swap3A_99 = vector.load %arg20[%swap3A_97, %swap3A_98] : memref<1x64xf32, #tpu.memory_space<vmem>>, vector<1x64xf32>
      tpu.vector_store %arg20[%swap3A_97, %swap3A_98], %max3A_96 {strides = array<i32>} : memref<1x64xf32, #tpu.memory_space<vmem>>, vector<1x64xf32>,
    } else {
    }
    %eq3A_68 = arith.constant 7 : i32
    %eq3A_69 = arith.cmpi eq, %arg0, %eq3A_68 : i32
    %convert_element_type3A_70 = arith.extui %eq3A_69 : i1 to i32
    %cond3A_71 = arith.constant 0 : i32
    %cond3A_72 = arith.cmpi ne, %convert_element_type3A_70, %cond3A_71 : i32
    scf.if %cond3A_72 {
      %get3A_73 = arith.constant 0 : index
      %get3A_74 = arith.constant 0 : index
      %get3A_75 = vector.load %arg17[%get3A_73, %get3A_74] : memref<1x128xf32, #tpu.memory_space<vmem>>, vector<1x128xf32>
      %mul3A = arith.constant 2.44140625E-4 : f32
      %mul3A_76 = vector.broadcast %mul3A : f32 to vector<1x128xf32>
      %mul3A_77 = arith.mulf %get3A_75, %mul3A_76 : vector<1x128xf32>
      %get3A_78 = arith.constant 0 : index
      %get3A_79 = arith.constant 0 : index
      %get3A_80 = vector.load %arg18[%get3A_78, %get3A_79] : memref<1x128xf32, #tpu.memory_space<vmem>>, vector<1x128xf32>
      %get3A_81 = arith.constant 0 : index
      %get3A_82 = arith.constant 0 : index
      %get3A_83 = vector.load %arg19[%get3A_81, %get3A_82] : memref<1x64xf32, #tpu.memory_space<vmem>>, vector<1x64xf32>
      %mul3A_84 = arith.constant 2.44140625E-4 : f32
      %mul3A_85 = vector.broadcast %mul3A_84 : f32 to vector<1x64xf32>
      %mul3A_86 = arith.mulf %get3A_83, %mul3A_85 : vector<1x64xf32>
      %get3A_87 = arith.constant 0 : index
      %get3A_88 = arith.constant 0 : index
      %get3A_89 = vector.load %arg20[%get3A_87, %get3A_88] : memref<1x64xf32, #tpu.memory_space<vmem>>, vector<1x64xf32>
      %concatenate3A = tpu.concatenate %mul3A_77, %get3A_80, %mul3A_86, %get3A_89 in 1 : vector<1x128xf32>, vector<1x128xf32>, vector<1x64xf32>, vector<1x64xf32> -> vector<1x384xf32>
      %get3A_90 = arith.constant 0 : index
      %get3A_91 = arith.constant 0 : index
      %get3A_92 = vector.load %arg8[%get3A_90, %get3A_91] : memref<128x384xf32, #tpu.memory_space<vmem>>, vector<128x384xf32>
      %dot_general3A_93 = arith.constant dense<0.000000e+00> : vector<1x128xf32>
      %dot_general3A_94 = tpu.matmul %concatenate3A, %get3A_92, %dot_general3A_93 {dimension_numbers = #tpu.dot_dimension_numbers<[1], [1], [0], [0], [0, 0, 1, 0], [], []>, transpose_lhs_hint = false} : vector<1x384xf32>, vector<128x384xf32>, vector<1x128xf32> -> vector<1x128xf32>
      %get3A_95 = arith.constant 0 : index
      %get3A_96 = vector.load %arg9[%get3A_95] : memref<128xf32, #tpu.memory_space<vmem>>, vector<128xf32>
      %broadcast_in_dim3A_97 = vector.shape_cast %get3A_96 : vector<128xf32> to vector<1x128xf32>
      %add3A_98 = arith.addf %dot_general3A_94, %broadcast_in_dim3A_97 : vector<1x128xf32>
      %max3A = arith.constant 0.000000e+00 : f32
      %max3A_99 = vector.broadcast %max3A : f32 to vector<1x128xf32>
      %max3A_100 = arith.maximumf %add3A_98, %max3A_99 : vector<1x128xf32>
      %get3A_101 = arith.constant 0 : index
      %get3A_102 = arith.constant 0 : index
      %get3A_103 = vector.load %arg10[%get3A_101, %get3A_102] : memref<1x128xf32, #tpu.memory_space<vmem>>, vector<1x128xf32>
      %mul3A_104 = arith.mulf %max3A_100, %get3A_103 : vector<1x128xf32>
      %reduce_sum3A_105 = vector.shape_cast %mul3A_104 : vector<1x128xf32> to vector<1x1x128xf32>
      %reduce_sum3A_106 = arith.constant dense<0.000000e+00> : vector<1xf32>
      %reduce_sum3A_107 = vector.multi_reduction <add>, %reduce_sum3A_105, %reduce_sum3A_106 [1, 2] : vector<1x1x128xf32> to vector<1xf32>
      %reduce_sum3A_108 = vector.shape_cast %reduce_sum3A_107 : vector<1xf32> to vector<1x1x1xf32>
      %reduce_sum3A_109 = vector.extract %reduce_sum3A_108[0, 0, 0] : f32 from vector<1x1x1xf32>
      %get3A_110 = arith.constant 0 : index
      %get3A_111 = memref.load %arg11[%get3A_110] : memref<1xf32, #tpu.memory_space<smem>>
      %add3A_112 = arith.addf %reduce_sum3A_109, %get3A_111 : f32
      %broadcast_in_dim3A_113 = vector.broadcast %add3A_112 : f32 to vector<1x1xf32>
      %swap3A_114 = arith.constant 0 : index
      %swap3A_115 = arith.constant 0 : index
      %swap3A_116 = vector.load %arg16[%swap3A_114, %swap3A_115] : memref<1x1xf32, #tpu.memory_space<vmem>>, vector<1x1xf32>
      tpu.vector_store %arg16[%swap3A_114, %swap3A_115], %broadcast_in_dim3A_113 {strides = array<i32>} : memref<1x1xf32, #tpu.memory_space<vmem>>, vector<1x1xf32>,
    } else {
    }
    return
  }
  func.func @transform_0(%arg0: i32) -> (i32, i32) {
    %c0_i32 = arith.constant 0 : i32
    %c0_i32_0 = arith.constant 0 : i32
    return %arg0, %c0_i32 : i32, i32
  }
  func.func @transform_1(%arg0: i32) -> (i32, i32) {
    %c0_i32 = arith.constant 0 : i32
    %c0_i32_0 = arith.constant 0 : i32
    return %c0_i32, %arg0 : i32, i32
  }
  func.func @transform_2(%arg0: i32) -> (i32, i32) {
    %c0_i32 = arith.constant 0 : i32
    %c0_i32_0 = arith.constant 0 : i32
    return %arg0, %c0_i32 : i32, i32
  }
  func.func @transform_3(%arg0: i32) -> (i32, i32) {
    %c0_i32 = arith.constant 0 : i32
    %c0_i32_0 = arith.constant 0 : i32
    %c0_i32_1 = arith.constant 0 : i32
    return %c0_i32, %c0_i32_0 : i32, i32
  }
  func.func @transform_4(%arg0: i32) -> i32 {
    %c0_i32 = arith.constant 0 : i32
    %c0_i32_0 = arith.constant 0 : i32
    return %c0_i32 : i32
  }
  func.func @transform_5(%arg0: i32) -> (i32, i32) {
    %c0_i32 = arith.constant 0 : i32
    %c0_i32_0 = arith.constant 0 : i32
    %c0_i32_1 = arith.constant 0 : i32
    return %c0_i32, %c0_i32_0 : i32, i32
  }
  func.func @transform_6(%arg0: i32) -> i32 {
    %c0_i32 = arith.constant 0 : i32
    %c0_i32_0 = arith.constant 0 : i32
    return %c0_i32 : i32
  }
  func.func @transform_7(%arg0: i32) -> (i32, i32) {
    %c0_i32 = arith.constant 0 : i32
    %c0_i32_0 = arith.constant 0 : i32
    %c0_i32_1 = arith.constant 0 : i32
    return %c0_i32, %c0_i32_0 : i32, i32
  }
  func.func @transform_8(%arg0: i32) -> i32 {
    %c0_i32 = arith.constant 0 : i32
    %c0_i32_0 = arith.constant 0 : i32
    return %c0_i32 : i32
  }
  func.func @transform_9(%arg0: i32) -> (i32, i32) {
    %c0_i32 = arith.constant 0 : i32
    %c0_i32_0 = arith.constant 0 : i32
    %c0_i32_1 = arith.constant 0 : i32
    return %c0_i32, %c0_i32_0 : i32, i32
  }
  func.func @transform_10(%arg0: i32) -> i32 {
    %c0_i32 = arith.constant 0 : i32
    %c0_i32_0 = arith.constant 0 : i32
    return %c0_i32 : i32
  }
  func.func @transform_11(%arg0: i32) -> (i32, i32) {
    %c0_i32 = arith.constant 0 : i32
    %c0_i32_0 = arith.constant 0 : i32
    %c0_i32_1 = arith.constant 0 : i32
    return %c0_i32, %c0_i32_0 : i32, i32
  }
  func.func @transform_12(%arg0: i32) -> (i32, i32) {
    %c0_i32 = arith.constant 0 : i32
    %c0_i32_0 = arith.constant 0 : i32
    return %arg0, %c0_i32 : i32, i32
  }
  func.func @transform_13(%arg0: i32) -> (i32, i32) {
    %c0_i32 = arith.constant 0 : i32
    %c0_i32_0 = arith.constant 0 : i32
    return %arg0, %c0_i32 : i32, i32
  }
  func.func @transform_14(%arg0: i32) -> (i32, i32) {
    %c0_i32 = arith.constant 0 : i32
    %c0_i32_0 = arith.constant 0 : i32
    return %arg0, %c0_i32 : i32, i32
  }
  func.func @transform_15(%arg0: i32) -> (i32, i32) {
    %c0_i32 = arith.constant 0 : i32
    %c0_i32_0 = arith.constant 0 : i32
    %c0_i32_1 = arith.constant 0 : i32
    return %c0_i32, %c0_i32_0 : i32, i32
  }
}

</mosaic_0001>

<sc_bundles>
// kernel: kernel.6.cloned.1.call-start
scs
__scs_entry_jumppad:
0x0: {  	(pc) =	sbr.rel $0x88, $3  }
0x1: {  	(tag) =	ssettag $0x0;
	lr =	simm.s32 $0x1  }
0x2: {  	[smem:$0x3F8E] =	sst lr;
	_ =	strace $0xD0000000  }
0x3: {  	_ = 	snop  }
0x4: {  	_ = 	snop  }
0x5: {  	_ = 	snop  }
0x6: {  	_ = 	snop  }
0x7: {  	_ = 	snop  }
__scs_overlays_trampoline_lowered:
0x8: {  	[smem:$0x3F9D] =	sst s0  }
0x9: {  	[smem:$0x3F9E] =	sst s1  }
0xa: {  	[smem:$0x3F9F] =	sst s2  }
0xb: {  	[smem:$0x3FA0] =	sst s3  }
0xc: {  	[smem:$0x3FA1] =	sst s4  }
0xd: {  	[smem:$0x3FA2] =	sst s5  }
0xe: {  	[smem:$0x3FA3] =	sst s6  }
0xf: {  	[smem:$0x3FA4] =	sst s7  }
0x10: {  	[smem:$0x3FA5] =	sst s8  }
0x11: {  	[smem:$0x3FA6] =	sst s9;
	s0 =	simm.s32 @!p0 $0x0  }
0x12: {  	s1 =	sld [smem:$0x3F8C];
	s0 =	simm.s32 @p0 $0x1  }
0x13: {  	[smem:$0x3FA7] =	sst s0;
	s0 =	simm.s32 @!p1 $0x0  }
0x14: {  	s2 =	sld [smem:$0x3F8B];
	s0 =	simm.s32 @p1 $0x1  }
0x15: {  	[smem:$0x3FA8] =	sst s0;
	s0 =	simm.s32 @!p2 $0x0  }
0x16: {  	s3 =	sld [smem:$0x3FDB];
	s0 =	simm.s32 @p2 $0x1  }
0x17: {  	s4 =	simm.s32 $0x1BF5;
	[smem:$0x3FAA] =	sst s0  }
0x18: {  	s0 =	sld [smem:$0x3F8D];
	_ =	swait.ge [sflag:s4], $0x0  }
0x19: {  	s7 =	sld [smem:$0x3F8E]  }
0x1a: {  	s8 =	sadd.s32 $0xFFFFE003, lr  }
0x1b: {  	s9 =	sadd.s32 $0xFFFFFEF7, lr;
	s5 =	simm.s32 $0xFFFFFFFF;
	p2 =	slt.u32 s8, $0xFFFFF086  }
0x1c: {  	p1 =	slt.u32 s9, $0xF7A;
	s5 =	simm.s32 @!p2 $0x0  }
0x1d: {  	s5 =	simm.s32 @p1 $0x1;
	p0 =	seq.s32 s7, s2  }
0x1e: {  	s7 =	smul.u32 @!p0 $0xF7A, s2;
	p2 =	seq.s32 @!p0 s5, $0x0  }
0x1f: {  	s9 =	smul.u32 $0xF7A, s1;
	s8 =	simm.s32 @!p0 $0x1BF5;
	p2 =	por !p2, p0  }
0x20: {  	[sflag:s8] =	ssyncset.s32 @!p0 $0xFFFFF086;
	s6 =	sadd.s32 @!p0 s3, s7;
	s7 =	simm.s32 @!p0 $0x108  }
0x21: {  	s3 =	sadd.s32 s3, s9;
	s6 =	sadd.s32 @!p0 $0x88, s6;
	s7 =	simm.s32 @p2 $0x1082  }
0x22: {  	[simem:s7], [sflag:s8] =	dma.local @!p0 [hbm:s6], $0xF7A  }
0x23: {  	s9 =	sor.u32 $0xD0000000, s2;
	s6 =	simm.s32 $0x108;
	_ =	swait.ge @!p0 [sflag:s8], $0x0  }
0x24: {  	s3 =	sadd.s32 $0x88, s3;
	s6 =	simm.s32 @!p1 $0x1082;
	[sflag:s4] =	ssyncset.s32 $0xFFFFF086  }
0x25: {  	[simem:s6], [sflag:s4] =	dma.local [hbm:s3], $0xF7A  }
0x26: {  	[smem:$0x3F8E] =	sst s1;
	(tag) =	ssettag s2;
	_ =	strace s9  }
0x27: {  	s1 =	sld [smem:$0x3F9E]  }
0x28: {  	s2 =	sld [smem:$0x3F9F]  }
0x29: {  	s4 =	sld [smem:$0x3FA1]  }
0x2a: {  	p0 =	seq.s32 s5, $0x0;
	s5 =	sld [smem:$0x3FA2]  }
0x2b: {  	s6 =	sld [smem:$0x3FA3]  }
0x2c: {  	s7 =	sld [smem:$0x3FA4]  }
0x2d: {  	s3 =	simm.s32 $0x108;
	s8 =	sld [smem:$0x3FA5]  }
0x2e: {  	s3 =	simm.s32 @!p0 $0x1082;
	s9 =	sld [smem:$0x3FA6]  }
0x2f: {  	lr =	sadd.s32 s0, s3;
	s0 =	sld [smem:$0x3F9D]  }
0x30: {  	s3 =	sld [smem:$0x3FA0]  }
0x31: {  	[smem:$0x3FA9] =	sst s10  }
0x32: {  	s10 =	sld [smem:$0x3FA7];
	_ =	sdelay $0x3  }
0x33: {  	p0 =	seq.s32 s10, $0x1;
	s10 =	sld [smem:$0x3FA9];
	_ =	sdelay $0x3  }
0x34: {  	[smem:$0x3FA9] =	sst s10  }
0x35: {  	s10 =	sld [smem:$0x3FA8];
	_ =	sdelay $0x3  }
0x36: {  	p1 =	seq.s32 s10, $0x1;
	s10 =	sld [smem:$0x3FA9];
	_ =	sdelay $0x3  }
0x37: {  	[smem:$0x3FA9] =	sst s10  }
0x38: {  	s10 =	sld [smem:$0x3FAA]  }
0x39: {  	_ = 	snop;
	(pc) =	sbr.ind lr, $3  }
0x3a: {  	_ = 	snop  }
0x3b: {  	_ = 	snop  }
0x3c: {  	p2 =	seq.s32 s10, $0x1;
	s10 =	sld [smem:$0x3FA9]  }
0x3d: {  	_ =	shalt  }
0x3e: {  	_ =	shalt  }
0x3f: {  	_ =	shalt  }
0x40: {  	_ =	shalt  }
0x41: {  	_ =	shalt  }
0x42: {  	_ =	shalt  }
0x43: {  	_ =	shalt  }
0x44: {  	_ =	shalt  }
0x45: {  	_ =	shalt  }
0x46: {  	_ =	shalt  }
0x47: {  	_ =	shalt  }
0x48: {  	_ =	shalt  }
0x49: {  	_ =	shalt  }
0x4a: {  	_ =	shalt  }
0x4b: {  	_ =	shalt  }
0x4c: {  	_ =	shalt  }
0x4d: {  	_ =	shalt  }
0x4e: {  	_ =	shalt  }
0x4f: {  	_ =	shalt  }
0x50: {  	_ =	shalt  }
0x51: {  	_ =	shalt  }
0x52: {  	_ =	shalt  }
0x53: {  	_ =	shalt  }
0x54: {  	_ =	shalt  }
0x55: {  	_ =	shalt  }
0x56: {  	_ =	shalt  }
0x57: {  	_ =	shalt  }
0x58: {  	_ =	shalt  }
0x59: {  	_ =	shalt  }
0x5a: {  	_ =	shalt  }
0x5b: {  	_ =	shalt  }
0x5c: {  	_ =	shalt  }
0x5d: {  	_ =	shalt  }
0x5e: {  	_ =	shalt  }
0x5f: {  	_ =	shalt  }
0x60: {  	_ =	shalt  }
0x61: {  	_ =	shalt  }
0x62: {  	_ =	shalt  }
0x63: {  	_ =	shalt  }
0x64: {  	_ =	shalt  }
0x65: {  	_ =	shalt  }
0x66: {  	_ =	shalt  }
0x67: {  	_ =	shalt  }
0x68: {  	_ =	shalt  }
0x69: {  	_ =	shalt  }
0x6a: {  	_ =	shalt  }
0x6b: {  	_ =	shalt  }
0x6c: {  	_ =	shalt  }
0x6d: {  	_ =	shalt  }
0x6e: {  	_ =	shalt  }
0x6f: {  	_ =	shalt  }
0x70: {  	_ =	shalt  }
0x71: {  	_ =	shalt  }
0x72: {  	_ =	shalt  }
0x73: {  	_ =	shalt  }
0x74: {  	_ =	shalt  }
0x75: {  	_ =	shalt  }
0x76: {  	_ =	shalt  }
0x77: {  	_ =	shalt  }
0x78: {  	_ =	shalt  }
0x79: {  	_ =	shalt  }
0x7a: {  	_ =	shalt  }
0x7b: {  	_ =	shalt  }
0x7c: {  	_ =	shalt  }
0x7d: {  	_ =	shalt  }
0x7e: {  	_ =	shalt  }
0x7f: {  	_ =	shalt  }
0x80: {  	_ =	shalt  }
0x81: {  	_ =	shalt  }
0x82: {  	_ =	shalt  }
0x83: {  	_ =	shalt  }
0x84: {  	_ =	shalt  }
0x85: {  	_ =	shalt  }
0x86: {  	_ =	shalt  }
0x87: {  	_ =	shalt  }
.Lfunc_end0:
.L_simem_size_0:
called_computation_lowered:
.L_overlay_start_0:
0x88: {  	s2 =	sld [smem:$0x3FD9]  }
0x89: {  	s3 =	sld [smem:$0x3FFE];
	_ =	sdelay $0x1  }
0x8a: {  	s1 =	srdreg.scid  }
0x8b: {  	s0 =	sand.u32 $0x1, s1  }
0x8c: {  	s15 =	sshll.u32 s0, $0xA;
	s2 =	sadd.s32 s3, s2  }
0x8d: {  	s2 =	sadd.s32 s2, s15  }
0x8e: {  	[smem:$0x3FB5] =	sst s2  }
0x8f: {  	_ = 	snop  }
0x90: {  	s2 =	sld [smem:$0x3FD0]  }
0x91: {  	s16 =	sld [smem:$0x3FC7]  }
0x92: {  	s4 =	sld [smem:$0x3FC6]  }
0x93: {  	s6 =	simm.s32 $0xA;
	s7 =	simm.s32 $0x10;
	s5 =	sld [smem:$0x3FC5]  }
0x94: {  	[smem:s7], [sflag:s6] =	dma.local [hbm:s2], $0x1  }
0x95: {  	_ =	swait.eq [sflag:s6], $0x1  }
0x96: {  	s17 =	sld [smem:$0x11];
	[sflag:s6] =	ssyncset.done $0x0  }
0x97: {  	s18 =	sld [smem:$0x12];
	[sflag:s6] =	ssyncadd.s32 $0xFFFFFFFF  }
0x98: {  	s19 =	sld [smem:$0x13];
	(tm) =	ssettm $0x1  }
0x99: {  	s8 =	sld [smem:$0x3FFB];
	_ =	sdelay $0x3  }
0x9a: {  	_ =	strace s8  }
0x9b: {  	s8 =	sld [smem:$0x3FFC];
	_ =	sdelay $0x3  }
0x9c: {  	_ =	strace s8  }
0x9d: {  	s8 =	sld [smem:$0x3FFD];
	_ =	sdelay $0x3  }
0x9e: {  	_ =	strace s8  }
0x9f: {  	_ =	strace $0x8FFFFFFF  }
0xa0: {  	s20 =	sld [smem:$0x3FDB];
	_ =	sdelay $0x1  }
0xa1: {  	s9 =	simm.s32 $_scs_section_size  }
0xa2: {  	s10 =	simm.s32 $_size__tile_overlayer_lowered;
	s11 =	simm.s32 $_tile_overlayer_lowered  }
0xa3: {  	s23 =	simm.s32 $0x1BFF;
	s22 =	sshll.u32 s11, $0x1;
	s8 =	sadd.s32 s9, s20  }
0xa4: {  	s12 =	simm.s32 $0x0;
	s21 =	sshll.u32 s10, $0x1;
	s10 =	sadd.s32 s22, s8  }
0xa5: {  	[timem:s12], [sflag:s23] =	dma.local [hbm:s10], s21  }
0xa6: {  	_ =	swait.ge [sflag:s23], s21  }
0xa7: {  	s9 =	ssub.s32 $0x0, s21;
	[sflag:s23] =	ssyncset.done $0x0  }
0xa8: {  	[sflag:s23] =	ssyncadd.s32 s9;
	_ =	sdelay $0x1  }
0xa9: {  	s24 =	simm.s32 $0x1B8B  }
0xaa: {  	_ =	swait.ge [sflag:s24], $0x1  }
0xab: {  	[sflag:s24] =	ssyncset.done $0x0  }
0xac: {  	s25 =	simm.s32 $0x1B8E;
	[sflag:s24] =	ssyncadd.s32 $0xFFFFFFFF  }
0xad: {  	s26 =	simm.s32 $execute0_lowered;
	[smem:$0x3FD2] =	sst s25  }
0xae: {  	s9 =	sshll.u32 s26, $0x1;
	_ =	strace $0x80000046;
	[dreg:$0x1] =	wrdreg $0xFFFFFFFF  }
0xaf: {  	s28 =	simm.s32 $_size_execute0_lowered;
	s8 =	sadd.s32 s8, s9;
	[dreg:$0x0] =	wrdreg $0x0  }
0xb0: {  	s9 =	sshll.u32 s28, $0x1;
	[dreg:$0x2] =	wrdreg s8  }
0xb1: {  	[dreg:$0x3] =	wrdreg s9  }
0xb2: {  	[dreg:$0x4] =	wrdreg $0xC0  }
0xb3: {  	_ =	task [dreg:s12], $0x5FFFF  }
0xb4: {  	[dreg:$0x1] =	wrdreg $0xFFFFFFFF  }
0xb5: {  	[dreg:$0x0] =	wrdreg $0x60  }
0xb6: {  	[dreg:$0x2] =	wrdreg s18  }
0xb7: {  	[dreg:$0x3] =	wrdreg s19  }
0xb8: {  	[dreg:$0x4] =	wrdreg s16  }
0xb9: {  	[dreg:$0x5] =	wrdreg s4  }
0xba: {  	[dreg:$0x6] =	wrdreg s5  }
0xbb: {  	[dreg:$0x7] =	wrdreg s17  }
0xbc: {  	[dreg:$0x8] =	wrdreg $0x9  }
0xbd: {  	_ =	task.clear_ibuf [dreg:s12], $0x9FFFF;
	_ =	strace $0x90000046  }
0xbe: {  	s29 =	simm.s32 $0x9;
	_ =	strace $0x80000048  }
0xbf: {  	_ =	swait.ge [sflag:s29], $0x1  }
0xc0: {  	[sflag:s29] =	ssyncadd.s32 $0xFFFFFFFF  }
0xc1: {  	_ =	strace $0x90000048  }
0xc2: {  	_ =	sfence  }
0xc3: {  	s30 =	sld [smem:$0x0];
	_ =	sdelay $0x2  }
0xc4: {  	s31 =	sshll.u32 s1, $0xD;
	s1 =	sshrl.u32 s1, $0x2  }
0xc5: {  	s3 =	sand.u32 $0x4000, s31;
	s1 =	sadd.s32 s1, s30  }
0xc6: {  	s0 =	sor.u32 s3, s0;
	s1 =	sshll.u32 s1, $0x11  }
0xc7: {  	s0 =	sor.u32 s1, s0  }
0xc8: {  	s0 =	sadd.s32 $0x8F2B, s0  }
0xc9: {  	[sflag:s0] =	ssyncadd.remote.s32 $0x1  }
0xca: {  	_ =	sfence.sel $0xFFFF  }
0xcb: {  	[dreg:$0x0] =	wrdreg $0xFFFFFFFF;
	(pc) =	sbr.abs _section_cstart, $3  }
0xcc: {  	[dreg:$0x1] =	wrdreg $0xFFFFFFFF  }
0xcd: {  	_ =	task.clear_ibuf [dreg:s12], $0x2FFFF;
	_ =	strace $0x9FFFFFFF  }
0xce: {  	(tm) =	ssettm $0x7FFFFFFF  }
0xcf: {  	_ =	shalt  }
tec
execute0_lowered:
.L_overlay_start_1:
0x0: {  	(tag) =	ssettag $0x1  }
0x1: {  	s0 =	rddreg [dreg:$0x0]  }
0x2: {  	s2 =	rddreg [dreg:$0x2]  }
0x3: {  	s3 =	rddreg [dreg:$0x3]  }
0x4: {  	s4 =	rddreg [dreg:$0x4]  }
0x5: {  	s1 =	rddreg [dreg:$0x5];
	s5 =	simm.s32 $0x0  }
0x6: {  	[smem:$0x7FF] =	sst s5;
	s30 =	sadd.s32 $0x10, s2  }
0x7: {  	s31 =	sadd.s32 $0x20, s2;
	_ =	strace $0x80000047;
	[dreg:$0x10] =	wrdreg s30  }
0x8: {  	s16 =	sadd.s32 $0x90, s2;
	[dreg:$0x11] =	wrdreg s31  }
0x9: {  	s17 =	sadd.s32 $0xA0, s2;
	[dreg:$0x18] =	wrdreg s16  }
0xa: {  	s6 =	srdreg.scid;
	s18 =	sadd.s32 $0xB0, s2;
	[dreg:$0x19] =	wrdreg s17  }
0xb: {  	s11 =	stileid.u32;
	s19 =	sadd.s32 $0xC0, s2;
	[dreg:$0x1a] =	wrdreg s18  }
0xc: {  	s6 =	sand.u32 $0x1, s6;
	s20 =	sadd.s32 $0xD0, s2;
	[dreg:$0x1b] =	wrdreg s19  }
0xd: {  	s10 =	sshll.u32 s11, $0xF;
	[dreg:$0x1c] =	wrdreg s20;
	s30 =	sadd.s32 $0x70, s3  }
0xe: {  	s11 =	sshll.u32 s11, $0x3;
	s31 =	sadd.s32 $0x80, s3;
	[smem:$0x7E6] =	sst s30  }
0xf: {  	s7 =	ssub.s32 $0x2, s6;
	s16 =	sadd.s32 $0x10, s4;
	[smem:$0x7E7] =	sst s31  }
0x10: {  	s9 =	sshll.u32 s6, $0x9;
	s17 =	sadd.s32 $0x20, s4;
	[smem:$0x7EF] =	sst s16  }
0x11: {  	s6 =	sshll.u32 s6, $0x2;
	s18 =	sadd.s32 $0x30, s4;
	[smem:$0x7F0] =	sst s17  }
0x12: {  	s19 =	sadd.s32 $0x40, s4;
	s20 =	sadd.s32 $0x50, s4;
	[smem:$0x7F1] =	sst s18  }
0x13: {  	s8 =	sshrl.u32 s7, $0x1;
	s9 =	sor.u32 s9, s10;
	[smem:$0x7F2] =	sst s19  }
0x14: {  	[smem:$0x7F3] =	sst s20;
	s30 =	sadd.s32 $0xE0, s4;
	s31 =	sadd.s32 $0xF0, s4  }
0x15: {  	s8 =	ssub.s32 s7, s8;
	s21 =	sshrl.u32 s9, $0x3;
	[smem:$0x7FC] =	sst s30  }
0x16: {  	s7 =	sor.u32 s6, s11;
	[smem:$0x7FD] =	sst s31;
	s9 =	sadd.s32 s0, s21  }
0x17: {  	s14 =	sor.u32 $0x2, s7;
	s6 =	sadd.s32 s1, s21;
	[dreg:$0x7] =	wrdreg s9  }
0x18: {  	s15 =	sor.u32 $0x3, s7;
	s29 =	smax.u32 s8, $0x1;
	[dreg:$0xb] =	wrdreg s6  }
0x19: {  	s8 =	sadd.s32 $0x40, s2;
	s21 =	sadd.s32 $0xE0, s2;
	[dreg:$0xf] =	wrdreg s29  }
0x1a: {  	s9 =	sor.u32 $0x1, s7;
	s12 =	sshll.u32 s14, $0x7;
	[dreg:$0x13] =	wrdreg s8  }
0x1b: {  	s13 =	sshll.u32 s15, $0x7;
	s6 =	sadd.s32 $0x30, s2;
	[dreg:$0x1d] =	wrdreg s21  }
0x1c: {  	s29 =	sadd.s32 $0x60, s3;
	s8 =	sadd.s32 $0xB0, s3;
	[dreg:$0x12] =	wrdreg s6  }
0x1d: {  	s21 =	sadd.s32 $0x60, s4;
	s22 =	sshll.u32 s9, $0x7;
	[smem:$0x7E5] =	sst s29  }
0x1e: {  	s12 =	sand.u32 $0x300, s12;
	s13 =	sand.u32 $0x380, s13;
	[smem:$0x7EA] =	sst s8  }
0x1f: {  	s6 =	sadd.s32 $0xA0, s3;
	[smem:$0x7F4] =	sst s21;
	s29 =	sadd.s32 $0xD0, s4  }
0x20: {  	s11 =	sand.u32 $0x280, s22;
	s12 =	sor.u32 s10, s12;
	[smem:$0x7E9] =	sst s6  }
0x21: {  	s22 =	sadd.s32 $0xF0, s2;
	[smem:$0x7FB] =	sst s29;
	s11 =	sor.u32 s10, s11  }
0x22: {  	s10 =	sor.u32 s10, s13;
	s13 =	sadd.s32 $0x80, s2;
	[dreg:$0x1e] =	wrdreg s22  }
0x23: {  	v0 =	vimm.s32 $0x1;
	s12 =	sshrl.u32 s12, $0x3;
	s22 =	sadd.s32 $0x70, s4;
	[dreg:$0x17] =	wrdreg s13  }
0x24: {  	(xrf0) =	vadd.scan.msk.s32 $0xffff, v0;
	s24 =	sadd.s32 s0, s12;
	[smem:$0x7F5] =	sst s22  }
0x25: {  	s28 =	sadd.s32 s1, s12;
	[dreg:$0x9] =	wrdreg s24  }
0x26: {  	s16 =	simm.s32 $0x1;
	s12 =	sadd.s32 $0x70, s2;
	[dreg:$0xd] =	wrdreg s28  }
0x27: {  	s11 =	sshrl.u32 s11, $0x3;
	s13 =	sadd.s32 $0xF0, s3;
	[dreg:$0x16] =	wrdreg s12  }
0x28: {  	s10 =	sshrl.u32 s10, $0x3;
	s23 =	sadd.s32 s0, s11;
	[smem:$0x7EE] =	sst s13  }
0x29: {  	s17 =	simm.s32 $0x8080;
	s0 =	sadd.s32 s0, s10;
	[dreg:$0x8] =	wrdreg s23  }
0x2a: {  	s18 =	simm.s32 $0x4000;
	v0, _, _ =	vpop (xrf0);
	s26 =	sadd.s32 s1, s11;
	[dreg:$0xa] =	wrdreg s0  }
0x2b: {  	s19 =	simm.s32 $0x5000;
	(v2sf) =	vpush v0, $0xF;
	s1 =	sadd.s32 s1, s10;
	[dreg:$0xc] =	wrdreg s26  }
0x2c: {  	s20 =	simm.s32 $0x6000;
	s10 =	sadd.s32 $0x50, s2;
	[dreg:$0xe] =	wrdreg s1  }
0x2d: {  	v1 =	vmov s7;
	s7 =	simm.s32 $0xBC80;
	s11 =	sadd.s32 $0x60, s2;
	[dreg:$0x14] =	wrdreg s10  }
0x2e: {  	v4 =	vmov s14;
	s14 =	simm.s32 $0xBE80;
	s24 =	sadd.s32 $0x20, s3;
	[dreg:$0x15] =	wrdreg s11  }
0x2f: {  	s8 =	simm.s32 $0xBD80;
	s28 =	sadd.s32 $0x50, s3;
	[smem:$0x7E1] =	sst s24  }
0x30: {  	v2 =	vmov s9;
	s9 =	simm.s32 $0xC080;
	s12 =	sadd.s32 $0xE0, s3;
	[smem:$0x7E4] =	sst s28  }
0x31: {  	s21 =	simm.s32 $0x7000;
	s23 =	sadd.s32 $0x10, s3;
	[smem:$0x7ED] =	sst s12  }
0x32: {  	s6 =	simm.s32 $0x400;
	s26 =	sadd.s32 $0x40, s3;
	[dreg:$0x1f] =	wrdreg s23  }
0x33: {  	v0 =	vmov s15;
	s15 =	simm.s32 $0xBF80;
	s1 =	sadd.s32 $0x90, s3;
	[smem:$0x7E3] =	sst s26  }
0x34: {  	s22 =	simm.s32 $0x9080;
	s10 =	sadd.s32 $0xC0, s3;
	[smem:$0x7E8] =	sst s1  }
0x35: {  	s13 =	simm.s32 $0xBB80;
	s11 =	sadd.s32 $0xD0, s3;
	[smem:$0x7EB] =	sst s10  }
0x36: {  	s24 =	sadd.s32 $0x90, s4;
	s28 =	sadd.s32 $0xC0, s4;
	[smem:$0x7EC] =	sst s11  }
0x37: {  	s12 =	simm.s32 $0x3000;
	s23 =	sadd.s32 $0x80, s4;
	[smem:$0x7F7] =	sst s24  }
0x38: {  	s26 =	sadd.s32 $0xB0, s4;
	[smem:$0x7FA] =	sst s28;
	s1 =	simm.s32 $0x80  }
.Ltmp0:
0x39: {  	s24 =	simm.s32 $0x3;
	s10 =	simm.s32 $0x1000;
	(pc) =	sbr.rel .LBB2_1-.Ltmp0, $4  }
0x3a: {  	s11 =	simm.s32 $0x2000;
	[smem:$0x7F6] =	sst s23;
	s25 =	spop (v2sf)  }
0x3b: {  	v3 =	vlaneseq.u32;
	v5 =	vimm.f32 $-Inf;
	vm0 =	vmmov $0x1;
	[smem:$0x7F9] =	sst s26;
	p0 =	slt.s32 s25, $0x1;
	s25 =	sadd.s32 $0x30, s3  }
0x3c: {  	v7 =	vimm.s32 $0x0;
	vm1 =	vmmov $0xffff;
	v1 =	vbroadcast v1, $0x0;
	s23 =	simm.s32 $0x2;
	[smem:$0x7E2] =	sst s25;
	s25 =	sadd.s32 $0xA0, s4  }
0x3d: {  	v6 =	vor.u32 $0x10, v3;
	v4 =	vbroadcast v4, $0x0;
	v2 =	vbroadcast v2, $0x0;
	s26 =	simm.s32 $0x0;
	[smem:$0x7F8] =	sst s25;
	s25 =	simm.s32 $0x8000  }
.LBB2_33:
0x3e: {  	s0 =	rddreg [dreg:$0xb]  }
0x3f: {  	s1 =	simm.s32 $0x80;
	s6 =	simm.s32 $0x400;
	s24 =	simm.s32 $0x3  }
0x40: {  	[hbm4b:s0+s1] =	stream.strided.scatter [tilespmem:s18], [sflag:$0x3], $0x1000, s6, s1, $0x38;
	[tilespmem:$0xC100] =	vst v63  }
0x41: {  	_ =	swait.ge [sflag:s24], $0x1000  }
0x42: {  	[sflag:s24] =	ssyncset.done $0x0  }
0x43: {  	s28 =	rddreg [dreg:$0xc];
	[sflag:s24] =	ssyncadd.s32 $0xFFFFF000  }
0x44: {  	[hbm4b:s28+s1] =	stream.strided.scatter [tilespmem:s19], [sflag:$0x3], $0x1000, s6, s1, $0x38;
	[tilespmem:$0xC100] =	vst v63  }
0x45: {  	_ =	swait.ge [sflag:s24], $0x1000  }
0x46: {  	[sflag:s24] =	ssyncset.done $0x0  }
0x47: {  	s29 =	rddreg [dreg:$0xd];
	[sflag:s24] =	ssyncadd.s32 $0xFFFFF000  }
0x48: {  	[hbm4b:s29+s1] =	stream.strided.scatter [tilespmem:s20], [sflag:$0x3], $0x1000, s6, s1, $0x38;
	[tilespmem:$0xC100] =	vst v63  }
0x49: {  	_ =	swait.ge [sflag:s24], $0x1000  }
0x4a: {  	[sflag:s24] =	ssyncset.done $0x0  }
0x4b: {  	s30 =	rddreg [dreg:$0xe];
	[sflag:s24] =	ssyncadd.s32 $0xFFFFF000  }
0x4c: {  	[hbm4b:s30+s1] =	stream.strided.scatter [tilespmem:s21], [sflag:$0x3], $0x1000, s6, s1, $0x38;
	[tilespmem:$0xC100] =	vst v63  }
0x4d: {  	_ =	swait.ge [sflag:s24], $0x1000  }
0x4e: {  	s26 =	sld [smem:$0x7E0];
	_ =	sdelay $0x2  }
0x4f: {  	s31 =	rddreg [dreg:$0xf];
	s26 =	sadd.s32 $0x1, s26  }
0x50: {  	p1 =	sne.s32 s26, s31  }
.Ltmp1:
0x51: {  	_ = 	snop;
	(pc) =	sbr.rel @!p1 .LBB2_34-.Ltmp1, $3  }
0x52: {  	_ =	sdelay $0x1  }
0x53: {  	[sflag:s24] =	ssyncset.done $0x0  }
0x54: {  	s25 =	simm.s32 $0x8000;
	[sflag:s24] =	ssyncadd.s32 $0xFFFFF000  }
.LBB2_1:
0x55: {  	s0 =	rddreg [dreg:$0x7]  }
0x56: {  	[tilespmem:s5], [sflag:$0x3] =	stream.strided.gather [hbm4b:s0+s1], $0x1000, s6, s1, $0x38;
	[tilespmem:$0xC100] =	vst v63  }
0x57: {  	_ =	swait.ge [sflag:s24], $0x1000  }
0x58: {  	[sflag:s24] =	ssyncset.done $0x0  }
0x59: {  	s28 =	rddreg [dreg:$0x8];
	[sflag:s24] =	ssyncadd.s32 $0xFFFFF000  }
0x5a: {  	[tilespmem:s10], [sflag:$0x3] =	stream.strided.gather [hbm4b:s28+s1], $0x1000, s6, s1, $0x38;
	[tilespmem:$0xC100] =	vst v63  }
0x5b: {  	_ =	swait.ge [sflag:s24], $0x1000  }
0x5c: {  	[sflag:s24] =	ssyncset.done $0x0  }
0x5d: {  	s29 =	rddreg [dreg:$0x9];
	[sflag:s24] =	ssyncadd.s32 $0xFFFFF000  }
0x5e: {  	[tilespmem:s11], [sflag:$0x3] =	stream.strided.gather [hbm4b:s29+s1], $0x1000, s6, s1, $0x38;
	[tilespmem:$0xC100] =	vst v63  }
0x5f: {  	_ =	swait.ge [sflag:s24], $0x1000  }
0x60: {  	[sflag:s24] =	ssyncset.done $0x0  }
0x61: {  	s30 =	rddreg [dreg:$0xa];
	[sflag:s24] =	ssyncadd.s32 $0xFFFFF000  }
0x62: {  	[tilespmem:s12], [sflag:$0x3] =	stream.strided.gather [hbm4b:s30+s1], $0x1000, s6, s1, $0x38;
	[tilespmem:$0xC100] =	vst v63  }
0x63: {  	_ =	swait.ge [sflag:s24], $0x1000  }
0x64: {  	[sflag:s24] =	ssyncset.done $0x0  }
0x65: {  	[sflag:s24] =	ssyncadd.s32 $0xFFFFF000  }
0x66: {  	s31 =	rddreg [dreg:$0x1]  }
0x67: {  	[tilespmem:s25], [sflag:$0x3] =	stream.linear.gather [hbm4b:s31+s5], $0x80, $0x38;
	[tilespmem:$0xC100] =	vst v63  }
0x68: {  	_ =	swait.ge [sflag:s24], $0x80  }
0x69: {  	[sflag:s24] =	ssyncset.done $0x0  }
0x6a: {  	s0 =	simm.s32 $0x40;
	s1 =	simm.s32 $0x0;
	[sflag:s24] =	ssyncadd.s32 $0xFFFFFF80  }
.LBB2_2:
0x6b: {  	p1 =	sne.s32 s0, $0x3FC0;
	[tilespmem:s1+$0x4000] =	vst v5;
	s1 =	smov.u32 s0;
	s0 =	sadd.s32 $0x40, s0  }
.Ltmp2:
0x6c: {  	(pc) =	sbr.rel @p1 .LBB2_2-.Ltmp2, $2  }
0x6d: {  	_ =	sdelay $0x2  }
0x6e: {  	s1 =	sshra.s32 s1, $0x2  }
0x6f: {  	[tilespmem:s1+$0x4000] =	vst v5;
	s0 =	simm.s32 $0x0;
	s24 =	simm.s32 $0x40;
	s1 =	simm.s32 $0x0  }
.LBB2_4:
0x70: {  	p1 =	sne.s32 s24, $0x3FC0;
	[tilespmem:s1+$0x5000] =	vst v5;
	s1 =	smov.u32 s24;
	s24 =	sadd.s32 $0x40, s24  }
.Ltmp3:
0x71: {  	(pc) =	sbr.rel @p1 .LBB2_4-.Ltmp3, $2  }
0x72: {  	_ =	sdelay $0x2  }
0x73: {  	s1 =	sshra.s32 s1, $0x2  }
0x74: {  	[tilespmem:s1+$0x5000] =	vst v5  }
.LBB2_6:
0x75: {  	p1 =	sne.s32 s0, $0x3FC0  }
.Ltmp4:
0x76: {  	_ = 	snop;
	(pc) =	sbr.rel @p1 .LBB2_6-.Ltmp4, $3  }
0x77: {  	_ =	sdelay $0x1  }
0x78: {  	s1 =	sshra.s32 s0, $0x2  }
0x79: {  	s0 =	sadd.s32 $0x40, s0;
	[tilespmem:s1+$0x6000] =	vst v5  }
0x7a: {  	[smem:$0x7E0] =	sst s26;
	s0 =	simm.s32 $0x40;
	s1 =	simm.s32 $0x0  }
.LBB2_8:
0x7b: {  	p1 =	sne.s32 s0, $0x3FC0;
	[tilespmem:s1+$0x7000] =	vst v5;
	s1 =	smov.u32 s0;
	s0 =	sadd.s32 $0x40, s0  }
.Ltmp5:
0x7c: {  	(pc) =	sbr.rel @p1 .LBB2_8-.Ltmp5, $2  }
0x7d: {  	_ =	sdelay $0x2  }
0x7e: {  	s1 =	sshra.s32 s1, $0x2  }
0x7f: {  	_ =	sdelay $0x2  }
0x80: {  	[tilespmem:s1+$0x7000] =	vst v5  }
0x81: {  	v8 =	vld.idx.msk [tilespmem:v1+s25+$0x0], $0xffff  }
0x82: {  	v9 =	vld.idx.msk [tilespmem:v2+s25+$0x0], $0xffff  }
0x83: {  	s24 =	simm.s32 $0x0;
	s0 =	simm.s32 $0x9100;
	v10 =	vld.idx.msk [tilespmem:v4+s25+$0x0], $0xffff  }
0x84: {  	v11 =	vld.idx.msk [tilespmem:v0+s25+$0x0], $0xffff;
	[tilespmem:s0], [sflag:$0x1] =	stream.linear.gather [hbm4b:s2+s24], $0x80, $0x38  }
0x85: {  	s26 =	simm.s32 $0x9200;
	s25 =	rddreg [dreg:$0x10]  }
0x86: {  	[tilespmem:s26], [sflag:$0x1] =	stream.linear.gather [hbm4b:s25+s24], $0x80, $0x38;
	[tilespmem:$0xC100] =	vst v63  }
0x87: {  	s28 =	rddreg [dreg:$0x11];
	s29 =	simm.s32 $0x9300  }
0x88: {  	[tilespmem:s29], [sflag:$0x1] =	stream.linear.gather [hbm4b:s28+s24], $0x80, $0x38;
	[tilespmem:$0xC100] =	vst v63  }
0x89: {  	s30 =	rddreg [dreg:$0x12];
	s31 =	simm.s32 $0x9400  }
0x8a: {  	[tilespmem:s31], [sflag:$0x1] =	stream.linear.gather [hbm4b:s30+s24], $0x80, $0x38;
	[tilespmem:$0xC100] =	vst v63  }
0x8b: {  	s1 =	rddreg [dreg:$0x13];
	s6 =	simm.s32 $0x9500  }
0x8c: {  	[tilespmem:s6], [sflag:$0x1] =	stream.linear.gather [hbm4b:s1+s24], $0x80, $0x38;
	[tilespmem:$0xC100] =	vst v63  }
0x8d: {  	s25 =	rddreg [dreg:$0x14];
	s26 =	simm.s32 $0x9600  }
0x8e: {  	[tilespmem:s26], [sflag:$0x1] =	stream.linear.gather [hbm4b:s25+s24], $0x80, $0x38;
	[tilespmem:$0xC100] =	vst v63  }
0x8f: {  	s28 =	rddreg [dreg:$0x15];
	s29 =	simm.s32 $0x9700  }
0x90: {  	[tilespmem:s29], [sflag:$0x1] =	stream.linear.gather [hbm4b:s28+s24], $0x80, $0x38;
	[tilespmem:$0xC100] =	vst v63  }
0x91: {  	s30 =	rddreg [dreg:$0x16];
	s31 =	simm.s32 $0x9800  }
0x92: {  	[tilespmem:s31], [sflag:$0x1] =	stream.linear.gather [hbm4b:s30+s24], $0x80, $0x38;
	[tilespmem:$0xC100] =	vst v63  }
0x93: {  	s1 =	rddreg [dreg:$0x17];
	s6 =	simm.s32 $0x9900  }
0x94: {  	[tilespmem:s6], [sflag:$0x1] =	stream.linear.gather [hbm4b:s1+s24], $0x80, $0x38;
	[tilespmem:$0xC100] =	vst v63  }
0x95: {  	s25 =	rddreg [dreg:$0x18];
	s26 =	simm.s32 $0x9A00  }
0x96: {  	[tilespmem:s26], [sflag:$0x1] =	stream.linear.gather [hbm4b:s25+s24], $0x80, $0x38;
	[tilespmem:$0xC100] =	vst v63  }
0x97: {  	s28 =	rddreg [dreg:$0x19];
	s29 =	simm.s32 $0x9B00  }
0x98: {  	[tilespmem:s29], [sflag:$0x1] =	stream.linear.gather [hbm4b:s28+s24], $0x80, $0x38;
	[tilespmem:$0xC100] =	vst v63  }
0x99: {  	s30 =	rddreg [dreg:$0x1a];
	s31 =	simm.s32 $0x9C00  }
0x9a: {  	[tilespmem:s31], [sflag:$0x1] =	stream.linear.gather [hbm4b:s30+s24], $0x80, $0x38;
	[tilespmem:$0xC100] =	vst v63  }
0x9b: {  	s1 =	rddreg [dreg:$0x1b];
	s6 =	simm.s32 $0x9D00  }
0x9c: {  	[tilespmem:s6], [sflag:$0x1] =	stream.linear.gather [hbm4b:s1+s24], $0x80, $0x38;
	[tilespmem:$0xC100] =	vst v63  }
0x9d: {  	s25 =	rddreg [dreg:$0x1c];
	s26 =	simm.s32 $0x9E00  }
0x9e: {  	[tilespmem:s26], [sflag:$0x1] =	stream.linear.gather [hbm4b:s25+s24], $0x80, $0x38;
	[tilespmem:$0xC100] =	vst v63  }
0x9f: {  	s28 =	rddreg [dreg:$0x1d];
	s29 =	simm.s32 $0x9F00  }
0xa0: {  	[tilespmem:s29], [sflag:$0x1] =	stream.linear.gather [hbm4b:s28+s24], $0x80, $0x38;
	[tilespmem:$0xC100] =	vst v63  }
0xa1: {  	s30 =	rddreg [dreg:$0x1e];
	s31 =	simm.s32 $0xA000  }
0xa2: {  	[tilespmem:s31], [sflag:$0x1] =	stream.linear.gather [hbm4b:s30+s24], $0x80, $0x38;
	[tilespmem:$0xC100] =	vst v63  }
0xa3: {  	s6 =	simm.s32 $0xA100;
	s25 =	rddreg [dreg:$0x1f]  }
0xa4: {  	[tilespmem:s6], [sflag:$0x1] =	stream.linear.gather [hbm4b:s3+s24], $0x80, $0x38;
	[tilespmem:$0xC100] =	vst v63  }
0xa5: {  	s26 =	simm.s32 $0xA200;
	s28 =	sld [smem:$0x7E1]  }
0xa6: {  	[tilespmem:s26], [sflag:$0x1] =	stream.linear.gather [hbm4b:s25+s24], $0x80, $0x38;
	[tilespmem:$0xC100] =	vst v63  }
0xa7: {  	s29 =	simm.s32 $0xA300;
	s30 =	sld [smem:$0x7E2]  }
0xa8: {  	[tilespmem:s29], [sflag:$0x1] =	stream.linear.gather [hbm4b:s28+s24], $0x80, $0x38;
	[tilespmem:$0xC100] =	vst v63  }
0xa9: {  	s1 =	sld [smem:$0x7E3];
	s31 =	simm.s32 $0xA400  }
0xaa: {  	[tilespmem:s31], [sflag:$0x1] =	stream.linear.gather [hbm4b:s30+s24], $0x80, $0x38;
	[tilespmem:$0xC100] =	vst v63  }
0xab: {  	s6 =	simm.s32 $0xA500;
	s25 =	sld [smem:$0x7E4]  }
0xac: {  	[tilespmem:s6], [sflag:$0x1] =	stream.linear.gather [hbm4b:s1+s24], $0x80, $0x38;
	[tilespmem:$0xC100] =	vst v63  }
0xad: {  	s26 =	simm.s32 $0xA600;
	s28 =	sld [smem:$0x7E5]  }
0xae: {  	[tilespmem:s26], [sflag:$0x1] =	stream.linear.gather [hbm4b:s25+s24], $0x80, $0x38;
	[tilespmem:$0xC100] =	vst v63  }
0xaf: {  	s29 =	simm.s32 $0xA700;
	s30 =	sld [smem:$0x7E6]  }
0xb0: {  	[tilespmem:s29], [sflag:$0x1] =	stream.linear.gather [hbm4b:s28+s24], $0x80, $0x38;
	[tilespmem:$0xC100] =	vst v63  }
0xb1: {  	s31 =	simm.s32 $0xA800;
	s1 =	sld [smem:$0x7E7]  }
0xb2: {  	[tilespmem:s31], [sflag:$0x1] =	stream.linear.gather [hbm4b:s30+s24], $0x80, $0x38;
	[tilespmem:$0xC100] =	vst v63  }
0xb3: {  	s6 =	simm.s32 $0xA900;
	s25 =	sld [smem:$0x7E8]  }
0xb4: {  	[tilespmem:s6], [sflag:$0x1] =	stream.linear.gather [hbm4b:s1+s24], $0x80, $0x38;
	[tilespmem:$0xC100] =	vst v63  }
0xb5: {  	s26 =	simm.s32 $0xAA00;
	s28 =	sld [smem:$0x7E9]  }
0xb6: {  	[tilespmem:s26], [sflag:$0x1] =	stream.linear.gather [hbm4b:s25+s24], $0x80, $0x38;
	[tilespmem:$0xC100] =	vst v63  }
0xb7: {  	s29 =	simm.s32 $0xAB00;
	s30 =	sld [smem:$0x7EA]  }
0xb8: {  	[tilespmem:s29], [sflag:$0x1] =	stream.linear.gather [hbm4b:s28+s24], $0x80, $0x38;
	[tilespmem:$0xC100] =	vst v63  }
0xb9: {  	s31 =	simm.s32 $0xAC00;
	s1 =	sld [smem:$0x7EB]  }
0xba: {  	[tilespmem:s31], [sflag:$0x1] =	stream.linear.gather [hbm4b:s30+s24], $0x80, $0x38;
	[tilespmem:$0xC100] =	vst v63  }
0xbb: {  	s6 =	simm.s32 $0xAD00;
	s25 =	sld [smem:$0x7EC]  }
0xbc: {  	[tilespmem:s6], [sflag:$0x1] =	stream.linear.gather [hbm4b:s1+s24], $0x80, $0x38;
	[tilespmem:$0xC100] =	vst v63  }
0xbd: {  	s26 =	simm.s32 $0xAE00;
	s28 =	sld [smem:$0x7ED]  }
0xbe: {  	[tilespmem:s26], [sflag:$0x1] =	stream.linear.gather [hbm4b:s25+s24], $0x80, $0x38;
	[tilespmem:$0xC100] =	vst v63  }
0xbf: {  	s29 =	simm.s32 $0xAF00;
	s30 =	sld [smem:$0x7EE]  }
0xc0: {  	[tilespmem:s29], [sflag:$0x1] =	stream.linear.gather [hbm4b:s28+s24], $0x80, $0x38;
	[tilespmem:$0xC100] =	vst v63  }
0xc1: {  	s31 =	simm.s32 $0xB000  }
0xc2: {  	[tilespmem:s31], [sflag:$0x1] =	stream.linear.gather [hbm4b:s30+s24], $0x80, $0x38;
	[tilespmem:$0xC100] =	vst v63  }
0xc3: {  	s6 =	simm.s32 $0xB100;
	s25 =	sld [smem:$0x7EF]  }
0xc4: {  	[tilespmem:s6], [sflag:$0x1] =	stream.linear.gather [hbm4b:s4+s24], $0x80, $0x38;
	[tilespmem:$0xC100] =	vst v63  }
0xc5: {  	s26 =	simm.s32 $0xB200;
	s28 =	sld [smem:$0x7F0]  }
0xc6: {  	[tilespmem:s26], [sflag:$0x1] =	stream.linear.gather [hbm4b:s25+s24], $0x80, $0x38;
	[tilespmem:$0xC100] =	vst v63  }
0xc7: {  	s29 =	simm.s32 $0xB300;
	s30 =	sld [smem:$0x7F1]  }
0xc8: {  	[tilespmem:s29], [sflag:$0x1] =	stream.linear.gather [hbm4b:s28+s24], $0x80, $0x38;
	[tilespmem:$0xC100] =	vst v63  }
0xc9: {  	s1 =	sld [smem:$0x7F2];
	s31 =	simm.s32 $0xB400  }
0xca: {  	[tilespmem:s31], [sflag:$0x1] =	stream.linear.gather [hbm4b:s30+s24], $0x80, $0x38;
	[tilespmem:$0xC100] =	vst v63  }
0xcb: {  	s6 =	simm.s32 $0xB500;
	s25 =	sld [smem:$0x7F3]  }
0xcc: {  	[tilespmem:s6], [sflag:$0x1] =	stream.linear.gather [hbm4b:s1+s24], $0x80, $0x38;
	[tilespmem:$0xC100] =	vst v63  }
0xcd: {  	s26 =	simm.s32 $0xB600;
	s28 =	sld [smem:$0x7F4]  }
0xce: {  	[tilespmem:s26], [sflag:$0x1] =	stream.linear.gather [hbm4b:s25+s24], $0x80, $0x38;
	[tilespmem:$0xC100] =	vst v63  }
0xcf: {  	s29 =	simm.s32 $0xB700;
	s30 =	sld [smem:$0x7F5]  }
0xd0: {  	[tilespmem:s29], [sflag:$0x1] =	stream.linear.gather [hbm4b:s28+s24], $0x80, $0x38;
	[tilespmem:$0xC100] =	vst v63  }
0xd1: {  	s31 =	simm.s32 $0xB800;
	s1 =	sld [smem:$0x7F6]  }
0xd2: {  	[tilespmem:s31], [sflag:$0x1] =	stream.linear.gather [hbm4b:s30+s24], $0x80, $0x38;
	[tilespmem:$0xC100] =	vst v63  }
0xd3: {  	s6 =	simm.s32 $0xB900;
	s25 =	sld [smem:$0x7F7]  }
0xd4: {  	[tilespmem:s6], [sflag:$0x1] =	stream.linear.gather [hbm4b:s1+s24], $0x80, $0x38;
	[tilespmem:$0xC100] =	vst v63  }
0xd5: {  	s26 =	simm.s32 $0xBA00;
	s28 =	sld [smem:$0x7F8]  }
0xd6: {  	[tilespmem:s26], [sflag:$0x1] =	stream.linear.gather [hbm4b:s25+s24], $0x80, $0x38;
	[tilespmem:$0xC100] =	vst v63  }
0xd7: {  	s29 =	simm.s32 $0xBB00;
	s30 =	sld [smem:$0x7F9]  }
0xd8: {  	[tilespmem:s29], [sflag:$0x1] =	stream.linear.gather [hbm4b:s28+s24], $0x80, $0x38;
	[tilespmem:$0xC100] =	vst v63  }
0xd9: {  	s31 =	simm.s32 $0xBC00;
	s1 =	sld [smem:$0x7FA]  }
0xda: {  	[tilespmem:s31], [sflag:$0x1] =	stream.linear.gather [hbm4b:s30+s24], $0x80, $0x38;
	[tilespmem:$0xC100] =	vst v63  }
0xdb: {  	s6 =	simm.s32 $0xBD00;
	s25 =	sld [smem:$0x7FB]  }
0xdc: {  	[tilespmem:s6], [sflag:$0x1] =	stream.linear.gather [hbm4b:s1+s24], $0x80, $0x38;
	[tilespmem:$0xC100] =	vst v63  }
0xdd: {  	s26 =	simm.s32 $0xBE00;
	s28 =	sld [smem:$0x7FC]  }
0xde: {  	[tilespmem:s26], [sflag:$0x1] =	stream.linear.gather [hbm4b:s25+s24], $0x80, $0x38;
	[tilespmem:$0xC100] =	vst v63  }
.Ltmp6:
0xdf: {  	_ = 	snop;
	(pc) =	sbr.rel .LBB2_10-.Ltmp6, $4  }
0xe0: {  	s29 =	simm.s32 $0xBF00;
	s30 =	sld [smem:$0x7FD]  }
0xe1: {  	[tilespmem:s29], [sflag:$0x1] =	stream.linear.gather [hbm4b:s28+s24], $0x80, $0x38;
	[tilespmem:$0xC100] =	vst v63  }
0xe2: {  	s31 =	simm.s32 $0xC000;
	s25 =	simm.s32 $0x0  }
0xe3: {  	[tilespmem:s31], [sflag:$0x1] =	stream.linear.gather [hbm4b:s30+s24], $0x80, $0x38;
	[tilespmem:$0xC100] =	vst v63  }
.LBB2_32:
0xe4: {  	s25 =	sadd.s32 $0x1, s25  }
0xe5: {  	p1 =	sne.s32 s25, $0x40  }
.Ltmp7:
0xe6: {  	_ = 	snop;
	(pc) =	sbr.rel @!p1 .LBB2_33-.Ltmp7, $1  }
0xe7: {  	_ =	sdelay $0x3  }
.LBB2_10:
0xe8: {  	s26 =	sshll.u32 s25, $0x9  }
0xe9: {  	s0 =	sor.u32 $0x100, s26  }
0xea: {  	s6 =	simm.s32 $0x9180;
	s1 =	sadd.s32 s2, s0  }
0xeb: {  	[tilespmem:s6], [sflag:$0x2] =	stream.linear.gather [hbm4b:s1+s24], $0x80, $0x38;
	[tilespmem:$0xC100] =	vst v63  }
0xec: {  	s28 =	simm.s32 $0x9280;
	s6 =	sadd.s32 $0x10, s1  }
0xed: {  	[tilespmem:s28], [sflag:$0x2] =	stream.linear.gather [hbm4b:s6+s24], $0x80, $0x38;
	[tilespmem:$0xC100] =	vst v63  }
0xee: {  	s6 =	sadd.s32 $0x20, s1;
	s28 =	simm.s32 $0x9380  }
0xef: {  	[tilespmem:s28], [sflag:$0x2] =	stream.linear.gather [hbm4b:s6+s24], $0x80, $0x38;
	[tilespmem:$0xC100] =	vst v63  }
0xf0: {  	s6 =	sadd.s32 $0x30, s1;
	s28 =	simm.s32 $0x9480  }
0xf1: {  	[tilespmem:s28], [sflag:$0x2] =	stream.linear.gather [hbm4b:s6+s24], $0x80, $0x38;
	[tilespmem:$0xC100] =	vst v63  }
0xf2: {  	s6 =	sadd.s32 $0x40, s1;
	s28 =	simm.s32 $0x9580  }
0xf3: {  	[tilespmem:s28], [sflag:$0x2] =	stream.linear.gather [hbm4b:s6+s24], $0x80, $0x38;
	[tilespmem:$0xC100] =	vst v63  }
0xf4: {  	s6 =	sadd.s32 $0x50, s1;
	s28 =	simm.s32 $0x9680  }
0xf5: {  	[tilespmem:s28], [sflag:$0x2] =	stream.linear.gather [hbm4b:s6+s24], $0x80, $0x38;
	[tilespmem:$0xC100] =	vst v63  }
0xf6: {  	s6 =	sadd.s32 $0x60, s1;
	s28 =	simm.s32 $0x9780  }
0xf7: {  	[tilespmem:s28], [sflag:$0x2] =	stream.linear.gather [hbm4b:s6+s24], $0x80, $0x38;
	[tilespmem:$0xC100] =	vst v63  }
0xf8: {  	s6 =	sadd.s32 $0x70, s1;
	s28 =	simm.s32 $0x9880  }
0xf9: {  	[tilespmem:s28], [sflag:$0x2] =	stream.linear.gather [hbm4b:s6+s24], $0x80, $0x38;
	[tilespmem:$0xC100] =	vst v63  }
0xfa: {  	s6 =	sadd.s32 $0x80, s1;
	s28 =	simm.s32 $0x9980  }
0xfb: {  	[tilespmem:s28], [sflag:$0x2] =	stream.linear.gather [hbm4b:s6+s24], $0x80, $0x38;
	[tilespmem:$0xC100] =	vst v63  }
0xfc: {  	s6 =	sadd.s32 $0x90, s1;
	s28 =	simm.s32 $0x9A80  }
0xfd: {  	[tilespmem:s28], [sflag:$0x2] =	stream.linear.gather [hbm4b:s6+s24], $0x80, $0x38;
	[tilespmem:$0xC100] =	vst v63  }
0xfe: {  	s6 =	sadd.s32 $0xA0, s1;
	s28 =	simm.s32 $0x9B80  }
0xff: {  	[tilespmem:s28], [sflag:$0x2] =	stream.linear.gather [hbm4b:s6+s24], $0x80, $0x38;
	[tilespmem:$0xC100] =	vst v63  }
0x100: {  	s6 =	sadd.s32 $0xB0, s1;
	s28 =	simm.s32 $0x9C80  }
0x101: {  	[tilespmem:s28], [sflag:$0x2] =	stream.linear.gather [hbm4b:s6+s24], $0x80, $0x38;
	[tilespmem:$0xC100] =	vst v63  }
0x102: {  	s6 =	sadd.s32 $0xC0, s1;
	s28 =	simm.s32 $0x9D80  }
0x103: {  	[tilespmem:s28], [sflag:$0x2] =	stream.linear.gather [hbm4b:s6+s24], $0x80, $0x38;
	[tilespmem:$0xC100] =	vst v63  }
0x104: {  	s6 =	sadd.s32 $0xD0, s1;
	s28 =	simm.s32 $0x9E80  }
0x105: {  	[tilespmem:s28], [sflag:$0x2] =	stream.linear.gather [hbm4b:s6+s24], $0x80, $0x38;
	[tilespmem:$0xC100] =	vst v63  }
0x106: {  	s6 =	sadd.s32 $0xE0, s1;
	s28 =	simm.s32 $0x9F80  }
0x107: {  	[tilespmem:s28], [sflag:$0x2] =	stream.linear.gather [hbm4b:s6+s24], $0x80, $0x38;
	[tilespmem:$0xC100] =	vst v63  }
0x108: {  	s1 =	sadd.s32 $0xF0, s1;
	s6 =	simm.s32 $0xA080  }
0x109: {  	[tilespmem:s6], [sflag:$0x2] =	stream.linear.gather [hbm4b:s1+s24], $0x80, $0x38;
	[tilespmem:$0xC100] =	vst v63  }
0x10a: {  	s1 =	sadd.s32 s3, s0;
	s6 =	simm.s32 $0xA180  }
0x10b: {  	[tilespmem:s6], [sflag:$0x2] =	stream.linear.gather [hbm4b:s1+s24], $0x80, $0x38;
	[tilespmem:$0xC100] =	vst v63  }
0x10c: {  	s28 =	simm.s32 $0xA280;
	s6 =	sadd.s32 $0x10, s1  }
0x10d: {  	[tilespmem:s28], [sflag:$0x2] =	stream.linear.gather [hbm4b:s6+s24], $0x80, $0x38;
	[tilespmem:$0xC100] =	vst v63  }
0x10e: {  	s6 =	sadd.s32 $0x20, s1;
	s28 =	simm.s32 $0xA380  }
0x10f: {  	[tilespmem:s28], [sflag:$0x2] =	stream.linear.gather [hbm4b:s6+s24], $0x80, $0x38;
	[tilespmem:$0xC100] =	vst v63  }
0x110: {  	s6 =	sadd.s32 $0x30, s1;
	s28 =	simm.s32 $0xA480  }
0x111: {  	[tilespmem:s28], [sflag:$0x2] =	stream.linear.gather [hbm4b:s6+s24], $0x80, $0x38;
	[tilespmem:$0xC100] =	vst v63  }
0x112: {  	s6 =	sadd.s32 $0x40, s1;
	s28 =	simm.s32 $0xA580  }
0x113: {  	[tilespmem:s28], [sflag:$0x2] =	stream.linear.gather [hbm4b:s6+s24], $0x80, $0x38;
	[tilespmem:$0xC100] =	vst v63  }
0x114: {  	s6 =	sadd.s32 $0x50, s1;
	s28 =	simm.s32 $0xA680  }
0x115: {  	[tilespmem:s28], [sflag:$0x2] =	stream.linear.gather [hbm4b:s6+s24], $0x80, $0x38;
	[tilespmem:$0xC100] =	vst v63  }
0x116: {  	s6 =	sadd.s32 $0x60, s1;
	s28 =	simm.s32 $0xA780  }
0x117: {  	[tilespmem:s28], [sflag:$0x2] =	stream.linear.gather [hbm4b:s6+s24], $0x80, $0x38;
	[tilespmem:$0xC100] =	vst v63  }
0x118: {  	s6 =	sadd.s32 $0x70, s1;
	s28 =	simm.s32 $0xA880  }
0x119: {  	[tilespmem:s28], [sflag:$0x2] =	stream.linear.gather [hbm4b:s6+s24], $0x80, $0x38;
	[tilespmem:$0xC100] =	vst v63  }
0x11a: {  	s6 =	sadd.s32 $0x80, s1;
	s28 =	simm.s32 $0xA980  }
0x11b: {  	[tilespmem:s28], [sflag:$0x2] =	stream.linear.gather [hbm4b:s6+s24], $0x80, $0x38;
	[tilespmem:$0xC100] =	vst v63  }
0x11c: {  	s6 =	sadd.s32 $0x90, s1;
	s28 =	simm.s32 $0xAA80  }
0x11d: {  	[tilespmem:s28], [sflag:$0x2] =	stream.linear.gather [hbm4b:s6+s24], $0x80, $0x38;
	[tilespmem:$0xC100] =	vst v63  }
0x11e: {  	s6 =	sadd.s32 $0xA0, s1;
	s28 =	simm.s32 $0xAB80  }
0x11f: {  	[tilespmem:s28], [sflag:$0x2] =	stream.linear.gather [hbm4b:s6+s24], $0x80, $0x38;
	[tilespmem:$0xC100] =	vst v63  }
0x120: {  	s6 =	sadd.s32 $0xB0, s1;
	s28 =	simm.s32 $0xAC80  }
0x121: {  	[tilespmem:s28], [sflag:$0x2] =	stream.linear.gather [hbm4b:s6+s24], $0x80, $0x38;
	[tilespmem:$0xC100] =	vst v63  }
0x122: {  	s6 =	sadd.s32 $0xC0, s1;
	s28 =	simm.s32 $0xAD80  }
0x123: {  	[tilespmem:s28], [sflag:$0x2] =	stream.linear.gather [hbm4b:s6+s24], $0x80, $0x38;
	[tilespmem:$0xC100] =	vst v63  }
0x124: {  	s6 =	sadd.s32 $0xD0, s1;
	s28 =	simm.s32 $0xAE80  }
0x125: {  	[tilespmem:s28], [sflag:$0x2] =	stream.linear.gather [hbm4b:s6+s24], $0x80, $0x38;
	[tilespmem:$0xC100] =	vst v63  }
0x126: {  	s6 =	sadd.s32 $0xE0, s1;
	s28 =	simm.s32 $0xAF80  }
0x127: {  	[tilespmem:s28], [sflag:$0x2] =	stream.linear.gather [hbm4b:s6+s24], $0x80, $0x38;
	[tilespmem:$0xC100] =	vst v63  }
0x128: {  	s1 =	sadd.s32 $0xF0, s1;
	s6 =	simm.s32 $0xB080  }
0x129: {  	[tilespmem:s6], [sflag:$0x2] =	stream.linear.gather [hbm4b:s1+s24], $0x80, $0x38;
	[tilespmem:$0xC100] =	vst v63  }
0x12a: {  	s0 =	sadd.s32 s4, s0;
	s6 =	simm.s32 $0xB180  }
0x12b: {  	[tilespmem:s6], [sflag:$0x2] =	stream.linear.gather [hbm4b:s0+s24], $0x80, $0x38;
	[tilespmem:$0xC100] =	vst v63  }
0x12c: {  	s1 =	sadd.s32 $0x10, s0;
	s6 =	simm.s32 $0xB280  }
0x12d: {  	[tilespmem:s6], [sflag:$0x2] =	stream.linear.gather [hbm4b:s1+s24], $0x80, $0x38;
	[tilespmem:$0xC100] =	vst v63  }
0x12e: {  	s1 =	sadd.s32 $0x20, s0;
	s6 =	simm.s32 $0xB380  }
0x12f: {  	[tilespmem:s6], [sflag:$0x2] =	stream.linear.gather [hbm4b:s1+s24], $0x80, $0x38;
	[tilespmem:$0xC100] =	vst v63  }
0x130: {  	s1 =	sadd.s32 $0x30, s0;
	s6 =	simm.s32 $0xB480  }
0x131: {  	[tilespmem:s6], [sflag:$0x2] =	stream.linear.gather [hbm4b:s1+s24], $0x80, $0x38;
	[tilespmem:$0xC100] =	vst v63  }
0x132: {  	s1 =	sadd.s32 $0x40, s0;
	s6 =	simm.s32 $0xB580  }
0x133: {  	[tilespmem:s6], [sflag:$0x2] =	stream.linear.gather [hbm4b:s1+s24], $0x80, $0x38;
	[tilespmem:$0xC100] =	vst v63  }
0x134: {  	s1 =	sadd.s32 $0x50, s0;
	s6 =	simm.s32 $0xB680  }
0x135: {  	[tilespmem:s6], [sflag:$0x2] =	stream.linear.gather [hbm4b:s1+s24], $0x80, $0x38;
	[tilespmem:$0xC100] =	vst v63  }
0x136: {  	s1 =	sadd.s32 $0x60, s0;
	s6 =	simm.s32 $0xB780  }
0x137: {  	[tilespmem:s6], [sflag:$0x2] =	stream.linear.gather [hbm4b:s1+s24], $0x80, $0x38;
	[tilespmem:$0xC100] =	vst v63  }
0x138: {  	s1 =	sadd.s32 $0x70, s0;
	s6 =	simm.s32 $0xB880  }
0x139: {  	[tilespmem:s6], [sflag:$0x2] =	stream.linear.gather [hbm4b:s1+s24], $0x80, $0x38;
	[tilespmem:$0xC100] =	vst v63  }
0x13a: {  	s1 =	sadd.s32 $0x80, s0;
	s6 =	simm.s32 $0xB980  }
0x13b: {  	[tilespmem:s6], [sflag:$0x2] =	stream.linear.gather [hbm4b:s1+s24], $0x80, $0x38;
	[tilespmem:$0xC100] =	vst v63  }
0x13c: {  	s1 =	sadd.s32 $0x90, s0;
	s6 =	simm.s32 $0xBA80  }
0x13d: {  	[tilespmem:s6], [sflag:$0x2] =	stream.linear.gather [hbm4b:s1+s24], $0x80, $0x38;
	[tilespmem:$0xC100] =	vst v63  }
0x13e: {  	s6 =	sadd.s32 $0xA0, s0  }
0x13f: {  	[tilespmem:s13], [sflag:$0x2] =	stream.linear.gather [hbm4b:s6+s24], $0x80, $0x38;
	[tilespmem:$0xC100] =	vst v63  }
0x140: {  	s6 =	sadd.s32 $0xB0, s0  }
0x141: {  	[tilespmem:s7], [sflag:$0x2] =	stream.linear.gather [hbm4b:s6+s24], $0x80, $0x38;
	[tilespmem:$0xC100] =	vst v63  }
0x142: {  	s6 =	sadd.s32 $0xC0, s0  }
0x143: {  	[tilespmem:s8], [sflag:$0x2] =	stream.linear.gather [hbm4b:s6+s24], $0x80, $0x38;
	[tilespmem:$0xC100] =	vst v63  }
0x144: {  	s6 =	sadd.s32 $0xD0, s0  }
0x145: {  	[tilespmem:s14], [sflag:$0x2] =	stream.linear.gather [hbm4b:s6+s24], $0x80, $0x38;
	[tilespmem:$0xC100] =	vst v63  }
0x146: {  	s6 =	sadd.s32 $0xE0, s0  }
0x147: {  	[tilespmem:s15], [sflag:$0x2] =	stream.linear.gather [hbm4b:s6+s24], $0x80, $0x38;
	[tilespmem:$0xC100] =	vst v63  }
0x148: {  	s0 =	sadd.s32 $0xF0, s0  }
0x149: {  	[tilespmem:s9], [sflag:$0x2] =	stream.linear.gather [hbm4b:s0+s24], $0x80, $0x38;
	[tilespmem:$0xC100] =	vst v63  }
0x14a: {  	_ =	swait.ge [sflag:s16], $0x800  }
0x14b: {  	[sflag:s16] =	ssyncset.done $0x0  }
0x14c: {  	[sflag:s16] =	ssyncadd.s32 $0xFFFFF800  }
0x14d: {  	_ =	swait.ge [sflag:s16], $0x800  }
0x14e: {  	[sflag:s16] =	ssyncset.done $0x0  }
0x14f: {  	[sflag:s16] =	ssyncadd.s32 $0xFFFFF800  }
0x150: {  	_ =	swait.ge [sflag:s16], $0x800  }
0x151: {  	s1 =	sand.u32 $0x60, s24;
	s6 =	sand.u32 $0xF00, s24;
	[sflag:s16] =	ssyncset.done $0x0  }
0x152: {  	s0 =	sor.u32 s1, s6;
	[sflag:s16] =	ssyncadd.s32 $0xFFFFF800  }
0x153: {  	v12 =	vld [tilespmem:s0+$0xA100]  }
0x154: {  	v14 =	vld [tilespmem:s0+$0xA110]  }
0x155: {  	v13 =	vld [tilespmem:s0+$0x9100];
	_ =	sdelay $0x3  }
0x156: {  	v15 =	vld [tilespmem:s0+$0xB110]  }
0x157: {  	v16 =	vld [tilespmem:s0+$0x9110]  }
0x158: {  	v17 =	vld [tilespmem:s0+$0xB100];
	[tilespmem:v12+s17+$0x0] =	vst.idx.msk $0xffff, v3  }
0x159: {  	[tilespmem:v14+s17+$0x0] =	vst.idx.msk $0xffff, v6  }
0x15a: {  	v18 =	vld.idx.msk [tilespmem:v13+s5+$0x0], $0xffff;
	_ =	sdelay $0x1  }
0x15b: {  	v19 =	vld.idx.msk [tilespmem:v12+s18+$0x0], $0xffff  }
0x15c: {  	v20 =	vmul.f32 v17, v8;
	_ =	sdelay $0x1  }
0x15d: {  	v18 =	vadd.f32 v18, v20;
	_ =	sdelay $0x1  }
0x15e: {  	v53 =	vld.idx.msk [tilespmem:v14+s17+$0x0], $0xffff;
	v18 =	vmax.f32 v19, v18  }
0x15f: {  	v21 =	vld.idx.msk [tilespmem:v12+s17+$0x0], $0xffff;
	[tilespmem:v12+s18+$0x0] =	vst.idx.msk $0xffff, v18  }
0x160: {  	v18 =	vld.idx.msk [tilespmem:v16+s5+$0x0], $0xffff;
	_ =	sdelay $0x1  }
0x161: {  	v54 =	vld.idx.msk [tilespmem:v14+s18+$0x0], $0xffff  }
0x162: {  	v22 =	vmul.f32 v15, v8;
	_ =	sdelay $0x1  }
0x163: {  	v18 =	vadd.f32 v18, v22;
	_ =	sdelay $0x1  }
0x164: {  	v18 =	vmax.f32 v54, v18  }
0x165: {  	[tilespmem:v14+s18+$0x0] =	vst.idx.msk $0xffff, v18  }
0x166: {  	v18 =	vld.idx.msk [tilespmem:v13+s10+$0x0], $0xffff;
	_ =	sdelay $0x1  }
0x167: {  	v55 =	vld.idx.msk [tilespmem:v12+s19+$0x0], $0xffff  }
0x168: {  	v56 =	vmul.f32 v17, v9;
	_ =	sdelay $0x1  }
0x169: {  	v18 =	vadd.f32 v18, v56;
	_ =	sdelay $0x1  }
0x16a: {  	v18 =	vmax.f32 v55, v18  }
0x16b: {  	[tilespmem:v12+s19+$0x0] =	vst.idx.msk $0xffff, v18  }
0x16c: {  	v18 =	vld.idx.msk [tilespmem:v16+s10+$0x0], $0xffff;
	_ =	sdelay $0x1  }
0x16d: {  	v57 =	vld.idx.msk [tilespmem:v14+s19+$0x0], $0xffff  }
0x16e: {  	v58 =	vmul.f32 v15, v9;
	_ =	sdelay $0x1  }
0x16f: {  	v18 =	vadd.f32 v18, v58;
	_ =	sdelay $0x1  }
0x170: {  	v18 =	vmax.f32 v57, v18  }
0x171: {  	[tilespmem:v14+s19+$0x0] =	vst.idx.msk $0xffff, v18  }
0x172: {  	v18 =	vld.idx.msk [tilespmem:v13+s11+$0x0], $0xffff;
	_ =	sdelay $0x1  }
0x173: {  	v59 =	vld.idx.msk [tilespmem:v12+s20+$0x0], $0xffff  }
0x174: {  	v60 =	vmul.f32 v17, v10;
	_ =	sdelay $0x1  }
0x175: {  	v18 =	vadd.f32 v18, v60;
	_ =	sdelay $0x1  }
0x176: {  	v18 =	vmax.f32 v59, v18  }
0x177: {  	[tilespmem:v12+s20+$0x0] =	vst.idx.msk $0xffff, v18  }
0x178: {  	v18 =	vld.idx.msk [tilespmem:v16+s11+$0x0], $0xffff;
	_ =	sdelay $0x1  }
0x179: {  	v61 =	vld.idx.msk [tilespmem:v14+s20+$0x0], $0xffff  }
0x17a: {  	v62 =	vmul.f32 v15, v10;
	_ =	sdelay $0x1  }
0x17b: {  	v18 =	vadd.f32 v18, v62;
	_ =	sdelay $0x1  }
0x17c: {  	v18 =	vmax.f32 v61, v18  }
0x17d: {  	[tilespmem:v14+s20+$0x0] =	vst.idx.msk $0xffff, v18  }
0x17e: {  	v13 =	vld.idx.msk [tilespmem:v13+s12+$0x0], $0xffff;
	_ =	sdelay $0x1  }
0x17f: {  	v18 =	vld.idx.msk [tilespmem:v12+s21+$0x0], $0xffff  }
0x180: {  	v17 =	vmul.f32 v17, v11;
	_ =	sdelay $0x1  }
0x181: {  	v13 =	vadd.f32 v13, v17;
	_ =	sdelay $0x1  }
0x182: {  	v13 =	vmax.f32 v18, v13  }
0x183: {  	vm2 =	vne.s32 v21, v3;
	vm3 =	vne.s32 v53, v6;
	[tilespmem:v12+s21+$0x0] =	vst.idx.msk $0xffff, v13  }
0x184: {  	vm2 =	vmor vm2, vm3;
	v12 =	vld.idx.msk [tilespmem:v16+s12+$0x0], $0xffff  }
0x185: {  	v13 =	vmul.f32 v15, v11;
	v15 =	vmpcnt.ones.xlane vm2  }
0x186: {  	v63 =	vld.idx.msk [tilespmem:v14+s21+$0x0], $0xffff  }
0x187: {  	vm2 =	vgt.s32 v15, $0x0  }
0x188: {  	v15 =	vsel vm2, $0x1, v7;
	vm2 =	vmand vm2, vm0  }
0x189: {  	v12 =	vadd.f32 v12, v13;
	v13 =	vimm.s32 $0x0;
	_ =	sdelay $0x1  }
0x18a: {  	s29 =	simm.s32 $0x40;
	s30 =	simm.s32 $0x20;
	s31 =	simm.s32 $0x2;
	v16 =	vmax.f32 v63, v12  }
0x18b: {  	s28 =	simm.s32 $0x1;
	s6 =	sand.u32 $0x60, s30;
	s1 =	sand.u32 $0xF00, s29;
	v12 =	vadd.s32 v15, v13;
	[tilespmem:v14+s21+$0x0] =	vst.idx.msk $0xffff, v16;
	v14 =	vmov s24  }
.LBB2_11:
0x18c: {  	p1 =	sne.s32 s31, $0x3F  }
0x18d: {  	s1 =	sor.u32 s6, s1;
	[tilespmem:v13+s22+$0x0] =	vst.idx.msk vm2, v14;
	v13 =	vmov v12;
	s0 =	smov.u32 s31;
	s31 =	sadd.s32 $0x1, s31  }
0x18e: {  	v15 =	vld [tilespmem:s1+$0xA100]  }
0x18f: {  	v14 =	vld [tilespmem:s1+$0xA110]  }
0x190: {  	v18 =	vld [tilespmem:s1+$0x9100];
	_ =	sdelay $0x2  }
0x191: {  	v16 =	vld [tilespmem:s1+$0xB110]  }
0x192: {  	v17 =	vld [tilespmem:s1+$0x9110]  }
0x193: {  	v19 =	vld [tilespmem:s1+$0xB100]  }
0x194: {  	[tilespmem:v15+s17+$0x0] =	vst.idx.msk $0xffff, v3  }
0x195: {  	[tilespmem:v14+s17+$0x0] =	vst.idx.msk $0xffff, v6  }
0x196: {  	v20 =	vld.idx.msk [tilespmem:v18+s5+$0x0], $0xffff;
	v21 =	vmul.f32 v16, v9;
	_ =	sdelay $0x1  }
0x197: {  	v22 =	vmul.f32 v19, v8;
	v23 =	vld.idx.msk [tilespmem:v15+s18+$0x0], $0xffff;
	_ =	sdelay $0x3  }
0x198: {  	v20 =	vadd.f32 v20, v22  }
0x199: {  	v22 =	vld.idx.msk [tilespmem:v14+s17+$0x0], $0xffff  }
0x19a: {  	v20 =	vmax.f32 v23, v20;
	v24 =	vld.idx.msk [tilespmem:v15+s17+$0x0], $0xffff  }
0x19b: {  	[tilespmem:v15+s18+$0x0] =	vst.idx.msk $0xffff, v20  }
0x19c: {  	v20 =	vld.idx.msk [tilespmem:v17+s5+$0x0], $0xffff;
	_ =	sdelay $0x1  }
0x19d: {  	v23 =	vld.idx.msk [tilespmem:v14+s18+$0x0], $0xffff;
	_ =	sdelay $0x1  }
0x19e: {  	vm3 =	vne.s32 v22, v6;
	v22 =	vmul.f32 v16, v8;
	vm2 =	vne.s32 v24, v3  }
0x19f: {  	vm2 =	vmor vm2, vm3  }
0x1a0: {  	v20 =	vadd.f32 v20, v22;
	v22 =	vmpcnt.ones.xlane vm2;
	_ =	sdelay $0x1  }
0x1a1: {  	v20 =	vmax.f32 v23, v20;
	vm2 =	vgt.s32 v22, $0x0  }
0x1a2: {  	[tilespmem:v14+s18+$0x0] =	vst.idx.msk $0xffff, v20;
	v20 =	vsel vm2, $0x1, v7  }
0x1a3: {  	v22 =	vld.idx.msk [tilespmem:v18+s10+$0x0], $0xffff;
	v12 =	vadd.s32 v20, v12;
	_ =	sdelay $0x1  }
0x1a4: {  	v20 =	vld.idx.msk [tilespmem:v15+s19+$0x0], $0xffff;
	_ =	sdelay $0x1  }
0x1a5: {  	v23 =	vmul.f32 v19, v9;
	_ =	sdelay $0x1  }
0x1a6: {  	v22 =	vadd.f32 v22, v23;
	_ =	sdelay $0x1  }
0x1a7: {  	v20 =	vmax.f32 v20, v22  }
0x1a8: {  	[tilespmem:v15+s19+$0x0] =	vst.idx.msk $0xffff, v20  }
0x1a9: {  	v20 =	vld.idx.msk [tilespmem:v17+s10+$0x0], $0xffff;
	_ =	sdelay $0x1  }
0x1aa: {  	v22 =	vld.idx.msk [tilespmem:v14+s19+$0x0], $0xffff;
	_ =	sdelay $0x3  }
0x1ab: {  	v20 =	vadd.f32 v20, v21;
	_ =	sdelay $0x1  }
0x1ac: {  	v20 =	vmax.f32 v22, v20  }
0x1ad: {  	[tilespmem:v14+s19+$0x0] =	vst.idx.msk $0xffff, v20  }
0x1ae: {  	v20 =	vld.idx.msk [tilespmem:v18+s11+$0x0], $0xffff;
	_ =	sdelay $0x1  }
0x1af: {  	v21 =	vld.idx.msk [tilespmem:v15+s20+$0x0], $0xffff;
	_ =	sdelay $0x1  }
0x1b0: {  	v22 =	vmul.f32 v19, v10;
	_ =	sdelay $0x1  }
0x1b1: {  	v20 =	vadd.f32 v20, v22;
	_ =	sdelay $0x1  }
0x1b2: {  	v20 =	vmax.f32 v21, v20  }
0x1b3: {  	[tilespmem:v15+s20+$0x0] =	vst.idx.msk $0xffff, v20  }
0x1b4: {  	v20 =	vld.idx.msk [tilespmem:v17+s11+$0x0], $0xffff;
	_ =	sdelay $0x1  }
0x1b5: {  	v21 =	vld.idx.msk [tilespmem:v14+s20+$0x0], $0xffff;
	_ =	sdelay $0x1  }
0x1b6: {  	v22 =	vmul.f32 v16, v10;
	_ =	sdelay $0x1  }
0x1b7: {  	v20 =	vadd.f32 v20, v22;
	_ =	sdelay $0x1  }
0x1b8: {  	v20 =	vmax.f32 v21, v20  }
0x1b9: {  	[tilespmem:v14+s20+$0x0] =	vst.idx.msk $0xffff, v20  }
0x1ba: {  	v18 =	vld.idx.msk [tilespmem:v18+s12+$0x0], $0xffff;
	_ =	sdelay $0x1  }
0x1bb: {  	v20 =	vld.idx.msk [tilespmem:v15+s21+$0x0], $0xffff;
	_ =	sdelay $0x1  }
0x1bc: {  	v19 =	vmul.f32 v19, v11;
	_ =	sdelay $0x1  }
0x1bd: {  	v18 =	vadd.f32 v18, v19;
	_ =	sdelay $0x1  }
0x1be: {  	v18 =	vmax.f32 v20, v18  }
0x1bf: {  	[tilespmem:v15+s21+$0x0] =	vst.idx.msk $0xffff, v18  }
0x1c0: {  	v15 =	vld.idx.msk [tilespmem:v17+s12+$0x0], $0xffff  }
0x1c1: {  	v17 =	vld.idx.msk [tilespmem:v14+s21+$0x0], $0xffff;
	_ =	sdelay $0x2  }
0x1c2: {  	vm2 =	vmand vm2, vm0;
	v16 =	vmul.f32 v16, v11  }
.Ltmp8:
0x1c3: {  	(pc) =	sbr.rel @p1 .LBB2_11-.Ltmp8, $3  }
0x1c4: {  	v15 =	vadd.f32 v15, v16;
	_ =	sdelay $0x1  }
0x1c5: {  	s29 =	sadd.s32 $0x40, s29;
	s30 =	sadd.s32 $0x20, s30;
	v15 =	vmax.f32 v17, v15  }
0x1c6: {  	s6 =	sand.u32 $0x60, s30;
	s1 =	sand.u32 $0xF00, s29;
	[tilespmem:v14+s21+$0x0] =	vst.idx.msk $0xffff, v15;
	v14 =	vmov s28;
	s28 =	smov.u32 s0  }
0x1c7: {  	_ =	sdelay $0x4  }
0x1c8: {  	s0 =	sor.u32 s6, s1;
	[tilespmem:v13+s22+$0x0] =	vst.idx.msk vm2, v14  }
0x1c9: {  	v13 =	vld [tilespmem:s0+$0xA100]  }
0x1ca: {  	v14 =	vld [tilespmem:s0+$0xA110]  }
0x1cb: {  	v15 =	vld [tilespmem:s0+$0x9100];
	_ =	sdelay $0x3  }
0x1cc: {  	v16 =	vld [tilespmem:s0+$0xB110]  }
0x1cd: {  	v17 =	vld [tilespmem:s0+$0x9110]  }
0x1ce: {  	v18 =	vld [tilespmem:s0+$0xB100];
	[tilespmem:v13+s17+$0x0] =	vst.idx.msk $0xffff, v3  }
0x1cf: {  	[tilespmem:v14+s17+$0x0] =	vst.idx.msk $0xffff, v6  }
0x1d0: {  	v19 =	vld.idx.msk [tilespmem:v15+s5+$0x0], $0xffff;
	_ =	sdelay $0x1  }
0x1d1: {  	v20 =	vld.idx.msk [tilespmem:v13+s18+$0x0], $0xffff  }
0x1d2: {  	v21 =	vmul.f32 v18, v8;
	_ =	sdelay $0x1  }
0x1d3: {  	v19 =	vadd.f32 v19, v21;
	_ =	sdelay $0x1  }
0x1d4: {  	v47 =	vld.idx.msk [tilespmem:v14+s17+$0x0], $0xffff;
	v19 =	vmax.f32 v20, v19  }
0x1d5: {  	v22 =	vld.idx.msk [tilespmem:v13+s17+$0x0], $0xffff;
	[tilespmem:v13+s18+$0x0] =	vst.idx.msk $0xffff, v19  }
0x1d6: {  	v19 =	vld.idx.msk [tilespmem:v17+s5+$0x0], $0xffff;
	_ =	sdelay $0x1  }
0x1d7: {  	v48 =	vld.idx.msk [tilespmem:v14+s18+$0x0], $0xffff  }
0x1d8: {  	v23 =	vmul.f32 v16, v8;
	_ =	sdelay $0x1  }
0x1d9: {  	v19 =	vadd.f32 v19, v23;
	_ =	sdelay $0x1  }
0x1da: {  	v19 =	vmax.f32 v48, v19  }
0x1db: {  	[tilespmem:v14+s18+$0x0] =	vst.idx.msk $0xffff, v19  }
0x1dc: {  	v19 =	vld.idx.msk [tilespmem:v15+s10+$0x0], $0xffff;
	_ =	sdelay $0x1  }
0x1dd: {  	v49 =	vld.idx.msk [tilespmem:v13+s19+$0x0], $0xffff  }
0x1de: {  	v50 =	vmul.f32 v18, v9;
	_ =	sdelay $0x1  }
0x1df: {  	v19 =	vadd.f32 v19, v50;
	_ =	sdelay $0x1  }
0x1e0: {  	v19 =	vmax.f32 v49, v19  }
0x1e1: {  	[tilespmem:v13+s19+$0x0] =	vst.idx.msk $0xffff, v19  }
0x1e2: {  	v19 =	vld.idx.msk [tilespmem:v17+s10+$0x0], $0xffff;
	_ =	sdelay $0x1  }
0x1e3: {  	v51 =	vld.idx.msk [tilespmem:v14+s19+$0x0], $0xffff  }
0x1e4: {  	v52 =	vmul.f32 v16, v9;
	_ =	sdelay $0x1  }
0x1e5: {  	v19 =	vadd.f32 v19, v52;
	_ =	sdelay $0x1  }
0x1e6: {  	v19 =	vmax.f32 v51, v19  }
0x1e7: {  	[tilespmem:v14+s19+$0x0] =	vst.idx.msk $0xffff, v19  }
0x1e8: {  	v19 =	vld.idx.msk [tilespmem:v15+s11+$0x0], $0xffff  }
0x1e9: {  	vm2 =	vne.s32 v22, v3;
	vm3 =	vne.s32 v47, v6  }
0x1ea: {  	vm2 =	vmor vm2, vm3;
	v53 =	vld.idx.msk [tilespmem:v13+s20+$0x0], $0xffff  }
0x1eb: {  	v54 =	vmul.f32 v18, v10;
	v55 =	vmpcnt.ones.xlane vm2;
	_ =	sdelay $0x1  }
0x1ec: {  	vm2 =	vgt.s32 v55, $0x0;
	v19 =	vadd.f32 v19, v54  }
0x1ed: {  	v56 =	vsel vm2, $0x1, v7  }
0x1ee: {  	v57 =	vadd.s32 v56, v12;
	v19 =	vmax.f32 v53, v19  }
0x1ef: {  	[tilespmem:v13+s20+$0x0] =	vst.idx.msk $0xffff, v19;
	v19 =	vxor.u32 $0x80000000, v57  }
0x1f0: {  	(xrf0) =	vmax.scan.msk.u32 $0xffff, v19;
	_ =	sdelay $0x1  }
0x1f1: {  	v58 =	vld.idx.msk [tilespmem:v17+s11+$0x0], $0xffff;
	_ =	sdelay $0x1  }
0x1f2: {  	v59 =	vld.idx.msk [tilespmem:v14+s20+$0x0], $0xffff  }
0x1f3: {  	v60 =	vmul.f32 v16, v10  }
0x1f4: {  	v61, _, _ =	vpop (xrf0)  }
0x1f5: {  	v19 =	vadd.f32 v58, v60;
	(v2sf) =	vpush v61, $0xF;
	_ =	sdelay $0x1  }
0x1f6: {  	v19 =	vmax.f32 v59, v19  }
0x1f7: {  	[tilespmem:v14+s20+$0x0] =	vst.idx.msk $0xffff, v19  }
0x1f8: {  	v15 =	vld.idx.msk [tilespmem:v15+s12+$0x0], $0xffff;
	_ =	sdelay $0x1  }
0x1f9: {  	v62 =	vld.idx.msk [tilespmem:v13+s21+$0x0], $0xffff  }
0x1fa: {  	v18 =	vmul.f32 v18, v11;
	_ =	sdelay $0x1  }
0x1fb: {  	v15 =	vadd.f32 v15, v18;
	_ =	sdelay $0x1  }
0x1fc: {  	v15 =	vmax.f32 v62, v15  }
0x1fd: {  	[tilespmem:v13+s21+$0x0] =	vst.idx.msk $0xffff, v15  }
0x1fe: {  	v13 =	vld.idx.msk [tilespmem:v17+s12+$0x0], $0xffff;
	_ =	sdelay $0x1  }
0x1ff: {  	v15 =	vld.idx.msk [tilespmem:v14+s21+$0x0], $0xffff;
	s31 =	spop (v2sf)  }
0x200: {  	v16 =	vmul.f32 v16, v11;
	vm2 =	vmand vm2, vm0;
	s0 =	sxor.u32 $0x80000000, s31  }
0x201: {  	p1 =	slt.s32 s0, $0x1  }
.Ltmp9:
0x202: {  	v13 =	vadd.f32 v13, v16;
	(pc) =	sbr.rel @!p1 .LBB2_13-.Ltmp9, $4  }
0x203: {  	_ = 	snop  }
0x204: {  	v13 =	vmax.f32 v15, v13  }
0x205: {  	v63 =	vmov s28;
	[tilespmem:v14+s21+$0x0] =	vst.idx.msk $0xffff, v13  }
0x206: {  	s28 =	simm.s32 $0x0;
	[tilespmem:v12+s22+$0x0] =	vst.idx.msk vm2, v63  }
.LBB2_20:
0x207: {  	p1 =	seq.s32 s25, $0x3F  }
.Ltmp10:
0x208: {  	_ = 	snop;
	(pc) =	sbr.rel @p1 .LBB2_22-.Ltmp10, $1  }
0x209: {  	_ =	sdelay $0x3  }
0x20a: {  	s0 =	sadd.s32 $0x200, s26  }
0x20b: {  	s6 =	simm.s32 $0x9100;
	s1 =	sadd.s32 s2, s0  }
0x20c: {  	[tilespmem:s6], [sflag:$0x1] =	stream.linear.gather [hbm4b:s1+s5], $0x80, $0x38;
	[tilespmem:$0xC100] =	vst v63  }
0x20d: {  	s29 =	simm.s32 $0x9200;
	s28 =	sadd.s32 $0x10, s1  }
0x20e: {  	[tilespmem:s29], [sflag:$0x1] =	stream.linear.gather [hbm4b:s28+s5], $0x80, $0x38;
	[tilespmem:$0xC100] =	vst v63  }
0x20f: {  	s31 =	simm.s32 $0x9300;
	s30 =	sadd.s32 $0x20, s1  }
0x210: {  	[tilespmem:s31], [sflag:$0x1] =	stream.linear.gather [hbm4b:s30+s5], $0x80, $0x38;
	[tilespmem:$0xC100] =	vst v63  }
0x211: {  	s28 =	sadd.s32 $0x30, s1;
	s29 =	simm.s32 $0x9400  }
0x212: {  	[tilespmem:s29], [sflag:$0x1] =	stream.linear.gather [hbm4b:s28+s5], $0x80, $0x38;
	[tilespmem:$0xC100] =	vst v63  }
0x213: {  	s30 =	sadd.s32 $0x40, s1;
	s31 =	simm.s32 $0x9500  }
0x214: {  	[tilespmem:s31], [sflag:$0x1] =	stream.linear.gather [hbm4b:s30+s5], $0x80, $0x38;
	[tilespmem:$0xC100] =	vst v63  }
0x215: {  	s28 =	sadd.s32 $0x50, s1;
	s29 =	simm.s32 $0x9600  }
0x216: {  	[tilespmem:s29], [sflag:$0x1] =	stream.linear.gather [hbm4b:s28+s5], $0x80, $0x38;
	[tilespmem:$0xC100] =	vst v63  }
0x217: {  	s30 =	sadd.s32 $0x60, s1;
	s31 =	simm.s32 $0x9700  }
0x218: {  	[tilespmem:s31], [sflag:$0x1] =	stream.linear.gather [hbm4b:s30+s5], $0x80, $0x38;
	[tilespmem:$0xC100] =	vst v63  }
0x219: {  	s28 =	sadd.s32 $0x70, s1;
	s29 =	simm.s32 $0x9800  }
0x21a: {  	[tilespmem:s29], [sflag:$0x1] =	stream.linear.gather [hbm4b:s28+s5], $0x80, $0x38;
	[tilespmem:$0xC100] =	vst v63  }
0x21b: {  	s30 =	sadd.s32 $0x80, s1;
	s31 =	simm.s32 $0x9900  }
0x21c: {  	[tilespmem:s31], [sflag:$0x1] =	stream.linear.gather [hbm4b:s30+s5], $0x80, $0x38;
	[tilespmem:$0xC100] =	vst v63  }
0x21d: {  	s28 =	sadd.s32 $0x90, s1;
	s29 =	simm.s32 $0x9A00  }
0x21e: {  	[tilespmem:s29], [sflag:$0x1] =	stream.linear.gather [hbm4b:s28+s5], $0x80, $0x38;
	[tilespmem:$0xC100] =	vst v63  }
0x21f: {  	s30 =	sadd.s32 $0xA0, s1;
	s31 =	simm.s32 $0x9B00  }
0x220: {  	[tilespmem:s31], [sflag:$0x1] =	stream.linear.gather [hbm4b:s30+s5], $0x80, $0x38;
	[tilespmem:$0xC100] =	vst v63  }
0x221: {  	s28 =	sadd.s32 $0xB0, s1;
	s29 =	simm.s32 $0x9C00  }
0x222: {  	[tilespmem:s29], [sflag:$0x1] =	stream.linear.gather [hbm4b:s28+s5], $0x80, $0x38;
	[tilespmem:$0xC100] =	vst v63  }
0x223: {  	s30 =	sadd.s32 $0xC0, s1;
	s31 =	simm.s32 $0x9D00  }
0x224: {  	[tilespmem:s31], [sflag:$0x1] =	stream.linear.gather [hbm4b:s30+s5], $0x80, $0x38;
	[tilespmem:$0xC100] =	vst v63  }
0x225: {  	s28 =	sadd.s32 $0xD0, s1;
	s29 =	simm.s32 $0x9E00  }
0x226: {  	[tilespmem:s29], [sflag:$0x1] =	stream.linear.gather [hbm4b:s28+s5], $0x80, $0x38;
	[tilespmem:$0xC100] =	vst v63  }
0x227: {  	s30 =	sadd.s32 $0xE0, s1;
	s31 =	simm.s32 $0x9F00  }
0x228: {  	[tilespmem:s31], [sflag:$0x1] =	stream.linear.gather [hbm4b:s30+s5], $0x80, $0x38;
	[tilespmem:$0xC100] =	vst v63  }
0x229: {  	s1 =	sadd.s32 $0xF0, s1;
	s28 =	simm.s32 $0xA000  }
0x22a: {  	[tilespmem:s28], [sflag:$0x1] =	stream.linear.gather [hbm4b:s1+s5], $0x80, $0x38;
	[tilespmem:$0xC100] =	vst v63  }
0x22b: {  	s29 =	simm.s32 $0xA100;
	s1 =	sadd.s32 s3, s0  }
0x22c: {  	[tilespmem:s29], [sflag:$0x1] =	stream.linear.gather [hbm4b:s1+s5], $0x80, $0x38;
	[tilespmem:$0xC100] =	vst v63  }
0x22d: {  	s31 =	simm.s32 $0xA200;
	s30 =	sadd.s32 $0x10, s1  }
0x22e: {  	[tilespmem:s31], [sflag:$0x1] =	stream.linear.gather [hbm4b:s30+s5], $0x80, $0x38;
	[tilespmem:$0xC100] =	vst v63  }
0x22f: {  	s28 =	sadd.s32 $0x20, s1;
	s29 =	simm.s32 $0xA300  }
0x230: {  	[tilespmem:s29], [sflag:$0x1] =	stream.linear.gather [hbm4b:s28+s5], $0x80, $0x38;
	[tilespmem:$0xC100] =	vst v63  }
0x231: {  	s30 =	sadd.s32 $0x30, s1;
	s31 =	simm.s32 $0xA400  }
0x232: {  	[tilespmem:s31], [sflag:$0x1] =	stream.linear.gather [hbm4b:s30+s5], $0x80, $0x38;
	[tilespmem:$0xC100] =	vst v63  }
0x233: {  	s28 =	sadd.s32 $0x40, s1;
	s29 =	simm.s32 $0xA500  }
0x234: {  	[tilespmem:s29], [sflag:$0x1] =	stream.linear.gather [hbm4b:s28+s5], $0x80, $0x38;
	[tilespmem:$0xC100] =	vst v63  }
0x235: {  	s30 =	sadd.s32 $0x50, s1;
	s31 =	simm.s32 $0xA600  }
0x236: {  	[tilespmem:s31], [sflag:$0x1] =	stream.linear.gather [hbm4b:s30+s5], $0x80, $0x38;
	[tilespmem:$0xC100] =	vst v63  }
0x237: {  	s28 =	sadd.s32 $0x60, s1;
	s29 =	simm.s32 $0xA700  }
0x238: {  	[tilespmem:s29], [sflag:$0x1] =	stream.linear.gather [hbm4b:s28+s5], $0x80, $0x38;
	[tilespmem:$0xC100] =	vst v63  }
0x239: {  	s30 =	sadd.s32 $0x70, s1;
	s31 =	simm.s32 $0xA800  }
0x23a: {  	[tilespmem:s31], [sflag:$0x1] =	stream.linear.gather [hbm4b:s30+s5], $0x80, $0x38;
	[tilespmem:$0xC100] =	vst v63  }
0x23b: {  	s28 =	sadd.s32 $0x80, s1;
	s29 =	simm.s32 $0xA900  }
0x23c: {  	[tilespmem:s29], [sflag:$0x1] =	stream.linear.gather [hbm4b:s28+s5], $0x80, $0x38;
	[tilespmem:$0xC100] =	vst v63  }
0x23d: {  	s30 =	sadd.s32 $0x90, s1;
	s31 =	simm.s32 $0xAA00  }
0x23e: {  	[tilespmem:s31], [sflag:$0x1] =	stream.linear.gather [hbm4b:s30+s5], $0x80, $0x38;
	[tilespmem:$0xC100] =	vst v63  }
0x23f: {  	s28 =	sadd.s32 $0xA0, s1;
	s29 =	simm.s32 $0xAB00  }
0x240: {  	[tilespmem:s29], [sflag:$0x1] =	stream.linear.gather [hbm4b:s28+s5], $0x80, $0x38;
	[tilespmem:$0xC100] =	vst v63  }
0x241: {  	s30 =	sadd.s32 $0xB0, s1;
	s31 =	simm.s32 $0xAC00  }
0x242: {  	[tilespmem:s31], [sflag:$0x1] =	stream.linear.gather [hbm4b:s30+s5], $0x80, $0x38;
	[tilespmem:$0xC100] =	vst v63  }
0x243: {  	s28 =	sadd.s32 $0xC0, s1;
	s29 =	simm.s32 $0xAD00  }
0x244: {  	[tilespmem:s29], [sflag:$0x1] =	stream.linear.gather [hbm4b:s28+s5], $0x80, $0x38;
	[tilespmem:$0xC100] =	vst v63  }
0x245: {  	s30 =	sadd.s32 $0xD0, s1;
	s31 =	simm.s32 $0xAE00  }
0x246: {  	[tilespmem:s31], [sflag:$0x1] =	stream.linear.gather [hbm4b:s30+s5], $0x80, $0x38;
	[tilespmem:$0xC100] =	vst v63  }
0x247: {  	s28 =	sadd.s32 $0xE0, s1;
	s29 =	simm.s32 $0xAF00  }
0x248: {  	[tilespmem:s29], [sflag:$0x1] =	stream.linear.gather [hbm4b:s28+s5], $0x80, $0x38;
	[tilespmem:$0xC100] =	vst v63  }
0x249: {  	s1 =	sadd.s32 $0xF0, s1;
	s30 =	simm.s32 $0xB000  }
0x24a: {  	[tilespmem:s30], [sflag:$0x1] =	stream.linear.gather [hbm4b:s1+s5], $0x80, $0x38;
	[tilespmem:$0xC100] =	vst v63  }
0x24b: {  	s0 =	sadd.s32 s4, s0;
	s31 =	simm.s32 $0xB100  }
0x24c: {  	[tilespmem:s31], [sflag:$0x1] =	stream.linear.gather [hbm4b:s0+s5], $0x80, $0x38;
	[tilespmem:$0xC100] =	vst v63  }
0x24d: {  	s26 =	simm.s32 $0xB200;
	s6 =	sadd.s32 $0x10, s0  }
0x24e: {  	[tilespmem:s26], [sflag:$0x1] =	stream.linear.gather [hbm4b:s6+s5], $0x80, $0x38;
	[tilespmem:$0xC100] =	vst v63  }
0x24f: {  	s28 =	sadd.s32 $0x20, s0;
	s29 =	simm.s32 $0xB300  }
0x250: {  	[tilespmem:s29], [sflag:$0x1] =	stream.linear.gather [hbm4b:s28+s5], $0x80, $0x38;
	[tilespmem:$0xC100] =	vst v63  }
0x251: {  	s30 =	sadd.s32 $0x30, s0;
	s31 =	simm.s32 $0xB400  }
0x252: {  	[tilespmem:s31], [sflag:$0x1] =	stream.linear.gather [hbm4b:s30+s5], $0x80, $0x38;
	[tilespmem:$0xC100] =	vst v63  }
0x253: {  	s6 =	sadd.s32 $0x40, s0;
	s26 =	simm.s32 $0xB500  }
0x254: {  	[tilespmem:s26], [sflag:$0x1] =	stream.linear.gather [hbm4b:s6+s5], $0x80, $0x38;
	[tilespmem:$0xC100] =	vst v63  }
0x255: {  	s28 =	sadd.s32 $0x50, s0;
	s29 =	simm.s32 $0xB600  }
0x256: {  	[tilespmem:s29], [sflag:$0x1] =	stream.linear.gather [hbm4b:s28+s5], $0x80, $0x38;
	[tilespmem:$0xC100] =	vst v63  }
0x257: {  	s30 =	sadd.s32 $0x60, s0;
	s31 =	simm.s32 $0xB700  }
0x258: {  	[tilespmem:s31], [sflag:$0x1] =	stream.linear.gather [hbm4b:s30+s5], $0x80, $0x38;
	[tilespmem:$0xC100] =	vst v63  }
0x259: {  	s6 =	sadd.s32 $0x70, s0;
	s26 =	simm.s32 $0xB800  }
0x25a: {  	[tilespmem:s26], [sflag:$0x1] =	stream.linear.gather [hbm4b:s6+s5], $0x80, $0x38;
	[tilespmem:$0xC100] =	vst v63  }
0x25b: {  	s28 =	sadd.s32 $0x80, s0;
	s29 =	simm.s32 $0xB900  }
0x25c: {  	[tilespmem:s29], [sflag:$0x1] =	stream.linear.gather [hbm4b:s28+s5], $0x80, $0x38;
	[tilespmem:$0xC100] =	vst v63  }
0x25d: {  	s30 =	sadd.s32 $0x90, s0;
	s31 =	simm.s32 $0xBA00  }
0x25e: {  	[tilespmem:s31], [sflag:$0x1] =	stream.linear.gather [hbm4b:s30+s5], $0x80, $0x38;
	[tilespmem:$0xC100] =	vst v63  }
0x25f: {  	s6 =	sadd.s32 $0xA0, s0;
	s26 =	simm.s32 $0xBB00  }
0x260: {  	[tilespmem:s26], [sflag:$0x1] =	stream.linear.gather [hbm4b:s6+s5], $0x80, $0x38;
	[tilespmem:$0xC100] =	vst v63  }
0x261: {  	s28 =	sadd.s32 $0xB0, s0;
	s29 =	simm.s32 $0xBC00  }
0x262: {  	[tilespmem:s29], [sflag:$0x1] =	stream.linear.gather [hbm4b:s28+s5], $0x80, $0x38;
	[tilespmem:$0xC100] =	vst v63  }
0x263: {  	s30 =	sadd.s32 $0xC0, s0;
	s31 =	simm.s32 $0xBD00  }
0x264: {  	[tilespmem:s31], [sflag:$0x1] =	stream.linear.gather [hbm4b:s30+s5], $0x80, $0x38;
	[tilespmem:$0xC100] =	vst v63  }
0x265: {  	s26 =	sadd.s32 $0xD0, s0;
	s28 =	simm.s32 $0xBE00  }
0x266: {  	[tilespmem:s28], [sflag:$0x1] =	stream.linear.gather [hbm4b:s26+s5], $0x80, $0x38;
	[tilespmem:$0xC100] =	vst v63  }
0x267: {  	s29 =	sadd.s32 $0xE0, s0;
	s30 =	simm.s32 $0xBF00  }
0x268: {  	[tilespmem:s30], [sflag:$0x1] =	stream.linear.gather [hbm4b:s29+s5], $0x80, $0x38;
	[tilespmem:$0xC100] =	vst v63  }
0x269: {  	s0 =	sadd.s32 $0xF0, s0;
	s31 =	simm.s32 $0xC000  }
0x26a: {  	[tilespmem:s31], [sflag:$0x1] =	stream.linear.gather [hbm4b:s0+s5], $0x80, $0x38;
	[tilespmem:$0xC100] =	vst v63  }
.LBB2_22:
0x26b: {  	_ =	swait.ge [sflag:s23], $0x800  }
0x26c: {  	[sflag:s23] =	ssyncset.done $0x0  }
0x26d: {  	[sflag:s23] =	ssyncadd.s32 $0xFFFFF800  }
0x26e: {  	_ =	swait.ge [sflag:s23], $0x800  }
0x26f: {  	[sflag:s23] =	ssyncset.done $0x0  }
0x270: {  	[sflag:s23] =	ssyncadd.s32 $0xFFFFF800  }
0x271: {  	s0 =	simm.s32 $0x0;
	_ =	swait.ge [sflag:s23], $0x800  }
0x272: {  	s1 =	sand.u32 $0x60, s0;
	s6 =	sand.u32 $0xF00, s0;
	[sflag:s23] =	ssyncset.done $0x0  }
0x273: {  	s1 =	sor.u32 s1, s6;
	[sflag:s23] =	ssyncadd.s32 $0xFFFFF800  }
0x274: {  	v12 =	vld [tilespmem:s1+$0xA180]  }
0x275: {  	v14 =	vld [tilespmem:s1+$0xA190]  }
0x276: {  	v13 =	vld [tilespmem:s1+$0x9180];
	_ =	sdelay $0x3  }
0x277: {  	v15 =	vld [tilespmem:s1+$0xB190]  }
0x278: {  	v16 =	vld [tilespmem:s1+$0x9190]  }
0x279: {  	v17 =	vld [tilespmem:s1+$0xB180];
	[tilespmem:v12+s17+$0x0] =	vst.idx.msk $0xffff, v3  }
0x27a: {  	[tilespmem:v14+s17+$0x0] =	vst.idx.msk $0xffff, v6  }
0x27b: {  	v18 =	vld.idx.msk [tilespmem:v13+s5+$0x0], $0xffff;
	_ =	sdelay $0x1  }
0x27c: {  	v19 =	vld.idx.msk [tilespmem:v12+s18+$0x0], $0xffff  }
0x27d: {  	v20 =	vmul.f32 v17, v8;
	_ =	sdelay $0x1  }
0x27e: {  	v18 =	vadd.f32 v18, v20;
	_ =	sdelay $0x1  }
0x27f: {  	v53 =	vld.idx.msk [tilespmem:v14+s17+$0x0], $0xffff;
	v18 =	vmax.f32 v19, v18  }
0x280: {  	v21 =	vld.idx.msk [tilespmem:v12+s17+$0x0], $0xffff;
	[tilespmem:v12+s18+$0x0] =	vst.idx.msk $0xffff, v18  }
0x281: {  	v18 =	vld.idx.msk [tilespmem:v16+s5+$0x0], $0xffff;
	_ =	sdelay $0x1  }
0x282: {  	v54 =	vld.idx.msk [tilespmem:v14+s18+$0x0], $0xffff  }
0x283: {  	v22 =	vmul.f32 v15, v8;
	_ =	sdelay $0x1  }
0x284: {  	v18 =	vadd.f32 v18, v22;
	_ =	sdelay $0x1  }
0x285: {  	v18 =	vmax.f32 v54, v18  }
0x286: {  	[tilespmem:v14+s18+$0x0] =	vst.idx.msk $0xffff, v18  }
0x287: {  	v18 =	vld.idx.msk [tilespmem:v13+s10+$0x0], $0xffff;
	_ =	sdelay $0x1  }
0x288: {  	v55 =	vld.idx.msk [tilespmem:v12+s19+$0x0], $0xffff  }
0x289: {  	v56 =	vmul.f32 v17, v9;
	_ =	sdelay $0x1  }
0x28a: {  	v18 =	vadd.f32 v18, v56;
	_ =	sdelay $0x1  }
0x28b: {  	v18 =	vmax.f32 v55, v18  }
0x28c: {  	[tilespmem:v12+s19+$0x0] =	vst.idx.msk $0xffff, v18  }
0x28d: {  	v18 =	vld.idx.msk [tilespmem:v16+s10+$0x0], $0xffff;
	_ =	sdelay $0x1  }
0x28e: {  	v57 =	vld.idx.msk [tilespmem:v14+s19+$0x0], $0xffff  }
0x28f: {  	v58 =	vmul.f32 v15, v9;
	_ =	sdelay $0x1  }
0x290: {  	v18 =	vadd.f32 v18, v58;
	_ =	sdelay $0x1  }
0x291: {  	v18 =	vmax.f32 v57, v18  }
0x292: {  	[tilespmem:v14+s19+$0x0] =	vst.idx.msk $0xffff, v18  }
0x293: {  	v18 =	vld.idx.msk [tilespmem:v13+s11+$0x0], $0xffff;
	_ =	sdelay $0x1  }
0x294: {  	v59 =	vld.idx.msk [tilespmem:v12+s20+$0x0], $0xffff  }
0x295: {  	v60 =	vmul.f32 v17, v10;
	_ =	sdelay $0x1  }
0x296: {  	v18 =	vadd.f32 v18, v60;
	_ =	sdelay $0x1  }
0x297: {  	v18 =	vmax.f32 v59, v18  }
0x298: {  	[tilespmem:v12+s20+$0x0] =	vst.idx.msk $0xffff, v18  }
0x299: {  	v18 =	vld.idx.msk [tilespmem:v16+s11+$0x0], $0xffff;
	_ =	sdelay $0x1  }
0x29a: {  	v61 =	vld.idx.msk [tilespmem:v14+s20+$0x0], $0xffff  }
0x29b: {  	v62 =	vmul.f32 v15, v10;
	_ =	sdelay $0x1  }
0x29c: {  	v18 =	vadd.f32 v18, v62;
	_ =	sdelay $0x1  }
0x29d: {  	v18 =	vmax.f32 v61, v18  }
0x29e: {  	[tilespmem:v14+s20+$0x0] =	vst.idx.msk $0xffff, v18  }
0x29f: {  	v13 =	vld.idx.msk [tilespmem:v13+s12+$0x0], $0xffff;
	_ =	sdelay $0x1  }
0x2a0: {  	v18 =	vld.idx.msk [tilespmem:v12+s21+$0x0], $0xffff  }
0x2a1: {  	v17 =	vmul.f32 v17, v11;
	_ =	sdelay $0x1  }
0x2a2: {  	v13 =	vadd.f32 v13, v17;
	_ =	sdelay $0x1  }
0x2a3: {  	v13 =	vmax.f32 v18, v13  }
0x2a4: {  	vm2 =	vne.s32 v21, v3;
	vm3 =	vne.s32 v53, v6;
	[tilespmem:v12+s21+$0x0] =	vst.idx.msk $0xffff, v13  }
0x2a5: {  	vm2 =	vmor vm2, vm3;
	v12 =	vld.idx.msk [tilespmem:v16+s12+$0x0], $0xffff  }
0x2a6: {  	v13 =	vmul.f32 v15, v11;
	v15 =	vmpcnt.ones.xlane vm2  }
0x2a7: {  	v63 =	vld.idx.msk [tilespmem:v14+s21+$0x0], $0xffff  }
0x2a8: {  	vm2 =	vgt.s32 v15, $0x0  }
0x2a9: {  	v15 =	vsel vm2, $0x1, v7;
	vm2 =	vmand vm2, vm0  }
0x2aa: {  	v12 =	vadd.f32 v12, v13;
	v13 =	vimm.s32 $0x0;
	_ =	sdelay $0x1  }
0x2ab: {  	s26 =	simm.s32 $0x1;
	s28 =	simm.s32 $0x40;
	s29 =	simm.s32 $0x20;
	v16 =	vmax.f32 v63, v12  }
0x2ac: {  	s30 =	simm.s32 $0x2;
	s6 =	sand.u32 $0x60, s29;
	s1 =	sand.u32 $0xF00, s28;
	v12 =	vadd.s32 v15, v13;
	[tilespmem:v14+s21+$0x0] =	vst.idx.msk $0xffff, v16;
	v14 =	vmov s0  }
.LBB2_23:
0x2ad: {  	p1 =	sne.s32 s30, $0x3F  }
0x2ae: {  	s1 =	sor.u32 s6, s1;
	[tilespmem:v13+s22+$0x0] =	vst.idx.msk vm2, v14;
	v13 =	vmov v12;
	s0 =	smov.u32 s30;
	s30 =	sadd.s32 $0x1, s30  }
0x2af: {  	v15 =	vld [tilespmem:s1+$0xA180]  }
0x2b0: {  	v14 =	vld [tilespmem:s1+$0xA190]  }
0x2b1: {  	v18 =	vld [tilespmem:s1+$0x9180];
	_ =	sdelay $0x2  }
0x2b2: {  	v16 =	vld [tilespmem:s1+$0xB190]  }
0x2b3: {  	v17 =	vld [tilespmem:s1+$0x9190]  }
0x2b4: {  	v19 =	vld [tilespmem:s1+$0xB180]  }
0x2b5: {  	[tilespmem:v15+s17+$0x0] =	vst.idx.msk $0xffff, v3  }
0x2b6: {  	[tilespmem:v14+s17+$0x0] =	vst.idx.msk $0xffff, v6  }
0x2b7: {  	v20 =	vld.idx.msk [tilespmem:v18+s5+$0x0], $0xffff;
	v21 =	vmul.f32 v16, v9;
	_ =	sdelay $0x1  }
0x2b8: {  	v22 =	vmul.f32 v19, v8;
	v23 =	vld.idx.msk [tilespmem:v15+s18+$0x0], $0xffff;
	_ =	sdelay $0x3  }
0x2b9: {  	v20 =	vadd.f32 v20, v22  }
0x2ba: {  	v22 =	vld.idx.msk [tilespmem:v14+s17+$0x0], $0xffff  }
0x2bb: {  	v20 =	vmax.f32 v23, v20;
	v24 =	vld.idx.msk [tilespmem:v15+s17+$0x0], $0xffff  }
0x2bc: {  	[tilespmem:v15+s18+$0x0] =	vst.idx.msk $0xffff, v20  }
0x2bd: {  	v20 =	vld.idx.msk [tilespmem:v17+s5+$0x0], $0xffff;
	_ =	sdelay $0x1  }
0x2be: {  	v23 =	vld.idx.msk [tilespmem:v14+s18+$0x0], $0xffff;
	_ =	sdelay $0x1  }
0x2bf: {  	vm3 =	vne.s32 v22, v6;
	v22 =	vmul.f32 v16, v8;
	vm2 =	vne.s32 v24, v3  }
0x2c0: {  	vm2 =	vmor vm2, vm3  }
0x2c1: {  	v20 =	vadd.f32 v20, v22;
	v22 =	vmpcnt.ones.xlane vm2;
	_ =	sdelay $0x1  }
0x2c2: {  	v20 =	vmax.f32 v23, v20;
	vm2 =	vgt.s32 v22, $0x0  }
0x2c3: {  	[tilespmem:v14+s18+$0x0] =	vst.idx.msk $0xffff, v20;
	v20 =	vsel vm2, $0x1, v7  }
0x2c4: {  	v22 =	vld.idx.msk [tilespmem:v18+s10+$0x0], $0xffff;
	v12 =	vadd.s32 v20, v12;
	_ =	sdelay $0x1  }
0x2c5: {  	v20 =	vld.idx.msk [tilespmem:v15+s19+$0x0], $0xffff;
	_ =	sdelay $0x1  }
0x2c6: {  	v23 =	vmul.f32 v19, v9;
	_ =	sdelay $0x1  }
0x2c7: {  	v22 =	vadd.f32 v22, v23;
	_ =	sdelay $0x1  }
0x2c8: {  	v20 =	vmax.f32 v20, v22  }
0x2c9: {  	[tilespmem:v15+s19+$0x0] =	vst.idx.msk $0xffff, v20  }
0x2ca: {  	v20 =	vld.idx.msk [tilespmem:v17+s10+$0x0], $0xffff;
	_ =	sdelay $0x1  }
0x2cb: {  	v22 =	vld.idx.msk [tilespmem:v14+s19+$0x0], $0xffff;
	_ =	sdelay $0x3  }
0x2cc: {  	v20 =	vadd.f32 v20, v21;
	_ =	sdelay $0x1  }
0x2cd: {  	v20 =	vmax.f32 v22, v20  }
0x2ce: {  	[tilespmem:v14+s19+$0x0] =	vst.idx.msk $0xffff, v20  }
0x2cf: {  	v20 =	vld.idx.msk [tilespmem:v18+s11+$0x0], $0xffff;
	_ =	sdelay $0x1  }
0x2d0: {  	v21 =	vld.idx.msk [tilespmem:v15+s20+$0x0], $0xffff;
	_ =	sdelay $0x1  }
0x2d1: {  	v22 =	vmul.f32 v19, v10;
	_ =	sdelay $0x1  }
0x2d2: {  	v20 =	vadd.f32 v20, v22;
	_ =	sdelay $0x1  }
0x2d3: {  	v20 =	vmax.f32 v21, v20  }
0x2d4: {  	[tilespmem:v15+s20+$0x0] =	vst.idx.msk $0xffff, v20  }
0x2d5: {  	v20 =	vld.idx.msk [tilespmem:v17+s11+$0x0], $0xffff;
	_ =	sdelay $0x1  }
0x2d6: {  	v21 =	vld.idx.msk [tilespmem:v14+s20+$0x0], $0xffff;
	_ =	sdelay $0x1  }
0x2d7: {  	v22 =	vmul.f32 v16, v10;
	_ =	sdelay $0x1  }
0x2d8: {  	v20 =	vadd.f32 v20, v22;
	_ =	sdelay $0x1  }
0x2d9: {  	v20 =	vmax.f32 v21, v20  }
0x2da: {  	[tilespmem:v14+s20+$0x0] =	vst.idx.msk $0xffff, v20  }
0x2db: {  	v18 =	vld.idx.msk [tilespmem:v18+s12+$0x0], $0xffff;
	_ =	sdelay $0x1  }
0x2dc: {  	v20 =	vld.idx.msk [tilespmem:v15+s21+$0x0], $0xffff;
	_ =	sdelay $0x1  }
0x2dd: {  	v19 =	vmul.f32 v19, v11;
	_ =	sdelay $0x1  }
0x2de: {  	v18 =	vadd.f32 v18, v19;
	_ =	sdelay $0x1  }
0x2df: {  	v18 =	vmax.f32 v20, v18  }
0x2e0: {  	[tilespmem:v15+s21+$0x0] =	vst.idx.msk $0xffff, v18  }
0x2e1: {  	v15 =	vld.idx.msk [tilespmem:v17+s12+$0x0], $0xffff  }
0x2e2: {  	v17 =	vld.idx.msk [tilespmem:v14+s21+$0x0], $0xffff;
	_ =	sdelay $0x2  }
0x2e3: {  	vm2 =	vmand vm2, vm0;
	v16 =	vmul.f32 v16, v11  }
.Ltmp11:
0x2e4: {  	(pc) =	sbr.rel @p1 .LBB2_23-.Ltmp11, $3  }
0x2e5: {  	v15 =	vadd.f32 v15, v16;
	_ =	sdelay $0x1  }
0x2e6: {  	s28 =	sadd.s32 $0x40, s28;
	s29 =	sadd.s32 $0x20, s29;
	v15 =	vmax.f32 v17, v15  }
0x2e7: {  	s6 =	sand.u32 $0x60, s29;
	s1 =	sand.u32 $0xF00, s28;
	[tilespmem:v14+s21+$0x0] =	vst.idx.msk $0xffff, v15;
	v14 =	vmov s26;
	s26 =	smov.u32 s0  }
0x2e8: {  	_ =	sdelay $0x4  }
0x2e9: {  	s0 =	sor.u32 s6, s1;
	[tilespmem:v13+s22+$0x0] =	vst.idx.msk vm2, v14  }
0x2ea: {  	v13 =	vld [tilespmem:s0+$0xA180]  }
0x2eb: {  	v14 =	vld [tilespmem:s0+$0xA190]  }
0x2ec: {  	v15 =	vld [tilespmem:s0+$0x9180];
	_ =	sdelay $0x3  }
0x2ed: {  	v16 =	vld [tilespmem:s0+$0xB190]  }
0x2ee: {  	v17 =	vld [tilespmem:s0+$0x9190]  }
0x2ef: {  	v18 =	vld [tilespmem:s0+$0xB180];
	[tilespmem:v13+s17+$0x0] =	vst.idx.msk $0xffff, v3  }
0x2f0: {  	[tilespmem:v14+s17+$0x0] =	vst.idx.msk $0xffff, v6  }
0x2f1: {  	v19 =	vld.idx.msk [tilespmem:v15+s5+$0x0], $0xffff;
	_ =	sdelay $0x1  }
0x2f2: {  	v20 =	vld.idx.msk [tilespmem:v13+s18+$0x0], $0xffff  }
0x2f3: {  	v21 =	vmul.f32 v18, v8;
	_ =	sdelay $0x1  }
0x2f4: {  	v19 =	vadd.f32 v19, v21;
	_ =	sdelay $0x1  }
0x2f5: {  	v47 =	vld.idx.msk [tilespmem:v14+s17+$0x0], $0xffff;
	v19 =	vmax.f32 v20, v19  }
0x2f6: {  	v22 =	vld.idx.msk [tilespmem:v13+s17+$0x0], $0xffff;
	[tilespmem:v13+s18+$0x0] =	vst.idx.msk $0xffff, v19  }
0x2f7: {  	v19 =	vld.idx.msk [tilespmem:v17+s5+$0x0], $0xffff;
	_ =	sdelay $0x1  }
0x2f8: {  	v48 =	vld.idx.msk [tilespmem:v14+s18+$0x0], $0xffff  }
0x2f9: {  	v23 =	vmul.f32 v16, v8;
	_ =	sdelay $0x1  }
0x2fa: {  	v19 =	vadd.f32 v19, v23;
	_ =	sdelay $0x1  }
0x2fb: {  	v19 =	vmax.f32 v48, v19  }
0x2fc: {  	[tilespmem:v14+s18+$0x0] =	vst.idx.msk $0xffff, v19  }
0x2fd: {  	v19 =	vld.idx.msk [tilespmem:v15+s10+$0x0], $0xffff;
	_ =	sdelay $0x1  }
0x2fe: {  	v49 =	vld.idx.msk [tilespmem:v13+s19+$0x0], $0xffff  }
0x2ff: {  	v50 =	vmul.f32 v18, v9;
	_ =	sdelay $0x1  }
0x300: {  	v19 =	vadd.f32 v19, v50;
	_ =	sdelay $0x1  }
0x301: {  	v19 =	vmax.f32 v49, v19  }
0x302: {  	[tilespmem:v13+s19+$0x0] =	vst.idx.msk $0xffff, v19  }
0x303: {  	v19 =	vld.idx.msk [tilespmem:v17+s10+$0x0], $0xffff;
	_ =	sdelay $0x1  }
0x304: {  	v51 =	vld.idx.msk [tilespmem:v14+s19+$0x0], $0xffff  }
0x305: {  	v52 =	vmul.f32 v16, v9;
	_ =	sdelay $0x1  }
0x306: {  	v19 =	vadd.f32 v19, v52;
	_ =	sdelay $0x1  }
0x307: {  	v19 =	vmax.f32 v51, v19  }
0x308: {  	[tilespmem:v14+s19+$0x0] =	vst.idx.msk $0xffff, v19  }
0x309: {  	v19 =	vld.idx.msk [tilespmem:v15+s11+$0x0], $0xffff  }
0x30a: {  	vm2 =	vne.s32 v22, v3;
	vm3 =	vne.s32 v47, v6  }
0x30b: {  	vm2 =	vmor vm2, vm3;
	v53 =	vld.idx.msk [tilespmem:v13+s20+$0x0], $0xffff  }
0x30c: {  	v54 =	vmul.f32 v18, v10;
	v55 =	vmpcnt.ones.xlane vm2;
	_ =	sdelay $0x1  }
0x30d: {  	vm2 =	vgt.s32 v55, $0x0;
	v19 =	vadd.f32 v19, v54  }
0x30e: {  	v56 =	vsel vm2, $0x1, v7  }
0x30f: {  	v57 =	vadd.s32 v56, v12;
	v19 =	vmax.f32 v53, v19  }
0x310: {  	[tilespmem:v13+s20+$0x0] =	vst.idx.msk $0xffff, v19;
	v19 =	vxor.u32 $0x80000000, v57  }
0x311: {  	(xrf0) =	vmax.scan.msk.u32 $0xffff, v19;
	_ =	sdelay $0x1  }
0x312: {  	v58 =	vld.idx.msk [tilespmem:v17+s11+$0x0], $0xffff;
	_ =	sdelay $0x1  }
0x313: {  	v59 =	vld.idx.msk [tilespmem:v14+s20+$0x0], $0xffff  }
0x314: {  	v60 =	vmul.f32 v16, v10  }
0x315: {  	v61, _, _ =	vpop (xrf0)  }
0x316: {  	v19 =	vadd.f32 v58, v60;
	(v2sf) =	vpush v61, $0xF;
	_ =	sdelay $0x1  }
0x317: {  	v19 =	vmax.f32 v59, v19  }
0x318: {  	[tilespmem:v14+s20+$0x0] =	vst.idx.msk $0xffff, v19  }
0x319: {  	v15 =	vld.idx.msk [tilespmem:v15+s12+$0x0], $0xffff;
	_ =	sdelay $0x1  }
0x31a: {  	v62 =	vld.idx.msk [tilespmem:v13+s21+$0x0], $0xffff  }
0x31b: {  	v18 =	vmul.f32 v18, v11;
	_ =	sdelay $0x1  }
0x31c: {  	v15 =	vadd.f32 v15, v18;
	_ =	sdelay $0x1  }
0x31d: {  	v15 =	vmax.f32 v62, v15  }
0x31e: {  	[tilespmem:v13+s21+$0x0] =	vst.idx.msk $0xffff, v15  }
0x31f: {  	v13 =	vld.idx.msk [tilespmem:v17+s12+$0x0], $0xffff;
	_ =	sdelay $0x1  }
0x320: {  	v15 =	vld.idx.msk [tilespmem:v14+s21+$0x0], $0xffff;
	s31 =	spop (v2sf)  }
0x321: {  	v16 =	vmul.f32 v16, v11;
	vm2 =	vmand vm2, vm0;
	s0 =	sxor.u32 $0x80000000, s31  }
0x322: {  	p1 =	slt.s32 s0, $0x1  }
.Ltmp12:
0x323: {  	v13 =	vadd.f32 v13, v16;
	(pc) =	sbr.rel @!p1 .LBB2_25-.Ltmp12, $4  }
.Ltmp13:
0x324: {  	_ = 	snop;
	(pc) =	sbr.rel @p1 .LBB2_32-.Ltmp13, $4  }
0x325: {  	v13 =	vmax.f32 v15, v13  }
0x326: {  	v63 =	vmov s26;
	[tilespmem:v14+s21+$0x0] =	vst.idx.msk $0xffff, v13  }
0x327: {  	s26 =	simm.s32 $0x0;
	[tilespmem:v12+s22+$0x0] =	vst.idx.msk vm2, v63  }
0x328: {  	_ = 	snop  }
.LBB2_19:
0x329: {  	s28 =	sadd.s32 $0x1, s28  }
0x32a: {  	p1 =	sne.s32 s28, s0  }
.Ltmp14:
0x32b: {  	_ = 	snop;
	(pc) =	sbr.rel @!p1 .LBB2_20-.Ltmp14, $1  }
0x32c: {  	_ =	sdelay $0x3  }
.LBB2_13:
0x32d: {  	v12 =	vmov s28;
	_ =	sdelay $0x4  }
0x32e: {  	v12 =	vld.idx.msk [tilespmem:v12+s22+$0x0], $0xffff;
	_ =	sdelay $0x4  }
0x32f: {  	v12 =	vxor.u32 $0x80000000, v12  }
0x330: {  	(xrf0) =	vmax.scan.msk.u32 $0xffff, v12;
	_ =	sdelay $0x5  }
0x331: {  	v12, _, _ =	vpop (xrf0)  }
0x332: {  	(v2sf) =	vpush v12, $0xF;
	_ =	sdelay $0xd  }
.Ltmp15:
0x333: {  	_ = 	snop;
	(pc) =	sbr.rel @p0 .LBB2_16-.Ltmp15, $4  }
0x334: {  	s1 =	spop (v2sf)  }
0x335: {  	s6 =	sshll.u32 s1, $0x5;
	s1 =	sshll.u32 s1, $0x6  }
0x336: {  	s6 =	sand.u32 $0x60, s6;
	s1 =	sand.u32 $0xFFFFFF00, s1  }
0x337: {  	s29 =	sor.u32 s6, s1  }
0x338: {  	v12 =	vld [tilespmem:s29+$0x9100];
	_ =	sdelay $0x5  }
0x339: {  	v13 =	vld [tilespmem:s29+$0xB100];
	_ =	sdelay $0x1  }
0x33a: {  	v14 =	vld.idx.msk [tilespmem:v12+s5+$0x0], $0xffff  }
0x33b: {  	v15 =	vld.idx.msk [tilespmem:v12+s10+$0x0], $0xffff  }
0x33c: {  	v16 =	vld.idx.msk [tilespmem:v12+s11+$0x0], $0xffff  }
0x33d: {  	v17 =	vld.idx.msk [tilespmem:v12+s12+$0x0], $0xffff;
	v12 =	vmul.f32 v13, v8;
	_ =	sdelay $0x1  }
0x33e: {  	v12 =	vadd.f32 v12, v14;
	v14 =	vld [tilespmem:s29+$0xA100];
	_ =	sdelay $0x3  }
0x33f: {  	v18 =	vmul.f32 v13, v9  }
0x340: {  	vm2 =	vmmov vm1;
	v19 =	vmul.f32 v13, v10;
	v20 =	vmul.f32 v13, v11  }
0x341: {  	vm3 =	vmmov vm1;
	vm4 =	vmmov vm1;
	v13 =	vadd.f32 v15, v18  }
0x342: {  	vm5 =	vmmov vm1;
	v15 =	vadd.f32 v16, v19;
	v16 =	vadd.f32 v17, v20  }
.LBB2_15:
0x343: {  	v17 =	vld.idx.msk [tilespmem:v14+s18+$0x0], $0xffff;
	_ =	sdelay $0x4  }
0x344: {  	v17 =	vmax.f32 v17, v12  }
0x345: {  	[tilespmem:v14+s18+$0x0] =	vst.idx.msk vm5, v17  }
0x346: {  	v17 =	vld.idx.msk [tilespmem:v14+s19+$0x0], $0xffff;
	_ =	sdelay $0x4  }
0x347: {  	v17 =	vmax.f32 v17, v13  }
0x348: {  	v18 =	vld.idx.msk [tilespmem:v14+s18+$0x0], $0xffff;
	[tilespmem:v14+s19+$0x0] =	vst.idx.msk vm4, v17  }
0x349: {  	v17 =	vld.idx.msk [tilespmem:v14+s20+$0x0], $0xffff;
	_ =	sdelay $0x4  }
0x34a: {  	v17 =	vmax.f32 v17, v15  }
0x34b: {  	v19 =	vld.idx.msk [tilespmem:v14+s19+$0x0], $0xffff;
	[tilespmem:v14+s20+$0x0] =	vst.idx.msk vm3, v17  }
0x34c: {  	v17 =	vld.idx.msk [tilespmem:v14+s21+$0x0], $0xffff;
	_ =	sdelay $0x4  }
0x34d: {  	v17 =	vmax.f32 v17, v16  }
0x34e: {  	v20 =	vld.idx.msk [tilespmem:v14+s20+$0x0], $0xffff;
	[tilespmem:v14+s21+$0x0] =	vst.idx.msk vm2, v17  }
0x34f: {  	v17 =	vld.idx.msk [tilespmem:v14+s21+$0x0], $0xffff;
	_ =	sdelay $0x4  }
0x350: {  	vm3 =	vlt.f32 v20, v15;
	vm2 =	vlt.f32 v17, v16  }
0x351: {  	vm4 =	vlt.f32 v19, v13;
	vm6 =	vmor vm3, vm2  }
0x352: {  	vm5 =	vlt.f32 v18, v12;
	vm6 =	vmor vm4, vm6  }
0x353: {  	vm6 =	vmor vm5, vm6  }
0x354: {  	v17 =	vsel vm6, $0x1, v7  }
0x355: {  	(xrf0) =	vadd.scan.msk.s32 $0xffff, v17;
	_ =	sdelay $0x5  }
0x356: {  	v17, _, _ =	vpop (xrf0)  }
0x357: {  	(v2sf) =	vpush v17, $0xF;
	_ =	sdelay $0xe  }
0x358: {  	s1 =	spop (v2sf)  }
0x359: {  	p1 =	sgt.s32 s1, $0x0  }
.Ltmp16:
0x35a: {  	_ = 	snop;
	(pc) =	sbr.rel @p1 .LBB2_15-.Ltmp16, $1  }
0x35b: {  	_ =	sdelay $0x3  }
.LBB2_16:
.Ltmp17:
0x35c: {  	(pc) =	sbr.rel @p0 .LBB2_19-.Ltmp17, $1  }
0x35d: {  	_ =	sdelay $0x3  }
0x35e: {  	v12 =	vld [tilespmem:s29+$0x9110];
	_ =	sdelay $0x5  }
0x35f: {  	v13 =	vld [tilespmem:s29+$0xB110];
	_ =	sdelay $0x1  }
0x360: {  	v14 =	vld.idx.msk [tilespmem:v12+s5+$0x0], $0xffff  }
0x361: {  	v15 =	vld.idx.msk [tilespmem:v12+s10+$0x0], $0xffff  }
0x362: {  	v16 =	vld.idx.msk [tilespmem:v12+s11+$0x0], $0xffff  }
0x363: {  	v17 =	vld.idx.msk [tilespmem:v12+s12+$0x0], $0xffff;
	v12 =	vmul.f32 v13, v8;
	_ =	sdelay $0x1  }
0x364: {  	v12 =	vadd.f32 v12, v14;
	v14 =	vld [tilespmem:s29+$0xA110];
	_ =	sdelay $0x3  }
0x365: {  	v18 =	vmul.f32 v13, v9  }
0x366: {  	vm2 =	vmmov vm1;
	v19 =	vmul.f32 v13, v10;
	v20 =	vmul.f32 v13, v11  }
0x367: {  	vm3 =	vmmov vm1;
	vm4 =	vmmov vm1;
	v13 =	vadd.f32 v15, v18  }
0x368: {  	vm5 =	vmmov vm1;
	v15 =	vadd.f32 v16, v19;
	v16 =	vadd.f32 v17, v20  }
.LBB2_18:
0x369: {  	v17 =	vld.idx.msk [tilespmem:v14+s18+$0x0], $0xffff;
	_ =	sdelay $0x4  }
0x36a: {  	v17 =	vmax.f32 v17, v12  }
0x36b: {  	[tilespmem:v14+s18+$0x0] =	vst.idx.msk vm5, v17  }
0x36c: {  	v17 =	vld.idx.msk [tilespmem:v14+s19+$0x0], $0xffff;
	_ =	sdelay $0x4  }
0x36d: {  	v17 =	vmax.f32 v17, v13  }
0x36e: {  	v18 =	vld.idx.msk [tilespmem:v14+s18+$0x0], $0xffff;
	[tilespmem:v14+s19+$0x0] =	vst.idx.msk vm4, v17  }
0x36f: {  	v17 =	vld.idx.msk [tilespmem:v14+s20+$0x0], $0xffff;
	_ =	sdelay $0x4  }
0x370: {  	v17 =	vmax.f32 v17, v15  }
0x371: {  	v19 =	vld.idx.msk [tilespmem:v14+s19+$0x0], $0xffff;
	[tilespmem:v14+s20+$0x0] =	vst.idx.msk vm3, v17  }
0x372: {  	v17 =	vld.idx.msk [tilespmem:v14+s21+$0x0], $0xffff;
	_ =	sdelay $0x4  }
0x373: {  	v17 =	vmax.f32 v17, v16  }
0x374: {  	v20 =	vld.idx.msk [tilespmem:v14+s20+$0x0], $0xffff;
	[tilespmem:v14+s21+$0x0] =	vst.idx.msk vm2, v17  }
0x375: {  	v17 =	vld.idx.msk [tilespmem:v14+s21+$0x0], $0xffff;
	_ =	sdelay $0x4  }
0x376: {  	vm3 =	vlt.f32 v20, v15;
	vm2 =	vlt.f32 v17, v16  }
0x377: {  	vm4 =	vlt.f32 v19, v13;
	vm6 =	vmor vm3, vm2  }
0x378: {  	vm5 =	vlt.f32 v18, v12;
	vm6 =	vmor vm4, vm6  }
0x379: {  	vm6 =	vmor vm5, vm6  }
0x37a: {  	v17 =	vsel vm6, $0x1, v7  }
0x37b: {  	(xrf0) =	vadd.scan.msk.s32 $0xffff, v17;
	_ =	sdelay $0x5  }
0x37c: {  	v17, _, _ =	vpop (xrf0)  }
0x37d: {  	(v2sf) =	vpush v17, $0xF;
	_ =	sdelay $0xe  }
0x37e: {  	s1 =	spop (v2sf)  }
0x37f: {  	p1 =	sgt.s32 s1, $0x0  }
.Ltmp18:
0x380: {  	_ = 	snop;
	(pc) =	sbr.rel @p1 .LBB2_18-.Ltmp18, $1  }
0x381: {  	_ =	sdelay $0x3  }
.Ltmp19:
0x382: {  	_ = 	snop;
	(pc) =	sbr.rel .LBB2_19-.Ltmp19, $1  }
0x383: {  	_ =	sdelay $0x3  }
.LBB2_31:
0x384: {  	s26 =	sadd.s32 $0x1, s26  }
0x385: {  	p1 =	sne.s32 s26, s0  }
.Ltmp20:
0x386: {  	_ = 	snop;
	(pc) =	sbr.rel @!p1 .LBB2_32-.Ltmp20, $1  }
0x387: {  	_ =	sdelay $0x3  }
.LBB2_25:
0x388: {  	v12 =	vmov s26;
	_ =	sdelay $0x4  }
0x389: {  	v12 =	vld.idx.msk [tilespmem:v12+s22+$0x0], $0xffff;
	_ =	sdelay $0x4  }
0x38a: {  	v12 =	vxor.u32 $0x80000000, v12  }
0x38b: {  	(xrf0) =	vmax.scan.msk.u32 $0xffff, v12;
	_ =	sdelay $0x5  }
0x38c: {  	v12, _, _ =	vpop (xrf0)  }
0x38d: {  	(v2sf) =	vpush v12, $0xF;
	_ =	sdelay $0xd  }
.Ltmp21:
0x38e: {  	_ = 	snop;
	(pc) =	sbr.rel @p0 .LBB2_28-.Ltmp21, $4  }
0x38f: {  	s1 =	spop (v2sf)  }
0x390: {  	s6 =	sshll.u32 s1, $0x5;
	s1 =	sshll.u32 s1, $0x6  }
0x391: {  	s6 =	sand.u32 $0x60, s6;
	s1 =	sand.u32 $0xFFFFFF00, s1  }
0x392: {  	s28 =	sor.u32 s6, s1  }
0x393: {  	v12 =	vld [tilespmem:s28+$0x9180];
	_ =	sdelay $0x5  }
0x394: {  	v13 =	vld [tilespmem:s28+$0xB180];
	_ =	sdelay $0x1  }
0x395: {  	v14 =	vld.idx.msk [tilespmem:v12+s5+$0x0], $0xffff  }
0x396: {  	v15 =	vld.idx.msk [tilespmem:v12+s10+$0x0], $0xffff  }
0x397: {  	v16 =	vld.idx.msk [tilespmem:v12+s11+$0x0], $0xffff  }
0x398: {  	v17 =	vld.idx.msk [tilespmem:v12+s12+$0x0], $0xffff;
	v12 =	vmul.f32 v13, v8;
	_ =	sdelay $0x1  }
0x399: {  	v12 =	vadd.f32 v12, v14;
	v14 =	vld [tilespmem:s28+$0xA180];
	_ =	sdelay $0x3  }
0x39a: {  	v18 =	vmul.f32 v13, v9  }
0x39b: {  	vm2 =	vmmov vm1;
	v19 =	vmul.f32 v13, v10;
	v20 =	vmul.f32 v13, v11  }
0x39c: {  	vm3 =	vmmov vm1;
	vm4 =	vmmov vm1;
	v13 =	vadd.f32 v15, v18  }
0x39d: {  	vm5 =	vmmov vm1;
	v15 =	vadd.f32 v16, v19;
	v16 =	vadd.f32 v17, v20  }
.LBB2_27:
0x39e: {  	v17 =	vld.idx.msk [tilespmem:v14+s18+$0x0], $0xffff;
	_ =	sdelay $0x4  }
0x39f: {  	v17 =	vmax.f32 v17, v12  }
0x3a0: {  	[tilespmem:v14+s18+$0x0] =	vst.idx.msk vm5, v17  }
0x3a1: {  	v17 =	vld.idx.msk [tilespmem:v14+s19+$0x0], $0xffff;
	_ =	sdelay $0x4  }
0x3a2: {  	v17 =	vmax.f32 v17, v13  }
0x3a3: {  	v18 =	vld.idx.msk [tilespmem:v14+s18+$0x0], $0xffff;
	[tilespmem:v14+s19+$0x0] =	vst.idx.msk vm4, v17  }
0x3a4: {  	v17 =	vld.idx.msk [tilespmem:v14+s20+$0x0], $0xffff;
	_ =	sdelay $0x4  }
0x3a5: {  	v17 =	vmax.f32 v17, v15  }
0x3a6: {  	v19 =	vld.idx.msk [tilespmem:v14+s19+$0x0], $0xffff;
	[tilespmem:v14+s20+$0x0] =	vst.idx.msk vm3, v17  }
0x3a7: {  	v17 =	vld.idx.msk [tilespmem:v14+s21+$0x0], $0xffff;
	_ =	sdelay $0x4  }
0x3a8: {  	v17 =	vmax.f32 v17, v16  }
0x3a9: {  	v20 =	vld.idx.msk [tilespmem:v14+s20+$0x0], $0xffff;
	[tilespmem:v14+s21+$0x0] =	vst.idx.msk vm2, v17  }
0x3aa: {  	v17 =	vld.idx.msk [tilespmem:v14+s21+$0x0], $0xffff;
	_ =	sdelay $0x4  }
0x3ab: {  	vm3 =	vlt.f32 v20, v15;
	vm2 =	vlt.f32 v17, v16  }
0x3ac: {  	vm4 =	vlt.f32 v19, v13;
	vm6 =	vmor vm3, vm2  }
0x3ad: {  	vm5 =	vlt.f32 v18, v12;
	vm6 =	vmor vm4, vm6  }
0x3ae: {  	vm6 =	vmor vm5, vm6  }
0x3af: {  	v17 =	vsel vm6, $0x1, v7  }
0x3b0: {  	(xrf0) =	vadd.scan.msk.s32 $0xffff, v17;
	_ =	sdelay $0x5  }
0x3b1: {  	v17, _, _ =	vpop (xrf0)  }
0x3b2: {  	(v2sf) =	vpush v17, $0xF;
	_ =	sdelay $0xe  }
0x3b3: {  	s1 =	spop (v2sf)  }
0x3b4: {  	p1 =	sgt.s32 s1, $0x0  }
.Ltmp22:
0x3b5: {  	_ = 	snop;
	(pc) =	sbr.rel @p1 .LBB2_27-.Ltmp22, $1  }
0x3b6: {  	_ =	sdelay $0x3  }
.LBB2_28:
.Ltmp23:
0x3b7: {  	(pc) =	sbr.rel @p0 .LBB2_31-.Ltmp23, $1  }
0x3b8: {  	_ =	sdelay $0x3  }
0x3b9: {  	v12 =	vld [tilespmem:s28+$0x9190];
	_ =	sdelay $0x5  }
0x3ba: {  	v13 =	vld [tilespmem:s28+$0xB190];
	_ =	sdelay $0x1  }
0x3bb: {  	v14 =	vld.idx.msk [tilespmem:v12+s5+$0x0], $0xffff  }
0x3bc: {  	v15 =	vld.idx.msk [tilespmem:v12+s10+$0x0], $0xffff  }
0x3bd: {  	v16 =	vld.idx.msk [tilespmem:v12+s11+$0x0], $0xffff  }
0x3be: {  	v17 =	vld.idx.msk [tilespmem:v12+s12+$0x0], $0xffff;
	v12 =	vmul.f32 v13, v8;
	_ =	sdelay $0x1  }
0x3bf: {  	v12 =	vadd.f32 v12, v14;
	v14 =	vld [tilespmem:s28+$0xA190];
	_ =	sdelay $0x3  }
0x3c0: {  	v18 =	vmul.f32 v13, v9  }
0x3c1: {  	vm2 =	vmmov vm1;
	v19 =	vmul.f32 v13, v10;
	v20 =	vmul.f32 v13, v11  }
0x3c2: {  	vm3 =	vmmov vm1;
	vm4 =	vmmov vm1;
	v13 =	vadd.f32 v15, v18  }
0x3c3: {  	vm5 =	vmmov vm1;
	v15 =	vadd.f32 v16, v19;
	v16 =	vadd.f32 v17, v20  }
.LBB2_30:
0x3c4: {  	v17 =	vld.idx.msk [tilespmem:v14+s18+$0x0], $0xffff;
	_ =	sdelay $0x4  }
0x3c5: {  	v17 =	vmax.f32 v17, v12  }
0x3c6: {  	[tilespmem:v14+s18+$0x0] =	vst.idx.msk vm5, v17  }
0x3c7: {  	v17 =	vld.idx.msk [tilespmem:v14+s19+$0x0], $0xffff;
	_ =	sdelay $0x4  }
0x3c8: {  	v17 =	vmax.f32 v17, v13  }
0x3c9: {  	v18 =	vld.idx.msk [tilespmem:v14+s18+$0x0], $0xffff;
	[tilespmem:v14+s19+$0x0] =	vst.idx.msk vm4, v17  }
0x3ca: {  	v17 =	vld.idx.msk [tilespmem:v14+s20+$0x0], $0xffff;
	_ =	sdelay $0x4  }
0x3cb: {  	v17 =	vmax.f32 v17, v15  }
0x3cc: {  	v19 =	vld.idx.msk [tilespmem:v14+s19+$0x0], $0xffff;
	[tilespmem:v14+s20+$0x0] =	vst.idx.msk vm3, v17  }
0x3cd: {  	v17 =	vld.idx.msk [tilespmem:v14+s21+$0x0], $0xffff;
	_ =	sdelay $0x4  }
0x3ce: {  	v17 =	vmax.f32 v17, v16  }
0x3cf: {  	v20 =	vld.idx.msk [tilespmem:v14+s20+$0x0], $0xffff;
	[tilespmem:v14+s21+$0x0] =	vst.idx.msk vm2, v17  }
0x3d0: {  	v17 =	vld.idx.msk [tilespmem:v14+s21+$0x0], $0xffff;
	_ =	sdelay $0x4  }
0x3d1: {  	vm3 =	vlt.f32 v20, v15;
	vm2 =	vlt.f32 v17, v16  }
0x3d2: {  	vm4 =	vlt.f32 v19, v13;
	vm6 =	vmor vm3, vm2  }
0x3d3: {  	vm5 =	vlt.f32 v18, v12;
	vm6 =	vmor vm4, vm6  }
0x3d4: {  	vm6 =	vmor vm5, vm6  }
0x3d5: {  	v17 =	vsel vm6, $0x1, v7  }
0x3d6: {  	(xrf0) =	vadd.scan.msk.s32 $0xffff, v17;
	_ =	sdelay $0x5  }
0x3d7: {  	v17, _, _ =	vpop (xrf0)  }
0x3d8: {  	(v2sf) =	vpush v17, $0xF;
	_ =	sdelay $0xe  }
0x3d9: {  	s1 =	spop (v2sf)  }
0x3da: {  	p1 =	sgt.s32 s1, $0x0  }
.Ltmp24:
0x3db: {  	_ = 	snop;
	(pc) =	sbr.rel @p1 .LBB2_30-.Ltmp24, $1  }
0x3dc: {  	_ =	sdelay $0x3  }
.Ltmp25:
0x3dd: {  	_ = 	snop;
	(pc) =	sbr.rel .LBB2_31-.Ltmp25, $1  }
0x3de: {  	_ =	sdelay $0x3  }
.LBB2_34:
0x3df: {  	_ =	sfence.sel $0x180000  }
0x3e0: {  	[bflag:$0x0] =	sbarrier.arrive $0xFFFF  }
0x3e1: {  	_ =	strace $0x90000047  }
0x3e2: {  	s0 =	stileid.u32;
	[bflag:$0x2] =	sbarrier.arrive $0xFFFF  }
0x3e3: {  	p0 =	sne.s32 s0, $0x0;
	s0 =	rddreg [dreg:$0x6]  }
0x3e4: {  	s0 =	sadd.s32 @!p0 $0x100000, s0  }
0x3e5: {  	[sflag:s0] =	ssyncadd.tile.s32 @!p0 $0x1;
	_ =	shalt  }
.Lfunc_end2:
_tile_overlayer_lowered:
.L_overlay_start_2:
0x3e6: {  	(tag) =	ssettag $0x2  }
0x3e7: {  	s0 =	rddreg [dreg:$0x0];
	s2 =	stileid.u32  }
0x3e8: {  	s1 =	rddreg [dreg:$0x1];
	p0 =	sne.s32 s2, $0x0  }
0x3e9: {  	s3 =	rddreg [dreg:$0x2];
	[bflag:$0x3] =	sbarrier.arrive $0xFFFF;
	s2 =	simm.s32 @!p0 $0x1C03  }
0x3ea: {  	[timem:s3], [sflag:s2] =	dma.local @!p0 [hbm:s0], s1  }
0x3eb: {  	s0 =	simm.s32 @!p0 $0x3  }
0x3ec: {  	_ =	swait.ge @!p0 [sflag:s0], s1  }
0x3ed: {  	s1 =	ssub.s32 @!p0 $0x0, s1;
	[sflag:s0] =	ssyncset.done @!p0 $0x0  }
0x3ee: {  	[sflag:s0] =	ssyncadd.s32 @!p0 s1  }
0x3ef: {  	[bflag:$0x3] =	sbarrier.arrive $0xFFFF  }
0x3f0: {  	_ =	shalt  }

// kernel: kernel.9.cloned.1.call-start
scs
__scs_entry_jumppad:
0x0: {  	(pc) =	sbr.rel $0x88, $3  }
0x1: {  	(tag) =	ssettag $0x0;
	lr =	simm.s32 $0x1  }
0x2: {  	[smem:$0x3F8E] =	sst lr;
	_ =	strace $0xD0000000  }
0x3: {  	_ = 	snop  }
0x4: {  	_ = 	snop  }
0x5: {  	_ = 	snop  }
0x6: {  	_ = 	snop  }
0x7: {  	_ = 	snop  }
__scs_overlays_trampoline_lowered:
0x8: {  	[smem:$0x3F9D] =	sst s0  }
0x9: {  	[smem:$0x3F9E] =	sst s1  }
0xa: {  	[smem:$0x3F9F] =	sst s2  }
0xb: {  	[smem:$0x3FA0] =	sst s3  }
0xc: {  	[smem:$0x3FA1] =	sst s4  }
0xd: {  	[smem:$0x3FA2] =	sst s5  }
0xe: {  	[smem:$0x3FA3] =	sst s6  }
0xf: {  	[smem:$0x3FA4] =	sst s7  }
0x10: {  	[smem:$0x3FA5] =	sst s8  }
0x11: {  	[smem:$0x3FA6] =	sst s9;
	s0 =	simm.s32 @!p0 $0x0  }
0x12: {  	s1 =	sld [smem:$0x3F8C];
	s0 =	simm.s32 @p0 $0x1  }
0x13: {  	[smem:$0x3FA7] =	sst s0;
	s0 =	simm.s32 @!p1 $0x0  }
0x14: {  	s2 =	sld [smem:$0x3F8B];
	s0 =	simm.s32 @p1 $0x1  }
0x15: {  	[smem:$0x3FA8] =	sst s0;
	s0 =	simm.s32 @!p2 $0x0  }
0x16: {  	s3 =	sld [smem:$0x3FDB];
	s0 =	simm.s32 @p2 $0x1  }
0x17: {  	s4 =	simm.s32 $0x1BF5;
	[smem:$0x3FAA] =	sst s0  }
0x18: {  	s0 =	sld [smem:$0x3F8D];
	_ =	swait.ge [sflag:s4], $0x0  }
0x19: {  	s7 =	sld [smem:$0x3F8E]  }
0x1a: {  	s8 =	sadd.s32 $0xFFFFE003, lr  }
0x1b: {  	s9 =	sadd.s32 $0xFFFFFEF7, lr;
	s5 =	simm.s32 $0xFFFFFFFF;
	p2 =	slt.u32 s8, $0xFFFFF086  }
0x1c: {  	p1 =	slt.u32 s9, $0xF7A;
	s5 =	simm.s32 @!p2 $0x0  }
0x1d: {  	s5 =	simm.s32 @p1 $0x1;
	p0 =	seq.s32 s7, s2  }
0x1e: {  	s7 =	smul.u32 @!p0 $0xF7A, s2;
	p2 =	seq.s32 @!p0 s5, $0x0  }
0x1f: {  	s9 =	smul.u32 $0xF7A, s1;
	s8 =	simm.s32 @!p0 $0x1BF5;
	p2 =	por !p2, p0  }
0x20: {  	[sflag:s8] =	ssyncset.s32 @!p0 $0xFFFFF086;
	s6 =	sadd.s32 @!p0 s3, s7;
	s7 =	simm.s32 @!p0 $0x108  }
0x21: {  	s3 =	sadd.s32 s3, s9;
	s6 =	sadd.s32 @!p0 $0x88, s6;
	s7 =	simm.s32 @p2 $0x1082  }
0x22: {  	[simem:s7], [sflag:s8] =	dma.local @!p0 [hbm:s6], $0xF7A  }
0x23: {  	s9 =	sor.u32 $0xD0000000, s2;
	s6 =	simm.s32 $0x108;
	_ =	swait.ge @!p0 [sflag:s8], $0x0  }
0x24: {  	s3 =	sadd.s32 $0x88, s3;
	s6 =	simm.s32 @!p1 $0x1082;
	[sflag:s4] =	ssyncset.s32 $0xFFFFF086  }
0x25: {  	[simem:s6], [sflag:s4] =	dma.local [hbm:s3], $0xF7A  }
0x26: {  	[smem:$0x3F8E] =	sst s1;
	(tag) =	ssettag s2;
	_ =	strace s9  }
0x27: {  	s1 =	sld [smem:$0x3F9E]  }
0x28: {  	s2 =	sld [smem:$0x3F9F]  }
0x29: {  	s4 =	sld [smem:$0x3FA1]  }
0x2a: {  	p0 =	seq.s32 s5, $0x0;
	s5 =	sld [smem:$0x3FA2]  }
0x2b: {  	s6 =	sld [smem:$0x3FA3]  }
0x2c: {  	s7 =	sld [smem:$0x3FA4]  }
0x2d: {  	s3 =	simm.s32 $0x108;
	s8 =	sld [smem:$0x3FA5]  }
0x2e: {  	s3 =	simm.s32 @!p0 $0x1082;
	s9 =	sld [smem:$0x3FA6]  }
0x2f: {  	lr =	sadd.s32 s0, s3;
	s0 =	sld [smem:$0x3F9D]  }
0x30: {  	s3 =	sld [smem:$0x3FA0]  }
0x31: {  	[smem:$0x3FA9] =	sst s10  }
0x32: {  	s10 =	sld [smem:$0x3FA7];
	_ =	sdelay $0x3  }
0x33: {  	p0 =	seq.s32 s10, $0x1;
	s10 =	sld [smem:$0x3FA9];
	_ =	sdelay $0x3  }
0x34: {  	[smem:$0x3FA9] =	sst s10  }
0x35: {  	s10 =	sld [smem:$0x3FA8];
	_ =	sdelay $0x3  }
0x36: {  	p1 =	seq.s32 s10, $0x1;
	s10 =	sld [smem:$0x3FA9];
	_ =	sdelay $0x3  }
0x37: {  	[smem:$0x3FA9] =	sst s10  }
0x38: {  	s10 =	sld [smem:$0x3FAA]  }
0x39: {  	_ = 	snop;
	(pc) =	sbr.ind lr, $3  }
0x3a: {  	_ = 	snop  }
0x3b: {  	_ = 	snop  }
0x3c: {  	p2 =	seq.s32 s10, $0x1;
	s10 =	sld [smem:$0x3FA9]  }
0x3d: {  	_ =	shalt  }
0x3e: {  	_ =	shalt  }
0x3f: {  	_ =	shalt  }
0x40: {  	_ =	shalt  }
0x41: {  	_ =	shalt  }
0x42: {  	_ =	shalt  }
0x43: {  	_ =	shalt  }
0x44: {  	_ =	shalt  }
0x45: {  	_ =	shalt  }
0x46: {  	_ =	shalt  }
0x47: {  	_ =	shalt  }
0x48: {  	_ =	shalt  }
0x49: {  	_ =	shalt  }
0x4a: {  	_ =	shalt  }
0x4b: {  	_ =	shalt  }
0x4c: {  	_ =	shalt  }
0x4d: {  	_ =	shalt  }
0x4e: {  	_ =	shalt  }
0x4f: {  	_ =	shalt  }
0x50: {  	_ =	shalt  }
0x51: {  	_ =	shalt  }
0x52: {  	_ =	shalt  }
0x53: {  	_ =	shalt  }
0x54: {  	_ =	shalt  }
0x55: {  	_ =	shalt  }
0x56: {  	_ =	shalt  }
0x57: {  	_ =	shalt  }
0x58: {  	_ =	shalt  }
0x59: {  	_ =	shalt  }
0x5a: {  	_ =	shalt  }
0x5b: {  	_ =	shalt  }
0x5c: {  	_ =	shalt  }
0x5d: {  	_ =	shalt  }
0x5e: {  	_ =	shalt  }
0x5f: {  	_ =	shalt  }
0x60: {  	_ =	shalt  }
0x61: {  	_ =	shalt  }
0x62: {  	_ =	shalt  }
0x63: {  	_ =	shalt  }
0x64: {  	_ =	shalt  }
0x65: {  	_ =	shalt  }
0x66: {  	_ =	shalt  }
0x67: {  	_ =	shalt  }
0x68: {  	_ =	shalt  }
0x69: {  	_ =	shalt  }
0x6a: {  	_ =	shalt  }
0x6b: {  	_ =	shalt  }
0x6c: {  	_ =	shalt  }
0x6d: {  	_ =	shalt  }
0x6e: {  	_ =	shalt  }
0x6f: {  	_ =	shalt  }
0x70: {  	_ =	shalt  }
0x71: {  	_ =	shalt  }
0x72: {  	_ =	shalt  }
0x73: {  	_ =	shalt  }
0x74: {  	_ =	shalt  }
0x75: {  	_ =	shalt  }
0x76: {  	_ =	shalt  }
0x77: {  	_ =	shalt  }
0x78: {  	_ =	shalt  }
0x79: {  	_ =	shalt  }
0x7a: {  	_ =	shalt  }
0x7b: {  	_ =	shalt  }
0x7c: {  	_ =	shalt  }
0x7d: {  	_ =	shalt  }
0x7e: {  	_ =	shalt  }
0x7f: {  	_ =	shalt  }
0x80: {  	_ =	shalt  }
0x81: {  	_ =	shalt  }
0x82: {  	_ =	shalt  }
0x83: {  	_ =	shalt  }
0x84: {  	_ =	shalt  }
0x85: {  	_ =	shalt  }
0x86: {  	_ =	shalt  }
0x87: {  	_ =	shalt  }
.Lfunc_end0:
.L_simem_size_0:
called_computation.1_lowered:
.L_overlay_start_0:
0x88: {  	s0 =	sld [smem:$0x3FD9]  }
0x89: {  	s1 =	sld [smem:$0x3FFE];
	_ =	sdelay $0x3  }
0x8a: {  	s0 =	sadd.s32 s1, s0  }
0x8b: {  	[smem:$0x3FB5] =	sst s0  }
0x8c: {  	_ = 	snop  }
0x8d: {  	s0 =	sld [smem:$0x3FD0];
	_ =	sdelay $0x1  }
0x8e: {  	s13 =	sld [smem:$0x3FC7]  }
0x8f: {  	s3 =	simm.s32 $0xA;
	s4 =	simm.s32 $0x10;
	s2 =	sld [smem:$0x3FC6]  }
0x90: {  	[smem:s4], [sflag:s3] =	dma.local [hbm:s0], $0x1  }
0x91: {  	_ =	swait.eq [sflag:s3], $0x1  }
0x92: {  	[sflag:s3] =	ssyncset.done $0x0  }
0x93: {  	[sflag:s3] =	ssyncadd.s32 $0xFFFFFFFF  }
0x94: {  	s14 =	sld [smem:$0x11];
	(tm) =	ssettm $0x1  }
0x95: {  	s15 =	sld [smem:$0x3FFB];
	_ =	sdelay $0x3  }
0x96: {  	_ =	strace s15  }
0x97: {  	s3 =	sld [smem:$0x3FFC];
	_ =	sdelay $0x3  }
0x98: {  	_ =	strace s3  }
0x99: {  	s3 =	sld [smem:$0x3FFD];
	_ =	sdelay $0x3  }
0x9a: {  	_ =	strace s3  }
0x9b: {  	_ =	strace $0x8FFFFFFF  }
0x9c: {  	s16 =	sld [smem:$0x3FDB];
	_ =	sdelay $0x1  }
0x9d: {  	s17 =	simm.s32 $_scs_section_size  }
0x9e: {  	s5 =	simm.s32 $_size__tile_overlayer_lowered;
	s6 =	simm.s32 $_tile_overlayer_lowered  }
0x9f: {  	s20 =	simm.s32 $0x1BFF;
	s19 =	sshll.u32 s6, $0x1;
	s3 =	sadd.s32 s17, s16  }
0xa0: {  	s7 =	simm.s32 $0x0;
	s18 =	sshll.u32 s5, $0x1;
	s5 =	sadd.s32 s19, s3  }
0xa1: {  	[timem:s7], [sflag:s20] =	dma.local [hbm:s5], s18  }
0xa2: {  	_ =	swait.ge [sflag:s20], s18  }
0xa3: {  	s4 =	ssub.s32 $0x0, s18;
	[sflag:s20] =	ssyncset.done $0x0  }
0xa4: {  	[sflag:s20] =	ssyncadd.s32 s4;
	_ =	sdelay $0x1  }
0xa5: {  	s21 =	simm.s32 $0x1B8B  }
0xa6: {  	_ =	swait.ge [sflag:s21], $0x1  }
0xa7: {  	[sflag:s21] =	ssyncset.done $0x0  }
0xa8: {  	s23 =	simm.s32 $0x1B8E;
	s22 =	sld [smem:$0x3FFE];
	[sflag:s21] =	ssyncadd.s32 $0xFFFFFFFF  }
0xa9: {  	s24 =	simm.s32 $execute0_lowered;
	[smem:$0x3FD2] =	sst s23  }
0xaa: {  	s5 =	sshll.u32 s24, $0x1;
	_ =	strace $0x80000049;
	[dreg:$0x1] =	wrdreg $0xFFFFFFFF  }
0xab: {  	s25 =	simm.s32 $_size_execute0_lowered;
	s3 =	sadd.s32 s3, s5;
	[dreg:$0x0] =	wrdreg $0x0  }
0xac: {  	s5 =	sshll.u32 s25, $0x1;
	[dreg:$0x2] =	wrdreg s3  }
0xad: {  	[dreg:$0x3] =	wrdreg s5  }
0xae: {  	[dreg:$0x4] =	wrdreg $0xC0  }
0xaf: {  	_ =	task [dreg:s7], $0x5FFFF  }
0xb0: {  	[dreg:$0x1] =	wrdreg $0xFFFFFFFF  }
0xb1: {  	[dreg:$0x0] =	wrdreg $0x60  }
0xb2: {  	[dreg:$0x2] =	wrdreg s13  }
0xb3: {  	[dreg:$0x3] =	wrdreg s2  }
0xb4: {  	[dreg:$0x4] =	wrdreg s22  }
0xb5: {  	[dreg:$0x5] =	wrdreg s14  }
0xb6: {  	[dreg:$0x6] =	wrdreg $0x9  }
0xb7: {  	_ =	task.clear_ibuf [dreg:s7], $0x7FFFF;
	_ =	strace $0x90000049  }
0xb8: {  	s26 =	simm.s32 $0x9;
	_ =	strace $0x8000004B  }
0xb9: {  	_ =	swait.ge [sflag:s26], $0x1  }
0xba: {  	[sflag:s26] =	ssyncadd.s32 $0xFFFFFFFF  }
0xbb: {  	_ =	strace $0x9000004B  }
0xbc: {  	_ =	sfence  }
0xbd: {  	s28 =	sld [smem:$0x0];
	_ =	sdelay $0x1  }
0xbe: {  	s29 =	srdreg.scid  }
0xbf: {  	s30 =	sshll.u32 s29, $0xD;
	s31 =	sshrl.u32 s29, $0x2  }
0xc0: {  	s1 =	sand.u32 $0x1, s29;
	s2 =	sand.u32 $0x4000, s30;
	s0 =	sadd.s32 s31, s28  }
0xc1: {  	s1 =	sor.u32 s2, s1;
	s0 =	sshll.u32 s0, $0x11  }
0xc2: {  	s0 =	sor.u32 s0, s1  }
0xc3: {  	s0 =	sadd.s32 $0x8F2B, s0  }
0xc4: {  	[sflag:s0] =	ssyncadd.remote.s32 $0x1  }
0xc5: {  	_ =	sfence.sel $0xFFFF  }
0xc6: {  	[dreg:$0x0] =	wrdreg $0xFFFFFFFF;
	(pc) =	sbr.abs _section_cstart, $3  }
0xc7: {  	[dreg:$0x1] =	wrdreg $0xFFFFFFFF  }
0xc8: {  	_ =	task.clear_ibuf [dreg:s7], $0x2FFFF;
	_ =	strace $0x9FFFFFFF  }
0xc9: {  	(tm) =	ssettm $0x7FFFFFFF  }
tec
execute0_lowered:
.L_overlay_start_1:
0x0: {  	(tag) =	ssettag $0x1  }
0x1: {  	s0 =	rddreg [dreg:$0x2]  }
0x2: {  	s1 =	rddreg [dreg:$0x3];
	s2 =	simm.s32 $0x0  }
0x3: {  	[smem:$0x7FF] =	sst s2  }
0x4: {  	s31 =	simm.s32 $0x4;
	s3 =	sadd.s32 $0xA800, s0;
	_ =	strace $0x8000004A  }
0x5: {  	[tilespmem:s2], [sflag:$0x4] =	stream.linear.gather [hbm4b:s3+s2], $0x1000, $0x38;
	[tilespmem:$0xE000] =	vst v63  }
0x6: {  	_ =	swait.ge [sflag:s31], $0x1000  }
0x7: {  	[sflag:s31] =	ssyncset.done $0x0  }
0x8: {  	s4 =	simm.s32 $0x1000;
	[sflag:s31] =	ssyncadd.s32 $0xFFFFF000  }
0x9: {  	[tilespmem:s4], [sflag:$0x4] =	stream.linear.gather [hbm4b:s1+s2], $0x1000, $0x38;
	[tilespmem:$0xE000] =	vst v63  }
0xa: {  	s8 =	stileid.u32;
	_ =	swait.ge [sflag:s31], $0x1000  }
0xb: {  	s5 =	sadd.s32 $0xAA00, s0;
	s4 =	sadd.s32 $0x2800, s0;
	[sflag:s31] =	ssyncset.done $0x0  }
0xc: {  	v0 =	vimm.f32 $-Inf;
	s0 =	simm.s32 $0x40;
	s2 =	simm.s32 $0x0;
	[sflag:s31] =	ssyncadd.s32 $0xFFFFF000  }
.LBB2_1:
0xd: {  	p0 =	sne.s32 s0, $0x1FFC0;
	[tilespmem:s2+$0x2000] =	vst v0;
	s1 =	smov.u32 s0;
	s0 =	sadd.s32 $0x40, s0  }
.Ltmp0:
0xe: {  	(pc) =	sbr.rel @p0 .LBB2_1-.Ltmp0, $2  }
0xf: {  	_ =	sdelay $0x2  }
0x10: {  	s2 =	sshra.s32 s1, $0x2  }
0x11: {  	s0 =	sshll.u32 s8, $0x11  }
0x12: {  	s1 =	simm.s32 $0x0;
	s0 =	sadd.s32 s0, s5  }
0x13: {  	[tilespmem:s2+$0x2000] =	vst v0;
	s3 =	simm.s32 $0x2000;
	s2 =	simm.s32 $0x4;
	s6 =	sadd.s32 $0x0, s0  }
0x14: {  	[hbm4b:s6+s1] =	stream.linear.scatter [tilespmem:s3], [sflag:$0x4], $0x8000, $0x38;
	[tilespmem:$0xE000] =	vst v63  }
0x15: {  	_ =	swait.ge [sflag:s2], $0x8000  }
0x16: {  	s6 =	simm.s32 $0x1000;
	[sflag:s2] =	ssyncset.done $0x0  }
.LBB2_3:
0x17: {  	s7 =	sadd.s32 s6, s0;
	[sflag:s2] =	ssyncadd.s32 $0xFFFF8000;
	p0 =	sne.s32 s6, $0x1F000  }
0x18: {  	[hbm4b:s7+s1] =	stream.linear.scatter [tilespmem:s3], [sflag:$0x4], $0x8000, $0x38;
	[tilespmem:$0xE000] =	vst v63  }
.Ltmp1:
0x19: {  	_ = 	snop;
	(pc) =	sbr.rel @p0 .LBB2_3-.Ltmp1, $4  }
0x1a: {  	_ = 	snop  }
0x1b: {  	s6 =	sadd.s32 $0x1000, s6  }
0x1c: {  	_ =	swait.ge [sflag:s2], $0x8000  }
0x1d: {  	[sflag:s2] =	ssyncset.done $0x0  }
0x1e: {  	[sflag:s2] =	ssyncadd.s32 $0xFFFF8000  }
0x1f: {  	s0 =	sshll.u32 s8, $0xB;
	s6 =	simm.s32 $0x0;
	s1 =	rddreg [dreg:$0x0]  }
0x20: {  	s20 =	simm.s32 $0xA000;
	[bflag:$0x0] =	sbarrier.arrive $0xFFFF;
	s1 =	sadd.s32 s1, s0  }
0x21: {  	[tilespmem:s20], [sflag:$0x1] =	stream.linear.gather [hbm4b:s1+s6], $0x80, $0x38;
	[tilespmem:$0xE000] =	vst v63  }
0x22: {  	s3 =	simm.s32 $0xA100;
	s21 =	sadd.s32 $0x10, s1  }
0x23: {  	[tilespmem:s3], [sflag:$0x1] =	stream.linear.gather [hbm4b:s21+s6], $0x80, $0x38;
	[tilespmem:$0xE000] =	vst v63  }
0x24: {  	s23 =	simm.s32 $0xA200;
	s22 =	sadd.s32 $0x20, s1  }
0x25: {  	[tilespmem:s23], [sflag:$0x1] =	stream.linear.gather [hbm4b:s22+s6], $0x80, $0x38;
	[tilespmem:$0xE000] =	vst v63  }
0x26: {  	s25 =	simm.s32 $0xA300;
	s24 =	sadd.s32 $0x30, s1  }
0x27: {  	[tilespmem:s25], [sflag:$0x1] =	stream.linear.gather [hbm4b:s24+s6], $0x80, $0x38;
	[tilespmem:$0xE000] =	vst v63  }
0x28: {  	s31 =	simm.s32 $0xA400;
	s26 =	sadd.s32 $0x40, s1  }
0x29: {  	[tilespmem:s31], [sflag:$0x1] =	stream.linear.gather [hbm4b:s26+s6], $0x80, $0x38;
	[tilespmem:$0xE000] =	vst v63  }
0x2a: {  	s9 =	simm.s32 $0xA500;
	s7 =	sadd.s32 $0x50, s1  }
0x2b: {  	[tilespmem:s9], [sflag:$0x1] =	stream.linear.gather [hbm4b:s7+s6], $0x80, $0x38;
	[tilespmem:$0xE000] =	vst v63  }
0x2c: {  	s11 =	simm.s32 $0xA600;
	s10 =	sadd.s32 $0x60, s1  }
0x2d: {  	[tilespmem:s11], [sflag:$0x1] =	stream.linear.gather [hbm4b:s10+s6], $0x80, $0x38;
	[tilespmem:$0xE000] =	vst v63  }
0x2e: {  	s13 =	simm.s32 $0xA700;
	s12 =	sadd.s32 $0x70, s1  }
0x2f: {  	[tilespmem:s13], [sflag:$0x1] =	stream.linear.gather [hbm4b:s12+s6], $0x80, $0x38;
	[tilespmem:$0xE000] =	vst v63  }
0x30: {  	s15 =	simm.s32 $0xA800;
	s14 =	sadd.s32 $0x80, s1  }
0x31: {  	[tilespmem:s15], [sflag:$0x1] =	stream.linear.gather [hbm4b:s14+s6], $0x80, $0x38;
	[tilespmem:$0xE000] =	vst v63  }
0x32: {  	s17 =	simm.s32 $0xA900;
	s16 =	sadd.s32 $0x90, s1  }
0x33: {  	[tilespmem:s17], [sflag:$0x1] =	stream.linear.gather [hbm4b:s16+s6], $0x80, $0x38;
	[tilespmem:$0xE000] =	vst v63  }
0x34: {  	s19 =	simm.s32 $0xAA00;
	s18 =	sadd.s32 $0xA0, s1  }
0x35: {  	[tilespmem:s19], [sflag:$0x1] =	stream.linear.gather [hbm4b:s18+s6], $0x80, $0x38;
	[tilespmem:$0xE000] =	vst v63  }
0x36: {  	s20 =	sadd.s32 $0xB0, s1;
	s21 =	simm.s32 $0xAB00  }
0x37: {  	[tilespmem:s21], [sflag:$0x1] =	stream.linear.gather [hbm4b:s20+s6], $0x80, $0x38;
	[tilespmem:$0xE000] =	vst v63  }
0x38: {  	s22 =	sadd.s32 $0xC0, s1;
	s23 =	simm.s32 $0xAC00  }
0x39: {  	[tilespmem:s23], [sflag:$0x1] =	stream.linear.gather [hbm4b:s22+s6], $0x80, $0x38;
	[tilespmem:$0xE000] =	vst v63  }
0x3a: {  	s24 =	sadd.s32 $0xD0, s1;
	s25 =	simm.s32 $0xAD00  }
0x3b: {  	[tilespmem:s25], [sflag:$0x1] =	stream.linear.gather [hbm4b:s24+s6], $0x80, $0x38;
	[tilespmem:$0xE000] =	vst v63  }
0x3c: {  	s26 =	sadd.s32 $0xE0, s1;
	s31 =	simm.s32 $0xAE00  }
0x3d: {  	[tilespmem:s31], [sflag:$0x1] =	stream.linear.gather [hbm4b:s26+s6], $0x80, $0x38;
	[tilespmem:$0xE000] =	vst v63  }
0x3e: {  	s3 =	simm.s32 $0xAF00;
	s1 =	sadd.s32 $0xF0, s1;
	s7 =	rddreg [dreg:$0x1]  }
0x3f: {  	[tilespmem:s3], [sflag:$0x1] =	stream.linear.gather [hbm4b:s1+s6], $0x80, $0x38;
	[tilespmem:$0xE000] =	vst v63  }
0x40: {  	s9 =	simm.s32 $0xB000;
	s1 =	sadd.s32 s7, s0  }
0x41: {  	[tilespmem:s9], [sflag:$0x1] =	stream.linear.gather [hbm4b:s1+s6], $0x80, $0x38;
	[tilespmem:$0xE000] =	vst v63  }
0x42: {  	s11 =	simm.s32 $0xB100;
	s10 =	sadd.s32 $0x10, s1  }
0x43: {  	[tilespmem:s11], [sflag:$0x1] =	stream.linear.gather [hbm4b:s10+s6], $0x80, $0x38;
	[tilespmem:$0xE000] =	vst v63  }
0x44: {  	s13 =	simm.s32 $0xB200;
	s12 =	sadd.s32 $0x20, s1  }
0x45: {  	[tilespmem:s13], [sflag:$0x1] =	stream.linear.gather [hbm4b:s12+s6], $0x80, $0x38;
	[tilespmem:$0xE000] =	vst v63  }
0x46: {  	s15 =	simm.s32 $0xB300;
	s14 =	sadd.s32 $0x30, s1  }
0x47: {  	[tilespmem:s15], [sflag:$0x1] =	stream.linear.gather [hbm4b:s14+s6], $0x80, $0x38;
	[tilespmem:$0xE000] =	vst v63  }
0x48: {  	s17 =	simm.s32 $0xB400;
	s16 =	sadd.s32 $0x40, s1  }
0x49: {  	[tilespmem:s17], [sflag:$0x1] =	stream.linear.gather [hbm4b:s16+s6], $0x80, $0x38;
	[tilespmem:$0xE000] =	vst v63  }
0x4a: {  	s19 =	simm.s32 $0xB500;
	s18 =	sadd.s32 $0x50, s1  }
0x4b: {  	[tilespmem:s19], [sflag:$0x1] =	stream.linear.gather [hbm4b:s18+s6], $0x80, $0x38;
	[tilespmem:$0xE000] =	vst v63  }
0x4c: {  	s21 =	simm.s32 $0xB600;
	s20 =	sadd.s32 $0x60, s1  }
0x4d: {  	[tilespmem:s21], [sflag:$0x1] =	stream.linear.gather [hbm4b:s20+s6], $0x80, $0x38;
	[tilespmem:$0xE000] =	vst v63  }
0x4e: {  	s23 =	simm.s32 $0xB700;
	s22 =	sadd.s32 $0x70, s1  }
0x4f: {  	[tilespmem:s23], [sflag:$0x1] =	stream.linear.gather [hbm4b:s22+s6], $0x80, $0x38;
	[tilespmem:$0xE000] =	vst v63  }
0x50: {  	s25 =	simm.s32 $0xB800;
	s24 =	sadd.s32 $0x80, s1  }
0x51: {  	[tilespmem:s25], [sflag:$0x1] =	stream.linear.gather [hbm4b:s24+s6], $0x80, $0x38;
	[tilespmem:$0xE000] =	vst v63  }
0x52: {  	s31 =	simm.s32 $0xB900;
	s26 =	sadd.s32 $0x90, s1  }
0x53: {  	[tilespmem:s31], [sflag:$0x1] =	stream.linear.gather [hbm4b:s26+s6], $0x80, $0x38;
	[tilespmem:$0xE000] =	vst v63  }
0x54: {  	s7 =	sadd.s32 $0xA0, s1;
	s9 =	simm.s32 $0xBA00  }
0x55: {  	[tilespmem:s9], [sflag:$0x1] =	stream.linear.gather [hbm4b:s7+s6], $0x80, $0x38;
	[tilespmem:$0xE000] =	vst v63  }
0x56: {  	s10 =	sadd.s32 $0xB0, s1;
	s11 =	simm.s32 $0xBB00  }
0x57: {  	[tilespmem:s11], [sflag:$0x1] =	stream.linear.gather [hbm4b:s10+s6], $0x80, $0x38;
	[tilespmem:$0xE000] =	vst v63  }
0x58: {  	s12 =	sadd.s32 $0xC0, s1;
	s13 =	simm.s32 $0xBC00  }
0x59: {  	[tilespmem:s13], [sflag:$0x1] =	stream.linear.gather [hbm4b:s12+s6], $0x80, $0x38;
	[tilespmem:$0xE000] =	vst v63  }
0x5a: {  	s29 =	simm.s32 $0x1;
	s14 =	sadd.s32 $0xD0, s1;
	s15 =	simm.s32 $0xBD00  }
0x5b: {  	[tilespmem:s15], [sflag:$0x1] =	stream.linear.gather [hbm4b:s14+s6], $0x80, $0x38;
	[tilespmem:$0xE000] =	vst v63  }
0x5c: {  	s28 =	simm.s32 $0xDD00;
	s16 =	sadd.s32 $0xE0, s1;
	s17 =	simm.s32 $0xBE00  }
0x5d: {  	[tilespmem:s17], [sflag:$0x1] =	stream.linear.gather [hbm4b:s16+s6], $0x80, $0x38;
	[tilespmem:$0xE000] =	vst v63  }
0x5e: {  	s30 =	simm.s32 $0xD600;
	s1 =	sadd.s32 $0xF0, s1;
	s18 =	simm.s32 $0xBF00  }
0x5f: {  	[tilespmem:s18], [sflag:$0x1] =	stream.linear.gather [hbm4b:s1+s6], $0x80, $0x38;
	[tilespmem:$0xE000] =	vst v63  }
0x60: {  	s0 =	sadd.s32 s4, s0;
	s3 =	simm.s32 $0xC500;
	s19 =	simm.s32 $0xC000  }
0x61: {  	[tilespmem:s19], [sflag:$0x1] =	stream.linear.gather [hbm4b:s0+s6], $0x80, $0x38;
	[tilespmem:$0xE000] =	vst v63  }
0x62: {  	s2 =	sadd.s32 $0x50, s0;
	s20 =	sadd.s32 $0x10, s0;
	s21 =	simm.s32 $0xC100  }
0x63: {  	[tilespmem:s21], [sflag:$0x1] =	stream.linear.gather [hbm4b:s20+s6], $0x80, $0x38;
	[tilespmem:$0xE000] =	vst v63  }
0x64: {  	s22 =	sadd.s32 $0x20, s0;
	s23 =	simm.s32 $0xC200;
	s24 =	sadd.s32 $0x30, s0  }
0x65: {  	[tilespmem:s23], [sflag:$0x1] =	stream.linear.gather [hbm4b:s22+s6], $0x80, $0x38;
	[tilespmem:$0xE000] =	vst v63  }
0x66: {  	s25 =	simm.s32 $0xC300;
	s26 =	sadd.s32 $0x40, s0;
	s31 =	simm.s32 $0xC400  }
0x67: {  	[tilespmem:s25], [sflag:$0x1] =	stream.linear.gather [hbm4b:s24+s6], $0x80, $0x38;
	[tilespmem:$0xE000] =	vst v63  }
0x68: {  	s7 =	sadd.s32 $0x60, s0;
	s9 =	simm.s32 $0xC600;
	s10 =	sadd.s32 $0x70, s0  }
0x69: {  	[tilespmem:s31], [sflag:$0x1] =	stream.linear.gather [hbm4b:s26+s6], $0x80, $0x38;
	[tilespmem:$0xE000] =	vst v63  }
0x6a: {  	s11 =	simm.s32 $0xC700;
	s12 =	sadd.s32 $0x80, s0;
	s13 =	simm.s32 $0xC800  }
0x6b: {  	[tilespmem:s3], [sflag:$0x1] =	stream.linear.gather [hbm4b:s2+s6], $0x80, $0x38;
	[tilespmem:$0xE000] =	vst v63  }
0x6c: {  	s14 =	sadd.s32 $0x90, s0;
	s15 =	simm.s32 $0xC900;
	s16 =	sadd.s32 $0xA0, s0  }
0x6d: {  	[tilespmem:s9], [sflag:$0x1] =	stream.linear.gather [hbm4b:s7+s6], $0x80, $0x38;
	[tilespmem:$0xE000] =	vst v63  }
0x6e: {  	s17 =	simm.s32 $0xCA00;
	s18 =	sadd.s32 $0xB0, s0;
	s1 =	simm.s32 $0xD580  }
0x6f: {  	[tilespmem:s11], [sflag:$0x1] =	stream.linear.gather [hbm4b:s10+s6], $0x80, $0x38;
	[tilespmem:$0xE000] =	vst v63  }
0x70: {  	s19 =	simm.s32 $0xCB00;
	s20 =	sadd.s32 $0xC0, s0;
	s21 =	simm.s32 $0xCC00  }
0x71: {  	[tilespmem:s13], [sflag:$0x1] =	stream.linear.gather [hbm4b:s12+s6], $0x80, $0x38;
	[tilespmem:$0xE000] =	vst v63  }
0x72: {  	s22 =	sadd.s32 $0xD0, s0;
	s23 =	simm.s32 $0xCD00;
	s24 =	sadd.s32 $0xE0, s0  }
0x73: {  	[tilespmem:s15], [sflag:$0x1] =	stream.linear.gather [hbm4b:s14+s6], $0x80, $0x38;
	[tilespmem:$0xE000] =	vst v63  }
0x74: {  	s25 =	simm.s32 $0xCE00;
	s0 =	sadd.s32 $0xF0, s0;
	s31 =	sshll.u32 s8, $0xE  }
0x75: {  	[tilespmem:s17], [sflag:$0x1] =	stream.linear.gather [hbm4b:s16+s6], $0x80, $0x38;
	[tilespmem:$0xE000] =	vst v63  }
0x76: {  	s26 =	simm.s32 $0xCF00;
	s8 =	simm.s32 $0xD800;
	[dreg:$0x5] =	wrdreg s31  }
0x77: {  	[tilespmem:s19], [sflag:$0x1] =	stream.linear.gather [hbm4b:s18+s6], $0x80, $0x38;
	[tilespmem:$0xE000] =	vst v63  }
0x78: {  	s3 =	simm.s32 $0x80;
	s2 =	simm.s32 $0xDD80;
	s7 =	simm.s32 $0xD000  }
0x79: {  	[tilespmem:s21], [sflag:$0x1] =	stream.linear.gather [hbm4b:s20+s6], $0x80, $0x38;
	[tilespmem:$0xE000] =	vst v63  }
0x7a: {  	s9 =	simm.s32 $0xDE00;
	s10 =	simm.s32 $0xD680;
	s11 =	simm.s32 $0xDE80  }
0x7b: {  	[tilespmem:s23], [sflag:$0x1] =	stream.linear.gather [hbm4b:s22+s6], $0x80, $0x38;
	[tilespmem:$0xE000] =	vst v63  }
0x7c: {  	s12 =	simm.s32 $0xD700;
	s13 =	simm.s32 $0xDF00;
	s14 =	simm.s32 $0xD780  }
0x7d: {  	[tilespmem:s25], [sflag:$0x1] =	stream.linear.gather [hbm4b:s24+s6], $0x80, $0x38;
	[tilespmem:$0xE000] =	vst v63  }
0x7e: {  	s15 =	simm.s32 $0xDF80;
	s16 =	simm.s32 $0x3;
	s17 =	simm.s32 $0x2  }
0x7f: {  	[tilespmem:s26], [sflag:$0x1] =	stream.linear.gather [hbm4b:s0+s6], $0x80, $0x38;
	[tilespmem:$0xE000] =	vst v63  }
0x80: {  	s18 =	simm.s32 $0x0;
	s25 =	simm.s32 $0xDC80;
	s0 =	sor.u32 $0x1000, s31  }
0x81: {  	s26 =	simm.s32 $0xD500;
	[dreg:$0x6] =	wrdreg s0;
	s0 =	simm.s32 $0x1000  }
.LBB2_5:
0x82: {  	s19 =	sshll.u32 s18, $0xC;
	s20 =	rddreg [dreg:$0x5]  }
0x83: {  	s20 =	sor.u32 s19, s20  }
0x84: {  	s20 =	sshrl.u32 s20, $0x3  }
0x85: {  	s21 =	rddreg [dreg:$0x0];
	s20 =	sor.u32 $0x100, s20  }
0x86: {  	s22 =	simm.s32 $0xA080;
	s21 =	sadd.s32 s21, s20  }
0x87: {  	[tilespmem:s22], [sflag:$0x2] =	stream.linear.gather [hbm4b:s21+s6], $0x80, $0x38;
	[tilespmem:$0xE000] =	vst v63  }
0x88: {  	s23 =	simm.s32 $0xA180;
	s24 =	sadd.s32 $0x10, s21  }
0x89: {  	[tilespmem:s23], [sflag:$0x2] =	stream.linear.gather [hbm4b:s24+s6], $0x80, $0x38;
	[tilespmem:$0xE000] =	vst v63  }
0x8a: {  	s23 =	sadd.s32 $0x20, s21;
	s24 =	simm.s32 $0xA280  }
0x8b: {  	[tilespmem:s24], [sflag:$0x2] =	stream.linear.gather [hbm4b:s23+s6], $0x80, $0x38;
	[tilespmem:$0xE000] =	vst v63  }
0x8c: {  	s23 =	sadd.s32 $0x30, s21;
	s24 =	simm.s32 $0xA380  }
0x8d: {  	[tilespmem:s24], [sflag:$0x2] =	stream.linear.gather [hbm4b:s23+s6], $0x80, $0x38;
	[tilespmem:$0xE000] =	vst v63  }
0x8e: {  	s23 =	sadd.s32 $0x40, s21;
	s24 =	simm.s32 $0xA480  }
0x8f: {  	[tilespmem:s24], [sflag:$0x2] =	stream.linear.gather [hbm4b:s23+s6], $0x80, $0x38;
	[tilespmem:$0xE000] =	vst v63  }
0x90: {  	s23 =	sadd.s32 $0x50, s21;
	s24 =	simm.s32 $0xA580  }
0x91: {  	[tilespmem:s24], [sflag:$0x2] =	stream.linear.gather [hbm4b:s23+s6], $0x80, $0x38;
	[tilespmem:$0xE000] =	vst v63  }
0x92: {  	s23 =	sadd.s32 $0x60, s21;
	s24 =	simm.s32 $0xA680  }
0x93: {  	[tilespmem:s24], [sflag:$0x2] =	stream.linear.gather [hbm4b:s23+s6], $0x80, $0x38;
	[tilespmem:$0xE000] =	vst v63  }
0x94: {  	s23 =	sadd.s32 $0x70, s21;
	s24 =	simm.s32 $0xA780  }
0x95: {  	[tilespmem:s24], [sflag:$0x2] =	stream.linear.gather [hbm4b:s23+s6], $0x80, $0x38;
	[tilespmem:$0xE000] =	vst v63  }
0x96: {  	s23 =	sadd.s32 $0x80, s21;
	s24 =	simm.s32 $0xA880  }
0x97: {  	[tilespmem:s24], [sflag:$0x2] =	stream.linear.gather [hbm4b:s23+s6], $0x80, $0x38;
	[tilespmem:$0xE000] =	vst v63  }
0x98: {  	s23 =	sadd.s32 $0x90, s21;
	s24 =	simm.s32 $0xA980  }
0x99: {  	[tilespmem:s24], [sflag:$0x2] =	stream.linear.gather [hbm4b:s23+s6], $0x80, $0x38;
	[tilespmem:$0xE000] =	vst v63  }
0x9a: {  	s23 =	sadd.s32 $0xA0, s21;
	s24 =	simm.s32 $0xAA80  }
0x9b: {  	[tilespmem:s24], [sflag:$0x2] =	stream.linear.gather [hbm4b:s23+s6], $0x80, $0x38;
	[tilespmem:$0xE000] =	vst v63  }
0x9c: {  	s23 =	sadd.s32 $0xB0, s21;
	s24 =	simm.s32 $0xAB80  }
0x9d: {  	[tilespmem:s24], [sflag:$0x2] =	stream.linear.gather [hbm4b:s23+s6], $0x80, $0x38;
	[tilespmem:$0xE000] =	vst v63  }
0x9e: {  	s23 =	sadd.s32 $0xC0, s21;
	s24 =	simm.s32 $0xAC80  }
0x9f: {  	[tilespmem:s24], [sflag:$0x2] =	stream.linear.gather [hbm4b:s23+s6], $0x80, $0x38;
	[tilespmem:$0xE000] =	vst v63  }
0xa0: {  	s23 =	sadd.s32 $0xD0, s21;
	s24 =	simm.s32 $0xAD80  }
0xa1: {  	[tilespmem:s24], [sflag:$0x2] =	stream.linear.gather [hbm4b:s23+s6], $0x80, $0x38;
	[tilespmem:$0xE000] =	vst v63  }
0xa2: {  	s23 =	sadd.s32 $0xE0, s21;
	s24 =	simm.s32 $0xAE80  }
0xa3: {  	[tilespmem:s24], [sflag:$0x2] =	stream.linear.gather [hbm4b:s23+s6], $0x80, $0x38;
	[tilespmem:$0xE000] =	vst v63  }
0xa4: {  	s21 =	sadd.s32 $0xF0, s21;
	s24 =	simm.s32 $0xAF80;
	s23 =	rddreg [dreg:$0x1]  }
0xa5: {  	[tilespmem:s24], [sflag:$0x2] =	stream.linear.gather [hbm4b:s21+s6], $0x80, $0x38;
	[tilespmem:$0xE000] =	vst v63  }
0xa6: {  	s21 =	sadd.s32 s23, s20;
	s24 =	simm.s32 $0xB080  }
0xa7: {  	[tilespmem:s24], [sflag:$0x2] =	stream.linear.gather [hbm4b:s21+s6], $0x80, $0x38;
	[tilespmem:$0xE000] =	vst v63  }
0xa8: {  	s23 =	sadd.s32 $0x10, s21;
	s24 =	simm.s32 $0xB180  }
0xa9: {  	[tilespmem:s24], [sflag:$0x2] =	stream.linear.gather [hbm4b:s23+s6], $0x80, $0x38;
	[tilespmem:$0xE000] =	vst v63  }
0xaa: {  	s23 =	sadd.s32 $0x20, s21;
	s24 =	simm.s32 $0xB280  }
0xab: {  	[tilespmem:s24], [sflag:$0x2] =	stream.linear.gather [hbm4b:s23+s6], $0x80, $0x38;
	[tilespmem:$0xE000] =	vst v63  }
0xac: {  	s23 =	sadd.s32 $0x30, s21;
	s24 =	simm.s32 $0xB380  }
0xad: {  	[tilespmem:s24], [sflag:$0x2] =	stream.linear.gather [hbm4b:s23+s6], $0x80, $0x38;
	[tilespmem:$0xE000] =	vst v63  }
0xae: {  	s23 =	sadd.s32 $0x40, s21;
	s24 =	simm.s32 $0xB480  }
0xaf: {  	[tilespmem:s24], [sflag:$0x2] =	stream.linear.gather [hbm4b:s23+s6], $0x80, $0x38;
	[tilespmem:$0xE000] =	vst v63  }
0xb0: {  	s23 =	sadd.s32 $0x50, s21;
	s24 =	simm.s32 $0xB580  }
0xb1: {  	[tilespmem:s24], [sflag:$0x2] =	stream.linear.gather [hbm4b:s23+s6], $0x80, $0x38;
	[tilespmem:$0xE000] =	vst v63  }
0xb2: {  	s23 =	sadd.s32 $0x60, s21;
	s24 =	simm.s32 $0xB680  }
0xb3: {  	[tilespmem:s24], [sflag:$0x2] =	stream.linear.gather [hbm4b:s23+s6], $0x80, $0x38;
	[tilespmem:$0xE000] =	vst v63  }
0xb4: {  	s23 =	sadd.s32 $0x70, s21;
	s24 =	simm.s32 $0xB780  }
0xb5: {  	[tilespmem:s24], [sflag:$0x2] =	stream.linear.gather [hbm4b:s23+s6], $0x80, $0x38;
	[tilespmem:$0xE000] =	vst v63  }
0xb6: {  	s23 =	sadd.s32 $0x80, s21;
	s24 =	simm.s32 $0xB880  }
0xb7: {  	[tilespmem:s24], [sflag:$0x2] =	stream.linear.gather [hbm4b:s23+s6], $0x80, $0x38;
	[tilespmem:$0xE000] =	vst v63  }
0xb8: {  	s23 =	sadd.s32 $0x90, s21;
	s24 =	simm.s32 $0xB980  }
0xb9: {  	[tilespmem:s24], [sflag:$0x2] =	stream.linear.gather [hbm4b:s23+s6], $0x80, $0x38;
	[tilespmem:$0xE000] =	vst v63  }
0xba: {  	s23 =	sadd.s32 $0xA0, s21;
	s24 =	simm.s32 $0xBA80  }
0xbb: {  	[tilespmem:s24], [sflag:$0x2] =	stream.linear.gather [hbm4b:s23+s6], $0x80, $0x38;
	[tilespmem:$0xE000] =	vst v63  }
0xbc: {  	s23 =	sadd.s32 $0xB0, s21;
	s24 =	simm.s32 $0xBB80  }
0xbd: {  	[tilespmem:s24], [sflag:$0x2] =	stream.linear.gather [hbm4b:s23+s6], $0x80, $0x38;
	[tilespmem:$0xE000] =	vst v63  }
0xbe: {  	s23 =	sadd.s32 $0xC0, s21;
	s24 =	simm.s32 $0xBC80  }
0xbf: {  	[tilespmem:s24], [sflag:$0x2] =	stream.linear.gather [hbm4b:s23+s6], $0x80, $0x38;
	[tilespmem:$0xE000] =	vst v63  }
0xc0: {  	s23 =	sadd.s32 $0xD0, s21;
	s24 =	simm.s32 $0xBD80  }
0xc1: {  	[tilespmem:s24], [sflag:$0x2] =	stream.linear.gather [hbm4b:s23+s6], $0x80, $0x38;
	[tilespmem:$0xE000] =	vst v63  }
0xc2: {  	s23 =	sadd.s32 $0xE0, s21;
	s24 =	simm.s32 $0xBE80  }
0xc3: {  	[tilespmem:s24], [sflag:$0x2] =	stream.linear.gather [hbm4b:s23+s6], $0x80, $0x38;
	[tilespmem:$0xE000] =	vst v63  }
0xc4: {  	s21 =	sadd.s32 $0xF0, s21;
	s24 =	simm.s32 $0xBF80  }
0xc5: {  	[tilespmem:s24], [sflag:$0x2] =	stream.linear.gather [hbm4b:s21+s6], $0x80, $0x38;
	[tilespmem:$0xE000] =	vst v63  }
0xc6: {  	s22 =	simm.s32 $0xC080;
	s20 =	sadd.s32 s4, s20  }
0xc7: {  	[tilespmem:s22], [sflag:$0x2] =	stream.linear.gather [hbm4b:s20+s6], $0x80, $0x38;
	[tilespmem:$0xE000] =	vst v63  }
0xc8: {  	s23 =	sadd.s32 $0x10, s20;
	s24 =	simm.s32 $0xC180  }
0xc9: {  	[tilespmem:s24], [sflag:$0x2] =	stream.linear.gather [hbm4b:s23+s6], $0x80, $0x38;
	[tilespmem:$0xE000] =	vst v63  }
0xca: {  	s23 =	sadd.s32 $0x20, s20;
	s24 =	simm.s32 $0xC280  }
0xcb: {  	[tilespmem:s24], [sflag:$0x2] =	stream.linear.gather [hbm4b:s23+s6], $0x80, $0x38;
	[tilespmem:$0xE000] =	vst v63  }
0xcc: {  	s23 =	sadd.s32 $0x30, s20;
	s24 =	simm.s32 $0xC380  }
0xcd: {  	[tilespmem:s24], [sflag:$0x2] =	stream.linear.gather [hbm4b:s23+s6], $0x80, $0x38;
	[tilespmem:$0xE000] =	vst v63  }
0xce: {  	s23 =	sadd.s32 $0x40, s20;
	s24 =	simm.s32 $0xC480  }
0xcf: {  	[tilespmem:s24], [sflag:$0x2] =	stream.linear.gather [hbm4b:s23+s6], $0x80, $0x38;
	[tilespmem:$0xE000] =	vst v63  }
0xd0: {  	s23 =	sadd.s32 $0x50, s20;
	s24 =	simm.s32 $0xC580  }
0xd1: {  	[tilespmem:s24], [sflag:$0x2] =	stream.linear.gather [hbm4b:s23+s6], $0x80, $0x38;
	[tilespmem:$0xE000] =	vst v63  }
0xd2: {  	s23 =	sadd.s32 $0x60, s20;
	s24 =	simm.s32 $0xC680  }
0xd3: {  	[tilespmem:s24], [sflag:$0x2] =	stream.linear.gather [hbm4b:s23+s6], $0x80, $0x38;
	[tilespmem:$0xE000] =	vst v63  }
0xd4: {  	s23 =	sadd.s32 $0x70, s20;
	s24 =	simm.s32 $0xC780  }
0xd5: {  	[tilespmem:s24], [sflag:$0x2] =	stream.linear.gather [hbm4b:s23+s6], $0x80, $0x38;
	[tilespmem:$0xE000] =	vst v63  }
0xd6: {  	s23 =	sadd.s32 $0x80, s20;
	s24 =	simm.s32 $0xC880  }
0xd7: {  	[tilespmem:s24], [sflag:$0x2] =	stream.linear.gather [hbm4b:s23+s6], $0x80, $0x38;
	[tilespmem:$0xE000] =	vst v63  }
0xd8: {  	s23 =	sadd.s32 $0x90, s20;
	s24 =	simm.s32 $0xC980  }
0xd9: {  	[tilespmem:s24], [sflag:$0x2] =	stream.linear.gather [hbm4b:s23+s6], $0x80, $0x38;
	[tilespmem:$0xE000] =	vst v63  }
0xda: {  	s23 =	sadd.s32 $0xA0, s20;
	s24 =	simm.s32 $0xCA80  }
0xdb: {  	[tilespmem:s24], [sflag:$0x2] =	stream.linear.gather [hbm4b:s23+s6], $0x80, $0x38;
	[tilespmem:$0xE000] =	vst v63  }
0xdc: {  	s23 =	sadd.s32 $0xB0, s20;
	s24 =	simm.s32 $0xCB80  }
0xdd: {  	[tilespmem:s24], [sflag:$0x2] =	stream.linear.gather [hbm4b:s23+s6], $0x80, $0x38;
	[tilespmem:$0xE000] =	vst v63  }
0xde: {  	s23 =	sadd.s32 $0xC0, s20;
	s24 =	simm.s32 $0xCC80  }
0xdf: {  	[tilespmem:s24], [sflag:$0x2] =	stream.linear.gather [hbm4b:s23+s6], $0x80, $0x38;
	[tilespmem:$0xE000] =	vst v63  }
0xe0: {  	s23 =	sadd.s32 $0xD0, s20;
	s24 =	simm.s32 $0xCD80  }
0xe1: {  	[tilespmem:s24], [sflag:$0x2] =	stream.linear.gather [hbm4b:s23+s6], $0x80, $0x38;
	[tilespmem:$0xE000] =	vst v63  }
0xe2: {  	s22 =	sadd.s32 $0xE0, s20;
	s23 =	simm.s32 $0xCE80  }
0xe3: {  	[tilespmem:s23], [sflag:$0x2] =	stream.linear.gather [hbm4b:s22+s6], $0x80, $0x38;
	[tilespmem:$0xE000] =	vst v63  }
0xe4: {  	s20 =	sadd.s32 $0xF0, s20;
	s24 =	simm.s32 $0xCF80  }
0xe5: {  	[tilespmem:s24], [sflag:$0x2] =	stream.linear.gather [hbm4b:s20+s6], $0x80, $0x38;
	[tilespmem:$0xE000] =	vst v63  }
0xe6: {  	_ =	swait.ge [sflag:s29], $0x800  }
0xe7: {  	[sflag:s29] =	ssyncset.done $0x0  }
0xe8: {  	[sflag:s29] =	ssyncadd.s32 $0xFFFFF800  }
0xe9: {  	_ =	swait.ge [sflag:s29], $0x800  }
0xea: {  	[sflag:s29] =	ssyncset.done $0x0  }
0xeb: {  	[sflag:s29] =	ssyncadd.s32 $0xFFFFF800  }
0xec: {  	_ =	swait.ge [sflag:s29], $0x800  }
0xed: {  	s21 =	sand.u32 $0x70, s6;
	s22 =	sand.u32 $0xF00, s6;
	[sflag:s29] =	ssyncset.done $0x0  }
0xee: {  	s20 =	sor.u32 s21, s22;
	[sflag:s29] =	ssyncadd.s32 $0xFFFFF800  }
0xef: {  	v0 =	vld [tilespmem:s20+$0xB000]  }
0xf0: {  	v1 =	vld [tilespmem:s20+$0xA000];
	_ =	sdelay $0x6  }
0xf1: {  	v2 =	vld.idx.msk [tilespmem:v0+s0+$0x0], $0xffff  }
0xf2: {  	v3 =	vld.idx.msk [tilespmem:v1+s6+$0x0], $0xffff;
	_ =	sdelay $0x1  }
0xf3: {  	v4 =	vld [tilespmem:s20+$0xC000];
	_ =	sdelay $0x2  }
0xf4: {  	v2 =	vadd.f32 v2, v3  }
0xf5: {  	v1 =	vshll.u32 v1, $0xC  }
0xf6: {  	s23 =	simm.s32 $0x10;
	s22 =	simm.s32 $0x20;
	v0 =	vadd.s32 v0, v1;
	v2 =	vadd.f32 v2, v4  }
0xf7: {  	s31 =	simm.s32 $0x20;
	s24 =	sand.u32 $0xF00, s22;
	s20 =	sand.u32 $0x70, s23;
	[tilespmem:s7+$0x0] =	vst v0  }
0xf8: {  	s21 =	simm.s32 $0xD000;
	s23 =	sor.u32 s20, s24;
	s20 =	simm.s32 $0xD800;
	[tilespmem:s8+$0x0] =	vst v2  }
.LBB2_6:
0xf9: {  	p0 =	sne.s32 s31, $0x7F0;
	v0 =	vld [tilespmem:s23+$0xB000]  }
0xfa: {  	v1 =	vld [tilespmem:s23+$0xA000];
	_ =	sdelay $0x6  }
0xfb: {  	v2 =	vld.idx.msk [tilespmem:v0+s0+$0x0], $0xffff  }
0xfc: {  	v3 =	vld.idx.msk [tilespmem:v1+s6+$0x0], $0xffff;
	_ =	sdelay $0x2  }
0xfd: {  	v4 =	vld [tilespmem:s23+$0xC000];
	_ =	sdelay $0x2  }
.Ltmp2:
0xfe: {  	v2 =	vadd.f32 v2, v3;
	(pc) =	sbr.rel @p0 .LBB2_6-.Ltmp2, $4  }
0xff: {  	v1 =	vshll.u32 v1, $0xC  }
0x100: {  	s22 =	sadd.s32 $0x20, s22;
	s21 =	sadd.s32 $0x10, s21;
	v0 =	vadd.s32 v0, v1;
	v2 =	vadd.f32 v2, v4  }
0x101: {  	s20 =	sadd.s32 $0x10, s20;
	s24 =	sand.u32 $0xF00, s22;
	s23 =	sand.u32 $0x70, s31;
	[tilespmem:s21+$0x0] =	vst v0  }
0x102: {  	s31 =	sadd.s32 $0x10, s31;
	s23 =	sor.u32 s23, s24;
	[tilespmem:s20+$0x0] =	vst v2  }
0x103: {  	v0 =	vld [tilespmem:s23+$0xB000]  }
0x104: {  	v1 =	vld [tilespmem:s23+$0xA000];
	_ =	sdelay $0x6  }
0x105: {  	v2 =	vld.idx.msk [tilespmem:v0+s0+$0x0], $0xffff  }
0x106: {  	v3 =	vld.idx.msk [tilespmem:v1+s6+$0x0], $0xffff;
	_ =	sdelay $0x1  }
0x107: {  	v4 =	vld [tilespmem:s23+$0xC000];
	_ =	sdelay $0x2  }
0x108: {  	v2 =	vadd.f32 v2, v3  }
0x109: {  	v1 =	vshll.u32 v1, $0xC  }
0x10a: {  	s21 =	sadd.s32 $0x10, s21;
	v0 =	vadd.s32 v0, v1;
	v2 =	vadd.f32 v2, v4  }
0x10b: {  	s20 =	sadd.s32 $0x10, s20;
	[tilespmem:s21+$0x0] =	vst v0  }
0x10c: {  	[tilespmem:s20+$0x0] =	vst v2  }
0x10d: {  	[hbm4b:s5+s3] =	stream.indirect.scatter [tilespmem:s8], [sflag:$0x3], $0x1, s7, s3, $0xb8;
	[tilespmem:$0xE000] =	vst v63  }
0x10e: {  	s31 =	simm.s32 $0xD080;
	s24 =	simm.s32 $0xD880  }
0x10f: {  	[hbm4b:s5+s3] =	stream.indirect.scatter [tilespmem:s24], [sflag:$0x3], $0x1, s31, s3, $0xb8;
	[tilespmem:$0xE000] =	vst v63  }
0x110: {  	s22 =	simm.s32 $0xD900;
	s21 =	simm.s32 $0xD100  }
0x111: {  	[hbm4b:s5+s3] =	stream.indirect.scatter [tilespmem:s22], [sflag:$0x3], $0x1, s21, s3, $0xb8;
	[tilespmem:$0xE000] =	vst v63  }
0x112: {  	s23 =	simm.s32 $0xD180;
	s24 =	simm.s32 $0xD980  }
0x113: {  	[hbm4b:s5+s3] =	stream.indirect.scatter [tilespmem:s24], [sflag:$0x3], $0x1, s23, s3, $0xb8;
	[tilespmem:$0xE000] =	vst v63  }
0x114: {  	s21 =	simm.s32 $0xD200;
	s22 =	simm.s32 $0xDA00  }
0x115: {  	[hbm4b:s5+s3] =	stream.indirect.scatter [tilespmem:s22], [sflag:$0x3], $0x1, s21, s3, $0xb8;
	[tilespmem:$0xE000] =	vst v63  }
0x116: {  	s23 =	simm.s32 $0xD280;
	s24 =	simm.s32 $0xDA80  }
0x117: {  	[hbm4b:s5+s3] =	stream.indirect.scatter [tilespmem:s24], [sflag:$0x3], $0x1, s23, s3, $0xb8;
	[tilespmem:$0xE000] =	vst v63  }
0x118: {  	s21 =	simm.s32 $0xD300;
	s22 =	simm.s32 $0xDB00  }
0x119: {  	[hbm4b:s5+s3] =	stream.indirect.scatter [tilespmem:s22], [sflag:$0x3], $0x1, s21, s3, $0xb8;
	[tilespmem:$0xE000] =	vst v63  }
0x11a: {  	s23 =	simm.s32 $0xD380;
	s24 =	simm.s32 $0xDB80  }
0x11b: {  	[hbm4b:s5+s3] =	stream.indirect.scatter [tilespmem:s24], [sflag:$0x3], $0x1, s23, s3, $0xb8;
	[tilespmem:$0xE000] =	vst v63  }
0x11c: {  	s22 =	simm.s32 $0xD400;
	s23 =	simm.s32 $0xDC00  }
0x11d: {  	[hbm4b:s5+s3] =	stream.indirect.scatter [tilespmem:s23], [sflag:$0x3], $0x1, s22, s3, $0xb8;
	[tilespmem:$0xE000] =	vst v63  }
0x11e: {  	s24 =	simm.s32 $0xD480  }
0x11f: {  	[hbm4b:s5+s3] =	stream.indirect.scatter [tilespmem:s25], [sflag:$0x3], $0x1, s24, s3, $0xb8;
	[tilespmem:$0xE000] =	vst v63  }
0x120: {  	_ = 	snop  }
0x121: {  	[hbm4b:s5+s3] =	stream.indirect.scatter [tilespmem:s28], [sflag:$0x3], $0x1, s26, s3, $0xb8;
	[tilespmem:$0xE000] =	vst v63  }
0x122: {  	_ = 	snop  }
0x123: {  	[hbm4b:s5+s3] =	stream.indirect.scatter [tilespmem:s2], [sflag:$0x3], $0x1, s1, s3, $0xb8;
	[tilespmem:$0xE000] =	vst v63  }
0x124: {  	_ = 	snop  }
0x125: {  	[hbm4b:s5+s3] =	stream.indirect.scatter [tilespmem:s9], [sflag:$0x3], $0x1, s30, s3, $0xb8;
	[tilespmem:$0xE000] =	vst v63  }
0x126: {  	_ = 	snop  }
0x127: {  	[hbm4b:s5+s3] =	stream.indirect.scatter [tilespmem:s11], [sflag:$0x3], $0x1, s10, s3, $0xb8;
	[tilespmem:$0xE000] =	vst v63  }
0x128: {  	_ = 	snop  }
0x129: {  	[hbm4b:s5+s3] =	stream.indirect.scatter [tilespmem:s13], [sflag:$0x3], $0x1, s12, s3, $0xb8;
	[tilespmem:$0xE000] =	vst v63  }
0x12a: {  	_ = 	snop  }
0x12b: {  	[hbm4b:s5+s3] =	stream.indirect.scatter [tilespmem:s15], [sflag:$0x3], $0x1, s14, s3, $0xb8;
	[tilespmem:$0xE000] =	vst v63  }
0x12c: {  	_ =	swait.ge [sflag:s16], $0x80  }
0x12d: {  	[sflag:s16] =	ssyncset.done $0x0  }
0x12e: {  	[sflag:s16] =	ssyncadd.s32 $0xFFFFFF80  }
0x12f: {  	_ =	swait.ge [sflag:s16], $0x80  }
0x130: {  	[sflag:s16] =	ssyncset.done $0x0  }
0x131: {  	[sflag:s16] =	ssyncadd.s32 $0xFFFFFF80  }
0x132: {  	_ =	swait.ge [sflag:s16], $0x80  }
0x133: {  	[sflag:s16] =	ssyncset.done $0x0  }
0x134: {  	[sflag:s16] =	ssyncadd.s32 $0xFFFFFF80  }
0x135: {  	_ =	swait.ge [sflag:s16], $0x80  }
0x136: {  	[sflag:s16] =	ssyncset.done $0x0  }
0x137: {  	[sflag:s16] =	ssyncadd.s32 $0xFFFFFF80  }
0x138: {  	_ =	swait.ge [sflag:s16], $0x80  }
0x139: {  	[sflag:s16] =	ssyncset.done $0x0  }
0x13a: {  	[sflag:s16] =	ssyncadd.s32 $0xFFFFFF80  }
0x13b: {  	_ =	swait.ge [sflag:s16], $0x80  }
0x13c: {  	[sflag:s16] =	ssyncset.done $0x0  }
0x13d: {  	[sflag:s16] =	ssyncadd.s32 $0xFFFFFF80  }
0x13e: {  	_ =	swait.ge [sflag:s16], $0x80  }
0x13f: {  	[sflag:s16] =	ssyncset.done $0x0  }
0x140: {  	[sflag:s16] =	ssyncadd.s32 $0xFFFFFF80  }
0x141: {  	_ =	swait.ge [sflag:s16], $0x80  }
0x142: {  	[sflag:s16] =	ssyncset.done $0x0  }
0x143: {  	[sflag:s16] =	ssyncadd.s32 $0xFFFFFF80  }
0x144: {  	_ =	swait.ge [sflag:s16], $0x80  }
0x145: {  	[sflag:s16] =	ssyncset.done $0x0  }
0x146: {  	[sflag:s16] =	ssyncadd.s32 $0xFFFFFF80  }
0x147: {  	_ =	swait.ge [sflag:s16], $0x80  }
0x148: {  	[sflag:s16] =	ssyncset.done $0x0  }
0x149: {  	[sflag:s16] =	ssyncadd.s32 $0xFFFFFF80  }
0x14a: {  	_ =	swait.ge [sflag:s16], $0x80  }
0x14b: {  	[sflag:s16] =	ssyncset.done $0x0  }
0x14c: {  	[sflag:s16] =	ssyncadd.s32 $0xFFFFFF80  }
0x14d: {  	_ =	swait.ge [sflag:s16], $0x80  }
0x14e: {  	[sflag:s16] =	ssyncset.done $0x0  }
0x14f: {  	[sflag:s16] =	ssyncadd.s32 $0xFFFFFF80  }
0x150: {  	_ =	swait.ge [sflag:s16], $0x80  }
0x151: {  	[sflag:s16] =	ssyncset.done $0x0  }
0x152: {  	[sflag:s16] =	ssyncadd.s32 $0xFFFFFF80  }
0x153: {  	_ =	swait.ge [sflag:s16], $0x80  }
0x154: {  	[sflag:s16] =	ssyncset.done $0x0  }
0x155: {  	[sflag:s16] =	ssyncadd.s32 $0xFFFFFF80  }
0x156: {  	p0 =	seq.s32 s18, $0x3;
	_ =	swait.ge [sflag:s16], $0x80  }
.Ltmp3:
0x157: {  	[sflag:s16] =	ssyncset.done $0x0;
	(pc) =	sbr.rel @p0 .LBB2_9-.Ltmp3, $4  }
0x158: {  	[sflag:s16] =	ssyncadd.s32 $0xFFFFFF80  }
0x159: {  	_ =	swait.ge [sflag:s16], $0x80  }
0x15a: {  	[sflag:s16] =	ssyncset.done $0x0  }
0x15b: {  	[sflag:s16] =	ssyncadd.s32 $0xFFFFFF80  }
0x15c: {  	s20 =	rddreg [dreg:$0x6]  }
0x15d: {  	s19 =	sadd.s32 s19, s20  }
0x15e: {  	s23 =	rddreg [dreg:$0x0];
	s19 =	sshrl.u32 s19, $0x3  }
0x15f: {  	s21 =	simm.s32 $0xA000;
	s20 =	sadd.s32 s23, s19  }
0x160: {  	[tilespmem:s21], [sflag:$0x1] =	stream.linear.gather [hbm4b:s20+s6], $0x80, $0x38;
	[tilespmem:$0xE000] =	vst v63  }
0x161: {  	s22 =	simm.s32 $0xA100;
	s24 =	sadd.s32 $0x10, s20  }
0x162: {  	[tilespmem:s22], [sflag:$0x1] =	stream.linear.gather [hbm4b:s24+s6], $0x80, $0x38;
	[tilespmem:$0xE000] =	vst v63  }
0x163: {  	s23 =	sadd.s32 $0x20, s20;
	s24 =	simm.s32 $0xA200  }
0x164: {  	[tilespmem:s24], [sflag:$0x1] =	stream.linear.gather [hbm4b:s23+s6], $0x80, $0x38;
	[tilespmem:$0xE000] =	vst v63  }
0x165: {  	s23 =	sadd.s32 $0x30, s20;
	s24 =	simm.s32 $0xA300  }
0x166: {  	[tilespmem:s24], [sflag:$0x1] =	stream.linear.gather [hbm4b:s23+s6], $0x80, $0x38;
	[tilespmem:$0xE000] =	vst v63  }
0x167: {  	s23 =	sadd.s32 $0x40, s20;
	s24 =	simm.s32 $0xA400  }
0x168: {  	[tilespmem:s24], [sflag:$0x1] =	stream.linear.gather [hbm4b:s23+s6], $0x80, $0x38;
	[tilespmem:$0xE000] =	vst v63  }
0x169: {  	s23 =	sadd.s32 $0x50, s20;
	s24 =	simm.s32 $0xA500  }
0x16a: {  	[tilespmem:s24], [sflag:$0x1] =	stream.linear.gather [hbm4b:s23+s6], $0x80, $0x38;
	[tilespmem:$0xE000] =	vst v63  }
0x16b: {  	s23 =	sadd.s32 $0x60, s20;
	s24 =	simm.s32 $0xA600  }
0x16c: {  	[tilespmem:s24], [sflag:$0x1] =	stream.linear.gather [hbm4b:s23+s6], $0x80, $0x38;
	[tilespmem:$0xE000] =	vst v63  }
0x16d: {  	s23 =	sadd.s32 $0x70, s20;
	s24 =	simm.s32 $0xA700  }
0x16e: {  	[tilespmem:s24], [sflag:$0x1] =	stream.linear.gather [hbm4b:s23+s6], $0x80, $0x38;
	[tilespmem:$0xE000] =	vst v63  }
0x16f: {  	s23 =	sadd.s32 $0x80, s20;
	s24 =	simm.s32 $0xA800  }
0x170: {  	[tilespmem:s24], [sflag:$0x1] =	stream.linear.gather [hbm4b:s23+s6], $0x80, $0x38;
	[tilespmem:$0xE000] =	vst v63  }
0x171: {  	s23 =	sadd.s32 $0x90, s20;
	s24 =	simm.s32 $0xA900  }
0x172: {  	[tilespmem:s24], [sflag:$0x1] =	stream.linear.gather [hbm4b:s23+s6], $0x80, $0x38;
	[tilespmem:$0xE000] =	vst v63  }
0x173: {  	s23 =	sadd.s32 $0xA0, s20;
	s24 =	simm.s32 $0xAA00  }
0x174: {  	[tilespmem:s24], [sflag:$0x1] =	stream.linear.gather [hbm4b:s23+s6], $0x80, $0x38;
	[tilespmem:$0xE000] =	vst v63  }
0x175: {  	s23 =	sadd.s32 $0xB0, s20;
	s24 =	simm.s32 $0xAB00  }
0x176: {  	[tilespmem:s24], [sflag:$0x1] =	stream.linear.gather [hbm4b:s23+s6], $0x80, $0x38;
	[tilespmem:$0xE000] =	vst v63  }
0x177: {  	s23 =	sadd.s32 $0xC0, s20;
	s24 =	simm.s32 $0xAC00  }
0x178: {  	[tilespmem:s24], [sflag:$0x1] =	stream.linear.gather [hbm4b:s23+s6], $0x80, $0x38;
	[tilespmem:$0xE000] =	vst v63  }
0x179: {  	s23 =	sadd.s32 $0xD0, s20;
	s24 =	simm.s32 $0xAD00  }
0x17a: {  	[tilespmem:s24], [sflag:$0x1] =	stream.linear.gather [hbm4b:s23+s6], $0x80, $0x38;
	[tilespmem:$0xE000] =	vst v63  }
0x17b: {  	s22 =	sadd.s32 $0xE0, s20;
	s23 =	simm.s32 $0xAE00  }
0x17c: {  	[tilespmem:s23], [sflag:$0x1] =	stream.linear.gather [hbm4b:s22+s6], $0x80, $0x38;
	[tilespmem:$0xE000] =	vst v63  }
0x17d: {  	s21 =	rddreg [dreg:$0x1];
	s20 =	sadd.s32 $0xF0, s20;
	s24 =	simm.s32 $0xAF00  }
0x17e: {  	[tilespmem:s24], [sflag:$0x1] =	stream.linear.gather [hbm4b:s20+s6], $0x80, $0x38;
	[tilespmem:$0xE000] =	vst v63  }
0x17f: {  	s22 =	simm.s32 $0xB000;
	s20 =	sadd.s32 s21, s19  }
0x180: {  	[tilespmem:s22], [sflag:$0x1] =	stream.linear.gather [hbm4b:s20+s6], $0x80, $0x38;
	[tilespmem:$0xE000] =	vst v63  }
0x181: {  	s24 =	simm.s32 $0xB100;
	s23 =	sadd.s32 $0x10, s20  }
0x182: {  	[tilespmem:s24], [sflag:$0x1] =	stream.linear.gather [hbm4b:s23+s6], $0x80, $0x38;
	[tilespmem:$0xE000] =	vst v63  }
0x183: {  	s23 =	sadd.s32 $0x20, s20;
	s24 =	simm.s32 $0xB200  }
0x184: {  	[tilespmem:s24], [sflag:$0x1] =	stream.linear.gather [hbm4b:s23+s6], $0x80, $0x38;
	[tilespmem:$0xE000] =	vst v63  }
0x185: {  	s23 =	sadd.s32 $0x30, s20;
	s24 =	simm.s32 $0xB300  }
0x186: {  	[tilespmem:s24], [sflag:$0x1] =	stream.linear.gather [hbm4b:s23+s6], $0x80, $0x38;
	[tilespmem:$0xE000] =	vst v63  }
0x187: {  	s23 =	sadd.s32 $0x40, s20;
	s24 =	simm.s32 $0xB400  }
0x188: {  	[tilespmem:s24], [sflag:$0x1] =	stream.linear.gather [hbm4b:s23+s6], $0x80, $0x38;
	[tilespmem:$0xE000] =	vst v63  }
0x189: {  	s23 =	sadd.s32 $0x50, s20;
	s24 =	simm.s32 $0xB500  }
0x18a: {  	[tilespmem:s24], [sflag:$0x1] =	stream.linear.gather [hbm4b:s23+s6], $0x80, $0x38;
	[tilespmem:$0xE000] =	vst v63  }
0x18b: {  	s23 =	sadd.s32 $0x60, s20;
	s24 =	simm.s32 $0xB600  }
0x18c: {  	[tilespmem:s24], [sflag:$0x1] =	stream.linear.gather [hbm4b:s23+s6], $0x80, $0x38;
	[tilespmem:$0xE000] =	vst v63  }
0x18d: {  	s23 =	sadd.s32 $0x70, s20;
	s24 =	simm.s32 $0xB700  }
0x18e: {  	[tilespmem:s24], [sflag:$0x1] =	stream.linear.gather [hbm4b:s23+s6], $0x80, $0x38;
	[tilespmem:$0xE000] =	vst v63  }
0x18f: {  	s23 =	sadd.s32 $0x80, s20;
	s24 =	simm.s32 $0xB800  }
0x190: {  	[tilespmem:s24], [sflag:$0x1] =	stream.linear.gather [hbm4b:s23+s6], $0x80, $0x38;
	[tilespmem:$0xE000] =	vst v63  }
0x191: {  	s23 =	sadd.s32 $0x90, s20;
	s24 =	simm.s32 $0xB900  }
0x192: {  	[tilespmem:s24], [sflag:$0x1] =	stream.linear.gather [hbm4b:s23+s6], $0x80, $0x38;
	[tilespmem:$0xE000] =	vst v63  }
0x193: {  	s23 =	sadd.s32 $0xA0, s20;
	s24 =	simm.s32 $0xBA00  }
0x194: {  	[tilespmem:s24], [sflag:$0x1] =	stream.linear.gather [hbm4b:s23+s6], $0x80, $0x38;
	[tilespmem:$0xE000] =	vst v63  }
0x195: {  	s23 =	sadd.s32 $0xB0, s20;
	s24 =	simm.s32 $0xBB00  }
0x196: {  	[tilespmem:s24], [sflag:$0x1] =	stream.linear.gather [hbm4b:s23+s6], $0x80, $0x38;
	[tilespmem:$0xE000] =	vst v63  }
0x197: {  	s23 =	sadd.s32 $0xC0, s20;
	s24 =	simm.s32 $0xBC00  }
0x198: {  	[tilespmem:s24], [sflag:$0x1] =	stream.linear.gather [hbm4b:s23+s6], $0x80, $0x38;
	[tilespmem:$0xE000] =	vst v63  }
0x199: {  	s23 =	sadd.s32 $0xD0, s20;
	s24 =	simm.s32 $0xBD00  }
0x19a: {  	[tilespmem:s24], [sflag:$0x1] =	stream.linear.gather [hbm4b:s23+s6], $0x80, $0x38;
	[tilespmem:$0xE000] =	vst v63  }
0x19b: {  	s22 =	sadd.s32 $0xE0, s20;
	s23 =	simm.s32 $0xBE00  }
0x19c: {  	[tilespmem:s23], [sflag:$0x1] =	stream.linear.gather [hbm4b:s22+s6], $0x80, $0x38;
	[tilespmem:$0xE000] =	vst v63  }
0x19d: {  	s20 =	sadd.s32 $0xF0, s20;
	s24 =	simm.s32 $0xBF00  }
0x19e: {  	[tilespmem:s24], [sflag:$0x1] =	stream.linear.gather [hbm4b:s20+s6], $0x80, $0x38;
	[tilespmem:$0xE000] =	vst v63  }
0x19f: {  	s19 =	sadd.s32 s4, s19;
	s22 =	simm.s32 $0xC000  }
0x1a0: {  	[tilespmem:s22], [sflag:$0x1] =	stream.linear.gather [hbm4b:s19+s6], $0x80, $0x38;
	[tilespmem:$0xE000] =	vst v63  }
0x1a1: {  	s23 =	sadd.s32 $0x10, s19;
	s24 =	simm.s32 $0xC100  }
0x1a2: {  	[tilespmem:s24], [sflag:$0x1] =	stream.linear.gather [hbm4b:s23+s6], $0x80, $0x38;
	[tilespmem:$0xE000] =	vst v63  }
0x1a3: {  	s21 =	sadd.s32 $0x20, s19;
	s22 =	simm.s32 $0xC200  }
0x1a4: {  	[tilespmem:s22], [sflag:$0x1] =	stream.linear.gather [hbm4b:s21+s6], $0x80, $0x38;
	[tilespmem:$0xE000] =	vst v63  }
0x1a5: {  	s23 =	sadd.s32 $0x30, s19;
	s24 =	simm.s32 $0xC300  }
0x1a6: {  	[tilespmem:s24], [sflag:$0x1] =	stream.linear.gather [hbm4b:s23+s6], $0x80, $0x38;
	[tilespmem:$0xE000] =	vst v63  }
0x1a7: {  	s21 =	sadd.s32 $0x40, s19;
	s22 =	simm.s32 $0xC400  }
0x1a8: {  	[tilespmem:s22], [sflag:$0x1] =	stream.linear.gather [hbm4b:s21+s6], $0x80, $0x38;
	[tilespmem:$0xE000] =	vst v63  }
0x1a9: {  	s23 =	sadd.s32 $0x50, s19;
	s24 =	simm.s32 $0xC500  }
0x1aa: {  	[tilespmem:s24], [sflag:$0x1] =	stream.linear.gather [hbm4b:s23+s6], $0x80, $0x38;
	[tilespmem:$0xE000] =	vst v63  }
0x1ab: {  	s21 =	sadd.s32 $0x60, s19;
	s22 =	simm.s32 $0xC600  }
0x1ac: {  	[tilespmem:s22], [sflag:$0x1] =	stream.linear.gather [hbm4b:s21+s6], $0x80, $0x38;
	[tilespmem:$0xE000] =	vst v63  }
0x1ad: {  	s23 =	sadd.s32 $0x70, s19;
	s24 =	simm.s32 $0xC700  }
0x1ae: {  	[tilespmem:s24], [sflag:$0x1] =	stream.linear.gather [hbm4b:s23+s6], $0x80, $0x38;
	[tilespmem:$0xE000] =	vst v63  }
0x1af: {  	s21 =	sadd.s32 $0x80, s19;
	s22 =	simm.s32 $0xC800  }
0x1b0: {  	[tilespmem:s22], [sflag:$0x1] =	stream.linear.gather [hbm4b:s21+s6], $0x80, $0x38;
	[tilespmem:$0xE000] =	vst v63  }
0x1b1: {  	s23 =	sadd.s32 $0x90, s19;
	s24 =	simm.s32 $0xC900  }
0x1b2: {  	[tilespmem:s24], [sflag:$0x1] =	stream.linear.gather [hbm4b:s23+s6], $0x80, $0x38;
	[tilespmem:$0xE000] =	vst v63  }
0x1b3: {  	s21 =	sadd.s32 $0xA0, s19;
	s22 =	simm.s32 $0xCA00  }
0x1b4: {  	[tilespmem:s22], [sflag:$0x1] =	stream.linear.gather [hbm4b:s21+s6], $0x80, $0x38;
	[tilespmem:$0xE000] =	vst v63  }
0x1b5: {  	s23 =	sadd.s32 $0xB0, s19;
	s24 =	simm.s32 $0xCB00  }
0x1b6: {  	[tilespmem:s24], [sflag:$0x1] =	stream.linear.gather [hbm4b:s23+s6], $0x80, $0x38;
	[tilespmem:$0xE000] =	vst v63  }
0x1b7: {  	s21 =	sadd.s32 $0xC0, s19;
	s22 =	simm.s32 $0xCC00  }
0x1b8: {  	[tilespmem:s22], [sflag:$0x1] =	stream.linear.gather [hbm4b:s21+s6], $0x80, $0x38;
	[tilespmem:$0xE000] =	vst v63  }
0x1b9: {  	s23 =	sadd.s32 $0xD0, s19;
	s24 =	simm.s32 $0xCD00  }
0x1ba: {  	[tilespmem:s24], [sflag:$0x1] =	stream.linear.gather [hbm4b:s23+s6], $0x80, $0x38;
	[tilespmem:$0xE000] =	vst v63  }
0x1bb: {  	s22 =	sadd.s32 $0xE0, s19;
	s23 =	simm.s32 $0xCE00  }
0x1bc: {  	[tilespmem:s23], [sflag:$0x1] =	stream.linear.gather [hbm4b:s22+s6], $0x80, $0x38;
	[tilespmem:$0xE000] =	vst v63  }
0x1bd: {  	s19 =	sadd.s32 $0xF0, s19;
	s24 =	simm.s32 $0xCF00  }
0x1be: {  	[tilespmem:s24], [sflag:$0x1] =	stream.linear.gather [hbm4b:s19+s6], $0x80, $0x38;
	[tilespmem:$0xE000] =	vst v63  }
.LBB2_9:
0x1bf: {  	_ =	swait.ge [sflag:s17], $0x800  }
0x1c0: {  	[sflag:s17] =	ssyncset.done $0x0  }
0x1c1: {  	[sflag:s17] =	ssyncadd.s32 $0xFFFFF800  }
0x1c2: {  	_ =	swait.ge [sflag:s17], $0x800  }
0x1c3: {  	[sflag:s17] =	ssyncset.done $0x0  }
0x1c4: {  	[sflag:s17] =	ssyncadd.s32 $0xFFFFF800  }
0x1c5: {  	s19 =	simm.s32 $0x0;
	_ =	swait.ge [sflag:s17], $0x800  }
0x1c6: {  	s20 =	sand.u32 $0x70, s19;
	s19 =	sand.u32 $0xF00, s19;
	[sflag:s17] =	ssyncset.done $0x0  }
0x1c7: {  	s19 =	sor.u32 s19, s20;
	[sflag:s17] =	ssyncadd.s32 $0xFFFFF800  }
0x1c8: {  	v0 =	vld [tilespmem:s19+$0xB080]  }
0x1c9: {  	v1 =	vld [tilespmem:s19+$0xA080];
	_ =	sdelay $0x6  }
0x1ca: {  	v2 =	vld.idx.msk [tilespmem:v0+s0+$0x0], $0xffff  }
0x1cb: {  	v3 =	vld.idx.msk [tilespmem:v1+s6+$0x0], $0xffff;
	_ =	sdelay $0x1  }
0x1cc: {  	v4 =	vld [tilespmem:s19+$0xC080];
	_ =	sdelay $0x2  }
0x1cd: {  	v2 =	vadd.f32 v2, v3  }
0x1ce: {  	v1 =	vshll.u32 v1, $0xC  }
0x1cf: {  	s22 =	simm.s32 $0x10;
	s21 =	simm.s32 $0x20;
	s19 =	simm.s32 $0xD000;
	v0 =	vadd.s32 v0, v1;
	v2 =	vadd.f32 v2, v4  }
0x1d0: {  	s22 =	sand.u32 $0x70, s22;
	s23 =	sand.u32 $0xF00, s21;
	s20 =	simm.s32 $0xD800;
	[tilespmem:s19+$0x0] =	vst v0  }
0x1d1: {  	s23 =	sor.u32 s23, s22;
	s22 =	simm.s32 $0x20;
	[tilespmem:s20+$0x0] =	vst v2  }
.LBB2_10:
0x1d2: {  	p0 =	sne.s32 s22, $0x7F0;
	v0 =	vld [tilespmem:s23+$0xB080]  }
0x1d3: {  	v1 =	vld [tilespmem:s23+$0xA080];
	_ =	sdelay $0x6  }
0x1d4: {  	v2 =	vld.idx.msk [tilespmem:v0+s0+$0x0], $0xffff  }
0x1d5: {  	v3 =	vld.idx.msk [tilespmem:v1+s6+$0x0], $0xffff;
	_ =	sdelay $0x2  }
0x1d6: {  	v4 =	vld [tilespmem:s23+$0xC080];
	_ =	sdelay $0x2  }
.Ltmp4:
0x1d7: {  	v2 =	vadd.f32 v2, v3;
	(pc) =	sbr.rel @p0 .LBB2_10-.Ltmp4, $4  }
0x1d8: {  	v1 =	vshll.u32 v1, $0xC  }
0x1d9: {  	s21 =	sadd.s32 $0x20, s21;
	s19 =	sadd.s32 $0x10, s19;
	v0 =	vadd.s32 v0, v1;
	v2 =	vadd.f32 v2, v4  }
0x1da: {  	s20 =	sadd.s32 $0x10, s20;
	s24 =	sand.u32 $0xF00, s21;
	s23 =	sand.u32 $0x70, s22;
	[tilespmem:s19+$0x0] =	vst v0  }
0x1db: {  	s22 =	sadd.s32 $0x10, s22;
	s23 =	sor.u32 s24, s23;
	[tilespmem:s20+$0x0] =	vst v2  }
0x1dc: {  	v0 =	vld [tilespmem:s23+$0xB080]  }
0x1dd: {  	v1 =	vld [tilespmem:s23+$0xA080];
	_ =	sdelay $0x6  }
0x1de: {  	v2 =	vld.idx.msk [tilespmem:v0+s0+$0x0], $0xffff  }
0x1df: {  	v3 =	vld.idx.msk [tilespmem:v1+s6+$0x0], $0xffff;
	_ =	sdelay $0x1  }
0x1e0: {  	v4 =	vld [tilespmem:s23+$0xC080];
	_ =	sdelay $0x2  }
0x1e1: {  	v2 =	vadd.f32 v2, v3  }
0x1e2: {  	v1 =	vshll.u32 v1, $0xC  }
0x1e3: {  	s19 =	sadd.s32 $0x10, s19;
	v0 =	vadd.s32 v0, v1;
	v2 =	vadd.f32 v2, v4  }
0x1e4: {  	s20 =	sadd.s32 $0x10, s20;
	[tilespmem:s19+$0x0] =	vst v0  }
0x1e5: {  	[tilespmem:s20+$0x0] =	vst v2  }
0x1e6: {  	[hbm4b:s5+s3] =	stream.indirect.scatter [tilespmem:s8], [sflag:$0x3], $0x1, s7, s3, $0xb8;
	[tilespmem:$0xE000] =	vst v63  }
0x1e7: {  	s21 =	simm.s32 $0xD880  }
0x1e8: {  	[hbm4b:s5+s3] =	stream.indirect.scatter [tilespmem:s21], [sflag:$0x3], $0x1, s31, s3, $0xb8;
	[tilespmem:$0xE000] =	vst v63  }
0x1e9: {  	s22 =	simm.s32 $0xD100;
	s23 =	simm.s32 $0xD900  }
0x1ea: {  	[hbm4b:s5+s3] =	stream.indirect.scatter [tilespmem:s23], [sflag:$0x3], $0x1, s22, s3, $0xb8;
	[tilespmem:$0xE000] =	vst v63  }
0x1eb: {  	s24 =	simm.s32 $0xD180;
	s31 =	simm.s32 $0xD980  }
0x1ec: {  	[hbm4b:s5+s3] =	stream.indirect.scatter [tilespmem:s31], [sflag:$0x3], $0x1, s24, s3, $0xb8;
	[tilespmem:$0xE000] =	vst v63  }
0x1ed: {  	s20 =	simm.s32 $0xD200;
	s21 =	simm.s32 $0xDA00  }
0x1ee: {  	[hbm4b:s5+s3] =	stream.indirect.scatter [tilespmem:s21], [sflag:$0x3], $0x1, s20, s3, $0xb8;
	[tilespmem:$0xE000] =	vst v63  }
0x1ef: {  	s22 =	simm.s32 $0xD280;
	s23 =	simm.s32 $0xDA80  }
0x1f0: {  	[hbm4b:s5+s3] =	stream.indirect.scatter [tilespmem:s23], [sflag:$0x3], $0x1, s22, s3, $0xb8;
	[tilespmem:$0xE000] =	vst v63  }
0x1f1: {  	s24 =	simm.s32 $0xD300;
	s31 =	simm.s32 $0xDB00  }
0x1f2: {  	[hbm4b:s5+s3] =	stream.indirect.scatter [tilespmem:s31], [sflag:$0x3], $0x1, s24, s3, $0xb8;
	[tilespmem:$0xE000] =	vst v63  }
0x1f3: {  	s21 =	simm.s32 $0xD380;
	s22 =	simm.s32 $0xDB80  }
0x1f4: {  	[hbm4b:s5+s3] =	stream.indirect.scatter [tilespmem:s22], [sflag:$0x3], $0x1, s21, s3, $0xb8;
	[tilespmem:$0xE000] =	vst v63  }
0x1f5: {  	s23 =	simm.s32 $0xD400;
	s24 =	simm.s32 $0xDC00  }
0x1f6: {  	[hbm4b:s5+s3] =	stream.indirect.scatter [tilespmem:s24], [sflag:$0x3], $0x1, s23, s3, $0xb8;
	[tilespmem:$0xE000] =	vst v63  }
0x1f7: {  	s31 =	simm.s32 $0xD480  }
0x1f8: {  	[hbm4b:s5+s3] =	stream.indirect.scatter [tilespmem:s25], [sflag:$0x3], $0x1, s31, s3, $0xb8;
	[tilespmem:$0xE000] =	vst v63  }
0x1f9: {  	_ = 	snop  }
0x1fa: {  	[hbm4b:s5+s3] =	stream.indirect.scatter [tilespmem:s28], [sflag:$0x3], $0x1, s26, s3, $0xb8;
	[tilespmem:$0xE000] =	vst v63  }
0x1fb: {  	_ = 	snop  }
0x1fc: {  	[hbm4b:s5+s3] =	stream.indirect.scatter [tilespmem:s2], [sflag:$0x3], $0x1, s1, s3, $0xb8;
	[tilespmem:$0xE000] =	vst v63  }
0x1fd: {  	_ = 	snop  }
0x1fe: {  	[hbm4b:s5+s3] =	stream.indirect.scatter [tilespmem:s9], [sflag:$0x3], $0x1, s30, s3, $0xb8;
	[tilespmem:$0xE000] =	vst v63  }
0x1ff: {  	_ = 	snop  }
0x200: {  	[hbm4b:s5+s3] =	stream.indirect.scatter [tilespmem:s11], [sflag:$0x3], $0x1, s10, s3, $0xb8;
	[tilespmem:$0xE000] =	vst v63  }
0x201: {  	_ = 	snop  }
0x202: {  	[hbm4b:s5+s3] =	stream.indirect.scatter [tilespmem:s13], [sflag:$0x3], $0x1, s12, s3, $0xb8;
	[tilespmem:$0xE000] =	vst v63  }
0x203: {  	_ = 	snop  }
0x204: {  	[hbm4b:s5+s3] =	stream.indirect.scatter [tilespmem:s15], [sflag:$0x3], $0x1, s14, s3, $0xb8;
	[tilespmem:$0xE000] =	vst v63  }
0x205: {  	_ =	swait.ge [sflag:s16], $0x80  }
0x206: {  	[sflag:s16] =	ssyncset.done $0x0  }
0x207: {  	[sflag:s16] =	ssyncadd.s32 $0xFFFFFF80  }
0x208: {  	_ =	swait.ge [sflag:s16], $0x80  }
0x209: {  	[sflag:s16] =	ssyncset.done $0x0  }
0x20a: {  	[sflag:s16] =	ssyncadd.s32 $0xFFFFFF80  }
0x20b: {  	_ =	swait.ge [sflag:s16], $0x80  }
0x20c: {  	[sflag:s16] =	ssyncset.done $0x0  }
0x20d: {  	[sflag:s16] =	ssyncadd.s32 $0xFFFFFF80  }
0x20e: {  	_ =	swait.ge [sflag:s16], $0x80  }
0x20f: {  	[sflag:s16] =	ssyncset.done $0x0  }
0x210: {  	[sflag:s16] =	ssyncadd.s32 $0xFFFFFF80  }
0x211: {  	_ =	swait.ge [sflag:s16], $0x80  }
0x212: {  	[sflag:s16] =	ssyncset.done $0x0  }
0x213: {  	[sflag:s16] =	ssyncadd.s32 $0xFFFFFF80  }
0x214: {  	_ =	swait.ge [sflag:s16], $0x80  }
0x215: {  	[sflag:s16] =	ssyncset.done $0x0  }
0x216: {  	[sflag:s16] =	ssyncadd.s32 $0xFFFFFF80  }
0x217: {  	_ =	swait.ge [sflag:s16], $0x80  }
0x218: {  	[sflag:s16] =	ssyncset.done $0x0  }
0x219: {  	[sflag:s16] =	ssyncadd.s32 $0xFFFFFF80  }
0x21a: {  	_ =	swait.ge [sflag:s16], $0x80  }
0x21b: {  	[sflag:s16] =	ssyncset.done $0x0  }
0x21c: {  	[sflag:s16] =	ssyncadd.s32 $0xFFFFFF80  }
0x21d: {  	_ =	swait.ge [sflag:s16], $0x80  }
0x21e: {  	[sflag:s16] =	ssyncset.done $0x0  }
0x21f: {  	[sflag:s16] =	ssyncadd.s32 $0xFFFFFF80  }
0x220: {  	_ =	swait.ge [sflag:s16], $0x80  }
0x221: {  	[sflag:s16] =	ssyncset.done $0x0  }
0x222: {  	[sflag:s16] =	ssyncadd.s32 $0xFFFFFF80  }
0x223: {  	_ =	swait.ge [sflag:s16], $0x80  }
0x224: {  	[sflag:s16] =	ssyncset.done $0x0  }
0x225: {  	[sflag:s16] =	ssyncadd.s32 $0xFFFFFF80  }
0x226: {  	_ =	swait.ge [sflag:s16], $0x80  }
0x227: {  	[sflag:s16] =	ssyncset.done $0x0  }
0x228: {  	[sflag:s16] =	ssyncadd.s32 $0xFFFFFF80  }
0x229: {  	_ =	swait.ge [sflag:s16], $0x80  }
0x22a: {  	[sflag:s16] =	ssyncset.done $0x0  }
0x22b: {  	[sflag:s16] =	ssyncadd.s32 $0xFFFFFF80  }
0x22c: {  	_ =	swait.ge [sflag:s16], $0x80  }
0x22d: {  	[sflag:s16] =	ssyncset.done $0x0  }
0x22e: {  	s18 =	sadd.s32 $0x1, s18;
	[sflag:s16] =	ssyncadd.s32 $0xFFFFFF80  }
0x22f: {  	p0 =	sne.s32 s18, $0x4;
	_ =	swait.ge [sflag:s16], $0x80  }
.Ltmp5:
0x230: {  	[sflag:s16] =	ssyncset.done $0x0;
	(pc) =	sbr.rel @p0 .LBB2_5-.Ltmp5, $4  }
0x231: {  	[sflag:s16] =	ssyncadd.s32 $0xFFFFFF80  }
0x232: {  	_ =	swait.ge [sflag:s16], $0x80  }
0x233: {  	[sflag:s16] =	ssyncset.done $0x0  }
0x234: {  	[sflag:s16] =	ssyncadd.s32 $0xFFFFFF80  }
0x235: {  	_ =	sfence.sel $0x180000  }
0x236: {  	[bflag:$0x0] =	sbarrier.arrive $0xFFFF  }
0x237: {  	_ =	strace $0x9000004A  }
0x238: {  	s0 =	stileid.u32;
	[bflag:$0x2] =	sbarrier.arrive $0xFFFF  }
0x239: {  	p0 =	sne.s32 s0, $0x0;
	s0 =	rddreg [dreg:$0x4]  }
0x23a: {  	s0 =	sadd.s32 @!p0 $0x100000, s0  }
0x23b: {  	[sflag:s0] =	ssyncadd.tile.s32 @!p0 $0x1;
	_ =	shalt  }
.Lfunc_end2:
_tile_overlayer_lowered:
.L_overlay_start_2:
0x23c: {  	(tag) =	ssettag $0x2  }
0x23d: {  	s0 =	rddreg [dreg:$0x0];
	s2 =	stileid.u32  }
0x23e: {  	s1 =	rddreg [dreg:$0x1];
	p0 =	sne.s32 s2, $0x0  }
0x23f: {  	s3 =	rddreg [dreg:$0x2];
	[bflag:$0x3] =	sbarrier.arrive $0xFFFF;
	s2 =	simm.s32 @!p0 $0x1C04  }
0x240: {  	[timem:s3], [sflag:s2] =	dma.local @!p0 [hbm:s0], s1  }
0x241: {  	s0 =	simm.s32 @!p0 $0x4  }
0x242: {  	_ =	swait.ge @!p0 [sflag:s0], s1  }
0x243: {  	s1 =	ssub.s32 @!p0 $0x0, s1;
	[sflag:s0] =	ssyncset.done @!p0 $0x0  }
0x244: {  	[sflag:s0] =	ssyncadd.s32 @!p0 s1  }
0x245: {  	[bflag:$0x3] =	sbarrier.arrive $0xFFFF  }
0x246: {  	_ =	shalt  }

</sc_bundles>
